<compile_context>
chip_gen: v7x
topology: tpu7x:2x2x1
jax: 0.10.2.dev20260603
libtpu: 0.0.44.dev20260713+nightly
codegen_flags: <defaults>
</compile_context>

<pallas_src>
import jax
import jax.numpy as jnp
from jax import lax
from jax.experimental import pallas as pl
from jax.experimental.pallas import tpu as pltpu
from jax.experimental.pallas import tpu_sc as plsc

N_NODES = 10000
N_EDGES = 160000
POS_DIM = 3
FEATS = 256

NW = 32
CHUNK = 128
NCHUNK = 40
E_W = CHUNK * NCHUNK
E_PAD = NW * E_W


def _ab_body(x_ref, w6_ref, out_ref):
    x = x_ref[...]
    ab = jnp.dot(x, w6_ref[...], preferred_element_type=jnp.float32)
    pad = jnp.zeros((x.shape[0], 7), jnp.float32)
    out_ref[...] = jnp.concatenate([x[:, 0:POS_DIM], ab, pad], axis=1)


def _node_proj(x, w6p):
    blk = 2000
    grid = (N_NODES + blk - 1) // blk
    return pl.pallas_call(
        _ab_body,
        grid=(grid,),
        in_specs=[pl.BlockSpec((blk, POS_DIM + FEATS), lambda i: (i, 0)),
                  pl.BlockSpec((POS_DIM + FEATS, 6), lambda i: (0, 0))],
        out_specs=pl.BlockSpec((blk, 16), lambda i: (i, 0)),
        out_shape=jax.ShapeDtypeStruct((N_NODES, 16), jnp.float32),
    )(x, w6p)


A_ROWS = N_EDGES * 16 // 128
A_COLS = E_PAD * 16 // 128


def _ct_body(wp_ref, attr_ref, b_ref, out_ref):
    out_ref[...] = lax.dot_general(
        wp_ref[...], attr_ref[...], (((0,), (1,)), ((), ())),
        preferred_element_type=jnp.float32) + b_ref[...]


def _edge_proj_t(attr2d, wp, b24):
    blk = 2048
    grid = (A_ROWS + blk - 1) // blk
    return pl.pallas_call(
        _ct_body,
        grid=(grid,),
        in_specs=[pl.BlockSpec((128, 24), lambda i: (0, 0)),
                  pl.BlockSpec((blk, 128), lambda i: (i, 0)),
                  pl.BlockSpec((24, 1), lambda i: (0, 0))],
        out_specs=pl.BlockSpec((24, blk), lambda i: (0, i)),
        out_shape=jax.ShapeDtypeStruct((24, A_COLS), jnp.float32),
    )(wp, attr2d, b24)


CW = E_W // 8


def _sc_body(row_hbm, col_hbm, table_hbm, ct_hbm, prm_hbm, out_hbm,
             rowi, coli, cst, prm, rb0, cb0, rb1, cb1,
             a0, a1, a2, a3, a4, a5, sem_r0, sem_c0, sem_r1, sem_c1):
    nc = 2
    wid = lax.axis_index("s") * nc + lax.axis_index("c")

    pltpu.sync_copy(row_hbm.at[wid], rowi)
    pltpu.sync_copy(col_hbm.at[wid], coli)
    pltpu.async_copy(table_hbm.at[rowi.at[0]], rb0, sem_r0)
    pltpu.async_copy(table_hbm.at[coli.at[0]], cb0, sem_c0)
    pltpu.sync_copy(ct_hbm.at[:, pl.ds(wid * CW, CW)], cst)
    pltpu.sync_copy(prm_hbm, prm)

    zeros16 = jnp.zeros((16,), jnp.float32)

    @pl.loop(0, N_NODES // 16)
    def _zero(i):
        sl = pl.ds(i * 16, 16)
        a0[sl] = zeros16
        a1[sl] = zeros16
        a2[sl] = zeros16
        a3[sl] = zeros16
        a4[sl] = zeros16
        a5[sl] = zeros16

    li0 = lax.iota(jnp.int32, 16)
    cols = [jnp.full((16,), k, jnp.int32) for k in range(16)]
    e_base = wid * E_W
    row3 = (li0 & 7) * 3
    cshift = li0 >> 3

    def _compute(j, rbuf, cbuf):
        for i in range(8):
            li = li0 + (i * 16)
            ridx = rowi[j, pl.ds(i * 16, 16)]
            pxr = plsc.load_gather(rbuf, [li, cols[0]])
            pyr = plsc.load_gather(rbuf, [li, cols[1]])
            pzr = plsc.load_gather(rbuf, [li, cols[2]])
            av0 = plsc.load_gather(rbuf, [li, cols[3]])
            av1 = plsc.load_gather(rbuf, [li, cols[4]])
            av2 = plsc.load_gather(rbuf, [li, cols[5]])
            pxc = plsc.load_gather(cbuf, [li, cols[0]])
            pyc = plsc.load_gather(cbuf, [li, cols[1]])
            pzc = plsc.load_gather(cbuf, [li, cols[2]])
            bv0 = plsc.load_gather(cbuf, [li, cols[6]])
            bv1 = plsc.load_gather(cbuf, [li, cols[7]])
            bv2 = plsc.load_gather(cbuf, [li, cols[8]])
            colv = cshift + (j * (CHUNK // 8) + i * 2)
            c0 = plsc.load_gather(cst, [row3, colv])
            c1 = plsc.load_gather(cst, [row3 + 1, colv])
            c2 = plsc.load_gather(cst, [row3 + 2, colv])

            rx = pxr - pxc
            ry = pyr - pyc
            rz = pzr - pzc
            dist = rx * rx + ry * ry + rz * rz

            pre0 = av0 + bv0 + c0 + dist * prm[12]
            pre1 = av1 + bv1 + c1 + dist * prm[13]
            pre2 = av2 + bv2 + c2 + dist * prm[14]
            m0 = pre0 / (1.0 + jnp.exp(-pre0))
            m1 = pre1 / (1.0 + jnp.exp(-pre1))
            m2 = pre2 / (1.0 + jnp.exp(-pre2))

            q0 = m0 * prm[0] + m1 * prm[3] + m2 * prm[6] + prm[9]
            q1 = m0 * prm[1] + m1 * prm[4] + m2 * prm[7] + prm[10]
            q2 = m0 * prm[2] + m1 * prm[5] + m2 * prm[8] + prm[11]
            n0 = q0 / (1.0 + jnp.exp(-q0))
            n1 = q1 / (1.0 + jnp.exp(-q1))
            n2 = q2 / (1.0 + jnp.exp(-q2))

            mask = (li + (e_base + j * CHUNK)) < N_EDGES
            plsc.addupdate_scatter(a0, [ridx], n0, mask=mask)
            plsc.addupdate_scatter(a1, [ridx], n1, mask=mask)
            plsc.addupdate_scatter(a2, [ridx], n2, mask=mask)
            plsc.addupdate_scatter(a3, [ridx], n0 * rx, mask=mask)
            plsc.addupdate_scatter(a4, [ridx], n1 * ry, mask=mask)
            plsc.addupdate_scatter(a5, [ridx], n2 * rz, mask=mask)

    @pl.loop(0, NCHUNK // 2)
    def _pair(i):
        j0 = i * 2
        j1 = j0 + 1
        pltpu.async_copy(table_hbm.at[rowi.at[j1]], rb1, sem_r1)
        pltpu.async_copy(table_hbm.at[coli.at[j1]], cb1, sem_c1)
        pltpu.make_async_copy(table_hbm.at[rowi.at[j0]], rb0, sem_r0).wait()
        pltpu.make_async_copy(table_hbm.at[coli.at[j0]], cb0, sem_c0).wait()
        _compute(j0, rb0, cb0)
        jn = jnp.minimum(j0 + 2, NCHUNK - 1)
        pltpu.async_copy(table_hbm.at[rowi.at[jn]], rb0, sem_r0)
        pltpu.async_copy(table_hbm.at[coli.at[jn]], cb0, sem_c0)
        pltpu.make_async_copy(table_hbm.at[rowi.at[j1]], rb1, sem_r1).wait()
        pltpu.make_async_copy(table_hbm.at[coli.at[j1]], cb1, sem_c1).wait()
        _compute(j1, rb1, cb1)

    pltpu.make_async_copy(table_hbm.at[rowi.at[0]], rb0, sem_r0).wait()
    pltpu.make_async_copy(table_hbm.at[coli.at[0]], cb0, sem_c0).wait()

    pltpu.sync_copy(a0, out_hbm.at[wid, 0])
    pltpu.sync_copy(a1, out_hbm.at[wid, 1])
    pltpu.sync_copy(a2, out_hbm.at[wid, 2])
    pltpu.sync_copy(a3, out_hbm.at[wid, 3])
    pltpu.sync_copy(a4, out_hbm.at[wid, 4])
    pltpu.sync_copy(a5, out_hbm.at[wid, 5])


def _sc_edges(rowp, colp, table, ct, prm):
    mesh = plsc.VectorSubcoreMesh(core_axis_name="c", subcore_axis_name="s",
                                  num_cores=2, num_subcores=16)
    f = pl.kernel(
        _sc_body,
        out_type=jax.ShapeDtypeStruct((NW, 6, N_NODES), jnp.float32),
        mesh=mesh,
        compiler_params=pltpu.CompilerParams(needs_layout_passes=False,
                                             use_tc_tiling_on_sc=False),
        scratch_types=[
            pltpu.VMEM((NCHUNK, CHUNK), jnp.int32),
            pltpu.VMEM((NCHUNK, CHUNK), jnp.int32),
            pltpu.VMEM((24, CW), jnp.float32),
            pltpu.VMEM((16, 16), jnp.float32),
            pltpu.VMEM((CHUNK, 16), jnp.float32),
            pltpu.VMEM((CHUNK, 16), jnp.float32),
            pltpu.VMEM((CHUNK, 16), jnp.float32),
            pltpu.VMEM((CHUNK, 16), jnp.float32),
            pltpu.VMEM((N_NODES,), jnp.float32),
            pltpu.VMEM((N_NODES,), jnp.float32),
            pltpu.VMEM((N_NODES,), jnp.float32),
            pltpu.VMEM((N_NODES,), jnp.float32),
            pltpu.VMEM((N_NODES,), jnp.float32),
            pltpu.VMEM((N_NODES,), jnp.float32),
            pltpu.SemaphoreType.DMA,
            pltpu.SemaphoreType.DMA,
            pltpu.SemaphoreType.DMA,
            pltpu.SemaphoreType.DMA,
        ],
    )
    return f(rowp, colp, table, ct, prm)


def _node_body(x_ref, parts_ref, w1x_ref, w1m_ref, b1_ref,
               w2_ref, b2_ref, out_ref):
    acc = jnp.sum(parts_ref[...], axis=0)
    aggm_t = acc[0:3]
    aggp_t = acc[3:6]
    x = x_ref[...]
    z = (jnp.dot(x, w1x_ref[...], preferred_element_type=jnp.float32)
         + lax.dot_general(aggm_t, w1m_ref[...], (((0,), (0,)), ((), ())),
                           preferred_element_type=jnp.float32)
         + b1_ref[...])
    h2 = z * jax.nn.sigmoid(z)
    d2 = jnp.dot(h2, w2_ref[...],
                 preferred_element_type=jnp.float32) + b2_ref[...]
    dpos = lax.dot_general(aggp_t * 0.1, jnp.eye(3, dtype=jnp.float32),
                           (((0,), (0,)), ((), ())),
                           preferred_element_type=jnp.float32)
    out_ref[...] = x + jnp.concatenate([dpos, d2], axis=1)


def _node_mlp(x, parts, w1x, w1m, b1, w2, b2):
    blk = 2048
    grid = (N_NODES + blk - 1) // blk
    d_all = POS_DIM + FEATS
    return pl.pallas_call(
        _node_body,
        grid=(grid,),
        in_specs=[
            pl.BlockSpec((blk, d_all), lambda i: (i, 0)),
            pl.BlockSpec((NW, 6, blk), lambda i: (0, 0, i)),
            pl.BlockSpec((d_all, FEATS), lambda i: (0, 0)),
            pl.BlockSpec((3, FEATS), lambda i: (0, 0)),
            pl.BlockSpec((1, FEATS), lambda i: (0, 0)),
            pl.BlockSpec((FEATS, FEATS), lambda i: (0, 0)),
            pl.BlockSpec((1, FEATS), lambda i: (0, 0)),
        ],
        out_specs=pl.BlockSpec((blk, d_all), lambda i: (i, 0)),
        out_shape=jax.ShapeDtypeStruct((N_NODES, d_all), jnp.float32),
    )(x, parts, w1x, w1m, b1, w2, b2)


@jax.jit
def kernel(x, edge_index, edge_attr, batch, eW1, eb1, eW2, eb2,
           nW1, nb1, nW2, nb2):
    row = edge_index[0].astype(jnp.int32)
    col = edge_index[1].astype(jnp.int32)

    w6 = jnp.concatenate([eW1[:FEATS], eW1[FEATS:2 * FEATS]], axis=1)
    w6p = jnp.concatenate([jnp.zeros((POS_DIM, 6), jnp.float32), w6], axis=0)
    table = _node_proj(x, w6p)

    attr2d = edge_attr.reshape(A_ROWS, 128)
    wa = eW1[2 * FEATS:2 * FEATS + 16]
    wp = jnp.kron(jnp.eye(8, dtype=jnp.float32), wa)
    b24 = jnp.tile(eb1, 8).reshape(24, 1)
    ct = _edge_proj_t(attr2d, wp, b24)

    pad = E_PAD - N_EDGES
    rowp = jnp.pad(row, (0, pad)).reshape(NW, NCHUNK, CHUNK)
    colp = jnp.pad(col, (0, pad)).reshape(NW, NCHUNK, CHUNK)

    p = jnp.concatenate([eW2.reshape(-1), eb2, eW1[2 * FEATS + 16]])
    prm = jnp.broadcast_to(jnp.pad(p, (0, 1))[:, None], (16, 16))

    parts = _sc_edges(rowp, colp, table, ct, prm)

    w1x = jnp.concatenate([jnp.zeros((POS_DIM, FEATS), jnp.float32),
                           nW1[:FEATS]], axis=0)
    return _node_mlp(x, parts, w1x, nW1[FEATS:], nb1.reshape(1, -1),
                     nW2, nb2.reshape(1, -1))

# --- scband reference (transcript-rebuilt; emitter-appended) ---
"""Pipeline reference for scband-egnn-sparse-46205258170913 (READ-ONLY COPY).

The authoritative reference and input builder live on the scoring server;
editing this copy changes nothing except your own understanding.
"""

import jax, jax.numpy as jnp
import numpy as np

N_NODES = 10000
N_EDGES = 160000
FEATS_DIM = 256
POS_DIM = 3
M_DIM = 3
EDGE_ATTR_DIM = 16


def setup_inputs(seed: int = 0) -> dict:
    key = jax.random.key(seed)
    ks = [jax.random.fold_in(key, i) for i in range(16)]
    x = jax.random.normal(ks[0], (N_NODES, POS_DIM + FEATS_DIM), dtype=jnp.float32)
    edge_index = jax.random.randint(ks[1], (2, N_EDGES), 0, N_NODES, dtype=jnp.int64)
    edge_attr = jax.random.normal(ks[2], (N_EDGES, EDGE_ATTR_DIM), dtype=jnp.float32)
    batch = jnp.zeros((N_NODES,), dtype=jnp.int64)
    d_in_edge = FEATS_DIM * 2 + EDGE_ATTR_DIM + 1
    s = 0.05
    eW1 = jax.random.normal(ks[3], (d_in_edge, M_DIM), dtype=jnp.float32) * s
    eb1 = jnp.zeros((M_DIM,), dtype=jnp.float32)
    eW2 = jax.random.normal(ks[4], (M_DIM, M_DIM), dtype=jnp.float32) * s
    eb2 = jnp.zeros((M_DIM,), dtype=jnp.float32)
    nW1 = jax.random.normal(ks[5], (FEATS_DIM + M_DIM, FEATS_DIM), dtype=jnp.float32) * s
    nb1 = jnp.zeros((FEATS_DIM,), dtype=jnp.float32)
    nW2 = jax.random.normal(ks[6], (FEATS_DIM, FEATS_DIM), dtype=jnp.float32) * s
    nb2 = jnp.zeros((FEATS_DIM,), dtype=jnp.float32)
    return {"x": x, "edge_index": edge_index, "edge_attr": edge_attr, "batch": batch,
            "eW1": eW1, "eb1": eb1, "eW2": eW2, "eb2": eb2,
            "nW1": nW1, "nb1": nb1, "nW2": nW2, "nb2": nb2}


def reference(x, edge_index, edge_attr, batch, eW1, eb1, eW2, eb2, nW1, nb1, nW2, nb2):
    row, col = edge_index[0], edge_index[1]
    pos = x[:, :POS_DIM]
    h = x[:, POS_DIM:]
    rel = pos[row] - pos[col]
    dist = jnp.sum(rel ** 2, axis=-1, keepdims=True)
    edge_feats = jnp.concatenate([h[row], h[col], edge_attr, dist], axis=-1)
    m = jax.nn.silu(edge_feats @ eW1 + eb1)
    m_ij = jax.nn.silu(m @ eW2 + eb2)
    agg_pos = jax.ops.segment_sum(m_ij * rel, row, num_segments=x.shape[0])
    coors_out = pos + agg_pos / 10.0
    agg_m = jax.ops.segment_sum(m_ij, row, num_segments=x.shape[0])
    hcat = jnp.concatenate([h, agg_m], axis=-1)
    h2 = jax.nn.silu(hcat @ nW1 + nb1)
    h_out = h + (h2 @ nW2 + nb2)
    return jnp.concatenate([coors_out, h_out], axis=-1)

if __name__ == "__main__":
    import jax
    _d = setup_inputs()
    print(jax.jit(kernel)(*tuple(_d.values())))

</pallas_src>

<mosaic_0001>
#map = affine_map<(d0, d1) -> (0, 0, 0)>
#map1 = affine_map<(d0, d1) -> (0, 0)>
module attributes {stable_mosaic.version = 14 : i64} {
  func.func @_sc_body(%arg0: i32, %arg1: i32, %arg2: memref<32x40x128xi32, #tpu.memory_space<hbm>>, %arg3: memref<32x40x128xi32, #tpu.memory_space<hbm>>, %arg4: memref<10000x16xf32, #tpu.memory_space<hbm>>, %arg5: memref<24x20480xf32, #tpu.memory_space<hbm>>, %arg6: memref<16x16xf32, #tpu.memory_space<hbm>>, %arg7: memref<32x6x10000xf32, #tpu.memory_space<hbm>>, %arg8: memref<40x128xi32, #tpu.memory_space<vmem>>, %arg9: memref<40x128xi32, #tpu.memory_space<vmem>>, %arg10: memref<24x640xf32, #tpu.memory_space<vmem>>, %arg11: memref<16x16xf32, #tpu.memory_space<vmem>>, %arg12: memref<128x16xf32, #tpu.memory_space<vmem>>, %arg13: memref<128x16xf32, #tpu.memory_space<vmem>>, %arg14: memref<128x16xf32, #tpu.memory_space<vmem>>, %arg15: memref<128x16xf32, #tpu.memory_space<vmem>>, %arg16: memref<10000xf32, #tpu.memory_space<vmem>>, %arg17: memref<10000xf32, #tpu.memory_space<vmem>>, %arg18: memref<10000xf32, #tpu.memory_space<vmem>>, %arg19: memref<10000xf32, #tpu.memory_space<vmem>>, %arg20: memref<10000xf32, #tpu.memory_space<vmem>>, %arg21: memref<10000xf32, #tpu.memory_space<vmem>>, %arg22: memref<!tpu.dma_semaphore, #tpu.memory_space<semaphore_mem>>, %arg23: memref<!tpu.dma_semaphore, #tpu.memory_space<semaphore_mem>>, %arg24: memref<!tpu.dma_semaphore, #tpu.memory_space<semaphore_mem>>, %arg25: memref<!tpu.dma_semaphore, #tpu.memory_space<semaphore_mem>>) attributes {dimension_semantics = [#tpu.dimension_semantics<core_parallel>, #tpu.dimension_semantics<subcore_parallel>], iteration_bounds = array<i64: 2, 16>, scalar_prefetch = 0 : i64, scratch_operands = 18 : i64, tpu.core_type = #tpu.core_type<sc_vector_subcore>, window_params = [{transform_indices = #map}, {transform_indices = #map}, {transform_indices = #map1}, {transform_indices = #map1}, {transform_indices = #map1}, {transform_indices = #map}]} {
    %mul3A = arith.constant 2 : i32
    %mul3A_0 = arith.muli %arg1, %mul3A : i32
    %add3A = arith.addi %mul3A_0, %arg0 : i32
    "tpu.region"() ({
      %run_scoped3A_85 = tpu.sem_alloc : memref<!tpu.dma_semaphore, #tpu.memory_space<semaphore_mem>>
      %dma_start3A_86 = arith.constant 0 : i32
      %dma_start3A_87 = arith.constant 0 : i32
      %dma_start3A_88 = tpu.memref_slice %arg2[%add3A, %dma_start3A_86, %dma_start3A_87] : memref<32x40x128xi32, #tpu.memory_space<hbm>> -> memref<1x40x128xi32, #tpu.memory_space<hbm>>
      %dma_start3A_89 = tpu.memref_squeeze %dma_start3A_88 : memref<1x40x128xi32, #tpu.memory_space<hbm>> -> memref<40x128xi32, #tpu.memory_space<hbm>>
      %dma_start3A_90 = arith.constant 0 : i32
      %dma_start3A_91 = arith.constant 0 : i32
      %dma_start3A_92 = tpu.memref_slice %arg2[%add3A, %dma_start3A_90, %dma_start3A_91] : memref<32x40x128xi32, #tpu.memory_space<hbm>> -> memref<1x40x128xi32, #tpu.memory_space<hbm>>
      %dma_start3A_93 = tpu.memref_squeeze %dma_start3A_92 : memref<1x40x128xi32, #tpu.memory_space<hbm>> -> memref<40x128xi32, #tpu.memory_space<hbm>>
      tpu.enqueue_dma source(%dma_start3A_93 : memref<40x128xi32, #tpu.memory_space<hbm>>) target(%arg8 : memref<40x128xi32, #tpu.memory_space<vmem>>) target_semaphore(%run_scoped3A_85 : memref<!tpu.dma_semaphore, #tpu.memory_space<semaphore_mem>>)
      %dma_wait3A_94 = arith.constant 0 : i32
      %dma_wait3A_95 = arith.constant 0 : i32
      %dma_wait3A_96 = tpu.memref_slice %arg2[%add3A, %dma_wait3A_94, %dma_wait3A_95] : memref<32x40x128xi32, #tpu.memory_space<hbm>> -> memref<1x40x128xi32, #tpu.memory_space<hbm>>
      %dma_wait3A_97 = tpu.memref_squeeze %dma_wait3A_96 : memref<1x40x128xi32, #tpu.memory_space<hbm>> -> memref<40x128xi32, #tpu.memory_space<hbm>>
      %dma_wait3A_98 = arith.constant 0 : i32
      %dma_wait3A_99 = arith.constant 0 : i32
      %dma_wait3A_100 = tpu.memref_slice %arg2[%add3A, %dma_wait3A_98, %dma_wait3A_99] : memref<32x40x128xi32, #tpu.memory_space<hbm>> -> memref<1x40x128xi32, #tpu.memory_space<hbm>>
      %dma_wait3A_101 = tpu.memref_squeeze %dma_wait3A_100 : memref<1x40x128xi32, #tpu.memory_space<hbm>> -> memref<40x128xi32, #tpu.memory_space<hbm>>
      tpu.wait_dma2 semaphore(%run_scoped3A_85 : memref<!tpu.dma_semaphore, #tpu.memory_space<semaphore_mem>>) src(%dma_wait3A_101 : memref<40x128xi32, #tpu.memory_space<hbm>>) dst(%arg8 : memref<40x128xi32, #tpu.memory_space<vmem>>)
      tpu.yield
    }) : () -> ()
    "tpu.region"() ({
      %run_scoped3A_85 = tpu.sem_alloc : memref<!tpu.dma_semaphore, #tpu.memory_space<semaphore_mem>>
      %dma_start3A_86 = arith.constant 0 : i32
      %dma_start3A_87 = arith.constant 0 : i32
      %dma_start3A_88 = tpu.memref_slice %arg3[%add3A, %dma_start3A_86, %dma_start3A_87] : memref<32x40x128xi32, #tpu.memory_space<hbm>> -> memref<1x40x128xi32, #tpu.memory_space<hbm>>
      %dma_start3A_89 = tpu.memref_squeeze %dma_start3A_88 : memref<1x40x128xi32, #tpu.memory_space<hbm>> -> memref<40x128xi32, #tpu.memory_space<hbm>>
      %dma_start3A_90 = arith.constant 0 : i32
      %dma_start3A_91 = arith.constant 0 : i32
      %dma_start3A_92 = tpu.memref_slice %arg3[%add3A, %dma_start3A_90, %dma_start3A_91] : memref<32x40x128xi32, #tpu.memory_space<hbm>> -> memref<1x40x128xi32, #tpu.memory_space<hbm>>
      %dma_start3A_93 = tpu.memref_squeeze %dma_start3A_92 : memref<1x40x128xi32, #tpu.memory_space<hbm>> -> memref<40x128xi32, #tpu.memory_space<hbm>>
      tpu.enqueue_dma source(%dma_start3A_93 : memref<40x128xi32, #tpu.memory_space<hbm>>) target(%arg9 : memref<40x128xi32, #tpu.memory_space<vmem>>) target_semaphore(%run_scoped3A_85 : memref<!tpu.dma_semaphore, #tpu.memory_space<semaphore_mem>>)
      %dma_wait3A_94 = arith.constant 0 : i32
      %dma_wait3A_95 = arith.constant 0 : i32
      %dma_wait3A_96 = tpu.memref_slice %arg3[%add3A, %dma_wait3A_94, %dma_wait3A_95] : memref<32x40x128xi32, #tpu.memory_space<hbm>> -> memref<1x40x128xi32, #tpu.memory_space<hbm>>
      %dma_wait3A_97 = tpu.memref_squeeze %dma_wait3A_96 : memref<1x40x128xi32, #tpu.memory_space<hbm>> -> memref<40x128xi32, #tpu.memory_space<hbm>>
      %dma_wait3A_98 = arith.constant 0 : i32
      %dma_wait3A_99 = arith.constant 0 : i32
      %dma_wait3A_100 = tpu.memref_slice %arg3[%add3A, %dma_wait3A_98, %dma_wait3A_99] : memref<32x40x128xi32, #tpu.memory_space<hbm>> -> memref<1x40x128xi32, #tpu.memory_space<hbm>>
      %dma_wait3A_101 = tpu.memref_squeeze %dma_wait3A_100 : memref<1x40x128xi32, #tpu.memory_space<hbm>> -> memref<40x128xi32, #tpu.memory_space<hbm>>
      tpu.wait_dma2 semaphore(%run_scoped3A_85 : memref<!tpu.dma_semaphore, #tpu.memory_space<semaphore_mem>>) src(%dma_wait3A_101 : memref<40x128xi32, #tpu.memory_space<hbm>>) dst(%arg9 : memref<40x128xi32, #tpu.memory_space<vmem>>)
      tpu.yield
    }) : () -> ()
    %dma_start3A = arith.constant 0 : i32
    %dma_start3A_1 = arith.constant 0 : i32
    %dma_start3A_2 = tpu.memref_slice %arg8[%dma_start3A, %dma_start3A_1] : memref<40x128xi32, #tpu.memory_space<vmem>> -> memref<1x128xi32, #tpu.memory_space<vmem>>
    %dma_start3A_3 = tpu.memref_squeeze %dma_start3A_2 : memref<1x128xi32, #tpu.memory_space<vmem>> -> memref<128xi32, #tpu.memory_space<vmem>>
    %dma_start3A_4 = arith.constant 0 : i32
    %dma_start3A_5 = arith.constant 0 : i32
    %dma_start3A_6 = tpu.memref_slice %arg4[%dma_start3A_4, %dma_start3A_5] : memref<10000x16xf32, #tpu.memory_space<hbm>> -> memref<10000x16xf32, #tpu.memory_space<hbm>>
    tpu.enqueue_indirect_dma source(%dma_start3A_6 : memref<10000x16xf32, #tpu.memory_space<hbm>>) target(%arg12 : memref<128x16xf32, #tpu.memory_space<vmem>>) offsets(%dma_start3A_3 : memref<128xi32, #tpu.memory_space<vmem>>) semaphore(%arg22 : memref<!tpu.dma_semaphore, #tpu.memory_space<semaphore_mem>>)
    %dma_start3A_7 = arith.constant 0 : i32
    %dma_start3A_8 = arith.constant 0 : i32
    %dma_start3A_9 = tpu.memref_slice %arg9[%dma_start3A_7, %dma_start3A_8] : memref<40x128xi32, #tpu.memory_space<vmem>> -> memref<1x128xi32, #tpu.memory_space<vmem>>
    %dma_start3A_10 = tpu.memref_squeeze %dma_start3A_9 : memref<1x128xi32, #tpu.memory_space<vmem>> -> memref<128xi32, #tpu.memory_space<vmem>>
    %dma_start3A_11 = arith.constant 0 : i32
    %dma_start3A_12 = arith.constant 0 : i32
    %dma_start3A_13 = tpu.memref_slice %arg4[%dma_start3A_11, %dma_start3A_12] : memref<10000x16xf32, #tpu.memory_space<hbm>> -> memref<10000x16xf32, #tpu.memory_space<hbm>>
    tpu.enqueue_indirect_dma source(%dma_start3A_13 : memref<10000x16xf32, #tpu.memory_space<hbm>>) target(%arg13 : memref<128x16xf32, #tpu.memory_space<vmem>>) offsets(%dma_start3A_10 : memref<128xi32, #tpu.memory_space<vmem>>) semaphore(%arg23 : memref<!tpu.dma_semaphore, #tpu.memory_space<semaphore_mem>>)
    %mul3A_14 = arith.constant 640 : i32
    %mul3A_15 = arith.muli %add3A, %mul3A_14 : i32
    "tpu.region"() ({
      %run_scoped3A_85 = tpu.sem_alloc : memref<!tpu.dma_semaphore, #tpu.memory_space<semaphore_mem>>
      %dma_start3A_86 = arith.constant 0 : i32
      %dma_start3A_87 = tpu.memref_slice %arg5[%dma_start3A_86, %mul3A_15] : memref<24x20480xf32, #tpu.memory_space<hbm>> -> memref<24x640xf32, #tpu.memory_space<hbm>>
      %dma_start3A_88 = arith.constant 0 : i32
      %dma_start3A_89 = tpu.memref_slice %arg5[%dma_start3A_88, %mul3A_15] : memref<24x20480xf32, #tpu.memory_space<hbm>> -> memref<24x640xf32, #tpu.memory_space<hbm>>
      tpu.enqueue_dma source(%dma_start3A_89 : memref<24x640xf32, #tpu.memory_space<hbm>>) target(%arg10 : memref<24x640xf32, #tpu.memory_space<vmem>>) target_semaphore(%run_scoped3A_85 : memref<!tpu.dma_semaphore, #tpu.memory_space<semaphore_mem>>)
      %dma_wait3A_90 = arith.constant 0 : i32
      %dma_wait3A_91 = tpu.memref_slice %arg5[%dma_wait3A_90, %mul3A_15] : memref<24x20480xf32, #tpu.memory_space<hbm>> -> memref<24x640xf32, #tpu.memory_space<hbm>>
      %dma_wait3A_92 = arith.constant 0 : i32
      %dma_wait3A_93 = tpu.memref_slice %arg5[%dma_wait3A_92, %mul3A_15] : memref<24x20480xf32, #tpu.memory_space<hbm>> -> memref<24x640xf32, #tpu.memory_space<hbm>>
      tpu.wait_dma2 semaphore(%run_scoped3A_85 : memref<!tpu.dma_semaphore, #tpu.memory_space<semaphore_mem>>) src(%dma_wait3A_93 : memref<24x640xf32, #tpu.memory_space<hbm>>) dst(%arg10 : memref<24x640xf32, #tpu.memory_space<vmem>>)
      tpu.yield
    }) : () -> ()
    "tpu.region"() ({
      %run_scoped3A_85 = tpu.sem_alloc : memref<!tpu.dma_semaphore, #tpu.memory_space<semaphore_mem>>
      tpu.enqueue_dma source(%arg6 : memref<16x16xf32, #tpu.memory_space<hbm>>) target(%arg11 : memref<16x16xf32, #tpu.memory_space<vmem>>) target_semaphore(%run_scoped3A_85 : memref<!tpu.dma_semaphore, #tpu.memory_space<semaphore_mem>>)
      tpu.wait_dma2 semaphore(%run_scoped3A_85 : memref<!tpu.dma_semaphore, #tpu.memory_space<semaphore_mem>>) src(%arg6 : memref<16x16xf32, #tpu.memory_space<hbm>>) dst(%arg11 : memref<16x16xf32, #tpu.memory_space<vmem>>)
      tpu.yield
    }) : () -> ()
    %broadcast_in_dim3A = arith.constant 0.000000e+00 : f32
    %broadcast_in_dim3A_16 = vector.broadcast %broadcast_in_dim3A : f32 to vector<16xf32>
    %scan3A = arith.constant 0 : i32
    %scan3A_17 = arith.constant 625 : i32
    %scan3A_18 = arith.addi %scan3A, %scan3A_17 : i32
    %scan3A_19 = arith.constant 1 : i32
    scf.for %scan3A_85 = %scan3A to %scan3A_18 step %scan3A_19  : i32 {
      %mul3A_86 = arith.constant 1 : i32
      %mul3A_87 = arith.muli %scan3A_85, %mul3A_86 : i32
      %add3A_88 = arith.constant 0 : i32
      %add3A_89 = arith.addi %add3A_88, %mul3A_87 : i32
      %mul3A_90 = arith.constant 16 : i32
      %mul3A_91 = arith.muli %add3A_89, %mul3A_90 : i32
      %swap3A = arith.index_cast %mul3A_91 : i32 to index
      %swap3A_92 = tpu.vector_load %arg16[%swap3A] {strides = array<i32>} : memref<10000xf32, #tpu.memory_space<vmem>>, vector<16xf32>,
      tpu.vector_store %arg16[%swap3A], %broadcast_in_dim3A_16 {strides = array<i32>} : memref<10000xf32, #tpu.memory_space<vmem>>, vector<16xf32>,
      %swap3A_93 = arith.index_cast %mul3A_91 : i32 to index
      %swap3A_94 = tpu.vector_load %arg17[%swap3A_93] {strides = array<i32>} : memref<10000xf32, #tpu.memory_space<vmem>>, vector<16xf32>,
      tpu.vector_store %arg17[%swap3A_93], %broadcast_in_dim3A_16 {strides = array<i32>} : memref<10000xf32, #tpu.memory_space<vmem>>, vector<16xf32>,
      %swap3A_95 = arith.index_cast %mul3A_91 : i32 to index
      %swap3A_96 = tpu.vector_load %arg18[%swap3A_95] {strides = array<i32>} : memref<10000xf32, #tpu.memory_space<vmem>>, vector<16xf32>,
      tpu.vector_store %arg18[%swap3A_95], %broadcast_in_dim3A_16 {strides = array<i32>} : memref<10000xf32, #tpu.memory_space<vmem>>, vector<16xf32>,
      %swap3A_97 = arith.index_cast %mul3A_91 : i32 to index
      %swap3A_98 = tpu.vector_load %arg19[%swap3A_97] {strides = array<i32>} : memref<10000xf32, #tpu.memory_space<vmem>>, vector<16xf32>,
      tpu.vector_store %arg19[%swap3A_97], %broadcast_in_dim3A_16 {strides = array<i32>} : memref<10000xf32, #tpu.memory_space<vmem>>, vector<16xf32>,
      %swap3A_99 = arith.index_cast %mul3A_91 : i32 to index
      %swap3A_100 = tpu.vector_load %arg20[%swap3A_99] {strides = array<i32>} : memref<10000xf32, #tpu.memory_space<vmem>>, vector<16xf32>,
      tpu.vector_store %arg20[%swap3A_99], %broadcast_in_dim3A_16 {strides = array<i32>} : memref<10000xf32, #tpu.memory_space<vmem>>, vector<16xf32>,
      %swap3A_101 = arith.index_cast %mul3A_91 : i32 to index
      %swap3A_102 = tpu.vector_load %arg21[%swap3A_101] {strides = array<i32>} : memref<10000xf32, #tpu.memory_space<vmem>>, vector<16xf32>,
      tpu.vector_store %arg21[%swap3A_101], %broadcast_in_dim3A_16 {strides = array<i32>} : memref<10000xf32, #tpu.memory_space<vmem>>, vector<16xf32>,
    }
    %scan3A_20 = arith.constant 625 : i32
    %iota3A = tpu.iota {dimensions = array<i32: 0>} : vector<16xi32>
    %broadcast_in_dim3A_21 = arith.constant 0 : i32
    %broadcast_in_dim3A_22 = vector.broadcast %broadcast_in_dim3A_21 : i32 to vector<16xi32>
    %broadcast_in_dim3A_23 = arith.constant 1 : i32
    %broadcast_in_dim3A_24 = vector.broadcast %broadcast_in_dim3A_23 : i32 to vector<16xi32>
    %broadcast_in_dim3A_25 = arith.constant 2 : i32
    %broadcast_in_dim3A_26 = vector.broadcast %broadcast_in_dim3A_25 : i32 to vector<16xi32>
    %broadcast_in_dim3A_27 = arith.constant 3 : i32
    %broadcast_in_dim3A_28 = vector.broadcast %broadcast_in_dim3A_27 : i32 to vector<16xi32>
    %broadcast_in_dim3A_29 = arith.constant 4 : i32
    %broadcast_in_dim3A_30 = vector.broadcast %broadcast_in_dim3A_29 : i32 to vector<16xi32>
    %broadcast_in_dim3A_31 = arith.constant 5 : i32
    %broadcast_in_dim3A_32 = vector.broadcast %broadcast_in_dim3A_31 : i32 to vector<16xi32>
    %broadcast_in_dim3A_33 = arith.constant 6 : i32
    %broadcast_in_dim3A_34 = vector.broadcast %broadcast_in_dim3A_33 : i32 to vector<16xi32>
    %broadcast_in_dim3A_35 = arith.constant 7 : i32
    %broadcast_in_dim3A_36 = vector.broadcast %broadcast_in_dim3A_35 : i32 to vector<16xi32>
    %broadcast_in_dim3A_37 = arith.constant 8 : i32
    %broadcast_in_dim3A_38 = vector.broadcast %broadcast_in_dim3A_37 : i32 to vector<16xi32>
    %broadcast_in_dim3A_39 = arith.constant 9 : i32
    %broadcast_in_dim3A_40 = vector.broadcast %broadcast_in_dim3A_39 : i32 to vector<16xi32>
    %broadcast_in_dim3A_41 = arith.constant 10 : i32
    %broadcast_in_dim3A_42 = vector.broadcast %broadcast_in_dim3A_41 : i32 to vector<16xi32>
    %broadcast_in_dim3A_43 = arith.constant 11 : i32
    %broadcast_in_dim3A_44 = vector.broadcast %broadcast_in_dim3A_43 : i32 to vector<16xi32>
    %broadcast_in_dim3A_45 = arith.constant 12 : i32
    %broadcast_in_dim3A_46 = vector.broadcast %broadcast_in_dim3A_45 : i32 to vector<16xi32>
    %broadcast_in_dim3A_47 = arith.constant 13 : i32
    %broadcast_in_dim3A_48 = vector.broadcast %broadcast_in_dim3A_47 : i32 to vector<16xi32>
    %broadcast_in_dim3A_49 = arith.constant 14 : i32
    %broadcast_in_dim3A_50 = vector.broadcast %broadcast_in_dim3A_49 : i32 to vector<16xi32>
    %broadcast_in_dim3A_51 = arith.constant 15 : i32
    %broadcast_in_dim3A_52 = vector.broadcast %broadcast_in_dim3A_51 : i32 to vector<16xi32>
    %mul3A_53 = arith.constant 5120 : i32
    %mul3A_54 = arith.muli %add3A, %mul3A_53 : i32
    %and3A = arith.constant 7 : i32
    %and3A_55 = vector.broadcast %and3A : i32 to vector<16xi32>
    %and3A_56 = arith.andi %iota3A, %and3A_55 : vector<16xi32>
    %mul3A_57 = arith.constant 3 : i32
    %mul3A_58 = vector.broadcast %mul3A_57 : i32 to vector<16xi32>
    %mul3A_59 = arith.muli %and3A_56, %mul3A_58 : vector<16xi32>
    %shift_right_arithmetic3A = arith.constant 3 : i32
    %shift_right_arithmetic3A_60 = vector.broadcast %shift_right_arithmetic3A : i32 to vector<16xi32>
    %shift_right_arithmetic3A_61 = arith.shrsi %iota3A, %shift_right_arithmetic3A_60 : vector<16xi32>
    %scan3A_62 = arith.constant 0 : i32
    %scan3A_63 = arith.constant 20 : i32
    %scan3A_64 = arith.addi %scan3A_62, %scan3A_63 : i32
    %scan3A_65 = arith.constant 1 : i32
    scf.for %scan3A_85 = %scan3A_62 to %scan3A_64 step %scan3A_65  : i32 {
      %mul3A_86 = arith.constant 1 : i32
      %mul3A_87 = arith.muli %scan3A_85, %mul3A_86 : i32
      %add3A_88 = arith.constant 0 : i32
      %add3A_89 = arith.addi %add3A_88, %mul3A_87 : i32
      %mul3A_90 = arith.constant 2 : i32
      %mul3A_91 = arith.muli %add3A_89, %mul3A_90 : i32
      %add3A_92 = arith.constant 1 : i32
      %add3A_93 = arith.addi %mul3A_91, %add3A_92 : i32
      %dma_start3A_94 = arith.constant 0 : i32
      %dma_start3A_95 = tpu.memref_slice %arg8[%add3A_93, %dma_start3A_94] : memref<40x128xi32, #tpu.memory_space<vmem>> -> memref<1x128xi32, #tpu.memory_space<vmem>>
      %dma_start3A_96 = tpu.memref_squeeze %dma_start3A_95 : memref<1x128xi32, #tpu.memory_space<vmem>> -> memref<128xi32, #tpu.memory_space<vmem>>
      %dma_start3A_97 = arith.constant 0 : i32
      %dma_start3A_98 = arith.constant 0 : i32
      %dma_start3A_99 = tpu.memref_slice %arg4[%dma_start3A_97, %dma_start3A_98] : memref<10000x16xf32, #tpu.memory_space<hbm>> -> memref<10000x16xf32, #tpu.memory_space<hbm>>
      tpu.enqueue_indirect_dma source(%dma_start3A_99 : memref<10000x16xf32, #tpu.memory_space<hbm>>) target(%arg14 : memref<128x16xf32, #tpu.memory_space<vmem>>) offsets(%dma_start3A_96 : memref<128xi32, #tpu.memory_space<vmem>>) semaphore(%arg24 : memref<!tpu.dma_semaphore, #tpu.memory_space<semaphore_mem>>)
      %dma_start3A_100 = arith.constant 0 : i32
      %dma_start3A_101 = tpu.memref_slice %arg9[%add3A_93, %dma_start3A_100] : memref<40x128xi32, #tpu.memory_space<vmem>> -> memref<1x128xi32, #tpu.memory_space<vmem>>
      %dma_start3A_102 = tpu.memref_squeeze %dma_start3A_101 : memref<1x128xi32, #tpu.memory_space<vmem>> -> memref<128xi32, #tpu.memory_space<vmem>>
      %dma_start3A_103 = arith.constant 0 : i32
      %dma_start3A_104 = arith.constant 0 : i32
      %dma_start3A_105 = tpu.memref_slice %arg4[%dma_start3A_103, %dma_start3A_104] : memref<10000x16xf32, #tpu.memory_space<hbm>> -> memref<10000x16xf32, #tpu.memory_space<hbm>>
      tpu.enqueue_indirect_dma source(%dma_start3A_105 : memref<10000x16xf32, #tpu.memory_space<hbm>>) target(%arg15 : memref<128x16xf32, #tpu.memory_space<vmem>>) offsets(%dma_start3A_102 : memref<128xi32, #tpu.memory_space<vmem>>) semaphore(%arg25 : memref<!tpu.dma_semaphore, #tpu.memory_space<semaphore_mem>>)
      %dma_wait3A_106 = arith.constant 0 : i32
      %dma_wait3A_107 = tpu.memref_slice %arg8[%mul3A_91, %dma_wait3A_106] : memref<40x128xi32, #tpu.memory_space<vmem>> -> memref<1x128xi32, #tpu.memory_space<vmem>>
      %dma_wait3A_108 = tpu.memref_squeeze %dma_wait3A_107 : memref<1x128xi32, #tpu.memory_space<vmem>> -> memref<128xi32, #tpu.memory_space<vmem>>
      %dma_wait3A_109 = arith.constant 0 : i32
      %dma_wait3A_110 = arith.constant 0 : i32
      %dma_wait3A_111 = tpu.memref_slice %arg4[%dma_wait3A_109, %dma_wait3A_110] : memref<10000x16xf32, #tpu.memory_space<hbm>> -> memref<10000x16xf32, #tpu.memory_space<hbm>>
      tpu.wait_indirect_dma semaphore(%arg22 : memref<!tpu.dma_semaphore, #tpu.memory_space<semaphore_mem>>) src(%dma_wait3A_111 : memref<10000x16xf32, #tpu.memory_space<hbm>>) dst(%arg12 : memref<128x16xf32, #tpu.memory_space<vmem>>)
      %dma_wait3A_112 = arith.constant 0 : i32
      %dma_wait3A_113 = tpu.memref_slice %arg9[%mul3A_91, %dma_wait3A_112] : memref<40x128xi32, #tpu.memory_space<vmem>> -> memref<1x128xi32, #tpu.memory_space<vmem>>
      %dma_wait3A_114 = tpu.memref_squeeze %dma_wait3A_113 : memref<1x128xi32, #tpu.memory_space<vmem>> -> memref<128xi32, #tpu.memory_space<vmem>>
      %dma_wait3A_115 = arith.constant 0 : i32
      %dma_wait3A_116 = arith.constant 0 : i32
      %dma_wait3A_117 = tpu.memref_slice %arg4[%dma_wait3A_115, %dma_wait3A_116] : memref<10000x16xf32, #tpu.memory_space<hbm>> -> memref<10000x16xf32, #tpu.memory_space<hbm>>
      tpu.wait_indirect_dma semaphore(%arg23 : memref<!tpu.dma_semaphore, #tpu.memory_space<semaphore_mem>>) src(%dma_wait3A_117 : memref<10000x16xf32, #tpu.memory_space<hbm>>) dst(%arg13 : memref<128x16xf32, #tpu.memory_space<vmem>>)
      %add3A_118 = arith.constant 0 : i32
      %add3A_119 = vector.broadcast %add3A_118 : i32 to vector<16xi32>
      %add3A_120 = arith.addi %iota3A, %add3A_119 : vector<16xi32>
      %get3A = arith.index_cast %mul3A_91 : i32 to index
      %get3A_121 = arith.constant 0 : index
      %get3A_122 = tpu.vector_load %arg8[%get3A, %get3A_121] {strides = array<i32>} : memref<40x128xi32, #tpu.memory_space<vmem>>, vector<16xi32>,
      %gather3A = tpu.vector_load_idx %arg12[%add3A_120, %broadcast_in_dim3A_22] : memref<128x16xf32, #tpu.memory_space<vmem>>[vector<16xi32>, vector<16xi32>], vector<16xf32>,
      %gather3A_123 = tpu.vector_load_idx %arg12[%add3A_120, %broadcast_in_dim3A_24] : memref<128x16xf32, #tpu.memory_space<vmem>>[vector<16xi32>, vector<16xi32>], vector<16xf32>,
      %gather3A_124 = tpu.vector_load_idx %arg12[%add3A_120, %broadcast_in_dim3A_26] : memref<128x16xf32, #tpu.memory_space<vmem>>[vector<16xi32>, vector<16xi32>], vector<16xf32>,
      %gather3A_125 = tpu.vector_load_idx %arg12[%add3A_120, %broadcast_in_dim3A_28] : memref<128x16xf32, #tpu.memory_space<vmem>>[vector<16xi32>, vector<16xi32>], vector<16xf32>,
      %gather3A_126 = tpu.vector_load_idx %arg12[%add3A_120, %broadcast_in_dim3A_30] : memref<128x16xf32, #tpu.memory_space<vmem>>[vector<16xi32>, vector<16xi32>], vector<16xf32>,
      %gather3A_127 = tpu.vector_load_idx %arg12[%add3A_120, %broadcast_in_dim3A_32] : memref<128x16xf32, #tpu.memory_space<vmem>>[vector<16xi32>, vector<16xi32>], vector<16xf32>,
      %gather3A_128 = tpu.vector_load_idx %arg13[%add3A_120, %broadcast_in_dim3A_22] : memref<128x16xf32, #tpu.memory_space<vmem>>[vector<16xi32>, vector<16xi32>], vector<16xf32>,
      %gather3A_129 = tpu.vector_load_idx %arg13[%add3A_120, %broadcast_in_dim3A_24] : memref<128x16xf32, #tpu.memory_space<vmem>>[vector<16xi32>, vector<16xi32>], vector<16xf32>,
      %gather3A_130 = tpu.vector_load_idx %arg13[%add3A_120, %broadcast_in_dim3A_26] : memref<128x16xf32, #tpu.memory_space<vmem>>[vector<16xi32>, vector<16xi32>], vector<16xf32>,
      %gather3A_131 = tpu.vector_load_idx %arg13[%add3A_120, %broadcast_in_dim3A_34] : memref<128x16xf32, #tpu.memory_space<vmem>>[vector<16xi32>, vector<16xi32>], vector<16xf32>,
      %gather3A_132 = tpu.vector_load_idx %arg13[%add3A_120, %broadcast_in_dim3A_36] : memref<128x16xf32, #tpu.memory_space<vmem>>[vector<16xi32>, vector<16xi32>], vector<16xf32>,
      %gather3A_133 = tpu.vector_load_idx %arg13[%add3A_120, %broadcast_in_dim3A_38] : memref<128x16xf32, #tpu.memory_space<vmem>>[vector<16xi32>, vector<16xi32>], vector<16xf32>,
      %mul3A_134 = arith.constant 16 : i32
      %mul3A_135 = arith.muli %mul3A_91, %mul3A_134 : i32
      %add3A_136 = arith.constant 0 : i32
      %add3A_137 = arith.addi %mul3A_135, %add3A_136 : i32
      %add3A_138 = vector.broadcast %add3A_137 : i32 to vector<16xi32>
      %add3A_139 = arith.addi %shift_right_arithmetic3A_61, %add3A_138 : vector<16xi32>
      %gather3A_140 = tpu.vector_load_idx %arg10[%mul3A_59, %add3A_139] : memref<24x640xf32, #tpu.memory_space<vmem>>[vector<16xi32>, vector<16xi32>], vector<16xf32>,
      %add3A_141 = arith.constant 1 : i32
      %add3A_142 = vector.broadcast %add3A_141 : i32 to vector<16xi32>
      %add3A_143 = arith.addi %mul3A_59, %add3A_142 : vector<16xi32>
      %gather3A_144 = tpu.vector_load_idx %arg10[%add3A_143, %add3A_139] : memref<24x640xf32, #tpu.memory_space<vmem>>[vector<16xi32>, vector<16xi32>], vector<16xf32>,
      %add3A_145 = arith.constant 2 : i32
      %add3A_146 = vector.broadcast %add3A_145 : i32 to vector<16xi32>
      %add3A_147 = arith.addi %mul3A_59, %add3A_146 : vector<16xi32>
      %gather3A_148 = tpu.vector_load_idx %arg10[%add3A_147, %add3A_139] : memref<24x640xf32, #tpu.memory_space<vmem>>[vector<16xi32>, vector<16xi32>], vector<16xf32>,
      %sub3A = arith.subf %gather3A, %gather3A_128 : vector<16xf32>
      %sub3A_149 = arith.subf %gather3A_123, %gather3A_129 : vector<16xf32>
      %sub3A_150 = arith.subf %gather3A_124, %gather3A_130 : vector<16xf32>
      %mul3A_151 = arith.mulf %sub3A, %sub3A : vector<16xf32>
      %mul3A_152 = arith.mulf %sub3A_149, %sub3A_149 : vector<16xf32>
      %add3A_153 = arith.addf %mul3A_151, %mul3A_152 : vector<16xf32>
      %mul3A_154 = arith.mulf %sub3A_150, %sub3A_150 : vector<16xf32>
      %add3A_155 = arith.addf %add3A_153, %mul3A_154 : vector<16xf32>
      %add3A_156 = arith.addf %gather3A_125, %gather3A_131 : vector<16xf32>
      %add3A_157 = arith.addf %add3A_156, %gather3A_140 : vector<16xf32>
      %get3A_158 = arith.constant 12 : i32
      %get3A_159 = arith.index_cast %get3A_158 : i32 to index
      %get3A_160 = arith.constant 0 : index
      %get3A_161 = tpu.vector_load %arg11[%get3A_159, %get3A_160] {strides = array<i32>} : memref<16x16xf32, #tpu.memory_space<vmem>>, vector<16xf32>,
      %mul3A_162 = arith.mulf %add3A_155, %get3A_161 : vector<16xf32>
      %add3A_163 = arith.addf %add3A_157, %mul3A_162 : vector<16xf32>
      %add3A_164 = arith.addf %gather3A_126, %gather3A_132 : vector<16xf32>
      %add3A_165 = arith.addf %add3A_164, %gather3A_144 : vector<16xf32>
      %get3A_166 = arith.constant 13 : i32
      %get3A_167 = arith.index_cast %get3A_166 : i32 to index
      %get3A_168 = arith.constant 0 : index
      %get3A_169 = tpu.vector_load %arg11[%get3A_167, %get3A_168] {strides = array<i32>} : memref<16x16xf32, #tpu.memory_space<vmem>>, vector<16xf32>,
      %mul3A_170 = arith.mulf %add3A_155, %get3A_169 : vector<16xf32>
      %add3A_171 = arith.addf %add3A_165, %mul3A_170 : vector<16xf32>
      %add3A_172 = arith.addf %gather3A_127, %gather3A_133 : vector<16xf32>
      %add3A_173 = arith.addf %add3A_172, %gather3A_148 : vector<16xf32>
      %get3A_174 = arith.constant 14 : i32
      %get3A_175 = arith.index_cast %get3A_174 : i32 to index
      %get3A_176 = arith.constant 0 : index
      %get3A_177 = tpu.vector_load %arg11[%get3A_175, %get3A_176] {strides = array<i32>} : memref<16x16xf32, #tpu.memory_space<vmem>>, vector<16xf32>,
      %mul3A_178 = arith.mulf %add3A_155, %get3A_177 : vector<16xf32>
      %add3A_179 = arith.addf %add3A_173, %mul3A_178 : vector<16xf32>
      %neg3A = arith.constant 0.000000e+00 : f32
      %neg3A_180 = vector.broadcast %neg3A : f32 to vector<16xf32>
      %neg3A_181 = arith.subf %neg3A_180, %add3A_163 : vector<16xf32>
      %exp3A = math.exp %neg3A_181 : vector<16xf32>
      %add3A_182 = arith.constant 1.000000e+00 : f32
      %add3A_183 = vector.broadcast %add3A_182 : f32 to vector<16xf32>
      %add3A_184 = arith.addf %add3A_183, %exp3A : vector<16xf32>
      %div3A = arith.divf %add3A_163, %add3A_184 : vector<16xf32>
      %neg3A_185 = arith.constant 0.000000e+00 : f32
      %neg3A_186 = vector.broadcast %neg3A_185 : f32 to vector<16xf32>
      %neg3A_187 = arith.subf %neg3A_186, %add3A_171 : vector<16xf32>
      %exp3A_188 = math.exp %neg3A_187 : vector<16xf32>
      %add3A_189 = arith.constant 1.000000e+00 : f32
      %add3A_190 = vector.broadcast %add3A_189 : f32 to vector<16xf32>
      %add3A_191 = arith.addf %add3A_190, %exp3A_188 : vector<16xf32>
      %div3A_192 = arith.divf %add3A_171, %add3A_191 : vector<16xf32>
      %neg3A_193 = arith.constant 0.000000e+00 : f32
      %neg3A_194 = vector.broadcast %neg3A_193 : f32 to vector<16xf32>
      %neg3A_195 = arith.subf %neg3A_194, %add3A_179 : vector<16xf32>
      %exp3A_196 = math.exp %neg3A_195 : vector<16xf32>
      %add3A_197 = arith.constant 1.000000e+00 : f32
      %add3A_198 = vector.broadcast %add3A_197 : f32 to vector<16xf32>
      %add3A_199 = arith.addf %add3A_198, %exp3A_196 : vector<16xf32>
      %div3A_200 = arith.divf %add3A_179, %add3A_199 : vector<16xf32>
      %get3A_201 = arith.constant 0 : i32
      %get3A_202 = arith.index_cast %get3A_201 : i32 to index
      %get3A_203 = arith.constant 0 : index
      %get3A_204 = tpu.vector_load %arg11[%get3A_202, %get3A_203] {strides = array<i32>} : memref<16x16xf32, #tpu.memory_space<vmem>>, vector<16xf32>,
      %mul3A_205 = arith.mulf %div3A, %get3A_204 : vector<16xf32>
      %get3A_206 = arith.constant 3 : i32
      %get3A_207 = arith.index_cast %get3A_206 : i32 to index
      %get3A_208 = arith.constant 0 : index
      %get3A_209 = tpu.vector_load %arg11[%get3A_207, %get3A_208] {strides = array<i32>} : memref<16x16xf32, #tpu.memory_space<vmem>>, vector<16xf32>,
      %mul3A_210 = arith.mulf %div3A_192, %get3A_209 : vector<16xf32>
      %add3A_211 = arith.addf %mul3A_205, %mul3A_210 : vector<16xf32>
      %get3A_212 = arith.constant 6 : i32
      %get3A_213 = arith.index_cast %get3A_212 : i32 to index
      %get3A_214 = arith.constant 0 : index
      %get3A_215 = tpu.vector_load %arg11[%get3A_213, %get3A_214] {strides = array<i32>} : memref<16x16xf32, #tpu.memory_space<vmem>>, vector<16xf32>,
      %mul3A_216 = arith.mulf %div3A_200, %get3A_215 : vector<16xf32>
      %add3A_217 = arith.addf %add3A_211, %mul3A_216 : vector<16xf32>
      %get3A_218 = arith.constant 9 : i32
      %get3A_219 = arith.index_cast %get3A_218 : i32 to index
      %get3A_220 = arith.constant 0 : index
      %get3A_221 = tpu.vector_load %arg11[%get3A_219, %get3A_220] {strides = array<i32>} : memref<16x16xf32, #tpu.memory_space<vmem>>, vector<16xf32>,
      %add3A_222 = arith.addf %add3A_217, %get3A_221 : vector<16xf32>
      %get3A_223 = arith.constant 1 : i32
      %get3A_224 = arith.index_cast %get3A_223 : i32 to index
      %get3A_225 = arith.constant 0 : index
      %get3A_226 = tpu.vector_load %arg11[%get3A_224, %get3A_225] {strides = array<i32>} : memref<16x16xf32, #tpu.memory_space<vmem>>, vector<16xf32>,
      %mul3A_227 = arith.mulf %div3A, %get3A_226 : vector<16xf32>
      %get3A_228 = arith.constant 4 : i32
      %get3A_229 = arith.index_cast %get3A_228 : i32 to index
      %get3A_230 = arith.constant 0 : index
      %get3A_231 = tpu.vector_load %arg11[%get3A_229, %get3A_230] {strides = array<i32>} : memref<16x16xf32, #tpu.memory_space<vmem>>, vector<16xf32>,
      %mul3A_232 = arith.mulf %div3A_192, %get3A_231 : vector<16xf32>
      %add3A_233 = arith.addf %mul3A_227, %mul3A_232 : vector<16xf32>
      %get3A_234 = arith.constant 7 : i32
      %get3A_235 = arith.index_cast %get3A_234 : i32 to index
      %get3A_236 = arith.constant 0 : index
      %get3A_237 = tpu.vector_load %arg11[%get3A_235, %get3A_236] {strides = array<i32>} : memref<16x16xf32, #tpu.memory_space<vmem>>, vector<16xf32>,
      %mul3A_238 = arith.mulf %div3A_200, %get3A_237 : vector<16xf32>
      %add3A_239 = arith.addf %add3A_233, %mul3A_238 : vector<16xf32>
      %get3A_240 = arith.constant 10 : i32
      %get3A_241 = arith.index_cast %get3A_240 : i32 to index
      %get3A_242 = arith.constant 0 : index
      %get3A_243 = tpu.vector_load %arg11[%get3A_241, %get3A_242] {strides = array<i32>} : memref<16x16xf32, #tpu.memory_space<vmem>>, vector<16xf32>,
      %add3A_244 = arith.addf %add3A_239, %get3A_243 : vector<16xf32>
      %get3A_245 = arith.constant 2 : i32
      %get3A_246 = arith.index_cast %get3A_245 : i32 to index
      %get3A_247 = arith.constant 0 : index
      %get3A_248 = tpu.vector_load %arg11[%get3A_246, %get3A_247] {strides = array<i32>} : memref<16x16xf32, #tpu.memory_space<vmem>>, vector<16xf32>,
      %mul3A_249 = arith.mulf %div3A, %get3A_248 : vector<16xf32>
      %get3A_250 = arith.constant 5 : i32
      %get3A_251 = arith.index_cast %get3A_250 : i32 to index
      %get3A_252 = arith.constant 0 : index
      %get3A_253 = tpu.vector_load %arg11[%get3A_251, %get3A_252] {strides = array<i32>} : memref<16x16xf32, #tpu.memory_space<vmem>>, vector<16xf32>,
      %mul3A_254 = arith.mulf %div3A_192, %get3A_253 : vector<16xf32>
      %add3A_255 = arith.addf %mul3A_249, %mul3A_254 : vector<16xf32>
      %get3A_256 = arith.constant 8 : i32
      %get3A_257 = arith.index_cast %get3A_256 : i32 to index
      %get3A_258 = arith.constant 0 : index
      %get3A_259 = tpu.vector_load %arg11[%get3A_257, %get3A_258] {strides = array<i32>} : memref<16x16xf32, #tpu.memory_space<vmem>>, vector<16xf32>,
      %mul3A_260 = arith.mulf %div3A_200, %get3A_259 : vector<16xf32>
      %add3A_261 = arith.addf %add3A_255, %mul3A_260 : vector<16xf32>
      %get3A_262 = arith.constant 11 : i32
      %get3A_263 = arith.index_cast %get3A_262 : i32 to index
      %get3A_264 = arith.constant 0 : index
      %get3A_265 = tpu.vector_load %arg11[%get3A_263, %get3A_264] {strides = array<i32>} : memref<16x16xf32, #tpu.memory_space<vmem>>, vector<16xf32>,
      %add3A_266 = arith.addf %add3A_261, %get3A_265 : vector<16xf32>
      %neg3A_267 = arith.constant 0.000000e+00 : f32
      %neg3A_268 = vector.broadcast %neg3A_267 : f32 to vector<16xf32>
      %neg3A_269 = arith.subf %neg3A_268, %add3A_222 : vector<16xf32>
      %exp3A_270 = math.exp %neg3A_269 : vector<16xf32>
      %add3A_271 = arith.constant 1.000000e+00 : f32
      %add3A_272 = vector.broadcast %add3A_271 : f32 to vector<16xf32>
      %add3A_273 = arith.addf %add3A_272, %exp3A_270 : vector<16xf32>
      %div3A_274 = arith.divf %add3A_222, %add3A_273 : vector<16xf32>
      %neg3A_275 = arith.constant 0.000000e+00 : f32
      %neg3A_276 = vector.broadcast %neg3A_275 : f32 to vector<16xf32>
      %neg3A_277 = arith.subf %neg3A_276, %add3A_244 : vector<16xf32>
      %exp3A_278 = math.exp %neg3A_277 : vector<16xf32>
      %add3A_279 = arith.constant 1.000000e+00 : f32
      %add3A_280 = vector.broadcast %add3A_279 : f32 to vector<16xf32>
      %add3A_281 = arith.addf %add3A_280, %exp3A_278 : vector<16xf32>
      %div3A_282 = arith.divf %add3A_244, %add3A_281 : vector<16xf32>
      %neg3A_283 = arith.constant 0.000000e+00 : f32
      %neg3A_284 = vector.broadcast %neg3A_283 : f32 to vector<16xf32>
      %neg3A_285 = arith.subf %neg3A_284, %add3A_266 : vector<16xf32>
      %exp3A_286 = math.exp %neg3A_285 : vector<16xf32>
      %add3A_287 = arith.constant 1.000000e+00 : f32
      %add3A_288 = vector.broadcast %add3A_287 : f32 to vector<16xf32>
      %add3A_289 = arith.addf %add3A_288, %exp3A_286 : vector<16xf32>
      %div3A_290 = arith.divf %add3A_266, %add3A_289 : vector<16xf32>
      %mul3A_291 = arith.constant 128 : i32
      %mul3A_292 = arith.muli %mul3A_91, %mul3A_291 : i32
      %add3A_293 = arith.addi %mul3A_54, %mul3A_292 : i32
      %add3A_294 = vector.broadcast %add3A_293 : i32 to vector<16xi32>
      %add3A_295 = arith.addi %add3A_120, %add3A_294 : vector<16xi32>
      %lt3A = arith.constant 160000 : i32
      %lt3A_296 = vector.broadcast %lt3A : i32 to vector<16xi32>
      %lt3A_297 = arith.cmpi slt, %add3A_295, %lt3A_296 : vector<16xi32>
      tpu.vector_store_idx %arg16[%get3A_122], %div3A_274 masked %lt3A_297 {add = true} : memref<10000xf32, #tpu.memory_space<vmem>>[vector<16xi32>], vector<16xf32>, vector<16xi1>
      tpu.vector_store_idx %arg17[%get3A_122], %div3A_282 masked %lt3A_297 {add = true} : memref<10000xf32, #tpu.memory_space<vmem>>[vector<16xi32>], vector<16xf32>, vector<16xi1>
      tpu.vector_store_idx %arg18[%get3A_122], %div3A_290 masked %lt3A_297 {add = true} : memref<10000xf32, #tpu.memory_space<vmem>>[vector<16xi32>], vector<16xf32>, vector<16xi1>
      %mul3A_298 = arith.mulf %div3A_274, %sub3A : vector<16xf32>
      tpu.vector_store_idx %arg19[%get3A_122], %mul3A_298 masked %lt3A_297 {add = true} : memref<10000xf32, #tpu.memory_space<vmem>>[vector<16xi32>], vector<16xf32>, vector<16xi1>
      %mul3A_299 = arith.mulf %div3A_282, %sub3A_149 : vector<16xf32>
      tpu.vector_store_idx %arg20[%get3A_122], %mul3A_299 masked %lt3A_297 {add = true} : memref<10000xf32, #tpu.memory_space<vmem>>[vector<16xi32>], vector<16xf32>, vector<16xi1>
      %mul3A_300 = arith.mulf %div3A_290, %sub3A_150 : vector<16xf32>
      tpu.vector_store_idx %arg21[%get3A_122], %mul3A_300 masked %lt3A_297 {add = true} : memref<10000xf32, #tpu.memory_space<vmem>>[vector<16xi32>], vector<16xf32>, vector<16xi1>
      %add3A_301 = arith.constant 16 : i32
      %add3A_302 = vector.broadcast %add3A_301 : i32 to vector<16xi32>
      %add3A_303 = arith.addi %iota3A, %add3A_302 : vector<16xi32>
      %get3A_304 = arith.index_cast %mul3A_91 : i32 to index
      %get3A_305 = arith.constant 16 : index
      %get3A_306 = tpu.vector_load %arg8[%get3A_304, %get3A_305] {strides = array<i32>} : memref<40x128xi32, #tpu.memory_space<vmem>>, vector<16xi32>,
      %gather3A_307 = tpu.vector_load_idx %arg12[%add3A_303, %broadcast_in_dim3A_22] : memref<128x16xf32, #tpu.memory_space<vmem>>[vector<16xi32>, vector<16xi32>], vector<16xf32>,
      %gather3A_308 = tpu.vector_load_idx %arg12[%add3A_303, %broadcast_in_dim3A_24] : memref<128x16xf32, #tpu.memory_space<vmem>>[vector<16xi32>, vector<16xi32>], vector<16xf32>,
      %gather3A_309 = tpu.vector_load_idx %arg12[%add3A_303, %broadcast_in_dim3A_26] : memref<128x16xf32, #tpu.memory_space<vmem>>[vector<16xi32>, vector<16xi32>], vector<16xf32>,
      %gather3A_310 = tpu.vector_load_idx %arg12[%add3A_303, %broadcast_in_dim3A_28] : memref<128x16xf32, #tpu.memory_space<vmem>>[vector<16xi32>, vector<16xi32>], vector<16xf32>,
      %gather3A_311 = tpu.vector_load_idx %arg12[%add3A_303, %broadcast_in_dim3A_30] : memref<128x16xf32, #tpu.memory_space<vmem>>[vector<16xi32>, vector<16xi32>], vector<16xf32>,
      %gather3A_312 = tpu.vector_load_idx %arg12[%add3A_303, %broadcast_in_dim3A_32] : memref<128x16xf32, #tpu.memory_space<vmem>>[vector<16xi32>, vector<16xi32>], vector<16xf32>,
      %gather3A_313 = tpu.vector_load_idx %arg13[%add3A_303, %broadcast_in_dim3A_22] : memref<128x16xf32, #tpu.memory_space<vmem>>[vector<16xi32>, vector<16xi32>], vector<16xf32>,
      %gather3A_314 = tpu.vector_load_idx %arg13[%add3A_303, %broadcast_in_dim3A_24] : memref<128x16xf32, #tpu.memory_space<vmem>>[vector<16xi32>, vector<16xi32>], vector<16xf32>,
      %gather3A_315 = tpu.vector_load_idx %arg13[%add3A_303, %broadcast_in_dim3A_26] : memref<128x16xf32, #tpu.memory_space<vmem>>[vector<16xi32>, vector<16xi32>], vector<16xf32>,
      %gather3A_316 = tpu.vector_load_idx %arg13[%add3A_303, %broadcast_in_dim3A_34] : memref<128x16xf32, #tpu.memory_space<vmem>>[vector<16xi32>, vector<16xi32>], vector<16xf32>,
      %gather3A_317 = tpu.vector_load_idx %arg13[%add3A_303, %broadcast_in_dim3A_36] : memref<128x16xf32, #tpu.memory_space<vmem>>[vector<16xi32>, vector<16xi32>], vector<16xf32>,
      %gather3A_318 = tpu.vector_load_idx %arg13[%add3A_303, %broadcast_in_dim3A_38] : memref<128x16xf32, #tpu.memory_space<vmem>>[vector<16xi32>, vector<16xi32>], vector<16xf32>,
      %mul3A_319 = arith.constant 16 : i32
      %mul3A_320 = arith.muli %mul3A_91, %mul3A_319 : i32
      %add3A_321 = arith.constant 2 : i32
      %add3A_322 = arith.addi %mul3A_320, %add3A_321 : i32
      %add3A_323 = vector.broadcast %add3A_322 : i32 to vector<16xi32>
      %add3A_324 = arith.addi %shift_right_arithmetic3A_61, %add3A_323 : vector<16xi32>
      %gather3A_325 = tpu.vector_load_idx %arg10[%mul3A_59, %add3A_324] : memref<24x640xf32, #tpu.memory_space<vmem>>[vector<16xi32>, vector<16xi32>], vector<16xf32>,
      %add3A_326 = arith.constant 1 : i32
      %add3A_327 = vector.broadcast %add3A_326 : i32 to vector<16xi32>
      %add3A_328 = arith.addi %mul3A_59, %add3A_327 : vector<16xi32>
      %gather3A_329 = tpu.vector_load_idx %arg10[%add3A_328, %add3A_324] : memref<24x640xf32, #tpu.memory_space<vmem>>[vector<16xi32>, vector<16xi32>], vector<16xf32>,
      %add3A_330 = arith.constant 2 : i32
      %add3A_331 = vector.broadcast %add3A_330 : i32 to vector<16xi32>
      %add3A_332 = arith.addi %mul3A_59, %add3A_331 : vector<16xi32>
      %gather3A_333 = tpu.vector_load_idx %arg10[%add3A_332, %add3A_324] : memref<24x640xf32, #tpu.memory_space<vmem>>[vector<16xi32>, vector<16xi32>], vector<16xf32>,
      %sub3A_334 = arith.subf %gather3A_307, %gather3A_313 : vector<16xf32>
      %sub3A_335 = arith.subf %gather3A_308, %gather3A_314 : vector<16xf32>
      %sub3A_336 = arith.subf %gather3A_309, %gather3A_315 : vector<16xf32>
      %mul3A_337 = arith.mulf %sub3A_334, %sub3A_334 : vector<16xf32>
      %mul3A_338 = arith.mulf %sub3A_335, %sub3A_335 : vector<16xf32>
      %add3A_339 = arith.addf %mul3A_337, %mul3A_338 : vector<16xf32>
      %mul3A_340 = arith.mulf %sub3A_336, %sub3A_336 : vector<16xf32>
      %add3A_341 = arith.addf %add3A_339, %mul3A_340 : vector<16xf32>
      %add3A_342 = arith.addf %gather3A_310, %gather3A_316 : vector<16xf32>
      %add3A_343 = arith.addf %add3A_342, %gather3A_325 : vector<16xf32>
      %get3A_344 = arith.constant 12 : i32
      %get3A_345 = arith.index_cast %get3A_344 : i32 to index
      %get3A_346 = arith.constant 0 : index
      %get3A_347 = tpu.vector_load %arg11[%get3A_345, %get3A_346] {strides = array<i32>} : memref<16x16xf32, #tpu.memory_space<vmem>>, vector<16xf32>,
      %mul3A_348 = arith.mulf %add3A_341, %get3A_347 : vector<16xf32>
      %add3A_349 = arith.addf %add3A_343, %mul3A_348 : vector<16xf32>
      %add3A_350 = arith.addf %gather3A_311, %gather3A_317 : vector<16xf32>
      %add3A_351 = arith.addf %add3A_350, %gather3A_329 : vector<16xf32>
      %get3A_352 = arith.constant 13 : i32
      %get3A_353 = arith.index_cast %get3A_352 : i32 to index
      %get3A_354 = arith.constant 0 : index
      %get3A_355 = tpu.vector_load %arg11[%get3A_353, %get3A_354] {strides = array<i32>} : memref<16x16xf32, #tpu.memory_space<vmem>>, vector<16xf32>,
      %mul3A_356 = arith.mulf %add3A_341, %get3A_355 : vector<16xf32>
      %add3A_357 = arith.addf %add3A_351, %mul3A_356 : vector<16xf32>
      %add3A_358 = arith.addf %gather3A_312, %gather3A_318 : vector<16xf32>
      %add3A_359 = arith.addf %add3A_358, %gather3A_333 : vector<16xf32>
      %get3A_360 = arith.constant 14 : i32
      %get3A_361 = arith.index_cast %get3A_360 : i32 to index
      %get3A_362 = arith.constant 0 : index
      %get3A_363 = tpu.vector_load %arg11[%get3A_361, %get3A_362] {strides = array<i32>} : memref<16x16xf32, #tpu.memory_space<vmem>>, vector<16xf32>,
      %mul3A_364 = arith.mulf %add3A_341, %get3A_363 : vector<16xf32>
      %add3A_365 = arith.addf %add3A_359, %mul3A_364 : vector<16xf32>
      %neg3A_366 = arith.constant 0.000000e+00 : f32
      %neg3A_367 = vector.broadcast %neg3A_366 : f32 to vector<16xf32>
      %neg3A_368 = arith.subf %neg3A_367, %add3A_349 : vector<16xf32>
      %exp3A_369 = math.exp %neg3A_368 : vector<16xf32>
      %add3A_370 = arith.constant 1.000000e+00 : f32
      %add3A_371 = vector.broadcast %add3A_370 : f32 to vector<16xf32>
      %add3A_372 = arith.addf %add3A_371, %exp3A_369 : vector<16xf32>
      %div3A_373 = arith.divf %add3A_349, %add3A_372 : vector<16xf32>
      %neg3A_374 = arith.constant 0.000000e+00 : f32
      %neg3A_375 = vector.broadcast %neg3A_374 : f32 to vector<16xf32>
      %neg3A_376 = arith.subf %neg3A_375, %add3A_357 : vector<16xf32>
      %exp3A_377 = math.exp %neg3A_376 : vector<16xf32>
      %add3A_378 = arith.constant 1.000000e+00 : f32
      %add3A_379 = vector.broadcast %add3A_378 : f32 to vector<16xf32>
      %add3A_380 = arith.addf %add3A_379, %exp3A_377 : vector<16xf32>
      %div3A_381 = arith.divf %add3A_357, %add3A_380 : vector<16xf32>
      %neg3A_382 = arith.constant 0.000000e+00 : f32
      %neg3A_383 = vector.broadcast %neg3A_382 : f32 to vector<16xf32>
      %neg3A_384 = arith.subf %neg3A_383, %add3A_365 : vector<16xf32>
      %exp3A_385 = math.exp %neg3A_384 : vector<16xf32>
      %add3A_386 = arith.constant 1.000000e+00 : f32
      %add3A_387 = vector.broadcast %add3A_386 : f32 to vector<16xf32>
      %add3A_388 = arith.addf %add3A_387, %exp3A_385 : vector<16xf32>
      %div3A_389 = arith.divf %add3A_365, %add3A_388 : vector<16xf32>
      %get3A_390 = arith.constant 0 : i32
      %get3A_391 = arith.index_cast %get3A_390 : i32 to index
      %get3A_392 = arith.constant 0 : index
      %get3A_393 = tpu.vector_load %arg11[%get3A_391, %get3A_392] {strides = array<i32>} : memref<16x16xf32, #tpu.memory_space<vmem>>, vector<16xf32>,
      %mul3A_394 = arith.mulf %div3A_373, %get3A_393 : vector<16xf32>
      %get3A_395 = arith.constant 3 : i32
      %get3A_396 = arith.index_cast %get3A_395 : i32 to index
      %get3A_397 = arith.constant 0 : index
      %get3A_398 = tpu.vector_load %arg11[%get3A_396, %get3A_397] {strides = array<i32>} : memref<16x16xf32, #tpu.memory_space<vmem>>, vector<16xf32>,
      %mul3A_399 = arith.mulf %div3A_381, %get3A_398 : vector<16xf32>
      %add3A_400 = arith.addf %mul3A_394, %mul3A_399 : vector<16xf32>
      %get3A_401 = arith.constant 6 : i32
      %get3A_402 = arith.index_cast %get3A_401 : i32 to index
      %get3A_403 = arith.constant 0 : index
      %get3A_404 = tpu.vector_load %arg11[%get3A_402, %get3A_403] {strides = array<i32>} : memref<16x16xf32, #tpu.memory_space<vmem>>, vector<16xf32>,
      %mul3A_405 = arith.mulf %div3A_389, %get3A_404 : vector<16xf32>
      %add3A_406 = arith.addf %add3A_400, %mul3A_405 : vector<16xf32>
      %get3A_407 = arith.constant 9 : i32
      %get3A_408 = arith.index_cast %get3A_407 : i32 to index
      %get3A_409 = arith.constant 0 : index
      %get3A_410 = tpu.vector_load %arg11[%get3A_408, %get3A_409] {strides = array<i32>} : memref<16x16xf32, #tpu.memory_space<vmem>>, vector<16xf32>,
      %add3A_411 = arith.addf %add3A_406, %get3A_410 : vector<16xf32>
      %get3A_412 = arith.constant 1 : i32
      %get3A_413 = arith.index_cast %get3A_412 : i32 to index
      %get3A_414 = arith.constant 0 : index
      %get3A_415 = tpu.vector_load %arg11[%get3A_413, %get3A_414] {strides = array<i32>} : memref<16x16xf32, #tpu.memory_space<vmem>>, vector<16xf32>,
      %mul3A_416 = arith.mulf %div3A_373, %get3A_415 : vector<16xf32>
      %get3A_417 = arith.constant 4 : i32
      %get3A_418 = arith.index_cast %get3A_417 : i32 to index
      %get3A_419 = arith.constant 0 : index
      %get3A_420 = tpu.vector_load %arg11[%get3A_418, %get3A_419] {strides = array<i32>} : memref<16x16xf32, #tpu.memory_space<vmem>>, vector<16xf32>,
      %mul3A_421 = arith.mulf %div3A_381, %get3A_420 : vector<16xf32>
      %add3A_422 = arith.addf %mul3A_416, %mul3A_421 : vector<16xf32>
      %get3A_423 = arith.constant 7 : i32
      %get3A_424 = arith.index_cast %get3A_423 : i32 to index
      %get3A_425 = arith.constant 0 : index
      %get3A_426 = tpu.vector_load %arg11[%get3A_424, %get3A_425] {strides = array<i32>} : memref<16x16xf32, #tpu.memory_space<vmem>>, vector<16xf32>,
      %mul3A_427 = arith.mulf %div3A_389, %get3A_426 : vector<16xf32>
      %add3A_428 = arith.addf %add3A_422, %mul3A_427 : vector<16xf32>
      %get3A_429 = arith.constant 10 : i32
      %get3A_430 = arith.index_cast %get3A_429 : i32 to index
      %get3A_431 = arith.constant 0 : index
      %get3A_432 = tpu.vector_load %arg11[%get3A_430, %get3A_431] {strides = array<i32>} : memref<16x16xf32, #tpu.memory_space<vmem>>, vector<16xf32>,
      %add3A_433 = arith.addf %add3A_428, %get3A_432 : vector<16xf32>
      %get3A_434 = arith.constant 2 : i32
      %get3A_435 = arith.index_cast %get3A_434 : i32 to index
      %get3A_436 = arith.constant 0 : index
      %get3A_437 = tpu.vector_load %arg11[%get3A_435, %get3A_436] {strides = array<i32>} : memref<16x16xf32, #tpu.memory_space<vmem>>, vector<16xf32>,
      %mul3A_438 = arith.mulf %div3A_373, %get3A_437 : vector<16xf32>
      %get3A_439 = arith.constant 5 : i32
      %get3A_440 = arith.index_cast %get3A_439 : i32 to index
      %get3A_441 = arith.constant 0 : index
      %get3A_442 = tpu.vector_load %arg11[%get3A_440, %get3A_441] {strides = array<i32>} : memref<16x16xf32, #tpu.memory_space<vmem>>, vector<16xf32>,
      %mul3A_443 = arith.mulf %div3A_381, %get3A_442 : vector<16xf32>
      %add3A_444 = arith.addf %mul3A_438, %mul3A_443 : vector<16xf32>
      %get3A_445 = arith.constant 8 : i32
      %get3A_446 = arith.index_cast %get3A_445 : i32 to index
      %get3A_447 = arith.constant 0 : index
      %get3A_448 = tpu.vector_load %arg11[%get3A_446, %get3A_447] {strides = array<i32>} : memref<16x16xf32, #tpu.memory_space<vmem>>, vector<16xf32>,
      %mul3A_449 = arith.mulf %div3A_389, %get3A_448 : vector<16xf32>
      %add3A_450 = arith.addf %add3A_444, %mul3A_449 : vector<16xf32>
      %get3A_451 = arith.constant 11 : i32
      %get3A_452 = arith.index_cast %get3A_451 : i32 to index
      %get3A_453 = arith.constant 0 : index
      %get3A_454 = tpu.vector_load %arg11[%get3A_452, %get3A_453] {strides = array<i32>} : memref<16x16xf32, #tpu.memory_space<vmem>>, vector<16xf32>,
      %add3A_455 = arith.addf %add3A_450, %get3A_454 : vector<16xf32>
      %neg3A_456 = arith.constant 0.000000e+00 : f32
      %neg3A_457 = vector.broadcast %neg3A_456 : f32 to vector<16xf32>
      %neg3A_458 = arith.subf %neg3A_457, %add3A_411 : vector<16xf32>
      %exp3A_459 = math.exp %neg3A_458 : vector<16xf32>
      %add3A_460 = arith.constant 1.000000e+00 : f32
      %add3A_461 = vector.broadcast %add3A_460 : f32 to vector<16xf32>
      %add3A_462 = arith.addf %add3A_461, %exp3A_459 : vector<16xf32>
      %div3A_463 = arith.divf %add3A_411, %add3A_462 : vector<16xf32>
      %neg3A_464 = arith.constant 0.000000e+00 : f32
      %neg3A_465 = vector.broadcast %neg3A_464 : f32 to vector<16xf32>
      %neg3A_466 = arith.subf %neg3A_465, %add3A_433 : vector<16xf32>
      %exp3A_467 = math.exp %neg3A_466 : vector<16xf32>
      %add3A_468 = arith.constant 1.000000e+00 : f32
      %add3A_469 = vector.broadcast %add3A_468 : f32 to vector<16xf32>
      %add3A_470 = arith.addf %add3A_469, %exp3A_467 : vector<16xf32>
      %div3A_471 = arith.divf %add3A_433, %add3A_470 : vector<16xf32>
      %neg3A_472 = arith.constant 0.000000e+00 : f32
      %neg3A_473 = vector.broadcast %neg3A_472 : f32 to vector<16xf32>
      %neg3A_474 = arith.subf %neg3A_473, %add3A_455 : vector<16xf32>
      %exp3A_475 = math.exp %neg3A_474 : vector<16xf32>
      %add3A_476 = arith.constant 1.000000e+00 : f32
      %add3A_477 = vector.broadcast %add3A_476 : f32 to vector<16xf32>
      %add3A_478 = arith.addf %add3A_477, %exp3A_475 : vector<16xf32>
      %div3A_479 = arith.divf %add3A_455, %add3A_478 : vector<16xf32>
      %mul3A_480 = arith.constant 128 : i32
      %mul3A_481 = arith.muli %mul3A_91, %mul3A_480 : i32
      %add3A_482 = arith.addi %mul3A_54, %mul3A_481 : i32
      %add3A_483 = vector.broadcast %add3A_482 : i32 to vector<16xi32>
      %add3A_484 = arith.addi %add3A_303, %add3A_483 : vector<16xi32>
      %lt3A_485 = arith.constant 160000 : i32
      %lt3A_486 = vector.broadcast %lt3A_485 : i32 to vector<16xi32>
      %lt3A_487 = arith.cmpi slt, %add3A_484, %lt3A_486 : vector<16xi32>
      tpu.vector_store_idx %arg16[%get3A_306], %div3A_463 masked %lt3A_487 {add = true} : memref<10000xf32, #tpu.memory_space<vmem>>[vector<16xi32>], vector<16xf32>, vector<16xi1>
      tpu.vector_store_idx %arg17[%get3A_306], %div3A_471 masked %lt3A_487 {add = true} : memref<10000xf32, #tpu.memory_space<vmem>>[vector<16xi32>], vector<16xf32>, vector<16xi1>
      tpu.vector_store_idx %arg18[%get3A_306], %div3A_479 masked %lt3A_487 {add = true} : memref<10000xf32, #tpu.memory_space<vmem>>[vector<16xi32>], vector<16xf32>, vector<16xi1>
      %mul3A_488 = arith.mulf %div3A_463, %sub3A_334 : vector<16xf32>
      tpu.vector_store_idx %arg19[%get3A_306], %mul3A_488 masked %lt3A_487 {add = true} : memref<10000xf32, #tpu.memory_space<vmem>>[vector<16xi32>], vector<16xf32>, vector<16xi1>
      %mul3A_489 = arith.mulf %div3A_471, %sub3A_335 : vector<16xf32>
      tpu.vector_store_idx %arg20[%get3A_306], %mul3A_489 masked %lt3A_487 {add = true} : memref<10000xf32, #tpu.memory_space<vmem>>[vector<16xi32>], vector<16xf32>, vector<16xi1>
      %mul3A_490 = arith.mulf %div3A_479, %sub3A_336 : vector<16xf32>
      tpu.vector_store_idx %arg21[%get3A_306], %mul3A_490 masked %lt3A_487 {add = true} : memref<10000xf32, #tpu.memory_space<vmem>>[vector<16xi32>], vector<16xf32>, vector<16xi1>
      %add3A_491 = arith.constant 32 : i32
      %add3A_492 = vector.broadcast %add3A_491 : i32 to vector<16xi32>
      %add3A_493 = arith.addi %iota3A, %add3A_492 : vector<16xi32>
      %get3A_494 = arith.index_cast %mul3A_91 : i32 to index
      %get3A_495 = arith.constant 32 : index
      %get3A_496 = tpu.vector_load %arg8[%get3A_494, %get3A_495] {strides = array<i32>} : memref<40x128xi32, #tpu.memory_space<vmem>>, vector<16xi32>,
      %gather3A_497 = tpu.vector_load_idx %arg12[%add3A_493, %broadcast_in_dim3A_22] : memref<128x16xf32, #tpu.memory_space<vmem>>[vector<16xi32>, vector<16xi32>], vector<16xf32>,
      %gather3A_498 = tpu.vector_load_idx %arg12[%add3A_493, %broadcast_in_dim3A_24] : memref<128x16xf32, #tpu.memory_space<vmem>>[vector<16xi32>, vector<16xi32>], vector<16xf32>,
      %gather3A_499 = tpu.vector_load_idx %arg12[%add3A_493, %broadcast_in_dim3A_26] : memref<128x16xf32, #tpu.memory_space<vmem>>[vector<16xi32>, vector<16xi32>], vector<16xf32>,
      %gather3A_500 = tpu.vector_load_idx %arg12[%add3A_493, %broadcast_in_dim3A_28] : memref<128x16xf32, #tpu.memory_space<vmem>>[vector<16xi32>, vector<16xi32>], vector<16xf32>,
      %gather3A_501 = tpu.vector_load_idx %arg12[%add3A_493, %broadcast_in_dim3A_30] : memref<128x16xf32, #tpu.memory_space<vmem>>[vector<16xi32>, vector<16xi32>], vector<16xf32>,
      %gather3A_502 = tpu.vector_load_idx %arg12[%add3A_493, %broadcast_in_dim3A_32] : memref<128x16xf32, #tpu.memory_space<vmem>>[vector<16xi32>, vector<16xi32>], vector<16xf32>,
      %gather3A_503 = tpu.vector_load_idx %arg13[%add3A_493, %broadcast_in_dim3A_22] : memref<128x16xf32, #tpu.memory_space<vmem>>[vector<16xi32>, vector<16xi32>], vector<16xf32>,
      %gather3A_504 = tpu.vector_load_idx %arg13[%add3A_493, %broadcast_in_dim3A_24] : memref<128x16xf32, #tpu.memory_space<vmem>>[vector<16xi32>, vector<16xi32>], vector<16xf32>,
      %gather3A_505 = tpu.vector_load_idx %arg13[%add3A_493, %broadcast_in_dim3A_26] : memref<128x16xf32, #tpu.memory_space<vmem>>[vector<16xi32>, vector<16xi32>], vector<16xf32>,
      %gather3A_506 = tpu.vector_load_idx %arg13[%add3A_493, %broadcast_in_dim3A_34] : memref<128x16xf32, #tpu.memory_space<vmem>>[vector<16xi32>, vector<16xi32>], vector<16xf32>,
      %gather3A_507 = tpu.vector_load_idx %arg13[%add3A_493, %broadcast_in_dim3A_36] : memref<128x16xf32, #tpu.memory_space<vmem>>[vector<16xi32>, vector<16xi32>], vector<16xf32>,
      %gather3A_508 = tpu.vector_load_idx %arg13[%add3A_493, %broadcast_in_dim3A_38] : memref<128x16xf32, #tpu.memory_space<vmem>>[vector<16xi32>, vector<16xi32>], vector<16xf32>,
      %mul3A_509 = arith.constant 16 : i32
      %mul3A_510 = arith.muli %mul3A_91, %mul3A_509 : i32
      %add3A_511 = arith.constant 4 : i32
      %add3A_512 = arith.addi %mul3A_510, %add3A_511 : i32
      %add3A_513 = vector.broadcast %add3A_512 : i32 to vector<16xi32>
      %add3A_514 = arith.addi %shift_right_arithmetic3A_61, %add3A_513 : vector<16xi32>
      %gather3A_515 = tpu.vector_load_idx %arg10[%mul3A_59, %add3A_514] : memref<24x640xf32, #tpu.memory_space<vmem>>[vector<16xi32>, vector<16xi32>], vector<16xf32>,
      %add3A_516 = arith.constant 1 : i32
      %add3A_517 = vector.broadcast %add3A_516 : i32 to vector<16xi32>
      %add3A_518 = arith.addi %mul3A_59, %add3A_517 : vector<16xi32>
      %gather3A_519 = tpu.vector_load_idx %arg10[%add3A_518, %add3A_514] : memref<24x640xf32, #tpu.memory_space<vmem>>[vector<16xi32>, vector<16xi32>], vector<16xf32>,
      %add3A_520 = arith.constant 2 : i32
      %add3A_521 = vector.broadcast %add3A_520 : i32 to vector<16xi32>
      %add3A_522 = arith.addi %mul3A_59, %add3A_521 : vector<16xi32>
      %gather3A_523 = tpu.vector_load_idx %arg10[%add3A_522, %add3A_514] : memref<24x640xf32, #tpu.memory_space<vmem>>[vector<16xi32>, vector<16xi32>], vector<16xf32>,
      %sub3A_524 = arith.subf %gather3A_497, %gather3A_503 : vector<16xf32>
      %sub3A_525 = arith.subf %gather3A_498, %gather3A_504 : vector<16xf32>
      %sub3A_526 = arith.subf %gather3A_499, %gather3A_505 : vector<16xf32>
      %mul3A_527 = arith.mulf %sub3A_524, %sub3A_524 : vector<16xf32>
      %mul3A_528 = arith.mulf %sub3A_525, %sub3A_525 : vector<16xf32>
      %add3A_529 = arith.addf %mul3A_527, %mul3A_528 : vector<16xf32>
      %mul3A_530 = arith.mulf %sub3A_526, %sub3A_526 : vector<16xf32>
      %add3A_531 = arith.addf %add3A_529, %mul3A_530 : vector<16xf32>
      %add3A_532 = arith.addf %gather3A_500, %gather3A_506 : vector<16xf32>
      %add3A_533 = arith.addf %add3A_532, %gather3A_515 : vector<16xf32>
      %get3A_534 = arith.constant 12 : i32
      %get3A_535 = arith.index_cast %get3A_534 : i32 to index
      %get3A_536 = arith.constant 0 : index
      %get3A_537 = tpu.vector_load %arg11[%get3A_535, %get3A_536] {strides = array<i32>} : memref<16x16xf32, #tpu.memory_space<vmem>>, vector<16xf32>,
      %mul3A_538 = arith.mulf %add3A_531, %get3A_537 : vector<16xf32>
      %add3A_539 = arith.addf %add3A_533, %mul3A_538 : vector<16xf32>
      %add3A_540 = arith.addf %gather3A_501, %gather3A_507 : vector<16xf32>
      %add3A_541 = arith.addf %add3A_540, %gather3A_519 : vector<16xf32>
      %get3A_542 = arith.constant 13 : i32
      %get3A_543 = arith.index_cast %get3A_542 : i32 to index
      %get3A_544 = arith.constant 0 : index
      %get3A_545 = tpu.vector_load %arg11[%get3A_543, %get3A_544] {strides = array<i32>} : memref<16x16xf32, #tpu.memory_space<vmem>>, vector<16xf32>,
      %mul3A_546 = arith.mulf %add3A_531, %get3A_545 : vector<16xf32>
      %add3A_547 = arith.addf %add3A_541, %mul3A_546 : vector<16xf32>
      %add3A_548 = arith.addf %gather3A_502, %gather3A_508 : vector<16xf32>
      %add3A_549 = arith.addf %add3A_548, %gather3A_523 : vector<16xf32>
      %get3A_550 = arith.constant 14 : i32
      %get3A_551 = arith.index_cast %get3A_550 : i32 to index
      %get3A_552 = arith.constant 0 : index
      %get3A_553 = tpu.vector_load %arg11[%get3A_551, %get3A_552] {strides = array<i32>} : memref<16x16xf32, #tpu.memory_space<vmem>>, vector<16xf32>,
      %mul3A_554 = arith.mulf %add3A_531, %get3A_553 : vector<16xf32>
      %add3A_555 = arith.addf %add3A_549, %mul3A_554 : vector<16xf32>
      %neg3A_556 = arith.constant 0.000000e+00 : f32
      %neg3A_557 = vector.broadcast %neg3A_556 : f32 to vector<16xf32>
      %neg3A_558 = arith.subf %neg3A_557, %add3A_539 : vector<16xf32>
      %exp3A_559 = math.exp %neg3A_558 : vector<16xf32>
      %add3A_560 = arith.constant 1.000000e+00 : f32
      %add3A_561 = vector.broadcast %add3A_560 : f32 to vector<16xf32>
      %add3A_562 = arith.addf %add3A_561, %exp3A_559 : vector<16xf32>
      %div3A_563 = arith.divf %add3A_539, %add3A_562 : vector<16xf32>
      %neg3A_564 = arith.constant 0.000000e+00 : f32
      %neg3A_565 = vector.broadcast %neg3A_564 : f32 to vector<16xf32>
      %neg3A_566 = arith.subf %neg3A_565, %add3A_547 : vector<16xf32>
      %exp3A_567 = math.exp %neg3A_566 : vector<16xf32>
      %add3A_568 = arith.constant 1.000000e+00 : f32
      %add3A_569 = vector.broadcast %add3A_568 : f32 to vector<16xf32>
      %add3A_570 = arith.addf %add3A_569, %exp3A_567 : vector<16xf32>
      %div3A_571 = arith.divf %add3A_547, %add3A_570 : vector<16xf32>
      %neg3A_572 = arith.constant 0.000000e+00 : f32
      %neg3A_573 = vector.broadcast %neg3A_572 : f32 to vector<16xf32>
      %neg3A_574 = arith.subf %neg3A_573, %add3A_555 : vector<16xf32>
      %exp3A_575 = math.exp %neg3A_574 : vector<16xf32>
      %add3A_576 = arith.constant 1.000000e+00 : f32
      %add3A_577 = vector.broadcast %add3A_576 : f32 to vector<16xf32>
      %add3A_578 = arith.addf %add3A_577, %exp3A_575 : vector<16xf32>
      %div3A_579 = arith.divf %add3A_555, %add3A_578 : vector<16xf32>
      %get3A_580 = arith.constant 0 : i32
      %get3A_581 = arith.index_cast %get3A_580 : i32 to index
      %get3A_582 = arith.constant 0 : index
      %get3A_583 = tpu.vector_load %arg11[%get3A_581, %get3A_582] {strides = array<i32>} : memref<16x16xf32, #tpu.memory_space<vmem>>, vector<16xf32>,
      %mul3A_584 = arith.mulf %div3A_563, %get3A_583 : vector<16xf32>
      %get3A_585 = arith.constant 3 : i32
      %get3A_586 = arith.index_cast %get3A_585 : i32 to index
      %get3A_587 = arith.constant 0 : index
      %get3A_588 = tpu.vector_load %arg11[%get3A_586, %get3A_587] {strides = array<i32>} : memref<16x16xf32, #tpu.memory_space<vmem>>, vector<16xf32>,
      %mul3A_589 = arith.mulf %div3A_571, %get3A_588 : vector<16xf32>
      %add3A_590 = arith.addf %mul3A_584, %mul3A_589 : vector<16xf32>
      %get3A_591 = arith.constant 6 : i32
      %get3A_592 = arith.index_cast %get3A_591 : i32 to index
      %get3A_593 = arith.constant 0 : index
      %get3A_594 = tpu.vector_load %arg11[%get3A_592, %get3A_593] {strides = array<i32>} : memref<16x16xf32, #tpu.memory_space<vmem>>, vector<16xf32>,
      %mul3A_595 = arith.mulf %div3A_579, %get3A_594 : vector<16xf32>
      %add3A_596 = arith.addf %add3A_590, %mul3A_595 : vector<16xf32>
      %get3A_597 = arith.constant 9 : i32
      %get3A_598 = arith.index_cast %get3A_597 : i32 to index
      %get3A_599 = arith.constant 0 : index
      %get3A_600 = tpu.vector_load %arg11[%get3A_598, %get3A_599] {strides = array<i32>} : memref<16x16xf32, #tpu.memory_space<vmem>>, vector<16xf32>,
      %add3A_601 = arith.addf %add3A_596, %get3A_600 : vector<16xf32>
      %get3A_602 = arith.constant 1 : i32
      %get3A_603 = arith.index_cast %get3A_602 : i32 to index
      %get3A_604 = arith.constant 0 : index
      %get3A_605 = tpu.vector_load %arg11[%get3A_603, %get3A_604] {strides = array<i32>} : memref<16x16xf32, #tpu.memory_space<vmem>>, vector<16xf32>,
      %mul3A_606 = arith.mulf %div3A_563, %get3A_605 : vector<16xf32>
      %get3A_607 = arith.constant 4 : i32
      %get3A_608 = arith.index_cast %get3A_607 : i32 to index
      %get3A_609 = arith.constant 0 : index
      %get3A_610 = tpu.vector_load %arg11[%get3A_608, %get3A_609] {strides = array<i32>} : memref<16x16xf32, #tpu.memory_space<vmem>>, vector<16xf32>,
      %mul3A_611 = arith.mulf %div3A_571, %get3A_610 : vector<16xf32>
      %add3A_612 = arith.addf %mul3A_606, %mul3A_611 : vector<16xf32>
      %get3A_613 = arith.constant 7 : i32
      %get3A_614 = arith.index_cast %get3A_613 : i32 to index
      %get3A_615 = arith.constant 0 : index
      %get3A_616 = tpu.vector_load %arg11[%get3A_614, %get3A_615] {strides = array<i32>} : memref<16x16xf32, #tpu.memory_space<vmem>>, vector<16xf32>,
      %mul3A_617 = arith.mulf %div3A_579, %get3A_616 : vector<16xf32>
      %add3A_618 = arith.addf %add3A_612, %mul3A_617 : vector<16xf32>
      %get3A_619 = arith.constant 10 : i32
      %get3A_620 = arith.index_cast %get3A_619 : i32 to index
      %get3A_621 = arith.constant 0 : index
      %get3A_622 = tpu.vector_load %arg11[%get3A_620, %get3A_621] {strides = array<i32>} : memref<16x16xf32, #tpu.memory_space<vmem>>, vector<16xf32>,
      %add3A_623 = arith.addf %add3A_618, %get3A_622 : vector<16xf32>
      %get3A_624 = arith.constant 2 : i32
      %get3A_625 = arith.index_cast %get3A_624 : i32 to index
      %get3A_626 = arith.constant 0 : index
      %get3A_627 = tpu.vector_load %arg11[%get3A_625, %get3A_626] {strides = array<i32>} : memref<16x16xf32, #tpu.memory_space<vmem>>, vector<16xf32>,
      %mul3A_628 = arith.mulf %div3A_563, %get3A_627 : vector<16xf32>
      %get3A_629 = arith.constant 5 : i32
      %get3A_630 = arith.index_cast %get3A_629 : i32 to index
      %get3A_631 = arith.constant 0 : index
      %get3A_632 = tpu.vector_load %arg11[%get3A_630, %get3A_631] {strides = array<i32>} : memref<16x16xf32, #tpu.memory_space<vmem>>, vector<16xf32>,
      %mul3A_633 = arith.mulf %div3A_571, %get3A_632 : vector<16xf32>
      %add3A_634 = arith.addf %mul3A_628, %mul3A_633 : vector<16xf32>
      %get3A_635 = arith.constant 8 : i32
      %get3A_636 = arith.index_cast %get3A_635 : i32 to index
      %get3A_637 = arith.constant 0 : index
      %get3A_638 = tpu.vector_load %arg11[%get3A_636, %get3A_637] {strides = array<i32>} : memref<16x16xf32, #tpu.memory_space<vmem>>, vector<16xf32>,
      %mul3A_639 = arith.mulf %div3A_579, %get3A_638 : vector<16xf32>
      %add3A_640 = arith.addf %add3A_634, %mul3A_639 : vector<16xf32>
      %get3A_641 = arith.constant 11 : i32
      %get3A_642 = arith.index_cast %get3A_641 : i32 to index
      %get3A_643 = arith.constant 0 : index
      %get3A_644 = tpu.vector_load %arg11[%get3A_642, %get3A_643] {strides = array<i32>} : memref<16x16xf32, #tpu.memory_space<vmem>>, vector<16xf32>,
      %add3A_645 = arith.addf %add3A_640, %get3A_644 : vector<16xf32>
      %neg3A_646 = arith.constant 0.000000e+00 : f32
      %neg3A_647 = vector.broadcast %neg3A_646 : f32 to vector<16xf32>
      %neg3A_648 = arith.subf %neg3A_647, %add3A_601 : vector<16xf32>
      %exp3A_649 = math.exp %neg3A_648 : vector<16xf32>
      %add3A_650 = arith.constant 1.000000e+00 : f32
      %add3A_651 = vector.broadcast %add3A_650 : f32 to vector<16xf32>
      %add3A_652 = arith.addf %add3A_651, %exp3A_649 : vector<16xf32>
      %div3A_653 = arith.divf %add3A_601, %add3A_652 : vector<16xf32>
      %neg3A_654 = arith.constant 0.000000e+00 : f32
      %neg3A_655 = vector.broadcast %neg3A_654 : f32 to vector<16xf32>
      %neg3A_656 = arith.subf %neg3A_655, %add3A_623 : vector<16xf32>
      %exp3A_657 = math.exp %neg3A_656 : vector<16xf32>
      %add3A_658 = arith.constant 1.000000e+00 : f32
      %add3A_659 = vector.broadcast %add3A_658 : f32 to vector<16xf32>
      %add3A_660 = arith.addf %add3A_659, %exp3A_657 : vector<16xf32>
      %div3A_661 = arith.divf %add3A_623, %add3A_660 : vector<16xf32>
      %neg3A_662 = arith.constant 0.000000e+00 : f32
      %neg3A_663 = vector.broadcast %neg3A_662 : f32 to vector<16xf32>
      %neg3A_664 = arith.subf %neg3A_663, %add3A_645 : vector<16xf32>
      %exp3A_665 = math.exp %neg3A_664 : vector<16xf32>
      %add3A_666 = arith.constant 1.000000e+00 : f32
      %add3A_667 = vector.broadcast %add3A_666 : f32 to vector<16xf32>
      %add3A_668 = arith.addf %add3A_667, %exp3A_665 : vector<16xf32>
      %div3A_669 = arith.divf %add3A_645, %add3A_668 : vector<16xf32>
      %mul3A_670 = arith.constant 128 : i32
      %mul3A_671 = arith.muli %mul3A_91, %mul3A_670 : i32
      %add3A_672 = arith.addi %mul3A_54, %mul3A_671 : i32
      %add3A_673 = vector.broadcast %add3A_672 : i32 to vector<16xi32>
      %add3A_674 = arith.addi %add3A_493, %add3A_673 : vector<16xi32>
      %lt3A_675 = arith.constant 160000 : i32
      %lt3A_676 = vector.broadcast %lt3A_675 : i32 to vector<16xi32>
      %lt3A_677 = arith.cmpi slt, %add3A_674, %lt3A_676 : vector<16xi32>
      tpu.vector_store_idx %arg16[%get3A_496], %div3A_653 masked %lt3A_677 {add = true} : memref<10000xf32, #tpu.memory_space<vmem>>[vector<16xi32>], vector<16xf32>, vector<16xi1>
      tpu.vector_store_idx %arg17[%get3A_496], %div3A_661 masked %lt3A_677 {add = true} : memref<10000xf32, #tpu.memory_space<vmem>>[vector<16xi32>], vector<16xf32>, vector<16xi1>
      tpu.vector_store_idx %arg18[%get3A_496], %div3A_669 masked %lt3A_677 {add = true} : memref<10000xf32, #tpu.memory_space<vmem>>[vector<16xi32>], vector<16xf32>, vector<16xi1>
      %mul3A_678 = arith.mulf %div3A_653, %sub3A_524 : vector<16xf32>
      tpu.vector_store_idx %arg19[%get3A_496], %mul3A_678 masked %lt3A_677 {add = true} : memref<10000xf32, #tpu.memory_space<vmem>>[vector<16xi32>], vector<16xf32>, vector<16xi1>
      %mul3A_679 = arith.mulf %div3A_661, %sub3A_525 : vector<16xf32>
      tpu.vector_store_idx %arg20[%get3A_496], %mul3A_679 masked %lt3A_677 {add = true} : memref<10000xf32, #tpu.memory_space<vmem>>[vector<16xi32>], vector<16xf32>, vector<16xi1>
      %mul3A_680 = arith.mulf %div3A_669, %sub3A_526 : vector<16xf32>
      tpu.vector_store_idx %arg21[%get3A_496], %mul3A_680 masked %lt3A_677 {add = true} : memref<10000xf32, #tpu.memory_space<vmem>>[vector<16xi32>], vector<16xf32>, vector<16xi1>
      %add3A_681 = arith.constant 48 : i32
      %add3A_682 = vector.broadcast %add3A_681 : i32 to vector<16xi32>
      %add3A_683 = arith.addi %iota3A, %add3A_682 : vector<16xi32>
      %get3A_684 = arith.index_cast %mul3A_91 : i32 to index
      %get3A_685 = arith.constant 48 : index
      %get3A_686 = tpu.vector_load %arg8[%get3A_684, %get3A_685] {strides = array<i32>} : memref<40x128xi32, #tpu.memory_space<vmem>>, vector<16xi32>,
      %gather3A_687 = tpu.vector_load_idx %arg12[%add3A_683, %broadcast_in_dim3A_22] : memref<128x16xf32, #tpu.memory_space<vmem>>[vector<16xi32>, vector<16xi32>], vector<16xf32>,
      %gather3A_688 = tpu.vector_load_idx %arg12[%add3A_683, %broadcast_in_dim3A_24] : memref<128x16xf32, #tpu.memory_space<vmem>>[vector<16xi32>, vector<16xi32>], vector<16xf32>,
      %gather3A_689 = tpu.vector_load_idx %arg12[%add3A_683, %broadcast_in_dim3A_26] : memref<128x16xf32, #tpu.memory_space<vmem>>[vector<16xi32>, vector<16xi32>], vector<16xf32>,
      %gather3A_690 = tpu.vector_load_idx %arg12[%add3A_683, %broadcast_in_dim3A_28] : memref<128x16xf32, #tpu.memory_space<vmem>>[vector<16xi32>, vector<16xi32>], vector<16xf32>,
      %gather3A_691 = tpu.vector_load_idx %arg12[%add3A_683, %broadcast_in_dim3A_30] : memref<128x16xf32, #tpu.memory_space<vmem>>[vector<16xi32>, vector<16xi32>], vector<16xf32>,
      %gather3A_692 = tpu.vector_load_idx %arg12[%add3A_683, %broadcast_in_dim3A_32] : memref<128x16xf32, #tpu.memory_space<vmem>>[vector<16xi32>, vector<16xi32>], vector<16xf32>,
      %gather3A_693 = tpu.vector_load_idx %arg13[%add3A_683, %broadcast_in_dim3A_22] : memref<128x16xf32, #tpu.memory_space<vmem>>[vector<16xi32>, vector<16xi32>], vector<16xf32>,
      %gather3A_694 = tpu.vector_load_idx %arg13[%add3A_683, %broadcast_in_dim3A_24] : memref<128x16xf32, #tpu.memory_space<vmem>>[vector<16xi32>, vector<16xi32>], vector<16xf32>,
      %gather3A_695 = tpu.vector_load_idx %arg13[%add3A_683, %broadcast_in_dim3A_26] : memref<128x16xf32, #tpu.memory_space<vmem>>[vector<16xi32>, vector<16xi32>], vector<16xf32>,
      %gather3A_696 = tpu.vector_load_idx %arg13[%add3A_683, %broadcast_in_dim3A_34] : memref<128x16xf32, #tpu.memory_space<vmem>>[vector<16xi32>, vector<16xi32>], vector<16xf32>,
      %gather3A_697 = tpu.vector_load_idx %arg13[%add3A_683, %broadcast_in_dim3A_36] : memref<128x16xf32, #tpu.memory_space<vmem>>[vector<16xi32>, vector<16xi32>], vector<16xf32>,
      %gather3A_698 = tpu.vector_load_idx %arg13[%add3A_683, %broadcast_in_dim3A_38] : memref<128x16xf32, #tpu.memory_space<vmem>>[vector<16xi32>, vector<16xi32>], vector<16xf32>,
      %mul3A_699 = arith.constant 16 : i32
      %mul3A_700 = arith.muli %mul3A_91, %mul3A_699 : i32
      %add3A_701 = arith.constant 6 : i32
      %add3A_702 = arith.addi %mul3A_700, %add3A_701 : i32
      %add3A_703 = vector.broadcast %add3A_702 : i32 to vector<16xi32>
      %add3A_704 = arith.addi %shift_right_arithmetic3A_61, %add3A_703 : vector<16xi32>
      %gather3A_705 = tpu.vector_load_idx %arg10[%mul3A_59, %add3A_704] : memref<24x640xf32, #tpu.memory_space<vmem>>[vector<16xi32>, vector<16xi32>], vector<16xf32>,
      %add3A_706 = arith.constant 1 : i32
      %add3A_707 = vector.broadcast %add3A_706 : i32 to vector<16xi32>
      %add3A_708 = arith.addi %mul3A_59, %add3A_707 : vector<16xi32>
      %gather3A_709 = tpu.vector_load_idx %arg10[%add3A_708, %add3A_704] : memref<24x640xf32, #tpu.memory_space<vmem>>[vector<16xi32>, vector<16xi32>], vector<16xf32>,
      %add3A_710 = arith.constant 2 : i32
      %add3A_711 = vector.broadcast %add3A_710 : i32 to vector<16xi32>
      %add3A_712 = arith.addi %mul3A_59, %add3A_711 : vector<16xi32>
      %gather3A_713 = tpu.vector_load_idx %arg10[%add3A_712, %add3A_704] : memref<24x640xf32, #tpu.memory_space<vmem>>[vector<16xi32>, vector<16xi32>], vector<16xf32>,
      %sub3A_714 = arith.subf %gather3A_687, %gather3A_693 : vector<16xf32>
      %sub3A_715 = arith.subf %gather3A_688, %gather3A_694 : vector<16xf32>
      %sub3A_716 = arith.subf %gather3A_689, %gather3A_695 : vector<16xf32>
      %mul3A_717 = arith.mulf %sub3A_714, %sub3A_714 : vector<16xf32>
      %mul3A_718 = arith.mulf %sub3A_715, %sub3A_715 : vector<16xf32>
      %add3A_719 = arith.addf %mul3A_717, %mul3A_718 : vector<16xf32>
      %mul3A_720 = arith.mulf %sub3A_716, %sub3A_716 : vector<16xf32>
      %add3A_721 = arith.addf %add3A_719, %mul3A_720 : vector<16xf32>
      %add3A_722 = arith.addf %gather3A_690, %gather3A_696 : vector<16xf32>
      %add3A_723 = arith.addf %add3A_722, %gather3A_705 : vector<16xf32>
      %get3A_724 = arith.constant 12 : i32
      %get3A_725 = arith.index_cast %get3A_724 : i32 to index
      %get3A_726 = arith.constant 0 : index
      %get3A_727 = tpu.vector_load %arg11[%get3A_725, %get3A_726] {strides = array<i32>} : memref<16x16xf32, #tpu.memory_space<vmem>>, vector<16xf32>,
      %mul3A_728 = arith.mulf %add3A_721, %get3A_727 : vector<16xf32>
      %add3A_729 = arith.addf %add3A_723, %mul3A_728 : vector<16xf32>
      %add3A_730 = arith.addf %gather3A_691, %gather3A_697 : vector<16xf32>
      %add3A_731 = arith.addf %add3A_730, %gather3A_709 : vector<16xf32>
      %get3A_732 = arith.constant 13 : i32
      %get3A_733 = arith.index_cast %get3A_732 : i32 to index
      %get3A_734 = arith.constant 0 : index
      %get3A_735 = tpu.vector_load %arg11[%get3A_733, %get3A_734] {strides = array<i32>} : memref<16x16xf32, #tpu.memory_space<vmem>>, vector<16xf32>,
      %mul3A_736 = arith.mulf %add3A_721, %get3A_735 : vector<16xf32>
      %add3A_737 = arith.addf %add3A_731, %mul3A_736 : vector<16xf32>
      %add3A_738 = arith.addf %gather3A_692, %gather3A_698 : vector<16xf32>
      %add3A_739 = arith.addf %add3A_738, %gather3A_713 : vector<16xf32>
      %get3A_740 = arith.constant 14 : i32
      %get3A_741 = arith.index_cast %get3A_740 : i32 to index
      %get3A_742 = arith.constant 0 : index
      %get3A_743 = tpu.vector_load %arg11[%get3A_741, %get3A_742] {strides = array<i32>} : memref<16x16xf32, #tpu.memory_space<vmem>>, vector<16xf32>,
      %mul3A_744 = arith.mulf %add3A_721, %get3A_743 : vector<16xf32>
      %add3A_745 = arith.addf %add3A_739, %mul3A_744 : vector<16xf32>
      %neg3A_746 = arith.constant 0.000000e+00 : f32
      %neg3A_747 = vector.broadcast %neg3A_746 : f32 to vector<16xf32>
      %neg3A_748 = arith.subf %neg3A_747, %add3A_729 : vector<16xf32>
      %exp3A_749 = math.exp %neg3A_748 : vector<16xf32>
      %add3A_750 = arith.constant 1.000000e+00 : f32
      %add3A_751 = vector.broadcast %add3A_750 : f32 to vector<16xf32>
      %add3A_752 = arith.addf %add3A_751, %exp3A_749 : vector<16xf32>
      %div3A_753 = arith.divf %add3A_729, %add3A_752 : vector<16xf32>
      %neg3A_754 = arith.constant 0.000000e+00 : f32
      %neg3A_755 = vector.broadcast %neg3A_754 : f32 to vector<16xf32>
      %neg3A_756 = arith.subf %neg3A_755, %add3A_737 : vector<16xf32>
      %exp3A_757 = math.exp %neg3A_756 : vector<16xf32>
      %add3A_758 = arith.constant 1.000000e+00 : f32
      %add3A_759 = vector.broadcast %add3A_758 : f32 to vector<16xf32>
      %add3A_760 = arith.addf %add3A_759, %exp3A_757 : vector<16xf32>
      %div3A_761 = arith.divf %add3A_737, %add3A_760 : vector<16xf32>
      %neg3A_762 = arith.constant 0.000000e+00 : f32
      %neg3A_763 = vector.broadcast %neg3A_762 : f32 to vector<16xf32>
      %neg3A_764 = arith.subf %neg3A_763, %add3A_745 : vector<16xf32>
      %exp3A_765 = math.exp %neg3A_764 : vector<16xf32>
      %add3A_766 = arith.constant 1.000000e+00 : f32
      %add3A_767 = vector.broadcast %add3A_766 : f32 to vector<16xf32>
      %add3A_768 = arith.addf %add3A_767, %exp3A_765 : vector<16xf32>
      %div3A_769 = arith.divf %add3A_745, %add3A_768 : vector<16xf32>
      %get3A_770 = arith.constant 0 : i32
      %get3A_771 = arith.index_cast %get3A_770 : i32 to index
      %get3A_772 = arith.constant 0 : index
      %get3A_773 = tpu.vector_load %arg11[%get3A_771, %get3A_772] {strides = array<i32>} : memref<16x16xf32, #tpu.memory_space<vmem>>, vector<16xf32>,
      %mul3A_774 = arith.mulf %div3A_753, %get3A_773 : vector<16xf32>
      %get3A_775 = arith.constant 3 : i32
      %get3A_776 = arith.index_cast %get3A_775 : i32 to index
      %get3A_777 = arith.constant 0 : index
      %get3A_778 = tpu.vector_load %arg11[%get3A_776, %get3A_777] {strides = array<i32>} : memref<16x16xf32, #tpu.memory_space<vmem>>, vector<16xf32>,
      %mul3A_779 = arith.mulf %div3A_761, %get3A_778 : vector<16xf32>
      %add3A_780 = arith.addf %mul3A_774, %mul3A_779 : vector<16xf32>
      %get3A_781 = arith.constant 6 : i32
      %get3A_782 = arith.index_cast %get3A_781 : i32 to index
      %get3A_783 = arith.constant 0 : index
      %get3A_784 = tpu.vector_load %arg11[%get3A_782, %get3A_783] {strides = array<i32>} : memref<16x16xf32, #tpu.memory_space<vmem>>, vector<16xf32>,
      %mul3A_785 = arith.mulf %div3A_769, %get3A_784 : vector<16xf32>
      %add3A_786 = arith.addf %add3A_780, %mul3A_785 : vector<16xf32>
      %get3A_787 = arith.constant 9 : i32
      %get3A_788 = arith.index_cast %get3A_787 : i32 to index
      %get3A_789 = arith.constant 0 : index
      %get3A_790 = tpu.vector_load %arg11[%get3A_788, %get3A_789] {strides = array<i32>} : memref<16x16xf32, #tpu.memory_space<vmem>>, vector<16xf32>,
      %add3A_791 = arith.addf %add3A_786, %get3A_790 : vector<16xf32>
      %get3A_792 = arith.constant 1 : i32
      %get3A_793 = arith.index_cast %get3A_792 : i32 to index
      %get3A_794 = arith.constant 0 : index
      %get3A_795 = tpu.vector_load %arg11[%get3A_793, %get3A_794] {strides = array<i32>} : memref<16x16xf32, #tpu.memory_space<vmem>>, vector<16xf32>,
      %mul3A_796 = arith.mulf %div3A_753, %get3A_795 : vector<16xf32>
      %get3A_797 = arith.constant 4 : i32
      %get3A_798 = arith.index_cast %get3A_797 : i32 to index
      %get3A_799 = arith.constant 0 : index
      %get3A_800 = tpu.vector_load %arg11[%get3A_798, %get3A_799] {strides = array<i32>} : memref<16x16xf32, #tpu.memory_space<vmem>>, vector<16xf32>,
      %mul3A_801 = arith.mulf %div3A_761, %get3A_800 : vector<16xf32>
      %add3A_802 = arith.addf %mul3A_796, %mul3A_801 : vector<16xf32>
      %get3A_803 = arith.constant 7 : i32
      %get3A_804 = arith.index_cast %get3A_803 : i32 to index
      %get3A_805 = arith.constant 0 : index
      %get3A_806 = tpu.vector_load %arg11[%get3A_804, %get3A_805] {strides = array<i32>} : memref<16x16xf32, #tpu.memory_space<vmem>>, vector<16xf32>,
      %mul3A_807 = arith.mulf %div3A_769, %get3A_806 : vector<16xf32>
      %add3A_808 = arith.addf %add3A_802, %mul3A_807 : vector<16xf32>
      %get3A_809 = arith.constant 10 : i32
      %get3A_810 = arith.index_cast %get3A_809 : i32 to index
      %get3A_811 = arith.constant 0 : index
      %get3A_812 = tpu.vector_load %arg11[%get3A_810, %get3A_811] {strides = array<i32>} : memref<16x16xf32, #tpu.memory_space<vmem>>, vector<16xf32>,
      %add3A_813 = arith.addf %add3A_808, %get3A_812 : vector<16xf32>
      %get3A_814 = arith.constant 2 : i32
      %get3A_815 = arith.index_cast %get3A_814 : i32 to index
      %get3A_816 = arith.constant 0 : index
      %get3A_817 = tpu.vector_load %arg11[%get3A_815, %get3A_816] {strides = array<i32>} : memref<16x16xf32, #tpu.memory_space<vmem>>, vector<16xf32>,
      %mul3A_818 = arith.mulf %div3A_753, %get3A_817 : vector<16xf32>
      %get3A_819 = arith.constant 5 : i32
      %get3A_820 = arith.index_cast %get3A_819 : i32 to index
      %get3A_821 = arith.constant 0 : index
      %get3A_822 = tpu.vector_load %arg11[%get3A_820, %get3A_821] {strides = array<i32>} : memref<16x16xf32, #tpu.memory_space<vmem>>, vector<16xf32>,
      %mul3A_823 = arith.mulf %div3A_761, %get3A_822 : vector<16xf32>
      %add3A_824 = arith.addf %mul3A_818, %mul3A_823 : vector<16xf32>
      %get3A_825 = arith.constant 8 : i32
      %get3A_826 = arith.index_cast %get3A_825 : i32 to index
      %get3A_827 = arith.constant 0 : index
      %get3A_828 = tpu.vector_load %arg11[%get3A_826, %get3A_827] {strides = array<i32>} : memref<16x16xf32, #tpu.memory_space<vmem>>, vector<16xf32>,
      %mul3A_829 = arith.mulf %div3A_769, %get3A_828 : vector<16xf32>
      %add3A_830 = arith.addf %add3A_824, %mul3A_829 : vector<16xf32>
      %get3A_831 = arith.constant 11 : i32
      %get3A_832 = arith.index_cast %get3A_831 : i32 to index
      %get3A_833 = arith.constant 0 : index
      %get3A_834 = tpu.vector_load %arg11[%get3A_832, %get3A_833] {strides = array<i32>} : memref<16x16xf32, #tpu.memory_space<vmem>>, vector<16xf32>,
      %add3A_835 = arith.addf %add3A_830, %get3A_834 : vector<16xf32>
      %neg3A_836 = arith.constant 0.000000e+00 : f32
      %neg3A_837 = vector.broadcast %neg3A_836 : f32 to vector<16xf32>
      %neg3A_838 = arith.subf %neg3A_837, %add3A_791 : vector<16xf32>
      %exp3A_839 = math.exp %neg3A_838 : vector<16xf32>
      %add3A_840 = arith.constant 1.000000e+00 : f32
      %add3A_841 = vector.broadcast %add3A_840 : f32 to vector<16xf32>
      %add3A_842 = arith.addf %add3A_841, %exp3A_839 : vector<16xf32>
      %div3A_843 = arith.divf %add3A_791, %add3A_842 : vector<16xf32>
      %neg3A_844 = arith.constant 0.000000e+00 : f32
      %neg3A_845 = vector.broadcast %neg3A_844 : f32 to vector<16xf32>
      %neg3A_846 = arith.subf %neg3A_845, %add3A_813 : vector<16xf32>
      %exp3A_847 = math.exp %neg3A_846 : vector<16xf32>
      %add3A_848 = arith.constant 1.000000e+00 : f32
      %add3A_849 = vector.broadcast %add3A_848 : f32 to vector<16xf32>
      %add3A_850 = arith.addf %add3A_849, %exp3A_847 : vector<16xf32>
      %div3A_851 = arith.divf %add3A_813, %add3A_850 : vector<16xf32>
      %neg3A_852 = arith.constant 0.000000e+00 : f32
      %neg3A_853 = vector.broadcast %neg3A_852 : f32 to vector<16xf32>
      %neg3A_854 = arith.subf %neg3A_853, %add3A_835 : vector<16xf32>
      %exp3A_855 = math.exp %neg3A_854 : vector<16xf32>
      %add3A_856 = arith.constant 1.000000e+00 : f32
      %add3A_857 = vector.broadcast %add3A_856 : f32 to vector<16xf32>
      %add3A_858 = arith.addf %add3A_857, %exp3A_855 : vector<16xf32>
      %div3A_859 = arith.divf %add3A_835, %add3A_858 : vector<16xf32>
      %mul3A_860 = arith.constant 128 : i32
      %mul3A_861 = arith.muli %mul3A_91, %mul3A_860 : i32
      %add3A_862 = arith.addi %mul3A_54, %mul3A_861 : i32
      %add3A_863 = vector.broadcast %add3A_862 : i32 to vector<16xi32>
      %add3A_864 = arith.addi %add3A_683, %add3A_863 : vector<16xi32>
      %lt3A_865 = arith.constant 160000 : i32
      %lt3A_866 = vector.broadcast %lt3A_865 : i32 to vector<16xi32>
      %lt3A_867 = arith.cmpi slt, %add3A_864, %lt3A_866 : vector<16xi32>
      tpu.vector_store_idx %arg16[%get3A_686], %div3A_843 masked %lt3A_867 {add = true} : memref<10000xf32, #tpu.memory_space<vmem>>[vector<16xi32>], vector<16xf32>, vector<16xi1>
      tpu.vector_store_idx %arg17[%get3A_686], %div3A_851 masked %lt3A_867 {add = true} : memref<10000xf32, #tpu.memory_space<vmem>>[vector<16xi32>], vector<16xf32>, vector<16xi1>
      tpu.vector_store_idx %arg18[%get3A_686], %div3A_859 masked %lt3A_867 {add = true} : memref<10000xf32, #tpu.memory_space<vmem>>[vector<16xi32>], vector<16xf32>, vector<16xi1>
      %mul3A_868 = arith.mulf %div3A_843, %sub3A_714 : vector<16xf32>
      tpu.vector_store_idx %arg19[%get3A_686], %mul3A_868 masked %lt3A_867 {add = true} : memref<10000xf32, #tpu.memory_space<vmem>>[vector<16xi32>], vector<16xf32>, vector<16xi1>
      %mul3A_869 = arith.mulf %div3A_851, %sub3A_715 : vector<16xf32>
      tpu.vector_store_idx %arg20[%get3A_686], %mul3A_869 masked %lt3A_867 {add = true} : memref<10000xf32, #tpu.memory_space<vmem>>[vector<16xi32>], vector<16xf32>, vector<16xi1>
      %mul3A_870 = arith.mulf %div3A_859, %sub3A_716 : vector<16xf32>
      tpu.vector_store_idx %arg21[%get3A_686], %mul3A_870 masked %lt3A_867 {add = true} : memref<10000xf32, #tpu.memory_space<vmem>>[vector<16xi32>], vector<16xf32>, vector<16xi1>
      %add3A_871 = arith.constant 64 : i32
      %add3A_872 = vector.broadcast %add3A_871 : i32 to vector<16xi32>
      %add3A_873 = arith.addi %iota3A, %add3A_872 : vector<16xi32>
      %get3A_874 = arith.index_cast %mul3A_91 : i32 to index
      %get3A_875 = arith.constant 64 : index
      %get3A_876 = tpu.vector_load %arg8[%get3A_874, %get3A_875] {strides = array<i32>} : memref<40x128xi32, #tpu.memory_space<vmem>>, vector<16xi32>,
      %gather3A_877 = tpu.vector_load_idx %arg12[%add3A_873, %broadcast_in_dim3A_22] : memref<128x16xf32, #tpu.memory_space<vmem>>[vector<16xi32>, vector<16xi32>], vector<16xf32>,
      %gather3A_878 = tpu.vector_load_idx %arg12[%add3A_873, %broadcast_in_dim3A_24] : memref<128x16xf32, #tpu.memory_space<vmem>>[vector<16xi32>, vector<16xi32>], vector<16xf32>,
      %gather3A_879 = tpu.vector_load_idx %arg12[%add3A_873, %broadcast_in_dim3A_26] : memref<128x16xf32, #tpu.memory_space<vmem>>[vector<16xi32>, vector<16xi32>], vector<16xf32>,
      %gather3A_880 = tpu.vector_load_idx %arg12[%add3A_873, %broadcast_in_dim3A_28] : memref<128x16xf32, #tpu.memory_space<vmem>>[vector<16xi32>, vector<16xi32>], vector<16xf32>,
      %gather3A_881 = tpu.vector_load_idx %arg12[%add3A_873, %broadcast_in_dim3A_30] : memref<128x16xf32, #tpu.memory_space<vmem>>[vector<16xi32>, vector<16xi32>], vector<16xf32>,
      %gather3A_882 = tpu.vector_load_idx %arg12[%add3A_873, %broadcast_in_dim3A_32] : memref<128x16xf32, #tpu.memory_space<vmem>>[vector<16xi32>, vector<16xi32>], vector<16xf32>,
      %gather3A_883 = tpu.vector_load_idx %arg13[%add3A_873, %broadcast_in_dim3A_22] : memref<128x16xf32, #tpu.memory_space<vmem>>[vector<16xi32>, vector<16xi32>], vector<16xf32>,
      %gather3A_884 = tpu.vector_load_idx %arg13[%add3A_873, %broadcast_in_dim3A_24] : memref<128x16xf32, #tpu.memory_space<vmem>>[vector<16xi32>, vector<16xi32>], vector<16xf32>,
      %gather3A_885 = tpu.vector_load_idx %arg13[%add3A_873, %broadcast_in_dim3A_26] : memref<128x16xf32, #tpu.memory_space<vmem>>[vector<16xi32>, vector<16xi32>], vector<16xf32>,
      %gather3A_886 = tpu.vector_load_idx %arg13[%add3A_873, %broadcast_in_dim3A_34] : memref<128x16xf32, #tpu.memory_space<vmem>>[vector<16xi32>, vector<16xi32>], vector<16xf32>,
      %gather3A_887 = tpu.vector_load_idx %arg13[%add3A_873, %broadcast_in_dim3A_36] : memref<128x16xf32, #tpu.memory_space<vmem>>[vector<16xi32>, vector<16xi32>], vector<16xf32>,
      %gather3A_888 = tpu.vector_load_idx %arg13[%add3A_873, %broadcast_in_dim3A_38] : memref<128x16xf32, #tpu.memory_space<vmem>>[vector<16xi32>, vector<16xi32>], vector<16xf32>,
      %mul3A_889 = arith.constant 16 : i32
      %mul3A_890 = arith.muli %mul3A_91, %mul3A_889 : i32
      %add3A_891 = arith.constant 8 : i32
      %add3A_892 = arith.addi %mul3A_890, %add3A_891 : i32
      %add3A_893 = vector.broadcast %add3A_892 : i32 to vector<16xi32>
      %add3A_894 = arith.addi %shift_right_arithmetic3A_61, %add3A_893 : vector<16xi32>
      %gather3A_895 = tpu.vector_load_idx %arg10[%mul3A_59, %add3A_894] : memref<24x640xf32, #tpu.memory_space<vmem>>[vector<16xi32>, vector<16xi32>], vector<16xf32>,
      %add3A_896 = arith.constant 1 : i32
      %add3A_897 = vector.broadcast %add3A_896 : i32 to vector<16xi32>
      %add3A_898 = arith.addi %mul3A_59, %add3A_897 : vector<16xi32>
      %gather3A_899 = tpu.vector_load_idx %arg10[%add3A_898, %add3A_894] : memref<24x640xf32, #tpu.memory_space<vmem>>[vector<16xi32>, vector<16xi32>], vector<16xf32>,
      %add3A_900 = arith.constant 2 : i32
      %add3A_901 = vector.broadcast %add3A_900 : i32 to vector<16xi32>
      %add3A_902 = arith.addi %mul3A_59, %add3A_901 : vector<16xi32>
      %gather3A_903 = tpu.vector_load_idx %arg10[%add3A_902, %add3A_894] : memref<24x640xf32, #tpu.memory_space<vmem>>[vector<16xi32>, vector<16xi32>], vector<16xf32>,
      %sub3A_904 = arith.subf %gather3A_877, %gather3A_883 : vector<16xf32>
      %sub3A_905 = arith.subf %gather3A_878, %gather3A_884 : vector<16xf32>
      %sub3A_906 = arith.subf %gather3A_879, %gather3A_885 : vector<16xf32>
      %mul3A_907 = arith.mulf %sub3A_904, %sub3A_904 : vector<16xf32>
      %mul3A_908 = arith.mulf %sub3A_905, %sub3A_905 : vector<16xf32>
      %add3A_909 = arith.addf %mul3A_907, %mul3A_908 : vector<16xf32>
      %mul3A_910 = arith.mulf %sub3A_906, %sub3A_906 : vector<16xf32>
      %add3A_911 = arith.addf %add3A_909, %mul3A_910 : vector<16xf32>
      %add3A_912 = arith.addf %gather3A_880, %gather3A_886 : vector<16xf32>
      %add3A_913 = arith.addf %add3A_912, %gather3A_895 : vector<16xf32>
      %get3A_914 = arith.constant 12 : i32
      %get3A_915 = arith.index_cast %get3A_914 : i32 to index
      %get3A_916 = arith.constant 0 : index
      %get3A_917 = tpu.vector_load %arg11[%get3A_915, %get3A_916] {strides = array<i32>} : memref<16x16xf32, #tpu.memory_space<vmem>>, vector<16xf32>,
      %mul3A_918 = arith.mulf %add3A_911, %get3A_917 : vector<16xf32>
      %add3A_919 = arith.addf %add3A_913, %mul3A_918 : vector<16xf32>
      %add3A_920 = arith.addf %gather3A_881, %gather3A_887 : vector<16xf32>
      %add3A_921 = arith.addf %add3A_920, %gather3A_899 : vector<16xf32>
      %get3A_922 = arith.constant 13 : i32
      %get3A_923 = arith.index_cast %get3A_922 : i32 to index
      %get3A_924 = arith.constant 0 : index
      %get3A_925 = tpu.vector_load %arg11[%get3A_923, %get3A_924] {strides = array<i32>} : memref<16x16xf32, #tpu.memory_space<vmem>>, vector<16xf32>,
      %mul3A_926 = arith.mulf %add3A_911, %get3A_925 : vector<16xf32>
      %add3A_927 = arith.addf %add3A_921, %mul3A_926 : vector<16xf32>
      %add3A_928 = arith.addf %gather3A_882, %gather3A_888 : vector<16xf32>
      %add3A_929 = arith.addf %add3A_928, %gather3A_903 : vector<16xf32>
      %get3A_930 = arith.constant 14 : i32
      %get3A_931 = arith.index_cast %get3A_930 : i32 to index
      %get3A_932 = arith.constant 0 : index
      %get3A_933 = tpu.vector_load %arg11[%get3A_931, %get3A_932] {strides = array<i32>} : memref<16x16xf32, #tpu.memory_space<vmem>>, vector<16xf32>,
      %mul3A_934 = arith.mulf %add3A_911, %get3A_933 : vector<16xf32>
      %add3A_935 = arith.addf %add3A_929, %mul3A_934 : vector<16xf32>
      %neg3A_936 = arith.constant 0.000000e+00 : f32
      %neg3A_937 = vector.broadcast %neg3A_936 : f32 to vector<16xf32>
      %neg3A_938 = arith.subf %neg3A_937, %add3A_919 : vector<16xf32>
      %exp3A_939 = math.exp %neg3A_938 : vector<16xf32>
      %add3A_940 = arith.constant 1.000000e+00 : f32
      %add3A_941 = vector.broadcast %add3A_940 : f32 to vector<16xf32>
      %add3A_942 = arith.addf %add3A_941, %exp3A_939 : vector<16xf32>
      %div3A_943 = arith.divf %add3A_919, %add3A_942 : vector<16xf32>
      %neg3A_944 = arith.constant 0.000000e+00 : f32
      %neg3A_945 = vector.broadcast %neg3A_944 : f32 to vector<16xf32>
      %neg3A_946 = arith.subf %neg3A_945, %add3A_927 : vector<16xf32>
      %exp3A_947 = math.exp %neg3A_946 : vector<16xf32>
      %add3A_948 = arith.constant 1.000000e+00 : f32
      %add3A_949 = vector.broadcast %add3A_948 : f32 to vector<16xf32>
      %add3A_950 = arith.addf %add3A_949, %exp3A_947 : vector<16xf32>
      %div3A_951 = arith.divf %add3A_927, %add3A_950 : vector<16xf32>
      %neg3A_952 = arith.constant 0.000000e+00 : f32
      %neg3A_953 = vector.broadcast %neg3A_952 : f32 to vector<16xf32>
      %neg3A_954 = arith.subf %neg3A_953, %add3A_935 : vector<16xf32>
      %exp3A_955 = math.exp %neg3A_954 : vector<16xf32>
      %add3A_956 = arith.constant 1.000000e+00 : f32
      %add3A_957 = vector.broadcast %add3A_956 : f32 to vector<16xf32>
      %add3A_958 = arith.addf %add3A_957, %exp3A_955 : vector<16xf32>
      %div3A_959 = arith.divf %add3A_935, %add3A_958 : vector<16xf32>
      %get3A_960 = arith.constant 0 : i32
      %get3A_961 = arith.index_cast %get3A_960 : i32 to index
      %get3A_962 = arith.constant 0 : index
      %get3A_963 = tpu.vector_load %arg11[%get3A_961, %get3A_962] {strides = array<i32>} : memref<16x16xf32, #tpu.memory_space<vmem>>, vector<16xf32>,
      %mul3A_964 = arith.mulf %div3A_943, %get3A_963 : vector<16xf32>
      %get3A_965 = arith.constant 3 : i32
      %get3A_966 = arith.index_cast %get3A_965 : i32 to index
      %get3A_967 = arith.constant 0 : index
      %get3A_968 = tpu.vector_load %arg11[%get3A_966, %get3A_967] {strides = array<i32>} : memref<16x16xf32, #tpu.memory_space<vmem>>, vector<16xf32>,
      %mul3A_969 = arith.mulf %div3A_951, %get3A_968 : vector<16xf32>
      %add3A_970 = arith.addf %mul3A_964, %mul3A_969 : vector<16xf32>
      %get3A_971 = arith.constant 6 : i32
      %get3A_972 = arith.index_cast %get3A_971 : i32 to index
      %get3A_973 = arith.constant 0 : index
      %get3A_974 = tpu.vector_load %arg11[%get3A_972, %get3A_973] {strides = array<i32>} : memref<16x16xf32, #tpu.memory_space<vmem>>, vector<16xf32>,
      %mul3A_975 = arith.mulf %div3A_959, %get3A_974 : vector<16xf32>
      %add3A_976 = arith.addf %add3A_970, %mul3A_975 : vector<16xf32>
      %get3A_977 = arith.constant 9 : i32
      %get3A_978 = arith.index_cast %get3A_977 : i32 to index
      %get3A_979 = arith.constant 0 : index
      %get3A_980 = tpu.vector_load %arg11[%get3A_978, %get3A_979] {strides = array<i32>} : memref<16x16xf32, #tpu.memory_space<vmem>>, vector<16xf32>,
      %add3A_981 = arith.addf %add3A_976, %get3A_980 : vector<16xf32>
      %get3A_982 = arith.constant 1 : i32
      %get3A_983 = arith.index_cast %get3A_982 : i32 to index
      %get3A_984 = arith.constant 0 : index
      %get3A_985 = tpu.vector_load %arg11[%get3A_983, %get3A_984] {strides = array<i32>} : memref<16x16xf32, #tpu.memory_space<vmem>>, vector<16xf32>,
      %mul3A_986 = arith.mulf %div3A_943, %get3A_985 : vector<16xf32>
      %get3A_987 = arith.constant 4 : i32
      %get3A_988 = arith.index_cast %get3A_987 : i32 to index
      %get3A_989 = arith.constant 0 : index
      %get3A_990 = tpu.vector_load %arg11[%get3A_988, %get3A_989] {strides = array<i32>} : memref<16x16xf32, #tpu.memory_space<vmem>>, vector<16xf32>,
      %mul3A_991 = arith.mulf %div3A_951, %get3A_990 : vector<16xf32>
      %add3A_992 = arith.addf %mul3A_986, %mul3A_991 : vector<16xf32>
      %get3A_993 = arith.constant 7 : i32
      %get3A_994 = arith.index_cast %get3A_993 : i32 to index
      %get3A_995 = arith.constant 0 : index
      %get3A_996 = tpu.vector_load %arg11[%get3A_994, %get3A_995] {strides = array<i32>} : memref<16x16xf32, #tpu.memory_space<vmem>>, vector<16xf32>,
      %mul3A_997 = arith.mulf %div3A_959, %get3A_996 : vector<16xf32>
      %add3A_998 = arith.addf %add3A_992, %mul3A_997 : vector<16xf32>
      %get3A_999 = arith.constant 10 : i32
      %get3A_1000 = arith.index_cast %get3A_999 : i32 to index
      %get3A_1001 = arith.constant 0 : index
      %get3A_1002 = tpu.vector_load %arg11[%get3A_1000, %get3A_1001] {strides = array<i32>} : memref<16x16xf32, #tpu.memory_space<vmem>>, vector<16xf32>,
      %add3A_1003 = arith.addf %add3A_998, %get3A_1002 : vector<16xf32>
      %get3A_1004 = arith.constant 2 : i32
      %get3A_1005 = arith.index_cast %get3A_1004 : i32 to index
      %get3A_1006 = arith.constant 0 : index
      %get3A_1007 = tpu.vector_load %arg11[%get3A_1005, %get3A_1006] {strides = array<i32>} : memref<16x16xf32, #tpu.memory_space<vmem>>, vector<16xf32>,
      %mul3A_1008 = arith.mulf %div3A_943, %get3A_1007 : vector<16xf32>
      %get3A_1009 = arith.constant 5 : i32
      %get3A_1010 = arith.index_cast %get3A_1009 : i32 to index
      %get3A_1011 = arith.constant 0 : index
      %get3A_1012 = tpu.vector_load %arg11[%get3A_1010, %get3A_1011] {strides = array<i32>} : memref<16x16xf32, #tpu.memory_space<vmem>>, vector<16xf32>,
      %mul3A_1013 = arith.mulf %div3A_951, %get3A_1012 : vector<16xf32>
      %add3A_1014 = arith.addf %mul3A_1008, %mul3A_1013 : vector<16xf32>
      %get3A_1015 = arith.constant 8 : i32
      %get3A_1016 = arith.index_cast %get3A_1015 : i32 to index
      %get3A_1017 = arith.constant 0 : index
      %get3A_1018 = tpu.vector_load %arg11[%get3A_1016, %get3A_1017] {strides = array<i32>} : memref<16x16xf32, #tpu.memory_space<vmem>>, vector<16xf32>,
      %mul3A_1019 = arith.mulf %div3A_959, %get3A_1018 : vector<16xf32>
      %add3A_1020 = arith.addf %add3A_1014, %mul3A_1019 : vector<16xf32>
      %get3A_1021 = arith.constant 11 : i32
      %get3A_1022 = arith.index_cast %get3A_1021 : i32 to index
      %get3A_1023 = arith.constant 0 : index
      %get3A_1024 = tpu.vector_load %arg11[%get3A_1022, %get3A_1023] {strides = array<i32>} : memref<16x16xf32, #tpu.memory_space<vmem>>, vector<16xf32>,
      %add3A_1025 = arith.addf %add3A_1020, %get3A_1024 : vector<16xf32>
      %neg3A_1026 = arith.constant 0.000000e+00 : f32
      %neg3A_1027 = vector.broadcast %neg3A_1026 : f32 to vector<16xf32>
      %neg3A_1028 = arith.subf %neg3A_1027, %add3A_981 : vector<16xf32>
      %exp3A_1029 = math.exp %neg3A_1028 : vector<16xf32>
      %add3A_1030 = arith.constant 1.000000e+00 : f32
      %add3A_1031 = vector.broadcast %add3A_1030 : f32 to vector<16xf32>
      %add3A_1032 = arith.addf %add3A_1031, %exp3A_1029 : vector<16xf32>
      %div3A_1033 = arith.divf %add3A_981, %add3A_1032 : vector<16xf32>
      %neg3A_1034 = arith.constant 0.000000e+00 : f32
      %neg3A_1035 = vector.broadcast %neg3A_1034 : f32 to vector<16xf32>
      %neg3A_1036 = arith.subf %neg3A_1035, %add3A_1003 : vector<16xf32>
      %exp3A_1037 = math.exp %neg3A_1036 : vector<16xf32>
      %add3A_1038 = arith.constant 1.000000e+00 : f32
      %add3A_1039 = vector.broadcast %add3A_1038 : f32 to vector<16xf32>
      %add3A_1040 = arith.addf %add3A_1039, %exp3A_1037 : vector<16xf32>
      %div3A_1041 = arith.divf %add3A_1003, %add3A_1040 : vector<16xf32>
      %neg3A_1042 = arith.constant 0.000000e+00 : f32
      %neg3A_1043 = vector.broadcast %neg3A_1042 : f32 to vector<16xf32>
      %neg3A_1044 = arith.subf %neg3A_1043, %add3A_1025 : vector<16xf32>
      %exp3A_1045 = math.exp %neg3A_1044 : vector<16xf32>
      %add3A_1046 = arith.constant 1.000000e+00 : f32
      %add3A_1047 = vector.broadcast %add3A_1046 : f32 to vector<16xf32>
      %add3A_1048 = arith.addf %add3A_1047, %exp3A_1045 : vector<16xf32>
      %div3A_1049 = arith.divf %add3A_1025, %add3A_1048 : vector<16xf32>
      %mul3A_1050 = arith.constant 128 : i32
      %mul3A_1051 = arith.muli %mul3A_91, %mul3A_1050 : i32
      %add3A_1052 = arith.addi %mul3A_54, %mul3A_1051 : i32
      %add3A_1053 = vector.broadcast %add3A_1052 : i32 to vector<16xi32>
      %add3A_1054 = arith.addi %add3A_873, %add3A_1053 : vector<16xi32>
      %lt3A_1055 = arith.constant 160000 : i32
      %lt3A_1056 = vector.broadcast %lt3A_1055 : i32 to vector<16xi32>
      %lt3A_1057 = arith.cmpi slt, %add3A_1054, %lt3A_1056 : vector<16xi32>
      tpu.vector_store_idx %arg16[%get3A_876], %div3A_1033 masked %lt3A_1057 {add = true} : memref<10000xf32, #tpu.memory_space<vmem>>[vector<16xi32>], vector<16xf32>, vector<16xi1>
      tpu.vector_store_idx %arg17[%get3A_876], %div3A_1041 masked %lt3A_1057 {add = true} : memref<10000xf32, #tpu.memory_space<vmem>>[vector<16xi32>], vector<16xf32>, vector<16xi1>
      tpu.vector_store_idx %arg18[%get3A_876], %div3A_1049 masked %lt3A_1057 {add = true} : memref<10000xf32, #tpu.memory_space<vmem>>[vector<16xi32>], vector<16xf32>, vector<16xi1>
      %mul3A_1058 = arith.mulf %div3A_1033, %sub3A_904 : vector<16xf32>
      tpu.vector_store_idx %arg19[%get3A_876], %mul3A_1058 masked %lt3A_1057 {add = true} : memref<10000xf32, #tpu.memory_space<vmem>>[vector<16xi32>], vector<16xf32>, vector<16xi1>
      %mul3A_1059 = arith.mulf %div3A_1041, %sub3A_905 : vector<16xf32>
      tpu.vector_store_idx %arg20[%get3A_876], %mul3A_1059 masked %lt3A_1057 {add = true} : memref<10000xf32, #tpu.memory_space<vmem>>[vector<16xi32>], vector<16xf32>, vector<16xi1>
      %mul3A_1060 = arith.mulf %div3A_1049, %sub3A_906 : vector<16xf32>
      tpu.vector_store_idx %arg21[%get3A_876], %mul3A_1060 masked %lt3A_1057 {add = true} : memref<10000xf32, #tpu.memory_space<vmem>>[vector<16xi32>], vector<16xf32>, vector<16xi1>
      %add3A_1061 = arith.constant 80 : i32
      %add3A_1062 = vector.broadcast %add3A_1061 : i32 to vector<16xi32>
      %add3A_1063 = arith.addi %iota3A, %add3A_1062 : vector<16xi32>
      %get3A_1064 = arith.index_cast %mul3A_91 : i32 to index
      %get3A_1065 = arith.constant 80 : index
      %get3A_1066 = tpu.vector_load %arg8[%get3A_1064, %get3A_1065] {strides = array<i32>} : memref<40x128xi32, #tpu.memory_space<vmem>>, vector<16xi32>,
      %gather3A_1067 = tpu.vector_load_idx %arg12[%add3A_1063, %broadcast_in_dim3A_22] : memref<128x16xf32, #tpu.memory_space<vmem>>[vector<16xi32>, vector<16xi32>], vector<16xf32>,
      %gather3A_1068 = tpu.vector_load_idx %arg12[%add3A_1063, %broadcast_in_dim3A_24] : memref<128x16xf32, #tpu.memory_space<vmem>>[vector<16xi32>, vector<16xi32>], vector<16xf32>,
      %gather3A_1069 = tpu.vector_load_idx %arg12[%add3A_1063, %broadcast_in_dim3A_26] : memref<128x16xf32, #tpu.memory_space<vmem>>[vector<16xi32>, vector<16xi32>], vector<16xf32>,
      %gather3A_1070 = tpu.vector_load_idx %arg12[%add3A_1063, %broadcast_in_dim3A_28] : memref<128x16xf32, #tpu.memory_space<vmem>>[vector<16xi32>, vector<16xi32>], vector<16xf32>,
      %gather3A_1071 = tpu.vector_load_idx %arg12[%add3A_1063, %broadcast_in_dim3A_30] : memref<128x16xf32, #tpu.memory_space<vmem>>[vector<16xi32>, vector<16xi32>], vector<16xf32>,
      %gather3A_1072 = tpu.vector_load_idx %arg12[%add3A_1063, %broadcast_in_dim3A_32] : memref<128x16xf32, #tpu.memory_space<vmem>>[vector<16xi32>, vector<16xi32>], vector<16xf32>,
      %gather3A_1073 = tpu.vector_load_idx %arg13[%add3A_1063, %broadcast_in_dim3A_22] : memref<128x16xf32, #tpu.memory_space<vmem>>[vector<16xi32>, vector<16xi32>], vector<16xf32>,
      %gather3A_1074 = tpu.vector_load_idx %arg13[%add3A_1063, %broadcast_in_dim3A_24] : memref<128x16xf32, #tpu.memory_space<vmem>>[vector<16xi32>, vector<16xi32>], vector<16xf32>,
      %gather3A_1075 = tpu.vector_load_idx %arg13[%add3A_1063, %broadcast_in_dim3A_26] : memref<128x16xf32, #tpu.memory_space<vmem>>[vector<16xi32>, vector<16xi32>], vector<16xf32>,
      %gather3A_1076 = tpu.vector_load_idx %arg13[%add3A_1063, %broadcast_in_dim3A_34] : memref<128x16xf32, #tpu.memory_space<vmem>>[vector<16xi32>, vector<16xi32>], vector<16xf32>,
      %gather3A_1077 = tpu.vector_load_idx %arg13[%add3A_1063, %broadcast_in_dim3A_36] : memref<128x16xf32, #tpu.memory_space<vmem>>[vector<16xi32>, vector<16xi32>], vector<16xf32>,
      %gather3A_1078 = tpu.vector_load_idx %arg13[%add3A_1063, %broadcast_in_dim3A_38] : memref<128x16xf32, #tpu.memory_space<vmem>>[vector<16xi32>, vector<16xi32>], vector<16xf32>,
      %mul3A_1079 = arith.constant 16 : i32
      %mul3A_1080 = arith.muli %mul3A_91, %mul3A_1079 : i32
      %add3A_1081 = arith.constant 10 : i32
      %add3A_1082 = arith.addi %mul3A_1080, %add3A_1081 : i32
      %add3A_1083 = vector.broadcast %add3A_1082 : i32 to vector<16xi32>
      %add3A_1084 = arith.addi %shift_right_arithmetic3A_61, %add3A_1083 : vector<16xi32>
      %gather3A_1085 = tpu.vector_load_idx %arg10[%mul3A_59, %add3A_1084] : memref<24x640xf32, #tpu.memory_space<vmem>>[vector<16xi32>, vector<16xi32>], vector<16xf32>,
      %add3A_1086 = arith.constant 1 : i32
      %add3A_1087 = vector.broadcast %add3A_1086 : i32 to vector<16xi32>
      %add3A_1088 = arith.addi %mul3A_59, %add3A_1087 : vector<16xi32>
      %gather3A_1089 = tpu.vector_load_idx %arg10[%add3A_1088, %add3A_1084] : memref<24x640xf32, #tpu.memory_space<vmem>>[vector<16xi32>, vector<16xi32>], vector<16xf32>,
      %add3A_1090 = arith.constant 2 : i32
      %add3A_1091 = vector.broadcast %add3A_1090 : i32 to vector<16xi32>
      %add3A_1092 = arith.addi %mul3A_59, %add3A_1091 : vector<16xi32>
      %gather3A_1093 = tpu.vector_load_idx %arg10[%add3A_1092, %add3A_1084] : memref<24x640xf32, #tpu.memory_space<vmem>>[vector<16xi32>, vector<16xi32>], vector<16xf32>,
      %sub3A_1094 = arith.subf %gather3A_1067, %gather3A_1073 : vector<16xf32>
      %sub3A_1095 = arith.subf %gather3A_1068, %gather3A_1074 : vector<16xf32>
      %sub3A_1096 = arith.subf %gather3A_1069, %gather3A_1075 : vector<16xf32>
      %mul3A_1097 = arith.mulf %sub3A_1094, %sub3A_1094 : vector<16xf32>
      %mul3A_1098 = arith.mulf %sub3A_1095, %sub3A_1095 : vector<16xf32>
      %add3A_1099 = arith.addf %mul3A_1097, %mul3A_1098 : vector<16xf32>
      %mul3A_1100 = arith.mulf %sub3A_1096, %sub3A_1096 : vector<16xf32>
      %add3A_1101 = arith.addf %add3A_1099, %mul3A_1100 : vector<16xf32>
      %add3A_1102 = arith.addf %gather3A_1070, %gather3A_1076 : vector<16xf32>
      %add3A_1103 = arith.addf %add3A_1102, %gather3A_1085 : vector<16xf32>
      %get3A_1104 = arith.constant 12 : i32
      %get3A_1105 = arith.index_cast %get3A_1104 : i32 to index
      %get3A_1106 = arith.constant 0 : index
      %get3A_1107 = tpu.vector_load %arg11[%get3A_1105, %get3A_1106] {strides = array<i32>} : memref<16x16xf32, #tpu.memory_space<vmem>>, vector<16xf32>,
      %mul3A_1108 = arith.mulf %add3A_1101, %get3A_1107 : vector<16xf32>
      %add3A_1109 = arith.addf %add3A_1103, %mul3A_1108 : vector<16xf32>
      %add3A_1110 = arith.addf %gather3A_1071, %gather3A_1077 : vector<16xf32>
      %add3A_1111 = arith.addf %add3A_1110, %gather3A_1089 : vector<16xf32>
      %get3A_1112 = arith.constant 13 : i32
      %get3A_1113 = arith.index_cast %get3A_1112 : i32 to index
      %get3A_1114 = arith.constant 0 : index
      %get3A_1115 = tpu.vector_load %arg11[%get3A_1113, %get3A_1114] {strides = array<i32>} : memref<16x16xf32, #tpu.memory_space<vmem>>, vector<16xf32>,
      %mul3A_1116 = arith.mulf %add3A_1101, %get3A_1115 : vector<16xf32>
      %add3A_1117 = arith.addf %add3A_1111, %mul3A_1116 : vector<16xf32>
      %add3A_1118 = arith.addf %gather3A_1072, %gather3A_1078 : vector<16xf32>
      %add3A_1119 = arith.addf %add3A_1118, %gather3A_1093 : vector<16xf32>
      %get3A_1120 = arith.constant 14 : i32
      %get3A_1121 = arith.index_cast %get3A_1120 : i32 to index
      %get3A_1122 = arith.constant 0 : index
      %get3A_1123 = tpu.vector_load %arg11[%get3A_1121, %get3A_1122] {strides = array<i32>} : memref<16x16xf32, #tpu.memory_space<vmem>>, vector<16xf32>,
      %mul3A_1124 = arith.mulf %add3A_1101, %get3A_1123 : vector<16xf32>
      %add3A_1125 = arith.addf %add3A_1119, %mul3A_1124 : vector<16xf32>
      %neg3A_1126 = arith.constant 0.000000e+00 : f32
      %neg3A_1127 = vector.broadcast %neg3A_1126 : f32 to vector<16xf32>
      %neg3A_1128 = arith.subf %neg3A_1127, %add3A_1109 : vector<16xf32>
      %exp3A_1129 = math.exp %neg3A_1128 : vector<16xf32>
      %add3A_1130 = arith.constant 1.000000e+00 : f32
      %add3A_1131 = vector.broadcast %add3A_1130 : f32 to vector<16xf32>
      %add3A_1132 = arith.addf %add3A_1131, %exp3A_1129 : vector<16xf32>
      %div3A_1133 = arith.divf %add3A_1109, %add3A_1132 : vector<16xf32>
      %neg3A_1134 = arith.constant 0.000000e+00 : f32
      %neg3A_1135 = vector.broadcast %neg3A_1134 : f32 to vector<16xf32>
      %neg3A_1136 = arith.subf %neg3A_1135, %add3A_1117 : vector<16xf32>
      %exp3A_1137 = math.exp %neg3A_1136 : vector<16xf32>
      %add3A_1138 = arith.constant 1.000000e+00 : f32
      %add3A_1139 = vector.broadcast %add3A_1138 : f32 to vector<16xf32>
      %add3A_1140 = arith.addf %add3A_1139, %exp3A_1137 : vector<16xf32>
      %div3A_1141 = arith.divf %add3A_1117, %add3A_1140 : vector<16xf32>
      %neg3A_1142 = arith.constant 0.000000e+00 : f32
      %neg3A_1143 = vector.broadcast %neg3A_1142 : f32 to vector<16xf32>
      %neg3A_1144 = arith.subf %neg3A_1143, %add3A_1125 : vector<16xf32>
      %exp3A_1145 = math.exp %neg3A_1144 : vector<16xf32>
      %add3A_1146 = arith.constant 1.000000e+00 : f32
      %add3A_1147 = vector.broadcast %add3A_1146 : f32 to vector<16xf32>
      %add3A_1148 = arith.addf %add3A_1147, %exp3A_1145 : vector<16xf32>
      %div3A_1149 = arith.divf %add3A_1125, %add3A_1148 : vector<16xf32>
      %get3A_1150 = arith.constant 0 : i32
      %get3A_1151 = arith.index_cast %get3A_1150 : i32 to index
      %get3A_1152 = arith.constant 0 : index
      %get3A_1153 = tpu.vector_load %arg11[%get3A_1151, %get3A_1152] {strides = array<i32>} : memref<16x16xf32, #tpu.memory_space<vmem>>, vector<16xf32>,
      %mul3A_1154 = arith.mulf %div3A_1133, %get3A_1153 : vector<16xf32>
      %get3A_1155 = arith.constant 3 : i32
      %get3A_1156 = arith.index_cast %get3A_1155 : i32 to index
      %get3A_1157 = arith.constant 0 : index
      %get3A_1158 = tpu.vector_load %arg11[%get3A_1156, %get3A_1157] {strides = array<i32>} : memref<16x16xf32, #tpu.memory_space<vmem>>, vector<16xf32>,
      %mul3A_1159 = arith.mulf %div3A_1141, %get3A_1158 : vector<16xf32>
      %add3A_1160 = arith.addf %mul3A_1154, %mul3A_1159 : vector<16xf32>
      %get3A_1161 = arith.constant 6 : i32
      %get3A_1162 = arith.index_cast %get3A_1161 : i32 to index
      %get3A_1163 = arith.constant 0 : index
      %get3A_1164 = tpu.vector_load %arg11[%get3A_1162, %get3A_1163] {strides = array<i32>} : memref<16x16xf32, #tpu.memory_space<vmem>>, vector<16xf32>,
      %mul3A_1165 = arith.mulf %div3A_1149, %get3A_1164 : vector<16xf32>
      %add3A_1166 = arith.addf %add3A_1160, %mul3A_1165 : vector<16xf32>
      %get3A_1167 = arith.constant 9 : i32
      %get3A_1168 = arith.index_cast %get3A_1167 : i32 to index
      %get3A_1169 = arith.constant 0 : index
      %get3A_1170 = tpu.vector_load %arg11[%get3A_1168, %get3A_1169] {strides = array<i32>} : memref<16x16xf32, #tpu.memory_space<vmem>>, vector<16xf32>,
      %add3A_1171 = arith.addf %add3A_1166, %get3A_1170 : vector<16xf32>
      %get3A_1172 = arith.constant 1 : i32
      %get3A_1173 = arith.index_cast %get3A_1172 : i32 to index
      %get3A_1174 = arith.constant 0 : index
      %get3A_1175 = tpu.vector_load %arg11[%get3A_1173, %get3A_1174] {strides = array<i32>} : memref<16x16xf32, #tpu.memory_space<vmem>>, vector<16xf32>,
      %mul3A_1176 = arith.mulf %div3A_1133, %get3A_1175 : vector<16xf32>
      %get3A_1177 = arith.constant 4 : i32
      %get3A_1178 = arith.index_cast %get3A_1177 : i32 to index
      %get3A_1179 = arith.constant 0 : index
      %get3A_1180 = tpu.vector_load %arg11[%get3A_1178, %get3A_1179] {strides = array<i32>} : memref<16x16xf32, #tpu.memory_space<vmem>>, vector<16xf32>,
      %mul3A_1181 = arith.mulf %div3A_1141, %get3A_1180 : vector<16xf32>
      %add3A_1182 = arith.addf %mul3A_1176, %mul3A_1181 : vector<16xf32>
      %get3A_1183 = arith.constant 7 : i32
      %get3A_1184 = arith.index_cast %get3A_1183 : i32 to index
      %get3A_1185 = arith.constant 0 : index
      %get3A_1186 = tpu.vector_load %arg11[%get3A_1184, %get3A_1185] {strides = array<i32>} : memref<16x16xf32, #tpu.memory_space<vmem>>, vector<16xf32>,
      %mul3A_1187 = arith.mulf %div3A_1149, %get3A_1186 : vector<16xf32>
      %add3A_1188 = arith.addf %add3A_1182, %mul3A_1187 : vector<16xf32>
      %get3A_1189 = arith.constant 10 : i32
      %get3A_1190 = arith.index_cast %get3A_1189 : i32 to index
      %get3A_1191 = arith.constant 0 : index
      %get3A_1192 = tpu.vector_load %arg11[%get3A_1190, %get3A_1191] {strides = array<i32>} : memref<16x16xf32, #tpu.memory_space<vmem>>, vector<16xf32>,
      %add3A_1193 = arith.addf %add3A_1188, %get3A_1192 : vector<16xf32>
      %get3A_1194 = arith.constant 2 : i32
      %get3A_1195 = arith.index_cast %get3A_1194 : i32 to index
      %get3A_1196 = arith.constant 0 : index
      %get3A_1197 = tpu.vector_load %arg11[%get3A_1195, %get3A_1196] {strides = array<i32>} : memref<16x16xf32, #tpu.memory_space<vmem>>, vector<16xf32>,
      %mul3A_1198 = arith.mulf %div3A_1133, %get3A_1197 : vector<16xf32>
      %get3A_1199 = arith.constant 5 : i32
      %get3A_1200 = arith.index_cast %get3A_1199 : i32 to index
      %get3A_1201 = arith.constant 0 : index
      %get3A_1202 = tpu.vector_load %arg11[%get3A_1200, %get3A_1201] {strides = array<i32>} : memref<16x16xf32, #tpu.memory_space<vmem>>, vector<16xf32>,
      %mul3A_1203 = arith.mulf %div3A_1141, %get3A_1202 : vector<16xf32>
      %add3A_1204 = arith.addf %mul3A_1198, %mul3A_1203 : vector<16xf32>
      %get3A_1205 = arith.constant 8 : i32
      %get3A_1206 = arith.index_cast %get3A_1205 : i32 to index
      %get3A_1207 = arith.constant 0 : index
      %get3A_1208 = tpu.vector_load %arg11[%get3A_1206, %get3A_1207] {strides = array<i32>} : memref<16x16xf32, #tpu.memory_space<vmem>>, vector<16xf32>,
      %mul3A_1209 = arith.mulf %div3A_1149, %get3A_1208 : vector<16xf32>
      %add3A_1210 = arith.addf %add3A_1204, %mul3A_1209 : vector<16xf32>
      %get3A_1211 = arith.constant 11 : i32
      %get3A_1212 = arith.index_cast %get3A_1211 : i32 to index
      %get3A_1213 = arith.constant 0 : index
      %get3A_1214 = tpu.vector_load %arg11[%get3A_1212, %get3A_1213] {strides = array<i32>} : memref<16x16xf32, #tpu.memory_space<vmem>>, vector<16xf32>,
      %add3A_1215 = arith.addf %add3A_1210, %get3A_1214 : vector<16xf32>
      %neg3A_1216 = arith.constant 0.000000e+00 : f32
      %neg3A_1217 = vector.broadcast %neg3A_1216 : f32 to vector<16xf32>
      %neg3A_1218 = arith.subf %neg3A_1217, %add3A_1171 : vector<16xf32>
      %exp3A_1219 = math.exp %neg3A_1218 : vector<16xf32>
      %add3A_1220 = arith.constant 1.000000e+00 : f32
      %add3A_1221 = vector.broadcast %add3A_1220 : f32 to vector<16xf32>
      %add3A_1222 = arith.addf %add3A_1221, %exp3A_1219 : vector<16xf32>
      %div3A_1223 = arith.divf %add3A_1171, %add3A_1222 : vector<16xf32>
      %neg3A_1224 = arith.constant 0.000000e+00 : f32
      %neg3A_1225 = vector.broadcast %neg3A_1224 : f32 to vector<16xf32>
      %neg3A_1226 = arith.subf %neg3A_1225, %add3A_1193 : vector<16xf32>
      %exp3A_1227 = math.exp %neg3A_1226 : vector<16xf32>
      %add3A_1228 = arith.constant 1.000000e+00 : f32
      %add3A_1229 = vector.broadcast %add3A_1228 : f32 to vector<16xf32>
      %add3A_1230 = arith.addf %add3A_1229, %exp3A_1227 : vector<16xf32>
      %div3A_1231 = arith.divf %add3A_1193, %add3A_1230 : vector<16xf32>
      %neg3A_1232 = arith.constant 0.000000e+00 : f32
      %neg3A_1233 = vector.broadcast %neg3A_1232 : f32 to vector<16xf32>
      %neg3A_1234 = arith.subf %neg3A_1233, %add3A_1215 : vector<16xf32>
      %exp3A_1235 = math.exp %neg3A_1234 : vector<16xf32>
      %add3A_1236 = arith.constant 1.000000e+00 : f32
      %add3A_1237 = vector.broadcast %add3A_1236 : f32 to vector<16xf32>
      %add3A_1238 = arith.addf %add3A_1237, %exp3A_1235 : vector<16xf32>
      %div3A_1239 = arith.divf %add3A_1215, %add3A_1238 : vector<16xf32>
      %mul3A_1240 = arith.constant 128 : i32
      %mul3A_1241 = arith.muli %mul3A_91, %mul3A_1240 : i32
      %add3A_1242 = arith.addi %mul3A_54, %mul3A_1241 : i32
      %add3A_1243 = vector.broadcast %add3A_1242 : i32 to vector<16xi32>
      %add3A_1244 = arith.addi %add3A_1063, %add3A_1243 : vector<16xi32>
      %lt3A_1245 = arith.constant 160000 : i32
      %lt3A_1246 = vector.broadcast %lt3A_1245 : i32 to vector<16xi32>
      %lt3A_1247 = arith.cmpi slt, %add3A_1244, %lt3A_1246 : vector<16xi32>
      tpu.vector_store_idx %arg16[%get3A_1066], %div3A_1223 masked %lt3A_1247 {add = true} : memref<10000xf32, #tpu.memory_space<vmem>>[vector<16xi32>], vector<16xf32>, vector<16xi1>
      tpu.vector_store_idx %arg17[%get3A_1066], %div3A_1231 masked %lt3A_1247 {add = true} : memref<10000xf32, #tpu.memory_space<vmem>>[vector<16xi32>], vector<16xf32>, vector<16xi1>
      tpu.vector_store_idx %arg18[%get3A_1066], %div3A_1239 masked %lt3A_1247 {add = true} : memref<10000xf32, #tpu.memory_space<vmem>>[vector<16xi32>], vector<16xf32>, vector<16xi1>
      %mul3A_1248 = arith.mulf %div3A_1223, %sub3A_1094 : vector<16xf32>
      tpu.vector_store_idx %arg19[%get3A_1066], %mul3A_1248 masked %lt3A_1247 {add = true} : memref<10000xf32, #tpu.memory_space<vmem>>[vector<16xi32>], vector<16xf32>, vector<16xi1>
      %mul3A_1249 = arith.mulf %div3A_1231, %sub3A_1095 : vector<16xf32>
      tpu.vector_store_idx %arg20[%get3A_1066], %mul3A_1249 masked %lt3A_1247 {add = true} : memref<10000xf32, #tpu.memory_space<vmem>>[vector<16xi32>], vector<16xf32>, vector<16xi1>
      %mul3A_1250 = arith.mulf %div3A_1239, %sub3A_1096 : vector<16xf32>
      tpu.vector_store_idx %arg21[%get3A_1066], %mul3A_1250 masked %lt3A_1247 {add = true} : memref<10000xf32, #tpu.memory_space<vmem>>[vector<16xi32>], vector<16xf32>, vector<16xi1>
      %add3A_1251 = arith.constant 96 : i32
      %add3A_1252 = vector.broadcast %add3A_1251 : i32 to vector<16xi32>
      %add3A_1253 = arith.addi %iota3A, %add3A_1252 : vector<16xi32>
      %get3A_1254 = arith.index_cast %mul3A_91 : i32 to index
      %get3A_1255 = arith.constant 96 : index
      %get3A_1256 = tpu.vector_load %arg8[%get3A_1254, %get3A_1255] {strides = array<i32>} : memref<40x128xi32, #tpu.memory_space<vmem>>, vector<16xi32>,
      %gather3A_1257 = tpu.vector_load_idx %arg12[%add3A_1253, %broadcast_in_dim3A_22] : memref<128x16xf32, #tpu.memory_space<vmem>>[vector<16xi32>, vector<16xi32>], vector<16xf32>,
      %gather3A_1258 = tpu.vector_load_idx %arg12[%add3A_1253, %broadcast_in_dim3A_24] : memref<128x16xf32, #tpu.memory_space<vmem>>[vector<16xi32>, vector<16xi32>], vector<16xf32>,
      %gather3A_1259 = tpu.vector_load_idx %arg12[%add3A_1253, %broadcast_in_dim3A_26] : memref<128x16xf32, #tpu.memory_space<vmem>>[vector<16xi32>, vector<16xi32>], vector<16xf32>,
      %gather3A_1260 = tpu.vector_load_idx %arg12[%add3A_1253, %broadcast_in_dim3A_28] : memref<128x16xf32, #tpu.memory_space<vmem>>[vector<16xi32>, vector<16xi32>], vector<16xf32>,
      %gather3A_1261 = tpu.vector_load_idx %arg12[%add3A_1253, %broadcast_in_dim3A_30] : memref<128x16xf32, #tpu.memory_space<vmem>>[vector<16xi32>, vector<16xi32>], vector<16xf32>,
      %gather3A_1262 = tpu.vector_load_idx %arg12[%add3A_1253, %broadcast_in_dim3A_32] : memref<128x16xf32, #tpu.memory_space<vmem>>[vector<16xi32>, vector<16xi32>], vector<16xf32>,
      %gather3A_1263 = tpu.vector_load_idx %arg13[%add3A_1253, %broadcast_in_dim3A_22] : memref<128x16xf32, #tpu.memory_space<vmem>>[vector<16xi32>, vector<16xi32>], vector<16xf32>,
      %gather3A_1264 = tpu.vector_load_idx %arg13[%add3A_1253, %broadcast_in_dim3A_24] : memref<128x16xf32, #tpu.memory_space<vmem>>[vector<16xi32>, vector<16xi32>], vector<16xf32>,
      %gather3A_1265 = tpu.vector_load_idx %arg13[%add3A_1253, %broadcast_in_dim3A_26] : memref<128x16xf32, #tpu.memory_space<vmem>>[vector<16xi32>, vector<16xi32>], vector<16xf32>,
      %gather3A_1266 = tpu.vector_load_idx %arg13[%add3A_1253, %broadcast_in_dim3A_34] : memref<128x16xf32, #tpu.memory_space<vmem>>[vector<16xi32>, vector<16xi32>], vector<16xf32>,
      %gather3A_1267 = tpu.vector_load_idx %arg13[%add3A_1253, %broadcast_in_dim3A_36] : memref<128x16xf32, #tpu.memory_space<vmem>>[vector<16xi32>, vector<16xi32>], vector<16xf32>,
      %gather3A_1268 = tpu.vector_load_idx %arg13[%add3A_1253, %broadcast_in_dim3A_38] : memref<128x16xf32, #tpu.memory_space<vmem>>[vector<16xi32>, vector<16xi32>], vector<16xf32>,
      %mul3A_1269 = arith.constant 16 : i32
      %mul3A_1270 = arith.muli %mul3A_91, %mul3A_1269 : i32
      %add3A_1271 = arith.constant 12 : i32
      %add3A_1272 = arith.addi %mul3A_1270, %add3A_1271 : i32
      %add3A_1273 = vector.broadcast %add3A_1272 : i32 to vector<16xi32>
      %add3A_1274 = arith.addi %shift_right_arithmetic3A_61, %add3A_1273 : vector<16xi32>
      %gather3A_1275 = tpu.vector_load_idx %arg10[%mul3A_59, %add3A_1274] : memref<24x640xf32, #tpu.memory_space<vmem>>[vector<16xi32>, vector<16xi32>], vector<16xf32>,
      %add3A_1276 = arith.constant 1 : i32
      %add3A_1277 = vector.broadcast %add3A_1276 : i32 to vector<16xi32>
      %add3A_1278 = arith.addi %mul3A_59, %add3A_1277 : vector<16xi32>
      %gather3A_1279 = tpu.vector_load_idx %arg10[%add3A_1278, %add3A_1274] : memref<24x640xf32, #tpu.memory_space<vmem>>[vector<16xi32>, vector<16xi32>], vector<16xf32>,
      %add3A_1280 = arith.constant 2 : i32
      %add3A_1281 = vector.broadcast %add3A_1280 : i32 to vector<16xi32>
      %add3A_1282 = arith.addi %mul3A_59, %add3A_1281 : vector<16xi32>
      %gather3A_1283 = tpu.vector_load_idx %arg10[%add3A_1282, %add3A_1274] : memref<24x640xf32, #tpu.memory_space<vmem>>[vector<16xi32>, vector<16xi32>], vector<16xf32>,
      %sub3A_1284 = arith.subf %gather3A_1257, %gather3A_1263 : vector<16xf32>
      %sub3A_1285 = arith.subf %gather3A_1258, %gather3A_1264 : vector<16xf32>
      %sub3A_1286 = arith.subf %gather3A_1259, %gather3A_1265 : vector<16xf32>
      %mul3A_1287 = arith.mulf %sub3A_1284, %sub3A_1284 : vector<16xf32>
      %mul3A_1288 = arith.mulf %sub3A_1285, %sub3A_1285 : vector<16xf32>
      %add3A_1289 = arith.addf %mul3A_1287, %mul3A_1288 : vector<16xf32>
      %mul3A_1290 = arith.mulf %sub3A_1286, %sub3A_1286 : vector<16xf32>
      %add3A_1291 = arith.addf %add3A_1289, %mul3A_1290 : vector<16xf32>
      %add3A_1292 = arith.addf %gather3A_1260, %gather3A_1266 : vector<16xf32>
      %add3A_1293 = arith.addf %add3A_1292, %gather3A_1275 : vector<16xf32>
      %get3A_1294 = arith.constant 12 : i32
      %get3A_1295 = arith.index_cast %get3A_1294 : i32 to index
      %get3A_1296 = arith.constant 0 : index
      %get3A_1297 = tpu.vector_load %arg11[%get3A_1295, %get3A_1296] {strides = array<i32>} : memref<16x16xf32, #tpu.memory_space<vmem>>, vector<16xf32>,
      %mul3A_1298 = arith.mulf %add3A_1291, %get3A_1297 : vector<16xf32>
      %add3A_1299 = arith.addf %add3A_1293, %mul3A_1298 : vector<16xf32>
      %add3A_1300 = arith.addf %gather3A_1261, %gather3A_1267 : vector<16xf32>
      %add3A_1301 = arith.addf %add3A_1300, %gather3A_1279 : vector<16xf32>
      %get3A_1302 = arith.constant 13 : i32
      %get3A_1303 = arith.index_cast %get3A_1302 : i32 to index
      %get3A_1304 = arith.constant 0 : index
      %get3A_1305 = tpu.vector_load %arg11[%get3A_1303, %get3A_1304] {strides = array<i32>} : memref<16x16xf32, #tpu.memory_space<vmem>>, vector<16xf32>,
      %mul3A_1306 = arith.mulf %add3A_1291, %get3A_1305 : vector<16xf32>
      %add3A_1307 = arith.addf %add3A_1301, %mul3A_1306 : vector<16xf32>
      %add3A_1308 = arith.addf %gather3A_1262, %gather3A_1268 : vector<16xf32>
      %add3A_1309 = arith.addf %add3A_1308, %gather3A_1283 : vector<16xf32>
      %get3A_1310 = arith.constant 14 : i32
      %get3A_1311 = arith.index_cast %get3A_1310 : i32 to index
      %get3A_1312 = arith.constant 0 : index
      %get3A_1313 = tpu.vector_load %arg11[%get3A_1311, %get3A_1312] {strides = array<i32>} : memref<16x16xf32, #tpu.memory_space<vmem>>, vector<16xf32>,
      %mul3A_1314 = arith.mulf %add3A_1291, %get3A_1313 : vector<16xf32>
      %add3A_1315 = arith.addf %add3A_1309, %mul3A_1314 : vector<16xf32>
      %neg3A_1316 = arith.constant 0.000000e+00 : f32
      %neg3A_1317 = vector.broadcast %neg3A_1316 : f32 to vector<16xf32>
      %neg3A_1318 = arith.subf %neg3A_1317, %add3A_1299 : vector<16xf32>
      %exp3A_1319 = math.exp %neg3A_1318 : vector<16xf32>
      %add3A_1320 = arith.constant 1.000000e+00 : f32
      %add3A_1321 = vector.broadcast %add3A_1320 : f32 to vector<16xf32>
      %add3A_1322 = arith.addf %add3A_1321, %exp3A_1319 : vector<16xf32>
      %div3A_1323 = arith.divf %add3A_1299, %add3A_1322 : vector<16xf32>
      %neg3A_1324 = arith.constant 0.000000e+00 : f32
      %neg3A_1325 = vector.broadcast %neg3A_1324 : f32 to vector<16xf32>
      %neg3A_1326 = arith.subf %neg3A_1325, %add3A_1307 : vector<16xf32>
      %exp3A_1327 = math.exp %neg3A_1326 : vector<16xf32>
      %add3A_1328 = arith.constant 1.000000e+00 : f32
      %add3A_1329 = vector.broadcast %add3A_1328 : f32 to vector<16xf32>
      %add3A_1330 = arith.addf %add3A_1329, %exp3A_1327 : vector<16xf32>
      %div3A_1331 = arith.divf %add3A_1307, %add3A_1330 : vector<16xf32>
      %neg3A_1332 = arith.constant 0.000000e+00 : f32
      %neg3A_1333 = vector.broadcast %neg3A_1332 : f32 to vector<16xf32>
      %neg3A_1334 = arith.subf %neg3A_1333, %add3A_1315 : vector<16xf32>
      %exp3A_1335 = math.exp %neg3A_1334 : vector<16xf32>
      %add3A_1336 = arith.constant 1.000000e+00 : f32
      %add3A_1337 = vector.broadcast %add3A_1336 : f32 to vector<16xf32>
      %add3A_1338 = arith.addf %add3A_1337, %exp3A_1335 : vector<16xf32>
      %div3A_1339 = arith.divf %add3A_1315, %add3A_1338 : vector<16xf32>
      %get3A_1340 = arith.constant 0 : i32
      %get3A_1341 = arith.index_cast %get3A_1340 : i32 to index
      %get3A_1342 = arith.constant 0 : index
      %get3A_1343 = tpu.vector_load %arg11[%get3A_1341, %get3A_1342] {strides = array<i32>} : memref<16x16xf32, #tpu.memory_space<vmem>>, vector<16xf32>,
      %mul3A_1344 = arith.mulf %div3A_1323, %get3A_1343 : vector<16xf32>
      %get3A_1345 = arith.constant 3 : i32
      %get3A_1346 = arith.index_cast %get3A_1345 : i32 to index
      %get3A_1347 = arith.constant 0 : index
      %get3A_1348 = tpu.vector_load %arg11[%get3A_1346, %get3A_1347] {strides = array<i32>} : memref<16x16xf32, #tpu.memory_space<vmem>>, vector<16xf32>,
      %mul3A_1349 = arith.mulf %div3A_1331, %get3A_1348 : vector<16xf32>
      %add3A_1350 = arith.addf %mul3A_1344, %mul3A_1349 : vector<16xf32>
      %get3A_1351 = arith.constant 6 : i32
      %get3A_1352 = arith.index_cast %get3A_1351 : i32 to index
      %get3A_1353 = arith.constant 0 : index
      %get3A_1354 = tpu.vector_load %arg11[%get3A_1352, %get3A_1353] {strides = array<i32>} : memref<16x16xf32, #tpu.memory_space<vmem>>, vector<16xf32>,
      %mul3A_1355 = arith.mulf %div3A_1339, %get3A_1354 : vector<16xf32>
      %add3A_1356 = arith.addf %add3A_1350, %mul3A_1355 : vector<16xf32>
      %get3A_1357 = arith.constant 9 : i32
      %get3A_1358 = arith.index_cast %get3A_1357 : i32 to index
      %get3A_1359 = arith.constant 0 : index
      %get3A_1360 = tpu.vector_load %arg11[%get3A_1358, %get3A_1359] {strides = array<i32>} : memref<16x16xf32, #tpu.memory_space<vmem>>, vector<16xf32>,
      %add3A_1361 = arith.addf %add3A_1356, %get3A_1360 : vector<16xf32>
      %get3A_1362 = arith.constant 1 : i32
      %get3A_1363 = arith.index_cast %get3A_1362 : i32 to index
      %get3A_1364 = arith.constant 0 : index
      %get3A_1365 = tpu.vector_load %arg11[%get3A_1363, %get3A_1364] {strides = array<i32>} : memref<16x16xf32, #tpu.memory_space<vmem>>, vector<16xf32>,
      %mul3A_1366 = arith.mulf %div3A_1323, %get3A_1365 : vector<16xf32>
      %get3A_1367 = arith.constant 4 : i32
      %get3A_1368 = arith.index_cast %get3A_1367 : i32 to index
      %get3A_1369 = arith.constant 0 : index
      %get3A_1370 = tpu.vector_load %arg11[%get3A_1368, %get3A_1369] {strides = array<i32>} : memref<16x16xf32, #tpu.memory_space<vmem>>, vector<16xf32>,
      %mul3A_1371 = arith.mulf %div3A_1331, %get3A_1370 : vector<16xf32>
      %add3A_1372 = arith.addf %mul3A_1366, %mul3A_1371 : vector<16xf32>
      %get3A_1373 = arith.constant 7 : i32
      %get3A_1374 = arith.index_cast %get3A_1373 : i32 to index
      %get3A_1375 = arith.constant 0 : index
      %get3A_1376 = tpu.vector_load %arg11[%get3A_1374, %get3A_1375] {strides = array<i32>} : memref<16x16xf32, #tpu.memory_space<vmem>>, vector<16xf32>,
      %mul3A_1377 = arith.mulf %div3A_1339, %get3A_1376 : vector<16xf32>
      %add3A_1378 = arith.addf %add3A_1372, %mul3A_1377 : vector<16xf32>
      %get3A_1379 = arith.constant 10 : i32
      %get3A_1380 = arith.index_cast %get3A_1379 : i32 to index
      %get3A_1381 = arith.constant 0 : index
      %get3A_1382 = tpu.vector_load %arg11[%get3A_1380, %get3A_1381] {strides = array<i32>} : memref<16x16xf32, #tpu.memory_space<vmem>>, vector<16xf32>,
      %add3A_1383 = arith.addf %add3A_1378, %get3A_1382 : vector<16xf32>
      %get3A_1384 = arith.constant 2 : i32
      %get3A_1385 = arith.index_cast %get3A_1384 : i32 to index
      %get3A_1386 = arith.constant 0 : index
      %get3A_1387 = tpu.vector_load %arg11[%get3A_1385, %get3A_1386] {strides = array<i32>} : memref<16x16xf32, #tpu.memory_space<vmem>>, vector<16xf32>,
      %mul3A_1388 = arith.mulf %div3A_1323, %get3A_1387 : vector<16xf32>
      %get3A_1389 = arith.constant 5 : i32
      %get3A_1390 = arith.index_cast %get3A_1389 : i32 to index
      %get3A_1391 = arith.constant 0 : index
      %get3A_1392 = tpu.vector_load %arg11[%get3A_1390, %get3A_1391] {strides = array<i32>} : memref<16x16xf32, #tpu.memory_space<vmem>>, vector<16xf32>,
      %mul3A_1393 = arith.mulf %div3A_1331, %get3A_1392 : vector<16xf32>
      %add3A_1394 = arith.addf %mul3A_1388, %mul3A_1393 : vector<16xf32>
      %get3A_1395 = arith.constant 8 : i32
      %get3A_1396 = arith.index_cast %get3A_1395 : i32 to index
      %get3A_1397 = arith.constant 0 : index
      %get3A_1398 = tpu.vector_load %arg11[%get3A_1396, %get3A_1397] {strides = array<i32>} : memref<16x16xf32, #tpu.memory_space<vmem>>, vector<16xf32>,
      %mul3A_1399 = arith.mulf %div3A_1339, %get3A_1398 : vector<16xf32>
      %add3A_1400 = arith.addf %add3A_1394, %mul3A_1399 : vector<16xf32>
      %get3A_1401 = arith.constant 11 : i32
      %get3A_1402 = arith.index_cast %get3A_1401 : i32 to index
      %get3A_1403 = arith.constant 0 : index
      %get3A_1404 = tpu.vector_load %arg11[%get3A_1402, %get3A_1403] {strides = array<i32>} : memref<16x16xf32, #tpu.memory_space<vmem>>, vector<16xf32>,
      %add3A_1405 = arith.addf %add3A_1400, %get3A_1404 : vector<16xf32>
      %neg3A_1406 = arith.constant 0.000000e+00 : f32
      %neg3A_1407 = vector.broadcast %neg3A_1406 : f32 to vector<16xf32>
      %neg3A_1408 = arith.subf %neg3A_1407, %add3A_1361 : vector<16xf32>
      %exp3A_1409 = math.exp %neg3A_1408 : vector<16xf32>
      %add3A_1410 = arith.constant 1.000000e+00 : f32
      %add3A_1411 = vector.broadcast %add3A_1410 : f32 to vector<16xf32>
      %add3A_1412 = arith.addf %add3A_1411, %exp3A_1409 : vector<16xf32>
      %div3A_1413 = arith.divf %add3A_1361, %add3A_1412 : vector<16xf32>
      %neg3A_1414 = arith.constant 0.000000e+00 : f32
      %neg3A_1415 = vector.broadcast %neg3A_1414 : f32 to vector<16xf32>
      %neg3A_1416 = arith.subf %neg3A_1415, %add3A_1383 : vector<16xf32>
      %exp3A_1417 = math.exp %neg3A_1416 : vector<16xf32>
      %add3A_1418 = arith.constant 1.000000e+00 : f32
      %add3A_1419 = vector.broadcast %add3A_1418 : f32 to vector<16xf32>
      %add3A_1420 = arith.addf %add3A_1419, %exp3A_1417 : vector<16xf32>
      %div3A_1421 = arith.divf %add3A_1383, %add3A_1420 : vector<16xf32>
      %neg3A_1422 = arith.constant 0.000000e+00 : f32
      %neg3A_1423 = vector.broadcast %neg3A_1422 : f32 to vector<16xf32>
      %neg3A_1424 = arith.subf %neg3A_1423, %add3A_1405 : vector<16xf32>
      %exp3A_1425 = math.exp %neg3A_1424 : vector<16xf32>
      %add3A_1426 = arith.constant 1.000000e+00 : f32
      %add3A_1427 = vector.broadcast %add3A_1426 : f32 to vector<16xf32>
      %add3A_1428 = arith.addf %add3A_1427, %exp3A_1425 : vector<16xf32>
      %div3A_1429 = arith.divf %add3A_1405, %add3A_1428 : vector<16xf32>
      %mul3A_1430 = arith.constant 128 : i32
      %mul3A_1431 = arith.muli %mul3A_91, %mul3A_1430 : i32
      %add3A_1432 = arith.addi %mul3A_54, %mul3A_1431 : i32
      %add3A_1433 = vector.broadcast %add3A_1432 : i32 to vector<16xi32>
      %add3A_1434 = arith.addi %add3A_1253, %add3A_1433 : vector<16xi32>
      %lt3A_1435 = arith.constant 160000 : i32
      %lt3A_1436 = vector.broadcast %lt3A_1435 : i32 to vector<16xi32>
      %lt3A_1437 = arith.cmpi slt, %add3A_1434, %lt3A_1436 : vector<16xi32>
      tpu.vector_store_idx %arg16[%get3A_1256], %div3A_1413 masked %lt3A_1437 {add = true} : memref<10000xf32, #tpu.memory_space<vmem>>[vector<16xi32>], vector<16xf32>, vector<16xi1>
      tpu.vector_store_idx %arg17[%get3A_1256], %div3A_1421 masked %lt3A_1437 {add = true} : memref<10000xf32, #tpu.memory_space<vmem>>[vector<16xi32>], vector<16xf32>, vector<16xi1>
      tpu.vector_store_idx %arg18[%get3A_1256], %div3A_1429 masked %lt3A_1437 {add = true} : memref<10000xf32, #tpu.memory_space<vmem>>[vector<16xi32>], vector<16xf32>, vector<16xi1>
      %mul3A_1438 = arith.mulf %div3A_1413, %sub3A_1284 : vector<16xf32>
      tpu.vector_store_idx %arg19[%get3A_1256], %mul3A_1438 masked %lt3A_1437 {add = true} : memref<10000xf32, #tpu.memory_space<vmem>>[vector<16xi32>], vector<16xf32>, vector<16xi1>
      %mul3A_1439 = arith.mulf %div3A_1421, %sub3A_1285 : vector<16xf32>
      tpu.vector_store_idx %arg20[%get3A_1256], %mul3A_1439 masked %lt3A_1437 {add = true} : memref<10000xf32, #tpu.memory_space<vmem>>[vector<16xi32>], vector<16xf32>, vector<16xi1>
      %mul3A_1440 = arith.mulf %div3A_1429, %sub3A_1286 : vector<16xf32>
      tpu.vector_store_idx %arg21[%get3A_1256], %mul3A_1440 masked %lt3A_1437 {add = true} : memref<10000xf32, #tpu.memory_space<vmem>>[vector<16xi32>], vector<16xf32>, vector<16xi1>
      %add3A_1441 = arith.constant 112 : i32
      %add3A_1442 = vector.broadcast %add3A_1441 : i32 to vector<16xi32>
      %add3A_1443 = arith.addi %iota3A, %add3A_1442 : vector<16xi32>
      %get3A_1444 = arith.index_cast %mul3A_91 : i32 to index
      %get3A_1445 = arith.constant 112 : index
      %get3A_1446 = tpu.vector_load %arg8[%get3A_1444, %get3A_1445] {strides = array<i32>} : memref<40x128xi32, #tpu.memory_space<vmem>>, vector<16xi32>,
      %gather3A_1447 = tpu.vector_load_idx %arg12[%add3A_1443, %broadcast_in_dim3A_22] : memref<128x16xf32, #tpu.memory_space<vmem>>[vector<16xi32>, vector<16xi32>], vector<16xf32>,
      %gather3A_1448 = tpu.vector_load_idx %arg12[%add3A_1443, %broadcast_in_dim3A_24] : memref<128x16xf32, #tpu.memory_space<vmem>>[vector<16xi32>, vector<16xi32>], vector<16xf32>,
      %gather3A_1449 = tpu.vector_load_idx %arg12[%add3A_1443, %broadcast_in_dim3A_26] : memref<128x16xf32, #tpu.memory_space<vmem>>[vector<16xi32>, vector<16xi32>], vector<16xf32>,
      %gather3A_1450 = tpu.vector_load_idx %arg12[%add3A_1443, %broadcast_in_dim3A_28] : memref<128x16xf32, #tpu.memory_space<vmem>>[vector<16xi32>, vector<16xi32>], vector<16xf32>,
      %gather3A_1451 = tpu.vector_load_idx %arg12[%add3A_1443, %broadcast_in_dim3A_30] : memref<128x16xf32, #tpu.memory_space<vmem>>[vector<16xi32>, vector<16xi32>], vector<16xf32>,
      %gather3A_1452 = tpu.vector_load_idx %arg12[%add3A_1443, %broadcast_in_dim3A_32] : memref<128x16xf32, #tpu.memory_space<vmem>>[vector<16xi32>, vector<16xi32>], vector<16xf32>,
      %gather3A_1453 = tpu.vector_load_idx %arg13[%add3A_1443, %broadcast_in_dim3A_22] : memref<128x16xf32, #tpu.memory_space<vmem>>[vector<16xi32>, vector<16xi32>], vector<16xf32>,
      %gather3A_1454 = tpu.vector_load_idx %arg13[%add3A_1443, %broadcast_in_dim3A_24] : memref<128x16xf32, #tpu.memory_space<vmem>>[vector<16xi32>, vector<16xi32>], vector<16xf32>,
      %gather3A_1455 = tpu.vector_load_idx %arg13[%add3A_1443, %broadcast_in_dim3A_26] : memref<128x16xf32, #tpu.memory_space<vmem>>[vector<16xi32>, vector<16xi32>], vector<16xf32>,
      %gather3A_1456 = tpu.vector_load_idx %arg13[%add3A_1443, %broadcast_in_dim3A_34] : memref<128x16xf32, #tpu.memory_space<vmem>>[vector<16xi32>, vector<16xi32>], vector<16xf32>,
      %gather3A_1457 = tpu.vector_load_idx %arg13[%add3A_1443, %broadcast_in_dim3A_36] : memref<128x16xf32, #tpu.memory_space<vmem>>[vector<16xi32>, vector<16xi32>], vector<16xf32>,
      %gather3A_1458 = tpu.vector_load_idx %arg13[%add3A_1443, %broadcast_in_dim3A_38] : memref<128x16xf32, #tpu.memory_space<vmem>>[vector<16xi32>, vector<16xi32>], vector<16xf32>,
      %mul3A_1459 = arith.constant 16 : i32
      %mul3A_1460 = arith.muli %mul3A_91, %mul3A_1459 : i32
      %add3A_1461 = arith.constant 14 : i32
      %add3A_1462 = arith.addi %mul3A_1460, %add3A_1461 : i32
      %add3A_1463 = vector.broadcast %add3A_1462 : i32 to vector<16xi32>
      %add3A_1464 = arith.addi %shift_right_arithmetic3A_61, %add3A_1463 : vector<16xi32>
      %gather3A_1465 = tpu.vector_load_idx %arg10[%mul3A_59, %add3A_1464] : memref<24x640xf32, #tpu.memory_space<vmem>>[vector<16xi32>, vector<16xi32>], vector<16xf32>,
      %add3A_1466 = arith.constant 1 : i32
      %add3A_1467 = vector.broadcast %add3A_1466 : i32 to vector<16xi32>
      %add3A_1468 = arith.addi %mul3A_59, %add3A_1467 : vector<16xi32>
      %gather3A_1469 = tpu.vector_load_idx %arg10[%add3A_1468, %add3A_1464] : memref<24x640xf32, #tpu.memory_space<vmem>>[vector<16xi32>, vector<16xi32>], vector<16xf32>,
      %add3A_1470 = arith.constant 2 : i32
      %add3A_1471 = vector.broadcast %add3A_1470 : i32 to vector<16xi32>
      %add3A_1472 = arith.addi %mul3A_59, %add3A_1471 : vector<16xi32>
      %gather3A_1473 = tpu.vector_load_idx %arg10[%add3A_1472, %add3A_1464] : memref<24x640xf32, #tpu.memory_space<vmem>>[vector<16xi32>, vector<16xi32>], vector<16xf32>,
      %sub3A_1474 = arith.subf %gather3A_1447, %gather3A_1453 : vector<16xf32>
      %sub3A_1475 = arith.subf %gather3A_1448, %gather3A_1454 : vector<16xf32>
      %sub3A_1476 = arith.subf %gather3A_1449, %gather3A_1455 : vector<16xf32>
      %mul3A_1477 = arith.mulf %sub3A_1474, %sub3A_1474 : vector<16xf32>
      %mul3A_1478 = arith.mulf %sub3A_1475, %sub3A_1475 : vector<16xf32>
      %add3A_1479 = arith.addf %mul3A_1477, %mul3A_1478 : vector<16xf32>
      %mul3A_1480 = arith.mulf %sub3A_1476, %sub3A_1476 : vector<16xf32>
      %add3A_1481 = arith.addf %add3A_1479, %mul3A_1480 : vector<16xf32>
      %add3A_1482 = arith.addf %gather3A_1450, %gather3A_1456 : vector<16xf32>
      %add3A_1483 = arith.addf %add3A_1482, %gather3A_1465 : vector<16xf32>
      %get3A_1484 = arith.constant 12 : i32
      %get3A_1485 = arith.index_cast %get3A_1484 : i32 to index
      %get3A_1486 = arith.constant 0 : index
      %get3A_1487 = tpu.vector_load %arg11[%get3A_1485, %get3A_1486] {strides = array<i32>} : memref<16x16xf32, #tpu.memory_space<vmem>>, vector<16xf32>,
      %mul3A_1488 = arith.mulf %add3A_1481, %get3A_1487 : vector<16xf32>
      %add3A_1489 = arith.addf %add3A_1483, %mul3A_1488 : vector<16xf32>
      %add3A_1490 = arith.addf %gather3A_1451, %gather3A_1457 : vector<16xf32>
      %add3A_1491 = arith.addf %add3A_1490, %gather3A_1469 : vector<16xf32>
      %get3A_1492 = arith.constant 13 : i32
      %get3A_1493 = arith.index_cast %get3A_1492 : i32 to index
      %get3A_1494 = arith.constant 0 : index
      %get3A_1495 = tpu.vector_load %arg11[%get3A_1493, %get3A_1494] {strides = array<i32>} : memref<16x16xf32, #tpu.memory_space<vmem>>, vector<16xf32>,
      %mul3A_1496 = arith.mulf %add3A_1481, %get3A_1495 : vector<16xf32>
      %add3A_1497 = arith.addf %add3A_1491, %mul3A_1496 : vector<16xf32>
      %add3A_1498 = arith.addf %gather3A_1452, %gather3A_1458 : vector<16xf32>
      %add3A_1499 = arith.addf %add3A_1498, %gather3A_1473 : vector<16xf32>
      %get3A_1500 = arith.constant 14 : i32
      %get3A_1501 = arith.index_cast %get3A_1500 : i32 to index
      %get3A_1502 = arith.constant 0 : index
      %get3A_1503 = tpu.vector_load %arg11[%get3A_1501, %get3A_1502] {strides = array<i32>} : memref<16x16xf32, #tpu.memory_space<vmem>>, vector<16xf32>,
      %mul3A_1504 = arith.mulf %add3A_1481, %get3A_1503 : vector<16xf32>
      %add3A_1505 = arith.addf %add3A_1499, %mul3A_1504 : vector<16xf32>
      %neg3A_1506 = arith.constant 0.000000e+00 : f32
      %neg3A_1507 = vector.broadcast %neg3A_1506 : f32 to vector<16xf32>
      %neg3A_1508 = arith.subf %neg3A_1507, %add3A_1489 : vector<16xf32>
      %exp3A_1509 = math.exp %neg3A_1508 : vector<16xf32>
      %add3A_1510 = arith.constant 1.000000e+00 : f32
      %add3A_1511 = vector.broadcast %add3A_1510 : f32 to vector<16xf32>
      %add3A_1512 = arith.addf %add3A_1511, %exp3A_1509 : vector<16xf32>
      %div3A_1513 = arith.divf %add3A_1489, %add3A_1512 : vector<16xf32>
      %neg3A_1514 = arith.constant 0.000000e+00 : f32
      %neg3A_1515 = vector.broadcast %neg3A_1514 : f32 to vector<16xf32>
      %neg3A_1516 = arith.subf %neg3A_1515, %add3A_1497 : vector<16xf32>
      %exp3A_1517 = math.exp %neg3A_1516 : vector<16xf32>
      %add3A_1518 = arith.constant 1.000000e+00 : f32
      %add3A_1519 = vector.broadcast %add3A_1518 : f32 to vector<16xf32>
      %add3A_1520 = arith.addf %add3A_1519, %exp3A_1517 : vector<16xf32>
      %div3A_1521 = arith.divf %add3A_1497, %add3A_1520 : vector<16xf32>
      %neg3A_1522 = arith.constant 0.000000e+00 : f32
      %neg3A_1523 = vector.broadcast %neg3A_1522 : f32 to vector<16xf32>
      %neg3A_1524 = arith.subf %neg3A_1523, %add3A_1505 : vector<16xf32>
      %exp3A_1525 = math.exp %neg3A_1524 : vector<16xf32>
      %add3A_1526 = arith.constant 1.000000e+00 : f32
      %add3A_1527 = vector.broadcast %add3A_1526 : f32 to vector<16xf32>
      %add3A_1528 = arith.addf %add3A_1527, %exp3A_1525 : vector<16xf32>
      %div3A_1529 = arith.divf %add3A_1505, %add3A_1528 : vector<16xf32>
      %get3A_1530 = arith.constant 0 : i32
      %get3A_1531 = arith.index_cast %get3A_1530 : i32 to index
      %get3A_1532 = arith.constant 0 : index
      %get3A_1533 = tpu.vector_load %arg11[%get3A_1531, %get3A_1532] {strides = array<i32>} : memref<16x16xf32, #tpu.memory_space<vmem>>, vector<16xf32>,
      %mul3A_1534 = arith.mulf %div3A_1513, %get3A_1533 : vector<16xf32>
      %get3A_1535 = arith.constant 3 : i32
      %get3A_1536 = arith.index_cast %get3A_1535 : i32 to index
      %get3A_1537 = arith.constant 0 : index
      %get3A_1538 = tpu.vector_load %arg11[%get3A_1536, %get3A_1537] {strides = array<i32>} : memref<16x16xf32, #tpu.memory_space<vmem>>, vector<16xf32>,
      %mul3A_1539 = arith.mulf %div3A_1521, %get3A_1538 : vector<16xf32>
      %add3A_1540 = arith.addf %mul3A_1534, %mul3A_1539 : vector<16xf32>
      %get3A_1541 = arith.constant 6 : i32
      %get3A_1542 = arith.index_cast %get3A_1541 : i32 to index
      %get3A_1543 = arith.constant 0 : index
      %get3A_1544 = tpu.vector_load %arg11[%get3A_1542, %get3A_1543] {strides = array<i32>} : memref<16x16xf32, #tpu.memory_space<vmem>>, vector<16xf32>,
      %mul3A_1545 = arith.mulf %div3A_1529, %get3A_1544 : vector<16xf32>
      %add3A_1546 = arith.addf %add3A_1540, %mul3A_1545 : vector<16xf32>
      %get3A_1547 = arith.constant 9 : i32
      %get3A_1548 = arith.index_cast %get3A_1547 : i32 to index
      %get3A_1549 = arith.constant 0 : index
      %get3A_1550 = tpu.vector_load %arg11[%get3A_1548, %get3A_1549] {strides = array<i32>} : memref<16x16xf32, #tpu.memory_space<vmem>>, vector<16xf32>,
      %add3A_1551 = arith.addf %add3A_1546, %get3A_1550 : vector<16xf32>
      %get3A_1552 = arith.constant 1 : i32
      %get3A_1553 = arith.index_cast %get3A_1552 : i32 to index
      %get3A_1554 = arith.constant 0 : index
      %get3A_1555 = tpu.vector_load %arg11[%get3A_1553, %get3A_1554] {strides = array<i32>} : memref<16x16xf32, #tpu.memory_space<vmem>>, vector<16xf32>,
      %mul3A_1556 = arith.mulf %div3A_1513, %get3A_1555 : vector<16xf32>
      %get3A_1557 = arith.constant 4 : i32
      %get3A_1558 = arith.index_cast %get3A_1557 : i32 to index
      %get3A_1559 = arith.constant 0 : index
      %get3A_1560 = tpu.vector_load %arg11[%get3A_1558, %get3A_1559] {strides = array<i32>} : memref<16x16xf32, #tpu.memory_space<vmem>>, vector<16xf32>,
      %mul3A_1561 = arith.mulf %div3A_1521, %get3A_1560 : vector<16xf32>
      %add3A_1562 = arith.addf %mul3A_1556, %mul3A_1561 : vector<16xf32>
      %get3A_1563 = arith.constant 7 : i32
      %get3A_1564 = arith.index_cast %get3A_1563 : i32 to index
      %get3A_1565 = arith.constant 0 : index
      %get3A_1566 = tpu.vector_load %arg11[%get3A_1564, %get3A_1565] {strides = array<i32>} : memref<16x16xf32, #tpu.memory_space<vmem>>, vector<16xf32>,
      %mul3A_1567 = arith.mulf %div3A_1529, %get3A_1566 : vector<16xf32>
      %add3A_1568 = arith.addf %add3A_1562, %mul3A_1567 : vector<16xf32>
      %get3A_1569 = arith.constant 10 : i32
      %get3A_1570 = arith.index_cast %get3A_1569 : i32 to index
      %get3A_1571 = arith.constant 0 : index
      %get3A_1572 = tpu.vector_load %arg11[%get3A_1570, %get3A_1571] {strides = array<i32>} : memref<16x16xf32, #tpu.memory_space<vmem>>, vector<16xf32>,
      %add3A_1573 = arith.addf %add3A_1568, %get3A_1572 : vector<16xf32>
      %get3A_1574 = arith.constant 2 : i32
      %get3A_1575 = arith.index_cast %get3A_1574 : i32 to index
      %get3A_1576 = arith.constant 0 : index
      %get3A_1577 = tpu.vector_load %arg11[%get3A_1575, %get3A_1576] {strides = array<i32>} : memref<16x16xf32, #tpu.memory_space<vmem>>, vector<16xf32>,
      %mul3A_1578 = arith.mulf %div3A_1513, %get3A_1577 : vector<16xf32>
      %get3A_1579 = arith.constant 5 : i32
      %get3A_1580 = arith.index_cast %get3A_1579 : i32 to index
      %get3A_1581 = arith.constant 0 : index
      %get3A_1582 = tpu.vector_load %arg11[%get3A_1580, %get3A_1581] {strides = array<i32>} : memref<16x16xf32, #tpu.memory_space<vmem>>, vector<16xf32>,
      %mul3A_1583 = arith.mulf %div3A_1521, %get3A_1582 : vector<16xf32>
      %add3A_1584 = arith.addf %mul3A_1578, %mul3A_1583 : vector<16xf32>
      %get3A_1585 = arith.constant 8 : i32
      %get3A_1586 = arith.index_cast %get3A_1585 : i32 to index
      %get3A_1587 = arith.constant 0 : index
      %get3A_1588 = tpu.vector_load %arg11[%get3A_1586, %get3A_1587] {strides = array<i32>} : memref<16x16xf32, #tpu.memory_space<vmem>>, vector<16xf32>,
      %mul3A_1589 = arith.mulf %div3A_1529, %get3A_1588 : vector<16xf32>
      %add3A_1590 = arith.addf %add3A_1584, %mul3A_1589 : vector<16xf32>
      %get3A_1591 = arith.constant 11 : i32
      %get3A_1592 = arith.index_cast %get3A_1591 : i32 to index
      %get3A_1593 = arith.constant 0 : index
      %get3A_1594 = tpu.vector_load %arg11[%get3A_1592, %get3A_1593] {strides = array<i32>} : memref<16x16xf32, #tpu.memory_space<vmem>>, vector<16xf32>,
      %add3A_1595 = arith.addf %add3A_1590, %get3A_1594 : vector<16xf32>
      %neg3A_1596 = arith.constant 0.000000e+00 : f32
      %neg3A_1597 = vector.broadcast %neg3A_1596 : f32 to vector<16xf32>
      %neg3A_1598 = arith.subf %neg3A_1597, %add3A_1551 : vector<16xf32>
      %exp3A_1599 = math.exp %neg3A_1598 : vector<16xf32>
      %add3A_1600 = arith.constant 1.000000e+00 : f32
      %add3A_1601 = vector.broadcast %add3A_1600 : f32 to vector<16xf32>
      %add3A_1602 = arith.addf %add3A_1601, %exp3A_1599 : vector<16xf32>
      %div3A_1603 = arith.divf %add3A_1551, %add3A_1602 : vector<16xf32>
      %neg3A_1604 = arith.constant 0.000000e+00 : f32
      %neg3A_1605 = vector.broadcast %neg3A_1604 : f32 to vector<16xf32>
      %neg3A_1606 = arith.subf %neg3A_1605, %add3A_1573 : vector<16xf32>
      %exp3A_1607 = math.exp %neg3A_1606 : vector<16xf32>
      %add3A_1608 = arith.constant 1.000000e+00 : f32
      %add3A_1609 = vector.broadcast %add3A_1608 : f32 to vector<16xf32>
      %add3A_1610 = arith.addf %add3A_1609, %exp3A_1607 : vector<16xf32>
      %div3A_1611 = arith.divf %add3A_1573, %add3A_1610 : vector<16xf32>
      %neg3A_1612 = arith.constant 0.000000e+00 : f32
      %neg3A_1613 = vector.broadcast %neg3A_1612 : f32 to vector<16xf32>
      %neg3A_1614 = arith.subf %neg3A_1613, %add3A_1595 : vector<16xf32>
      %exp3A_1615 = math.exp %neg3A_1614 : vector<16xf32>
      %add3A_1616 = arith.constant 1.000000e+00 : f32
      %add3A_1617 = vector.broadcast %add3A_1616 : f32 to vector<16xf32>
      %add3A_1618 = arith.addf %add3A_1617, %exp3A_1615 : vector<16xf32>
      %div3A_1619 = arith.divf %add3A_1595, %add3A_1618 : vector<16xf32>
      %mul3A_1620 = arith.constant 128 : i32
      %mul3A_1621 = arith.muli %mul3A_91, %mul3A_1620 : i32
      %add3A_1622 = arith.addi %mul3A_54, %mul3A_1621 : i32
      %add3A_1623 = vector.broadcast %add3A_1622 : i32 to vector<16xi32>
      %add3A_1624 = arith.addi %add3A_1443, %add3A_1623 : vector<16xi32>
      %lt3A_1625 = arith.constant 160000 : i32
      %lt3A_1626 = vector.broadcast %lt3A_1625 : i32 to vector<16xi32>
      %lt3A_1627 = arith.cmpi slt, %add3A_1624, %lt3A_1626 : vector<16xi32>
      tpu.vector_store_idx %arg16[%get3A_1446], %div3A_1603 masked %lt3A_1627 {add = true} : memref<10000xf32, #tpu.memory_space<vmem>>[vector<16xi32>], vector<16xf32>, vector<16xi1>
      tpu.vector_store_idx %arg17[%get3A_1446], %div3A_1611 masked %lt3A_1627 {add = true} : memref<10000xf32, #tpu.memory_space<vmem>>[vector<16xi32>], vector<16xf32>, vector<16xi1>
      tpu.vector_store_idx %arg18[%get3A_1446], %div3A_1619 masked %lt3A_1627 {add = true} : memref<10000xf32, #tpu.memory_space<vmem>>[vector<16xi32>], vector<16xf32>, vector<16xi1>
      %mul3A_1628 = arith.mulf %div3A_1603, %sub3A_1474 : vector<16xf32>
      tpu.vector_store_idx %arg19[%get3A_1446], %mul3A_1628 masked %lt3A_1627 {add = true} : memref<10000xf32, #tpu.memory_space<vmem>>[vector<16xi32>], vector<16xf32>, vector<16xi1>
      %mul3A_1629 = arith.mulf %div3A_1611, %sub3A_1475 : vector<16xf32>
      tpu.vector_store_idx %arg20[%get3A_1446], %mul3A_1629 masked %lt3A_1627 {add = true} : memref<10000xf32, #tpu.memory_space<vmem>>[vector<16xi32>], vector<16xf32>, vector<16xi1>
      %mul3A_1630 = arith.mulf %div3A_1619, %sub3A_1476 : vector<16xf32>
      tpu.vector_store_idx %arg21[%get3A_1446], %mul3A_1630 masked %lt3A_1627 {add = true} : memref<10000xf32, #tpu.memory_space<vmem>>[vector<16xi32>], vector<16xf32>, vector<16xi1>
      %add3A_1631 = arith.constant 2 : i32
      %add3A_1632 = arith.addi %mul3A_91, %add3A_1631 : i32
      %min3A = arith.constant 39 : i32
      %min3A_1633 = arith.minsi %add3A_1632, %min3A : i32
      %dma_start3A_1634 = arith.constant 0 : i32
      %dma_start3A_1635 = tpu.memref_slice %arg8[%min3A_1633, %dma_start3A_1634] : memref<40x128xi32, #tpu.memory_space<vmem>> -> memref<1x128xi32, #tpu.memory_space<vmem>>
      %dma_start3A_1636 = tpu.memref_squeeze %dma_start3A_1635 : memref<1x128xi32, #tpu.memory_space<vmem>> -> memref<128xi32, #tpu.memory_space<vmem>>
      %dma_start3A_1637 = arith.constant 0 : i32
      %dma_start3A_1638 = arith.constant 0 : i32
      %dma_start3A_1639 = tpu.memref_slice %arg4[%dma_start3A_1637, %dma_start3A_1638] : memref<10000x16xf32, #tpu.memory_space<hbm>> -> memref<10000x16xf32, #tpu.memory_space<hbm>>
      tpu.enqueue_indirect_dma source(%dma_start3A_1639 : memref<10000x16xf32, #tpu.memory_space<hbm>>) target(%arg12 : memref<128x16xf32, #tpu.memory_space<vmem>>) offsets(%dma_start3A_1636 : memref<128xi32, #tpu.memory_space<vmem>>) semaphore(%arg22 : memref<!tpu.dma_semaphore, #tpu.memory_space<semaphore_mem>>)
      %dma_start3A_1640 = arith.constant 0 : i32
      %dma_start3A_1641 = tpu.memref_slice %arg9[%min3A_1633, %dma_start3A_1640] : memref<40x128xi32, #tpu.memory_space<vmem>> -> memref<1x128xi32, #tpu.memory_space<vmem>>
      %dma_start3A_1642 = tpu.memref_squeeze %dma_start3A_1641 : memref<1x128xi32, #tpu.memory_space<vmem>> -> memref<128xi32, #tpu.memory_space<vmem>>
      %dma_start3A_1643 = arith.constant 0 : i32
      %dma_start3A_1644 = arith.constant 0 : i32
      %dma_start3A_1645 = tpu.memref_slice %arg4[%dma_start3A_1643, %dma_start3A_1644] : memref<10000x16xf32, #tpu.memory_space<hbm>> -> memref<10000x16xf32, #tpu.memory_space<hbm>>
      tpu.enqueue_indirect_dma source(%dma_start3A_1645 : memref<10000x16xf32, #tpu.memory_space<hbm>>) target(%arg13 : memref<128x16xf32, #tpu.memory_space<vmem>>) offsets(%dma_start3A_1642 : memref<128xi32, #tpu.memory_space<vmem>>) semaphore(%arg23 : memref<!tpu.dma_semaphore, #tpu.memory_space<semaphore_mem>>)
      %dma_wait3A_1646 = arith.constant 0 : i32
      %dma_wait3A_1647 = tpu.memref_slice %arg8[%add3A_93, %dma_wait3A_1646] : memref<40x128xi32, #tpu.memory_space<vmem>> -> memref<1x128xi32, #tpu.memory_space<vmem>>
      %dma_wait3A_1648 = tpu.memref_squeeze %dma_wait3A_1647 : memref<1x128xi32, #tpu.memory_space<vmem>> -> memref<128xi32, #tpu.memory_space<vmem>>
      %dma_wait3A_1649 = arith.constant 0 : i32
      %dma_wait3A_1650 = arith.constant 0 : i32
      %dma_wait3A_1651 = tpu.memref_slice %arg4[%dma_wait3A_1649, %dma_wait3A_1650] : memref<10000x16xf32, #tpu.memory_space<hbm>> -> memref<10000x16xf32, #tpu.memory_space<hbm>>
      tpu.wait_indirect_dma semaphore(%arg24 : memref<!tpu.dma_semaphore, #tpu.memory_space<semaphore_mem>>) src(%dma_wait3A_1651 : memref<10000x16xf32, #tpu.memory_space<hbm>>) dst(%arg14 : memref<128x16xf32, #tpu.memory_space<vmem>>)
      %dma_wait3A_1652 = arith.constant 0 : i32
      %dma_wait3A_1653 = tpu.memref_slice %arg9[%add3A_93, %dma_wait3A_1652] : memref<40x128xi32, #tpu.memory_space<vmem>> -> memref<1x128xi32, #tpu.memory_space<vmem>>
      %dma_wait3A_1654 = tpu.memref_squeeze %dma_wait3A_1653 : memref<1x128xi32, #tpu.memory_space<vmem>> -> memref<128xi32, #tpu.memory_space<vmem>>
      %dma_wait3A_1655 = arith.constant 0 : i32
      %dma_wait3A_1656 = arith.constant 0 : i32
      %dma_wait3A_1657 = tpu.memref_slice %arg4[%dma_wait3A_1655, %dma_wait3A_1656] : memref<10000x16xf32, #tpu.memory_space<hbm>> -> memref<10000x16xf32, #tpu.memory_space<hbm>>
      tpu.wait_indirect_dma semaphore(%arg25 : memref<!tpu.dma_semaphore, #tpu.memory_space<semaphore_mem>>) src(%dma_wait3A_1657 : memref<10000x16xf32, #tpu.memory_space<hbm>>) dst(%arg15 : memref<128x16xf32, #tpu.memory_space<vmem>>)
      %add3A_1658 = arith.constant 0 : i32
      %add3A_1659 = vector.broadcast %add3A_1658 : i32 to vector<16xi32>
      %add3A_1660 = arith.addi %iota3A, %add3A_1659 : vector<16xi32>
      %get3A_1661 = arith.index_cast %add3A_93 : i32 to index
      %get3A_1662 = arith.constant 0 : index
      %get3A_1663 = tpu.vector_load %arg8[%get3A_1661, %get3A_1662] {strides = array<i32>} : memref<40x128xi32, #tpu.memory_space<vmem>>, vector<16xi32>,
      %gather3A_1664 = tpu.vector_load_idx %arg14[%add3A_1660, %broadcast_in_dim3A_22] : memref<128x16xf32, #tpu.memory_space<vmem>>[vector<16xi32>, vector<16xi32>], vector<16xf32>,
      %gather3A_1665 = tpu.vector_load_idx %arg14[%add3A_1660, %broadcast_in_dim3A_24] : memref<128x16xf32, #tpu.memory_space<vmem>>[vector<16xi32>, vector<16xi32>], vector<16xf32>,
      %gather3A_1666 = tpu.vector_load_idx %arg14[%add3A_1660, %broadcast_in_dim3A_26] : memref<128x16xf32, #tpu.memory_space<vmem>>[vector<16xi32>, vector<16xi32>], vector<16xf32>,
      %gather3A_1667 = tpu.vector_load_idx %arg14[%add3A_1660, %broadcast_in_dim3A_28] : memref<128x16xf32, #tpu.memory_space<vmem>>[vector<16xi32>, vector<16xi32>], vector<16xf32>,
      %gather3A_1668 = tpu.vector_load_idx %arg14[%add3A_1660, %broadcast_in_dim3A_30] : memref<128x16xf32, #tpu.memory_space<vmem>>[vector<16xi32>, vector<16xi32>], vector<16xf32>,
      %gather3A_1669 = tpu.vector_load_idx %arg14[%add3A_1660, %broadcast_in_dim3A_32] : memref<128x16xf32, #tpu.memory_space<vmem>>[vector<16xi32>, vector<16xi32>], vector<16xf32>,
      %gather3A_1670 = tpu.vector_load_idx %arg15[%add3A_1660, %broadcast_in_dim3A_22] : memref<128x16xf32, #tpu.memory_space<vmem>>[vector<16xi32>, vector<16xi32>], vector<16xf32>,
      %gather3A_1671 = tpu.vector_load_idx %arg15[%add3A_1660, %broadcast_in_dim3A_24] : memref<128x16xf32, #tpu.memory_space<vmem>>[vector<16xi32>, vector<16xi32>], vector<16xf32>,
      %gather3A_1672 = tpu.vector_load_idx %arg15[%add3A_1660, %broadcast_in_dim3A_26] : memref<128x16xf32, #tpu.memory_space<vmem>>[vector<16xi32>, vector<16xi32>], vector<16xf32>,
      %gather3A_1673 = tpu.vector_load_idx %arg15[%add3A_1660, %broadcast_in_dim3A_34] : memref<128x16xf32, #tpu.memory_space<vmem>>[vector<16xi32>, vector<16xi32>], vector<16xf32>,
      %gather3A_1674 = tpu.vector_load_idx %arg15[%add3A_1660, %broadcast_in_dim3A_36] : memref<128x16xf32, #tpu.memory_space<vmem>>[vector<16xi32>, vector<16xi32>], vector<16xf32>,
      %gather3A_1675 = tpu.vector_load_idx %arg15[%add3A_1660, %broadcast_in_dim3A_38] : memref<128x16xf32, #tpu.memory_space<vmem>>[vector<16xi32>, vector<16xi32>], vector<16xf32>,
      %mul3A_1676 = arith.constant 16 : i32
      %mul3A_1677 = arith.muli %add3A_93, %mul3A_1676 : i32
      %add3A_1678 = arith.constant 0 : i32
      %add3A_1679 = arith.addi %mul3A_1677, %add3A_1678 : i32
      %add3A_1680 = vector.broadcast %add3A_1679 : i32 to vector<16xi32>
      %add3A_1681 = arith.addi %shift_right_arithmetic3A_61, %add3A_1680 : vector<16xi32>
      %gather3A_1682 = tpu.vector_load_idx %arg10[%mul3A_59, %add3A_1681] : memref<24x640xf32, #tpu.memory_space<vmem>>[vector<16xi32>, vector<16xi32>], vector<16xf32>,
      %add3A_1683 = arith.constant 1 : i32
      %add3A_1684 = vector.broadcast %add3A_1683 : i32 to vector<16xi32>
      %add3A_1685 = arith.addi %mul3A_59, %add3A_1684 : vector<16xi32>
      %gather3A_1686 = tpu.vector_load_idx %arg10[%add3A_1685, %add3A_1681] : memref<24x640xf32, #tpu.memory_space<vmem>>[vector<16xi32>, vector<16xi32>], vector<16xf32>,
      %add3A_1687 = arith.constant 2 : i32
      %add3A_1688 = vector.broadcast %add3A_1687 : i32 to vector<16xi32>
      %add3A_1689 = arith.addi %mul3A_59, %add3A_1688 : vector<16xi32>
      %gather3A_1690 = tpu.vector_load_idx %arg10[%add3A_1689, %add3A_1681] : memref<24x640xf32, #tpu.memory_space<vmem>>[vector<16xi32>, vector<16xi32>], vector<16xf32>,
      %sub3A_1691 = arith.subf %gather3A_1664, %gather3A_1670 : vector<16xf32>
      %sub3A_1692 = arith.subf %gather3A_1665, %gather3A_1671 : vector<16xf32>
      %sub3A_1693 = arith.subf %gather3A_1666, %gather3A_1672 : vector<16xf32>
      %mul3A_1694 = arith.mulf %sub3A_1691, %sub3A_1691 : vector<16xf32>
      %mul3A_1695 = arith.mulf %sub3A_1692, %sub3A_1692 : vector<16xf32>
      %add3A_1696 = arith.addf %mul3A_1694, %mul3A_1695 : vector<16xf32>
      %mul3A_1697 = arith.mulf %sub3A_1693, %sub3A_1693 : vector<16xf32>
      %add3A_1698 = arith.addf %add3A_1696, %mul3A_1697 : vector<16xf32>
      %add3A_1699 = arith.addf %gather3A_1667, %gather3A_1673 : vector<16xf32>
      %add3A_1700 = arith.addf %add3A_1699, %gather3A_1682 : vector<16xf32>
      %get3A_1701 = arith.constant 12 : i32
      %get3A_1702 = arith.index_cast %get3A_1701 : i32 to index
      %get3A_1703 = arith.constant 0 : index
      %get3A_1704 = tpu.vector_load %arg11[%get3A_1702, %get3A_1703] {strides = array<i32>} : memref<16x16xf32, #tpu.memory_space<vmem>>, vector<16xf32>,
      %mul3A_1705 = arith.mulf %add3A_1698, %get3A_1704 : vector<16xf32>
      %add3A_1706 = arith.addf %add3A_1700, %mul3A_1705 : vector<16xf32>
      %add3A_1707 = arith.addf %gather3A_1668, %gather3A_1674 : vector<16xf32>
      %add3A_1708 = arith.addf %add3A_1707, %gather3A_1686 : vector<16xf32>
      %get3A_1709 = arith.constant 13 : i32
      %get3A_1710 = arith.index_cast %get3A_1709 : i32 to index
      %get3A_1711 = arith.constant 0 : index
      %get3A_1712 = tpu.vector_load %arg11[%get3A_1710, %get3A_1711] {strides = array<i32>} : memref<16x16xf32, #tpu.memory_space<vmem>>, vector<16xf32>,
      %mul3A_1713 = arith.mulf %add3A_1698, %get3A_1712 : vector<16xf32>
      %add3A_1714 = arith.addf %add3A_1708, %mul3A_1713 : vector<16xf32>
      %add3A_1715 = arith.addf %gather3A_1669, %gather3A_1675 : vector<16xf32>
      %add3A_1716 = arith.addf %add3A_1715, %gather3A_1690 : vector<16xf32>
      %get3A_1717 = arith.constant 14 : i32
      %get3A_1718 = arith.index_cast %get3A_1717 : i32 to index
      %get3A_1719 = arith.constant 0 : index
      %get3A_1720 = tpu.vector_load %arg11[%get3A_1718, %get3A_1719] {strides = array<i32>} : memref<16x16xf32, #tpu.memory_space<vmem>>, vector<16xf32>,
      %mul3A_1721 = arith.mulf %add3A_1698, %get3A_1720 : vector<16xf32>
      %add3A_1722 = arith.addf %add3A_1716, %mul3A_1721 : vector<16xf32>
      %neg3A_1723 = arith.constant 0.000000e+00 : f32
      %neg3A_1724 = vector.broadcast %neg3A_1723 : f32 to vector<16xf32>
      %neg3A_1725 = arith.subf %neg3A_1724, %add3A_1706 : vector<16xf32>
      %exp3A_1726 = math.exp %neg3A_1725 : vector<16xf32>
      %add3A_1727 = arith.constant 1.000000e+00 : f32
      %add3A_1728 = vector.broadcast %add3A_1727 : f32 to vector<16xf32>
      %add3A_1729 = arith.addf %add3A_1728, %exp3A_1726 : vector<16xf32>
      %div3A_1730 = arith.divf %add3A_1706, %add3A_1729 : vector<16xf32>
      %neg3A_1731 = arith.constant 0.000000e+00 : f32
      %neg3A_1732 = vector.broadcast %neg3A_1731 : f32 to vector<16xf32>
      %neg3A_1733 = arith.subf %neg3A_1732, %add3A_1714 : vector<16xf32>
      %exp3A_1734 = math.exp %neg3A_1733 : vector<16xf32>
      %add3A_1735 = arith.constant 1.000000e+00 : f32
      %add3A_1736 = vector.broadcast %add3A_1735 : f32 to vector<16xf32>
      %add3A_1737 = arith.addf %add3A_1736, %exp3A_1734 : vector<16xf32>
      %div3A_1738 = arith.divf %add3A_1714, %add3A_1737 : vector<16xf32>
      %neg3A_1739 = arith.constant 0.000000e+00 : f32
      %neg3A_1740 = vector.broadcast %neg3A_1739 : f32 to vector<16xf32>
      %neg3A_1741 = arith.subf %neg3A_1740, %add3A_1722 : vector<16xf32>
      %exp3A_1742 = math.exp %neg3A_1741 : vector<16xf32>
      %add3A_1743 = arith.constant 1.000000e+00 : f32
      %add3A_1744 = vector.broadcast %add3A_1743 : f32 to vector<16xf32>
      %add3A_1745 = arith.addf %add3A_1744, %exp3A_1742 : vector<16xf32>
      %div3A_1746 = arith.divf %add3A_1722, %add3A_1745 : vector<16xf32>
      %get3A_1747 = arith.constant 0 : i32
      %get3A_1748 = arith.index_cast %get3A_1747 : i32 to index
      %get3A_1749 = arith.constant 0 : index
      %get3A_1750 = tpu.vector_load %arg11[%get3A_1748, %get3A_1749] {strides = array<i32>} : memref<16x16xf32, #tpu.memory_space<vmem>>, vector<16xf32>,
      %mul3A_1751 = arith.mulf %div3A_1730, %get3A_1750 : vector<16xf32>
      %get3A_1752 = arith.constant 3 : i32
      %get3A_1753 = arith.index_cast %get3A_1752 : i32 to index
      %get3A_1754 = arith.constant 0 : index
      %get3A_1755 = tpu.vector_load %arg11[%get3A_1753, %get3A_1754] {strides = array<i32>} : memref<16x16xf32, #tpu.memory_space<vmem>>, vector<16xf32>,
      %mul3A_1756 = arith.mulf %div3A_1738, %get3A_1755 : vector<16xf32>
      %add3A_1757 = arith.addf %mul3A_1751, %mul3A_1756 : vector<16xf32>
      %get3A_1758 = arith.constant 6 : i32
      %get3A_1759 = arith.index_cast %get3A_1758 : i32 to index
      %get3A_1760 = arith.constant 0 : index
      %get3A_1761 = tpu.vector_load %arg11[%get3A_1759, %get3A_1760] {strides = array<i32>} : memref<16x16xf32, #tpu.memory_space<vmem>>, vector<16xf32>,
      %mul3A_1762 = arith.mulf %div3A_1746, %get3A_1761 : vector<16xf32>
      %add3A_1763 = arith.addf %add3A_1757, %mul3A_1762 : vector<16xf32>
      %get3A_1764 = arith.constant 9 : i32
      %get3A_1765 = arith.index_cast %get3A_1764 : i32 to index
      %get3A_1766 = arith.constant 0 : index
      %get3A_1767 = tpu.vector_load %arg11[%get3A_1765, %get3A_1766] {strides = array<i32>} : memref<16x16xf32, #tpu.memory_space<vmem>>, vector<16xf32>,
      %add3A_1768 = arith.addf %add3A_1763, %get3A_1767 : vector<16xf32>
      %get3A_1769 = arith.constant 1 : i32
      %get3A_1770 = arith.index_cast %get3A_1769 : i32 to index
      %get3A_1771 = arith.constant 0 : index
      %get3A_1772 = tpu.vector_load %arg11[%get3A_1770, %get3A_1771] {strides = array<i32>} : memref<16x16xf32, #tpu.memory_space<vmem>>, vector<16xf32>,
      %mul3A_1773 = arith.mulf %div3A_1730, %get3A_1772 : vector<16xf32>
      %get3A_1774 = arith.constant 4 : i32
      %get3A_1775 = arith.index_cast %get3A_1774 : i32 to index
      %get3A_1776 = arith.constant 0 : index
      %get3A_1777 = tpu.vector_load %arg11[%get3A_1775, %get3A_1776] {strides = array<i32>} : memref<16x16xf32, #tpu.memory_space<vmem>>, vector<16xf32>,
      %mul3A_1778 = arith.mulf %div3A_1738, %get3A_1777 : vector<16xf32>
      %add3A_1779 = arith.addf %mul3A_1773, %mul3A_1778 : vector<16xf32>
      %get3A_1780 = arith.constant 7 : i32
      %get3A_1781 = arith.index_cast %get3A_1780 : i32 to index
      %get3A_1782 = arith.constant 0 : index
      %get3A_1783 = tpu.vector_load %arg11[%get3A_1781, %get3A_1782] {strides = array<i32>} : memref<16x16xf32, #tpu.memory_space<vmem>>, vector<16xf32>,
      %mul3A_1784 = arith.mulf %div3A_1746, %get3A_1783 : vector<16xf32>
      %add3A_1785 = arith.addf %add3A_1779, %mul3A_1784 : vector<16xf32>
      %get3A_1786 = arith.constant 10 : i32
      %get3A_1787 = arith.index_cast %get3A_1786 : i32 to index
      %get3A_1788 = arith.constant 0 : index
      %get3A_1789 = tpu.vector_load %arg11[%get3A_1787, %get3A_1788] {strides = array<i32>} : memref<16x16xf32, #tpu.memory_space<vmem>>, vector<16xf32>,
      %add3A_1790 = arith.addf %add3A_1785, %get3A_1789 : vector<16xf32>
      %get3A_1791 = arith.constant 2 : i32
      %get3A_1792 = arith.index_cast %get3A_1791 : i32 to index
      %get3A_1793 = arith.constant 0 : index
      %get3A_1794 = tpu.vector_load %arg11[%get3A_1792, %get3A_1793] {strides = array<i32>} : memref<16x16xf32, #tpu.memory_space<vmem>>, vector<16xf32>,
      %mul3A_1795 = arith.mulf %div3A_1730, %get3A_1794 : vector<16xf32>
      %get3A_1796 = arith.constant 5 : i32
      %get3A_1797 = arith.index_cast %get3A_1796 : i32 to index
      %get3A_1798 = arith.constant 0 : index
      %get3A_1799 = tpu.vector_load %arg11[%get3A_1797, %get3A_1798] {strides = array<i32>} : memref<16x16xf32, #tpu.memory_space<vmem>>, vector<16xf32>,
      %mul3A_1800 = arith.mulf %div3A_1738, %get3A_1799 : vector<16xf32>
      %add3A_1801 = arith.addf %mul3A_1795, %mul3A_1800 : vector<16xf32>
      %get3A_1802 = arith.constant 8 : i32
      %get3A_1803 = arith.index_cast %get3A_1802 : i32 to index
      %get3A_1804 = arith.constant 0 : index
      %get3A_1805 = tpu.vector_load %arg11[%get3A_1803, %get3A_1804] {strides = array<i32>} : memref<16x16xf32, #tpu.memory_space<vmem>>, vector<16xf32>,
      %mul3A_1806 = arith.mulf %div3A_1746, %get3A_1805 : vector<16xf32>
      %add3A_1807 = arith.addf %add3A_1801, %mul3A_1806 : vector<16xf32>
      %get3A_1808 = arith.constant 11 : i32
      %get3A_1809 = arith.index_cast %get3A_1808 : i32 to index
      %get3A_1810 = arith.constant 0 : index
      %get3A_1811 = tpu.vector_load %arg11[%get3A_1809, %get3A_1810] {strides = array<i32>} : memref<16x16xf32, #tpu.memory_space<vmem>>, vector<16xf32>,
      %add3A_1812 = arith.addf %add3A_1807, %get3A_1811 : vector<16xf32>
      %neg3A_1813 = arith.constant 0.000000e+00 : f32
      %neg3A_1814 = vector.broadcast %neg3A_1813 : f32 to vector<16xf32>
      %neg3A_1815 = arith.subf %neg3A_1814, %add3A_1768 : vector<16xf32>
      %exp3A_1816 = math.exp %neg3A_1815 : vector<16xf32>
      %add3A_1817 = arith.constant 1.000000e+00 : f32
      %add3A_1818 = vector.broadcast %add3A_1817 : f32 to vector<16xf32>
      %add3A_1819 = arith.addf %add3A_1818, %exp3A_1816 : vector<16xf32>
      %div3A_1820 = arith.divf %add3A_1768, %add3A_1819 : vector<16xf32>
      %neg3A_1821 = arith.constant 0.000000e+00 : f32
      %neg3A_1822 = vector.broadcast %neg3A_1821 : f32 to vector<16xf32>
      %neg3A_1823 = arith.subf %neg3A_1822, %add3A_1790 : vector<16xf32>
      %exp3A_1824 = math.exp %neg3A_1823 : vector<16xf32>
      %add3A_1825 = arith.constant 1.000000e+00 : f32
      %add3A_1826 = vector.broadcast %add3A_1825 : f32 to vector<16xf32>
      %add3A_1827 = arith.addf %add3A_1826, %exp3A_1824 : vector<16xf32>
      %div3A_1828 = arith.divf %add3A_1790, %add3A_1827 : vector<16xf32>
      %neg3A_1829 = arith.constant 0.000000e+00 : f32
      %neg3A_1830 = vector.broadcast %neg3A_1829 : f32 to vector<16xf32>
      %neg3A_1831 = arith.subf %neg3A_1830, %add3A_1812 : vector<16xf32>
      %exp3A_1832 = math.exp %neg3A_1831 : vector<16xf32>
      %add3A_1833 = arith.constant 1.000000e+00 : f32
      %add3A_1834 = vector.broadcast %add3A_1833 : f32 to vector<16xf32>
      %add3A_1835 = arith.addf %add3A_1834, %exp3A_1832 : vector<16xf32>
      %div3A_1836 = arith.divf %add3A_1812, %add3A_1835 : vector<16xf32>
      %mul3A_1837 = arith.constant 128 : i32
      %mul3A_1838 = arith.muli %add3A_93, %mul3A_1837 : i32
      %add3A_1839 = arith.addi %mul3A_54, %mul3A_1838 : i32
      %add3A_1840 = vector.broadcast %add3A_1839 : i32 to vector<16xi32>
      %add3A_1841 = arith.addi %add3A_1660, %add3A_1840 : vector<16xi32>
      %lt3A_1842 = arith.constant 160000 : i32
      %lt3A_1843 = vector.broadcast %lt3A_1842 : i32 to vector<16xi32>
      %lt3A_1844 = arith.cmpi slt, %add3A_1841, %lt3A_1843 : vector<16xi32>
      tpu.vector_store_idx %arg16[%get3A_1663], %div3A_1820 masked %lt3A_1844 {add = true} : memref<10000xf32, #tpu.memory_space<vmem>>[vector<16xi32>], vector<16xf32>, vector<16xi1>
      tpu.vector_store_idx %arg17[%get3A_1663], %div3A_1828 masked %lt3A_1844 {add = true} : memref<10000xf32, #tpu.memory_space<vmem>>[vector<16xi32>], vector<16xf32>, vector<16xi1>
      tpu.vector_store_idx %arg18[%get3A_1663], %div3A_1836 masked %lt3A_1844 {add = true} : memref<10000xf32, #tpu.memory_space<vmem>>[vector<16xi32>], vector<16xf32>, vector<16xi1>
      %mul3A_1845 = arith.mulf %div3A_1820, %sub3A_1691 : vector<16xf32>
      tpu.vector_store_idx %arg19[%get3A_1663], %mul3A_1845 masked %lt3A_1844 {add = true} : memref<10000xf32, #tpu.memory_space<vmem>>[vector<16xi32>], vector<16xf32>, vector<16xi1>
      %mul3A_1846 = arith.mulf %div3A_1828, %sub3A_1692 : vector<16xf32>
      tpu.vector_store_idx %arg20[%get3A_1663], %mul3A_1846 masked %lt3A_1844 {add = true} : memref<10000xf32, #tpu.memory_space<vmem>>[vector<16xi32>], vector<16xf32>, vector<16xi1>
      %mul3A_1847 = arith.mulf %div3A_1836, %sub3A_1693 : vector<16xf32>
      tpu.vector_store_idx %arg21[%get3A_1663], %mul3A_1847 masked %lt3A_1844 {add = true} : memref<10000xf32, #tpu.memory_space<vmem>>[vector<16xi32>], vector<16xf32>, vector<16xi1>
      %add3A_1848 = arith.constant 16 : i32
      %add3A_1849 = vector.broadcast %add3A_1848 : i32 to vector<16xi32>
      %add3A_1850 = arith.addi %iota3A, %add3A_1849 : vector<16xi32>
      %get3A_1851 = arith.index_cast %add3A_93 : i32 to index
      %get3A_1852 = arith.constant 16 : index
      %get3A_1853 = tpu.vector_load %arg8[%get3A_1851, %get3A_1852] {strides = array<i32>} : memref<40x128xi32, #tpu.memory_space<vmem>>, vector<16xi32>,
      %gather3A_1854 = tpu.vector_load_idx %arg14[%add3A_1850, %broadcast_in_dim3A_22] : memref<128x16xf32, #tpu.memory_space<vmem>>[vector<16xi32>, vector<16xi32>], vector<16xf32>,
      %gather3A_1855 = tpu.vector_load_idx %arg14[%add3A_1850, %broadcast_in_dim3A_24] : memref<128x16xf32, #tpu.memory_space<vmem>>[vector<16xi32>, vector<16xi32>], vector<16xf32>,
      %gather3A_1856 = tpu.vector_load_idx %arg14[%add3A_1850, %broadcast_in_dim3A_26] : memref<128x16xf32, #tpu.memory_space<vmem>>[vector<16xi32>, vector<16xi32>], vector<16xf32>,
      %gather3A_1857 = tpu.vector_load_idx %arg14[%add3A_1850, %broadcast_in_dim3A_28] : memref<128x16xf32, #tpu.memory_space<vmem>>[vector<16xi32>, vector<16xi32>], vector<16xf32>,
      %gather3A_1858 = tpu.vector_load_idx %arg14[%add3A_1850, %broadcast_in_dim3A_30] : memref<128x16xf32, #tpu.memory_space<vmem>>[vector<16xi32>, vector<16xi32>], vector<16xf32>,
      %gather3A_1859 = tpu.vector_load_idx %arg14[%add3A_1850, %broadcast_in_dim3A_32] : memref<128x16xf32, #tpu.memory_space<vmem>>[vector<16xi32>, vector<16xi32>], vector<16xf32>,
      %gather3A_1860 = tpu.vector_load_idx %arg15[%add3A_1850, %broadcast_in_dim3A_22] : memref<128x16xf32, #tpu.memory_space<vmem>>[vector<16xi32>, vector<16xi32>], vector<16xf32>,
      %gather3A_1861 = tpu.vector_load_idx %arg15[%add3A_1850, %broadcast_in_dim3A_24] : memref<128x16xf32, #tpu.memory_space<vmem>>[vector<16xi32>, vector<16xi32>], vector<16xf32>,
      %gather3A_1862 = tpu.vector_load_idx %arg15[%add3A_1850, %broadcast_in_dim3A_26] : memref<128x16xf32, #tpu.memory_space<vmem>>[vector<16xi32>, vector<16xi32>], vector<16xf32>,
      %gather3A_1863 = tpu.vector_load_idx %arg15[%add3A_1850, %broadcast_in_dim3A_34] : memref<128x16xf32, #tpu.memory_space<vmem>>[vector<16xi32>, vector<16xi32>], vector<16xf32>,
      %gather3A_1864 = tpu.vector_load_idx %arg15[%add3A_1850, %broadcast_in_dim3A_36] : memref<128x16xf32, #tpu.memory_space<vmem>>[vector<16xi32>, vector<16xi32>], vector<16xf32>,
      %gather3A_1865 = tpu.vector_load_idx %arg15[%add3A_1850, %broadcast_in_dim3A_38] : memref<128x16xf32, #tpu.memory_space<vmem>>[vector<16xi32>, vector<16xi32>], vector<16xf32>,
      %mul3A_1866 = arith.constant 16 : i32
      %mul3A_1867 = arith.muli %add3A_93, %mul3A_1866 : i32
      %add3A_1868 = arith.constant 2 : i32
      %add3A_1869 = arith.addi %mul3A_1867, %add3A_1868 : i32
      %add3A_1870 = vector.broadcast %add3A_1869 : i32 to vector<16xi32>
      %add3A_1871 = arith.addi %shift_right_arithmetic3A_61, %add3A_1870 : vector<16xi32>
      %gather3A_1872 = tpu.vector_load_idx %arg10[%mul3A_59, %add3A_1871] : memref<24x640xf32, #tpu.memory_space<vmem>>[vector<16xi32>, vector<16xi32>], vector<16xf32>,
      %add3A_1873 = arith.constant 1 : i32
      %add3A_1874 = vector.broadcast %add3A_1873 : i32 to vector<16xi32>
      %add3A_1875 = arith.addi %mul3A_59, %add3A_1874 : vector<16xi32>
      %gather3A_1876 = tpu.vector_load_idx %arg10[%add3A_1875, %add3A_1871] : memref<24x640xf32, #tpu.memory_space<vmem>>[vector<16xi32>, vector<16xi32>], vector<16xf32>,
      %add3A_1877 = arith.constant 2 : i32
      %add3A_1878 = vector.broadcast %add3A_1877 : i32 to vector<16xi32>
      %add3A_1879 = arith.addi %mul3A_59, %add3A_1878 : vector<16xi32>
      %gather3A_1880 = tpu.vector_load_idx %arg10[%add3A_1879, %add3A_1871] : memref<24x640xf32, #tpu.memory_space<vmem>>[vector<16xi32>, vector<16xi32>], vector<16xf32>,
      %sub3A_1881 = arith.subf %gather3A_1854, %gather3A_1860 : vector<16xf32>
      %sub3A_1882 = arith.subf %gather3A_1855, %gather3A_1861 : vector<16xf32>
      %sub3A_1883 = arith.subf %gather3A_1856, %gather3A_1862 : vector<16xf32>
      %mul3A_1884 = arith.mulf %sub3A_1881, %sub3A_1881 : vector<16xf32>
      %mul3A_1885 = arith.mulf %sub3A_1882, %sub3A_1882 : vector<16xf32>
      %add3A_1886 = arith.addf %mul3A_1884, %mul3A_1885 : vector<16xf32>
      %mul3A_1887 = arith.mulf %sub3A_1883, %sub3A_1883 : vector<16xf32>
      %add3A_1888 = arith.addf %add3A_1886, %mul3A_1887 : vector<16xf32>
      %add3A_1889 = arith.addf %gather3A_1857, %gather3A_1863 : vector<16xf32>
      %add3A_1890 = arith.addf %add3A_1889, %gather3A_1872 : vector<16xf32>
      %get3A_1891 = arith.constant 12 : i32
      %get3A_1892 = arith.index_cast %get3A_1891 : i32 to index
      %get3A_1893 = arith.constant 0 : index
      %get3A_1894 = tpu.vector_load %arg11[%get3A_1892, %get3A_1893] {strides = array<i32>} : memref<16x16xf32, #tpu.memory_space<vmem>>, vector<16xf32>,
      %mul3A_1895 = arith.mulf %add3A_1888, %get3A_1894 : vector<16xf32>
      %add3A_1896 = arith.addf %add3A_1890, %mul3A_1895 : vector<16xf32>
      %add3A_1897 = arith.addf %gather3A_1858, %gather3A_1864 : vector<16xf32>
      %add3A_1898 = arith.addf %add3A_1897, %gather3A_1876 : vector<16xf32>
      %get3A_1899 = arith.constant 13 : i32
      %get3A_1900 = arith.index_cast %get3A_1899 : i32 to index
      %get3A_1901 = arith.constant 0 : index
      %get3A_1902 = tpu.vector_load %arg11[%get3A_1900, %get3A_1901] {strides = array<i32>} : memref<16x16xf32, #tpu.memory_space<vmem>>, vector<16xf32>,
      %mul3A_1903 = arith.mulf %add3A_1888, %get3A_1902 : vector<16xf32>
      %add3A_1904 = arith.addf %add3A_1898, %mul3A_1903 : vector<16xf32>
      %add3A_1905 = arith.addf %gather3A_1859, %gather3A_1865 : vector<16xf32>
      %add3A_1906 = arith.addf %add3A_1905, %gather3A_1880 : vector<16xf32>
      %get3A_1907 = arith.constant 14 : i32
      %get3A_1908 = arith.index_cast %get3A_1907 : i32 to index
      %get3A_1909 = arith.constant 0 : index
      %get3A_1910 = tpu.vector_load %arg11[%get3A_1908, %get3A_1909] {strides = array<i32>} : memref<16x16xf32, #tpu.memory_space<vmem>>, vector<16xf32>,
      %mul3A_1911 = arith.mulf %add3A_1888, %get3A_1910 : vector<16xf32>
      %add3A_1912 = arith.addf %add3A_1906, %mul3A_1911 : vector<16xf32>
      %neg3A_1913 = arith.constant 0.000000e+00 : f32
      %neg3A_1914 = vector.broadcast %neg3A_1913 : f32 to vector<16xf32>
      %neg3A_1915 = arith.subf %neg3A_1914, %add3A_1896 : vector<16xf32>
      %exp3A_1916 = math.exp %neg3A_1915 : vector<16xf32>
      %add3A_1917 = arith.constant 1.000000e+00 : f32
      %add3A_1918 = vector.broadcast %add3A_1917 : f32 to vector<16xf32>
      %add3A_1919 = arith.addf %add3A_1918, %exp3A_1916 : vector<16xf32>
      %div3A_1920 = arith.divf %add3A_1896, %add3A_1919 : vector<16xf32>
      %neg3A_1921 = arith.constant 0.000000e+00 : f32
      %neg3A_1922 = vector.broadcast %neg3A_1921 : f32 to vector<16xf32>
      %neg3A_1923 = arith.subf %neg3A_1922, %add3A_1904 : vector<16xf32>
      %exp3A_1924 = math.exp %neg3A_1923 : vector<16xf32>
      %add3A_1925 = arith.constant 1.000000e+00 : f32
      %add3A_1926 = vector.broadcast %add3A_1925 : f32 to vector<16xf32>
      %add3A_1927 = arith.addf %add3A_1926, %exp3A_1924 : vector<16xf32>
      %div3A_1928 = arith.divf %add3A_1904, %add3A_1927 : vector<16xf32>
      %neg3A_1929 = arith.constant 0.000000e+00 : f32
      %neg3A_1930 = vector.broadcast %neg3A_1929 : f32 to vector<16xf32>
      %neg3A_1931 = arith.subf %neg3A_1930, %add3A_1912 : vector<16xf32>
      %exp3A_1932 = math.exp %neg3A_1931 : vector<16xf32>
      %add3A_1933 = arith.constant 1.000000e+00 : f32
      %add3A_1934 = vector.broadcast %add3A_1933 : f32 to vector<16xf32>
      %add3A_1935 = arith.addf %add3A_1934, %exp3A_1932 : vector<16xf32>
      %div3A_1936 = arith.divf %add3A_1912, %add3A_1935 : vector<16xf32>
      %get3A_1937 = arith.constant 0 : i32
      %get3A_1938 = arith.index_cast %get3A_1937 : i32 to index
      %get3A_1939 = arith.constant 0 : index
      %get3A_1940 = tpu.vector_load %arg11[%get3A_1938, %get3A_1939] {strides = array<i32>} : memref<16x16xf32, #tpu.memory_space<vmem>>, vector<16xf32>,
      %mul3A_1941 = arith.mulf %div3A_1920, %get3A_1940 : vector<16xf32>
      %get3A_1942 = arith.constant 3 : i32
      %get3A_1943 = arith.index_cast %get3A_1942 : i32 to index
      %get3A_1944 = arith.constant 0 : index
      %get3A_1945 = tpu.vector_load %arg11[%get3A_1943, %get3A_1944] {strides = array<i32>} : memref<16x16xf32, #tpu.memory_space<vmem>>, vector<16xf32>,
      %mul3A_1946 = arith.mulf %div3A_1928, %get3A_1945 : vector<16xf32>
      %add3A_1947 = arith.addf %mul3A_1941, %mul3A_1946 : vector<16xf32>
      %get3A_1948 = arith.constant 6 : i32
      %get3A_1949 = arith.index_cast %get3A_1948 : i32 to index
      %get3A_1950 = arith.constant 0 : index
      %get3A_1951 = tpu.vector_load %arg11[%get3A_1949, %get3A_1950] {strides = array<i32>} : memref<16x16xf32, #tpu.memory_space<vmem>>, vector<16xf32>,
      %mul3A_1952 = arith.mulf %div3A_1936, %get3A_1951 : vector<16xf32>
      %add3A_1953 = arith.addf %add3A_1947, %mul3A_1952 : vector<16xf32>
      %get3A_1954 = arith.constant 9 : i32
      %get3A_1955 = arith.index_cast %get3A_1954 : i32 to index
      %get3A_1956 = arith.constant 0 : index
      %get3A_1957 = tpu.vector_load %arg11[%get3A_1955, %get3A_1956] {strides = array<i32>} : memref<16x16xf32, #tpu.memory_space<vmem>>, vector<16xf32>,
      %add3A_1958 = arith.addf %add3A_1953, %get3A_1957 : vector<16xf32>
      %get3A_1959 = arith.constant 1 : i32
      %get3A_1960 = arith.index_cast %get3A_1959 : i32 to index
      %get3A_1961 = arith.constant 0 : index
      %get3A_1962 = tpu.vector_load %arg11[%get3A_1960, %get3A_1961] {strides = array<i32>} : memref<16x16xf32, #tpu.memory_space<vmem>>, vector<16xf32>,
      %mul3A_1963 = arith.mulf %div3A_1920, %get3A_1962 : vector<16xf32>
      %get3A_1964 = arith.constant 4 : i32
      %get3A_1965 = arith.index_cast %get3A_1964 : i32 to index
      %get3A_1966 = arith.constant 0 : index
      %get3A_1967 = tpu.vector_load %arg11[%get3A_1965, %get3A_1966] {strides = array<i32>} : memref<16x16xf32, #tpu.memory_space<vmem>>, vector<16xf32>,
      %mul3A_1968 = arith.mulf %div3A_1928, %get3A_1967 : vector<16xf32>
      %add3A_1969 = arith.addf %mul3A_1963, %mul3A_1968 : vector<16xf32>
      %get3A_1970 = arith.constant 7 : i32
      %get3A_1971 = arith.index_cast %get3A_1970 : i32 to index
      %get3A_1972 = arith.constant 0 : index
      %get3A_1973 = tpu.vector_load %arg11[%get3A_1971, %get3A_1972] {strides = array<i32>} : memref<16x16xf32, #tpu.memory_space<vmem>>, vector<16xf32>,
      %mul3A_1974 = arith.mulf %div3A_1936, %get3A_1973 : vector<16xf32>
      %add3A_1975 = arith.addf %add3A_1969, %mul3A_1974 : vector<16xf32>
      %get3A_1976 = arith.constant 10 : i32
      %get3A_1977 = arith.index_cast %get3A_1976 : i32 to index
      %get3A_1978 = arith.constant 0 : index
      %get3A_1979 = tpu.vector_load %arg11[%get3A_1977, %get3A_1978] {strides = array<i32>} : memref<16x16xf32, #tpu.memory_space<vmem>>, vector<16xf32>,
      %add3A_1980 = arith.addf %add3A_1975, %get3A_1979 : vector<16xf32>
      %get3A_1981 = arith.constant 2 : i32
      %get3A_1982 = arith.index_cast %get3A_1981 : i32 to index
      %get3A_1983 = arith.constant 0 : index
      %get3A_1984 = tpu.vector_load %arg11[%get3A_1982, %get3A_1983] {strides = array<i32>} : memref<16x16xf32, #tpu.memory_space<vmem>>, vector<16xf32>,
      %mul3A_1985 = arith.mulf %div3A_1920, %get3A_1984 : vector<16xf32>
      %get3A_1986 = arith.constant 5 : i32
      %get3A_1987 = arith.index_cast %get3A_1986 : i32 to index
      %get3A_1988 = arith.constant 0 : index
      %get3A_1989 = tpu.vector_load %arg11[%get3A_1987, %get3A_1988] {strides = array<i32>} : memref<16x16xf32, #tpu.memory_space<vmem>>, vector<16xf32>,
      %mul3A_1990 = arith.mulf %div3A_1928, %get3A_1989 : vector<16xf32>
      %add3A_1991 = arith.addf %mul3A_1985, %mul3A_1990 : vector<16xf32>
      %get3A_1992 = arith.constant 8 : i32
      %get3A_1993 = arith.index_cast %get3A_1992 : i32 to index
      %get3A_1994 = arith.constant 0 : index
      %get3A_1995 = tpu.vector_load %arg11[%get3A_1993, %get3A_1994] {strides = array<i32>} : memref<16x16xf32, #tpu.memory_space<vmem>>, vector<16xf32>,
      %mul3A_1996 = arith.mulf %div3A_1936, %get3A_1995 : vector<16xf32>
      %add3A_1997 = arith.addf %add3A_1991, %mul3A_1996 : vector<16xf32>
      %get3A_1998 = arith.constant 11 : i32
      %get3A_1999 = arith.index_cast %get3A_1998 : i32 to index
      %get3A_2000 = arith.constant 0 : index
      %get3A_2001 = tpu.vector_load %arg11[%get3A_1999, %get3A_2000] {strides = array<i32>} : memref<16x16xf32, #tpu.memory_space<vmem>>, vector<16xf32>,
      %add3A_2002 = arith.addf %add3A_1997, %get3A_2001 : vector<16xf32>
      %neg3A_2003 = arith.constant 0.000000e+00 : f32
      %neg3A_2004 = vector.broadcast %neg3A_2003 : f32 to vector<16xf32>
      %neg3A_2005 = arith.subf %neg3A_2004, %add3A_1958 : vector<16xf32>
      %exp3A_2006 = math.exp %neg3A_2005 : vector<16xf32>
      %add3A_2007 = arith.constant 1.000000e+00 : f32
      %add3A_2008 = vector.broadcast %add3A_2007 : f32 to vector<16xf32>
      %add3A_2009 = arith.addf %add3A_2008, %exp3A_2006 : vector<16xf32>
      %div3A_2010 = arith.divf %add3A_1958, %add3A_2009 : vector<16xf32>
      %neg3A_2011 = arith.constant 0.000000e+00 : f32
      %neg3A_2012 = vector.broadcast %neg3A_2011 : f32 to vector<16xf32>
      %neg3A_2013 = arith.subf %neg3A_2012, %add3A_1980 : vector<16xf32>
      %exp3A_2014 = math.exp %neg3A_2013 : vector<16xf32>
      %add3A_2015 = arith.constant 1.000000e+00 : f32
      %add3A_2016 = vector.broadcast %add3A_2015 : f32 to vector<16xf32>
      %add3A_2017 = arith.addf %add3A_2016, %exp3A_2014 : vector<16xf32>
      %div3A_2018 = arith.divf %add3A_1980, %add3A_2017 : vector<16xf32>
      %neg3A_2019 = arith.constant 0.000000e+00 : f32
      %neg3A_2020 = vector.broadcast %neg3A_2019 : f32 to vector<16xf32>
      %neg3A_2021 = arith.subf %neg3A_2020, %add3A_2002 : vector<16xf32>
      %exp3A_2022 = math.exp %neg3A_2021 : vector<16xf32>
      %add3A_2023 = arith.constant 1.000000e+00 : f32
      %add3A_2024 = vector.broadcast %add3A_2023 : f32 to vector<16xf32>
      %add3A_2025 = arith.addf %add3A_2024, %exp3A_2022 : vector<16xf32>
      %div3A_2026 = arith.divf %add3A_2002, %add3A_2025 : vector<16xf32>
      %mul3A_2027 = arith.constant 128 : i32
      %mul3A_2028 = arith.muli %add3A_93, %mul3A_2027 : i32
      %add3A_2029 = arith.addi %mul3A_54, %mul3A_2028 : i32
      %add3A_2030 = vector.broadcast %add3A_2029 : i32 to vector<16xi32>
      %add3A_2031 = arith.addi %add3A_1850, %add3A_2030 : vector<16xi32>
      %lt3A_2032 = arith.constant 160000 : i32
      %lt3A_2033 = vector.broadcast %lt3A_2032 : i32 to vector<16xi32>
      %lt3A_2034 = arith.cmpi slt, %add3A_2031, %lt3A_2033 : vector<16xi32>
      tpu.vector_store_idx %arg16[%get3A_1853], %div3A_2010 masked %lt3A_2034 {add = true} : memref<10000xf32, #tpu.memory_space<vmem>>[vector<16xi32>], vector<16xf32>, vector<16xi1>
      tpu.vector_store_idx %arg17[%get3A_1853], %div3A_2018 masked %lt3A_2034 {add = true} : memref<10000xf32, #tpu.memory_space<vmem>>[vector<16xi32>], vector<16xf32>, vector<16xi1>
      tpu.vector_store_idx %arg18[%get3A_1853], %div3A_2026 masked %lt3A_2034 {add = true} : memref<10000xf32, #tpu.memory_space<vmem>>[vector<16xi32>], vector<16xf32>, vector<16xi1>
      %mul3A_2035 = arith.mulf %div3A_2010, %sub3A_1881 : vector<16xf32>
      tpu.vector_store_idx %arg19[%get3A_1853], %mul3A_2035 masked %lt3A_2034 {add = true} : memref<10000xf32, #tpu.memory_space<vmem>>[vector<16xi32>], vector<16xf32>, vector<16xi1>
      %mul3A_2036 = arith.mulf %div3A_2018, %sub3A_1882 : vector<16xf32>
      tpu.vector_store_idx %arg20[%get3A_1853], %mul3A_2036 masked %lt3A_2034 {add = true} : memref<10000xf32, #tpu.memory_space<vmem>>[vector<16xi32>], vector<16xf32>, vector<16xi1>
      %mul3A_2037 = arith.mulf %div3A_2026, %sub3A_1883 : vector<16xf32>
      tpu.vector_store_idx %arg21[%get3A_1853], %mul3A_2037 masked %lt3A_2034 {add = true} : memref<10000xf32, #tpu.memory_space<vmem>>[vector<16xi32>], vector<16xf32>, vector<16xi1>
      %add3A_2038 = arith.constant 32 : i32
      %add3A_2039 = vector.broadcast %add3A_2038 : i32 to vector<16xi32>
      %add3A_2040 = arith.addi %iota3A, %add3A_2039 : vector<16xi32>
      %get3A_2041 = arith.index_cast %add3A_93 : i32 to index
      %get3A_2042 = arith.constant 32 : index
      %get3A_2043 = tpu.vector_load %arg8[%get3A_2041, %get3A_2042] {strides = array<i32>} : memref<40x128xi32, #tpu.memory_space<vmem>>, vector<16xi32>,
      %gather3A_2044 = tpu.vector_load_idx %arg14[%add3A_2040, %broadcast_in_dim3A_22] : memref<128x16xf32, #tpu.memory_space<vmem>>[vector<16xi32>, vector<16xi32>], vector<16xf32>,
      %gather3A_2045 = tpu.vector_load_idx %arg14[%add3A_2040, %broadcast_in_dim3A_24] : memref<128x16xf32, #tpu.memory_space<vmem>>[vector<16xi32>, vector<16xi32>], vector<16xf32>,
      %gather3A_2046 = tpu.vector_load_idx %arg14[%add3A_2040, %broadcast_in_dim3A_26] : memref<128x16xf32, #tpu.memory_space<vmem>>[vector<16xi32>, vector<16xi32>], vector<16xf32>,
      %gather3A_2047 = tpu.vector_load_idx %arg14[%add3A_2040, %broadcast_in_dim3A_28] : memref<128x16xf32, #tpu.memory_space<vmem>>[vector<16xi32>, vector<16xi32>], vector<16xf32>,
      %gather3A_2048 = tpu.vector_load_idx %arg14[%add3A_2040, %broadcast_in_dim3A_30] : memref<128x16xf32, #tpu.memory_space<vmem>>[vector<16xi32>, vector<16xi32>], vector<16xf32>,
      %gather3A_2049 = tpu.vector_load_idx %arg14[%add3A_2040, %broadcast_in_dim3A_32] : memref<128x16xf32, #tpu.memory_space<vmem>>[vector<16xi32>, vector<16xi32>], vector<16xf32>,
      %gather3A_2050 = tpu.vector_load_idx %arg15[%add3A_2040, %broadcast_in_dim3A_22] : memref<128x16xf32, #tpu.memory_space<vmem>>[vector<16xi32>, vector<16xi32>], vector<16xf32>,
      %gather3A_2051 = tpu.vector_load_idx %arg15[%add3A_2040, %broadcast_in_dim3A_24] : memref<128x16xf32, #tpu.memory_space<vmem>>[vector<16xi32>, vector<16xi32>], vector<16xf32>,
      %gather3A_2052 = tpu.vector_load_idx %arg15[%add3A_2040, %broadcast_in_dim3A_26] : memref<128x16xf32, #tpu.memory_space<vmem>>[vector<16xi32>, vector<16xi32>], vector<16xf32>,
      %gather3A_2053 = tpu.vector_load_idx %arg15[%add3A_2040, %broadcast_in_dim3A_34] : memref<128x16xf32, #tpu.memory_space<vmem>>[vector<16xi32>, vector<16xi32>], vector<16xf32>,
      %gather3A_2054 = tpu.vector_load_idx %arg15[%add3A_2040, %broadcast_in_dim3A_36] : memref<128x16xf32, #tpu.memory_space<vmem>>[vector<16xi32>, vector<16xi32>], vector<16xf32>,
      %gather3A_2055 = tpu.vector_load_idx %arg15[%add3A_2040, %broadcast_in_dim3A_38] : memref<128x16xf32, #tpu.memory_space<vmem>>[vector<16xi32>, vector<16xi32>], vector<16xf32>,
      %mul3A_2056 = arith.constant 16 : i32
      %mul3A_2057 = arith.muli %add3A_93, %mul3A_2056 : i32
      %add3A_2058 = arith.constant 4 : i32
      %add3A_2059 = arith.addi %mul3A_2057, %add3A_2058 : i32
      %add3A_2060 = vector.broadcast %add3A_2059 : i32 to vector<16xi32>
      %add3A_2061 = arith.addi %shift_right_arithmetic3A_61, %add3A_2060 : vector<16xi32>
      %gather3A_2062 = tpu.vector_load_idx %arg10[%mul3A_59, %add3A_2061] : memref<24x640xf32, #tpu.memory_space<vmem>>[vector<16xi32>, vector<16xi32>], vector<16xf32>,
      %add3A_2063 = arith.constant 1 : i32
      %add3A_2064 = vector.broadcast %add3A_2063 : i32 to vector<16xi32>
      %add3A_2065 = arith.addi %mul3A_59, %add3A_2064 : vector<16xi32>
      %gather3A_2066 = tpu.vector_load_idx %arg10[%add3A_2065, %add3A_2061] : memref<24x640xf32, #tpu.memory_space<vmem>>[vector<16xi32>, vector<16xi32>], vector<16xf32>,
      %add3A_2067 = arith.constant 2 : i32
      %add3A_2068 = vector.broadcast %add3A_2067 : i32 to vector<16xi32>
      %add3A_2069 = arith.addi %mul3A_59, %add3A_2068 : vector<16xi32>
      %gather3A_2070 = tpu.vector_load_idx %arg10[%add3A_2069, %add3A_2061] : memref<24x640xf32, #tpu.memory_space<vmem>>[vector<16xi32>, vector<16xi32>], vector<16xf32>,
      %sub3A_2071 = arith.subf %gather3A_2044, %gather3A_2050 : vector<16xf32>
      %sub3A_2072 = arith.subf %gather3A_2045, %gather3A_2051 : vector<16xf32>
      %sub3A_2073 = arith.subf %gather3A_2046, %gather3A_2052 : vector<16xf32>
      %mul3A_2074 = arith.mulf %sub3A_2071, %sub3A_2071 : vector<16xf32>
      %mul3A_2075 = arith.mulf %sub3A_2072, %sub3A_2072 : vector<16xf32>
      %add3A_2076 = arith.addf %mul3A_2074, %mul3A_2075 : vector<16xf32>
      %mul3A_2077 = arith.mulf %sub3A_2073, %sub3A_2073 : vector<16xf32>
      %add3A_2078 = arith.addf %add3A_2076, %mul3A_2077 : vector<16xf32>
      %add3A_2079 = arith.addf %gather3A_2047, %gather3A_2053 : vector<16xf32>
      %add3A_2080 = arith.addf %add3A_2079, %gather3A_2062 : vector<16xf32>
      %get3A_2081 = arith.constant 12 : i32
      %get3A_2082 = arith.index_cast %get3A_2081 : i32 to index
      %get3A_2083 = arith.constant 0 : index
      %get3A_2084 = tpu.vector_load %arg11[%get3A_2082, %get3A_2083] {strides = array<i32>} : memref<16x16xf32, #tpu.memory_space<vmem>>, vector<16xf32>,
      %mul3A_2085 = arith.mulf %add3A_2078, %get3A_2084 : vector<16xf32>
      %add3A_2086 = arith.addf %add3A_2080, %mul3A_2085 : vector<16xf32>
      %add3A_2087 = arith.addf %gather3A_2048, %gather3A_2054 : vector<16xf32>
      %add3A_2088 = arith.addf %add3A_2087, %gather3A_2066 : vector<16xf32>
      %get3A_2089 = arith.constant 13 : i32
      %get3A_2090 = arith.index_cast %get3A_2089 : i32 to index
      %get3A_2091 = arith.constant 0 : index
      %get3A_2092 = tpu.vector_load %arg11[%get3A_2090, %get3A_2091] {strides = array<i32>} : memref<16x16xf32, #tpu.memory_space<vmem>>, vector<16xf32>,
      %mul3A_2093 = arith.mulf %add3A_2078, %get3A_2092 : vector<16xf32>
      %add3A_2094 = arith.addf %add3A_2088, %mul3A_2093 : vector<16xf32>
      %add3A_2095 = arith.addf %gather3A_2049, %gather3A_2055 : vector<16xf32>
      %add3A_2096 = arith.addf %add3A_2095, %gather3A_2070 : vector<16xf32>
      %get3A_2097 = arith.constant 14 : i32
      %get3A_2098 = arith.index_cast %get3A_2097 : i32 to index
      %get3A_2099 = arith.constant 0 : index
      %get3A_2100 = tpu.vector_load %arg11[%get3A_2098, %get3A_2099] {strides = array<i32>} : memref<16x16xf32, #tpu.memory_space<vmem>>, vector<16xf32>,
      %mul3A_2101 = arith.mulf %add3A_2078, %get3A_2100 : vector<16xf32>
      %add3A_2102 = arith.addf %add3A_2096, %mul3A_2101 : vector<16xf32>
      %neg3A_2103 = arith.constant 0.000000e+00 : f32
      %neg3A_2104 = vector.broadcast %neg3A_2103 : f32 to vector<16xf32>
      %neg3A_2105 = arith.subf %neg3A_2104, %add3A_2086 : vector<16xf32>
      %exp3A_2106 = math.exp %neg3A_2105 : vector<16xf32>
      %add3A_2107 = arith.constant 1.000000e+00 : f32
      %add3A_2108 = vector.broadcast %add3A_2107 : f32 to vector<16xf32>
      %add3A_2109 = arith.addf %add3A_2108, %exp3A_2106 : vector<16xf32>
      %div3A_2110 = arith.divf %add3A_2086, %add3A_2109 : vector<16xf32>
      %neg3A_2111 = arith.constant 0.000000e+00 : f32
      %neg3A_2112 = vector.broadcast %neg3A_2111 : f32 to vector<16xf32>
      %neg3A_2113 = arith.subf %neg3A_2112, %add3A_2094 : vector<16xf32>
      %exp3A_2114 = math.exp %neg3A_2113 : vector<16xf32>
      %add3A_2115 = arith.constant 1.000000e+00 : f32
      %add3A_2116 = vector.broadcast %add3A_2115 : f32 to vector<16xf32>
      %add3A_2117 = arith.addf %add3A_2116, %exp3A_2114 : vector<16xf32>
      %div3A_2118 = arith.divf %add3A_2094, %add3A_2117 : vector<16xf32>
      %neg3A_2119 = arith.constant 0.000000e+00 : f32
      %neg3A_2120 = vector.broadcast %neg3A_2119 : f32 to vector<16xf32>
      %neg3A_2121 = arith.subf %neg3A_2120, %add3A_2102 : vector<16xf32>
      %exp3A_2122 = math.exp %neg3A_2121 : vector<16xf32>
      %add3A_2123 = arith.constant 1.000000e+00 : f32
      %add3A_2124 = vector.broadcast %add3A_2123 : f32 to vector<16xf32>
      %add3A_2125 = arith.addf %add3A_2124, %exp3A_2122 : vector<16xf32>
      %div3A_2126 = arith.divf %add3A_2102, %add3A_2125 : vector<16xf32>
      %get3A_2127 = arith.constant 0 : i32
      %get3A_2128 = arith.index_cast %get3A_2127 : i32 to index
      %get3A_2129 = arith.constant 0 : index
      %get3A_2130 = tpu.vector_load %arg11[%get3A_2128, %get3A_2129] {strides = array<i32>} : memref<16x16xf32, #tpu.memory_space<vmem>>, vector<16xf32>,
      %mul3A_2131 = arith.mulf %div3A_2110, %get3A_2130 : vector<16xf32>
      %get3A_2132 = arith.constant 3 : i32
      %get3A_2133 = arith.index_cast %get3A_2132 : i32 to index
      %get3A_2134 = arith.constant 0 : index
      %get3A_2135 = tpu.vector_load %arg11[%get3A_2133, %get3A_2134] {strides = array<i32>} : memref<16x16xf32, #tpu.memory_space<vmem>>, vector<16xf32>,
      %mul3A_2136 = arith.mulf %div3A_2118, %get3A_2135 : vector<16xf32>
      %add3A_2137 = arith.addf %mul3A_2131, %mul3A_2136 : vector<16xf32>
      %get3A_2138 = arith.constant 6 : i32
      %get3A_2139 = arith.index_cast %get3A_2138 : i32 to index
      %get3A_2140 = arith.constant 0 : index
      %get3A_2141 = tpu.vector_load %arg11[%get3A_2139, %get3A_2140] {strides = array<i32>} : memref<16x16xf32, #tpu.memory_space<vmem>>, vector<16xf32>,
      %mul3A_2142 = arith.mulf %div3A_2126, %get3A_2141 : vector<16xf32>
      %add3A_2143 = arith.addf %add3A_2137, %mul3A_2142 : vector<16xf32>
      %get3A_2144 = arith.constant 9 : i32
      %get3A_2145 = arith.index_cast %get3A_2144 : i32 to index
      %get3A_2146 = arith.constant 0 : index
      %get3A_2147 = tpu.vector_load %arg11[%get3A_2145, %get3A_2146] {strides = array<i32>} : memref<16x16xf32, #tpu.memory_space<vmem>>, vector<16xf32>,
      %add3A_2148 = arith.addf %add3A_2143, %get3A_2147 : vector<16xf32>
      %get3A_2149 = arith.constant 1 : i32
      %get3A_2150 = arith.index_cast %get3A_2149 : i32 to index
      %get3A_2151 = arith.constant 0 : index
      %get3A_2152 = tpu.vector_load %arg11[%get3A_2150, %get3A_2151] {strides = array<i32>} : memref<16x16xf32, #tpu.memory_space<vmem>>, vector<16xf32>,
      %mul3A_2153 = arith.mulf %div3A_2110, %get3A_2152 : vector<16xf32>
      %get3A_2154 = arith.constant 4 : i32
      %get3A_2155 = arith.index_cast %get3A_2154 : i32 to index
      %get3A_2156 = arith.constant 0 : index
      %get3A_2157 = tpu.vector_load %arg11[%get3A_2155, %get3A_2156] {strides = array<i32>} : memref<16x16xf32, #tpu.memory_space<vmem>>, vector<16xf32>,
      %mul3A_2158 = arith.mulf %div3A_2118, %get3A_2157 : vector<16xf32>
      %add3A_2159 = arith.addf %mul3A_2153, %mul3A_2158 : vector<16xf32>
      %get3A_2160 = arith.constant 7 : i32
      %get3A_2161 = arith.index_cast %get3A_2160 : i32 to index
      %get3A_2162 = arith.constant 0 : index
      %get3A_2163 = tpu.vector_load %arg11[%get3A_2161, %get3A_2162] {strides = array<i32>} : memref<16x16xf32, #tpu.memory_space<vmem>>, vector<16xf32>,
      %mul3A_2164 = arith.mulf %div3A_2126, %get3A_2163 : vector<16xf32>
      %add3A_2165 = arith.addf %add3A_2159, %mul3A_2164 : vector<16xf32>
      %get3A_2166 = arith.constant 10 : i32
      %get3A_2167 = arith.index_cast %get3A_2166 : i32 to index
      %get3A_2168 = arith.constant 0 : index
      %get3A_2169 = tpu.vector_load %arg11[%get3A_2167, %get3A_2168] {strides = array<i32>} : memref<16x16xf32, #tpu.memory_space<vmem>>, vector<16xf32>,
      %add3A_2170 = arith.addf %add3A_2165, %get3A_2169 : vector<16xf32>
      %get3A_2171 = arith.constant 2 : i32
      %get3A_2172 = arith.index_cast %get3A_2171 : i32 to index
      %get3A_2173 = arith.constant 0 : index
      %get3A_2174 = tpu.vector_load %arg11[%get3A_2172, %get3A_2173] {strides = array<i32>} : memref<16x16xf32, #tpu.memory_space<vmem>>, vector<16xf32>,
      %mul3A_2175 = arith.mulf %div3A_2110, %get3A_2174 : vector<16xf32>
      %get3A_2176 = arith.constant 5 : i32
      %get3A_2177 = arith.index_cast %get3A_2176 : i32 to index
      %get3A_2178 = arith.constant 0 : index
      %get3A_2179 = tpu.vector_load %arg11[%get3A_2177, %get3A_2178] {strides = array<i32>} : memref<16x16xf32, #tpu.memory_space<vmem>>, vector<16xf32>,
      %mul3A_2180 = arith.mulf %div3A_2118, %get3A_2179 : vector<16xf32>
      %add3A_2181 = arith.addf %mul3A_2175, %mul3A_2180 : vector<16xf32>
      %get3A_2182 = arith.constant 8 : i32
      %get3A_2183 = arith.index_cast %get3A_2182 : i32 to index
      %get3A_2184 = arith.constant 0 : index
      %get3A_2185 = tpu.vector_load %arg11[%get3A_2183, %get3A_2184] {strides = array<i32>} : memref<16x16xf32, #tpu.memory_space<vmem>>, vector<16xf32>,
      %mul3A_2186 = arith.mulf %div3A_2126, %get3A_2185 : vector<16xf32>
      %add3A_2187 = arith.addf %add3A_2181, %mul3A_2186 : vector<16xf32>
      %get3A_2188 = arith.constant 11 : i32
      %get3A_2189 = arith.index_cast %get3A_2188 : i32 to index
      %get3A_2190 = arith.constant 0 : index
      %get3A_2191 = tpu.vector_load %arg11[%get3A_2189, %get3A_2190] {strides = array<i32>} : memref<16x16xf32, #tpu.memory_space<vmem>>, vector<16xf32>,
      %add3A_2192 = arith.addf %add3A_2187, %get3A_2191 : vector<16xf32>
      %neg3A_2193 = arith.constant 0.000000e+00 : f32
      %neg3A_2194 = vector.broadcast %neg3A_2193 : f32 to vector<16xf32>
      %neg3A_2195 = arith.subf %neg3A_2194, %add3A_2148 : vector<16xf32>
      %exp3A_2196 = math.exp %neg3A_2195 : vector<16xf32>
      %add3A_2197 = arith.constant 1.000000e+00 : f32
      %add3A_2198 = vector.broadcast %add3A_2197 : f32 to vector<16xf32>
      %add3A_2199 = arith.addf %add3A_2198, %exp3A_2196 : vector<16xf32>
      %div3A_2200 = arith.divf %add3A_2148, %add3A_2199 : vector<16xf32>
      %neg3A_2201 = arith.constant 0.000000e+00 : f32
      %neg3A_2202 = vector.broadcast %neg3A_2201 : f32 to vector<16xf32>
      %neg3A_2203 = arith.subf %neg3A_2202, %add3A_2170 : vector<16xf32>
      %exp3A_2204 = math.exp %neg3A_2203 : vector<16xf32>
      %add3A_2205 = arith.constant 1.000000e+00 : f32
      %add3A_2206 = vector.broadcast %add3A_2205 : f32 to vector<16xf32>
      %add3A_2207 = arith.addf %add3A_2206, %exp3A_2204 : vector<16xf32>
      %div3A_2208 = arith.divf %add3A_2170, %add3A_2207 : vector<16xf32>
      %neg3A_2209 = arith.constant 0.000000e+00 : f32
      %neg3A_2210 = vector.broadcast %neg3A_2209 : f32 to vector<16xf32>
      %neg3A_2211 = arith.subf %neg3A_2210, %add3A_2192 : vector<16xf32>
      %exp3A_2212 = math.exp %neg3A_2211 : vector<16xf32>
      %add3A_2213 = arith.constant 1.000000e+00 : f32
      %add3A_2214 = vector.broadcast %add3A_2213 : f32 to vector<16xf32>
      %add3A_2215 = arith.addf %add3A_2214, %exp3A_2212 : vector<16xf32>
      %div3A_2216 = arith.divf %add3A_2192, %add3A_2215 : vector<16xf32>
      %mul3A_2217 = arith.constant 128 : i32
      %mul3A_2218 = arith.muli %add3A_93, %mul3A_2217 : i32
      %add3A_2219 = arith.addi %mul3A_54, %mul3A_2218 : i32
      %add3A_2220 = vector.broadcast %add3A_2219 : i32 to vector<16xi32>
      %add3A_2221 = arith.addi %add3A_2040, %add3A_2220 : vector<16xi32>
      %lt3A_2222 = arith.constant 160000 : i32
      %lt3A_2223 = vector.broadcast %lt3A_2222 : i32 to vector<16xi32>
      %lt3A_2224 = arith.cmpi slt, %add3A_2221, %lt3A_2223 : vector<16xi32>
      tpu.vector_store_idx %arg16[%get3A_2043], %div3A_2200 masked %lt3A_2224 {add = true} : memref<10000xf32, #tpu.memory_space<vmem>>[vector<16xi32>], vector<16xf32>, vector<16xi1>
      tpu.vector_store_idx %arg17[%get3A_2043], %div3A_2208 masked %lt3A_2224 {add = true} : memref<10000xf32, #tpu.memory_space<vmem>>[vector<16xi32>], vector<16xf32>, vector<16xi1>
      tpu.vector_store_idx %arg18[%get3A_2043], %div3A_2216 masked %lt3A_2224 {add = true} : memref<10000xf32, #tpu.memory_space<vmem>>[vector<16xi32>], vector<16xf32>, vector<16xi1>
      %mul3A_2225 = arith.mulf %div3A_2200, %sub3A_2071 : vector<16xf32>
      tpu.vector_store_idx %arg19[%get3A_2043], %mul3A_2225 masked %lt3A_2224 {add = true} : memref<10000xf32, #tpu.memory_space<vmem>>[vector<16xi32>], vector<16xf32>, vector<16xi1>
      %mul3A_2226 = arith.mulf %div3A_2208, %sub3A_2072 : vector<16xf32>
      tpu.vector_store_idx %arg20[%get3A_2043], %mul3A_2226 masked %lt3A_2224 {add = true} : memref<10000xf32, #tpu.memory_space<vmem>>[vector<16xi32>], vector<16xf32>, vector<16xi1>
      %mul3A_2227 = arith.mulf %div3A_2216, %sub3A_2073 : vector<16xf32>
      tpu.vector_store_idx %arg21[%get3A_2043], %mul3A_2227 masked %lt3A_2224 {add = true} : memref<10000xf32, #tpu.memory_space<vmem>>[vector<16xi32>], vector<16xf32>, vector<16xi1>
      %add3A_2228 = arith.constant 48 : i32
      %add3A_2229 = vector.broadcast %add3A_2228 : i32 to vector<16xi32>
      %add3A_2230 = arith.addi %iota3A, %add3A_2229 : vector<16xi32>
      %get3A_2231 = arith.index_cast %add3A_93 : i32 to index
      %get3A_2232 = arith.constant 48 : index
      %get3A_2233 = tpu.vector_load %arg8[%get3A_2231, %get3A_2232] {strides = array<i32>} : memref<40x128xi32, #tpu.memory_space<vmem>>, vector<16xi32>,
      %gather3A_2234 = tpu.vector_load_idx %arg14[%add3A_2230, %broadcast_in_dim3A_22] : memref<128x16xf32, #tpu.memory_space<vmem>>[vector<16xi32>, vector<16xi32>], vector<16xf32>,
      %gather3A_2235 = tpu.vector_load_idx %arg14[%add3A_2230, %broadcast_in_dim3A_24] : memref<128x16xf32, #tpu.memory_space<vmem>>[vector<16xi32>, vector<16xi32>], vector<16xf32>,
      %gather3A_2236 = tpu.vector_load_idx %arg14[%add3A_2230, %broadcast_in_dim3A_26] : memref<128x16xf32, #tpu.memory_space<vmem>>[vector<16xi32>, vector<16xi32>], vector<16xf32>,
      %gather3A_2237 = tpu.vector_load_idx %arg14[%add3A_2230, %broadcast_in_dim3A_28] : memref<128x16xf32, #tpu.memory_space<vmem>>[vector<16xi32>, vector<16xi32>], vector<16xf32>,
      %gather3A_2238 = tpu.vector_load_idx %arg14[%add3A_2230, %broadcast_in_dim3A_30] : memref<128x16xf32, #tpu.memory_space<vmem>>[vector<16xi32>, vector<16xi32>], vector<16xf32>,
      %gather3A_2239 = tpu.vector_load_idx %arg14[%add3A_2230, %broadcast_in_dim3A_32] : memref<128x16xf32, #tpu.memory_space<vmem>>[vector<16xi32>, vector<16xi32>], vector<16xf32>,
      %gather3A_2240 = tpu.vector_load_idx %arg15[%add3A_2230, %broadcast_in_dim3A_22] : memref<128x16xf32, #tpu.memory_space<vmem>>[vector<16xi32>, vector<16xi32>], vector<16xf32>,
      %gather3A_2241 = tpu.vector_load_idx %arg15[%add3A_2230, %broadcast_in_dim3A_24] : memref<128x16xf32, #tpu.memory_space<vmem>>[vector<16xi32>, vector<16xi32>], vector<16xf32>,
      %gather3A_2242 = tpu.vector_load_idx %arg15[%add3A_2230, %broadcast_in_dim3A_26] : memref<128x16xf32, #tpu.memory_space<vmem>>[vector<16xi32>, vector<16xi32>], vector<16xf32>,
      %gather3A_2243 = tpu.vector_load_idx %arg15[%add3A_2230, %broadcast_in_dim3A_34] : memref<128x16xf32, #tpu.memory_space<vmem>>[vector<16xi32>, vector<16xi32>], vector<16xf32>,
      %gather3A_2244 = tpu.vector_load_idx %arg15[%add3A_2230, %broadcast_in_dim3A_36] : memref<128x16xf32, #tpu.memory_space<vmem>>[vector<16xi32>, vector<16xi32>], vector<16xf32>,
      %gather3A_2245 = tpu.vector_load_idx %arg15[%add3A_2230, %broadcast_in_dim3A_38] : memref<128x16xf32, #tpu.memory_space<vmem>>[vector<16xi32>, vector<16xi32>], vector<16xf32>,
      %mul3A_2246 = arith.constant 16 : i32
      %mul3A_2247 = arith.muli %add3A_93, %mul3A_2246 : i32
      %add3A_2248 = arith.constant 6 : i32
      %add3A_2249 = arith.addi %mul3A_2247, %add3A_2248 : i32
      %add3A_2250 = vector.broadcast %add3A_2249 : i32 to vector<16xi32>
      %add3A_2251 = arith.addi %shift_right_arithmetic3A_61, %add3A_2250 : vector<16xi32>
      %gather3A_2252 = tpu.vector_load_idx %arg10[%mul3A_59, %add3A_2251] : memref<24x640xf32, #tpu.memory_space<vmem>>[vector<16xi32>, vector<16xi32>], vector<16xf32>,
      %add3A_2253 = arith.constant 1 : i32
      %add3A_2254 = vector.broadcast %add3A_2253 : i32 to vector<16xi32>
      %add3A_2255 = arith.addi %mul3A_59, %add3A_2254 : vector<16xi32>
      %gather3A_2256 = tpu.vector_load_idx %arg10[%add3A_2255, %add3A_2251] : memref<24x640xf32, #tpu.memory_space<vmem>>[vector<16xi32>, vector<16xi32>], vector<16xf32>,
      %add3A_2257 = arith.constant 2 : i32
      %add3A_2258 = vector.broadcast %add3A_2257 : i32 to vector<16xi32>
      %add3A_2259 = arith.addi %mul3A_59, %add3A_2258 : vector<16xi32>
      %gather3A_2260 = tpu.vector_load_idx %arg10[%add3A_2259, %add3A_2251] : memref<24x640xf32, #tpu.memory_space<vmem>>[vector<16xi32>, vector<16xi32>], vector<16xf32>,
      %sub3A_2261 = arith.subf %gather3A_2234, %gather3A_2240 : vector<16xf32>
      %sub3A_2262 = arith.subf %gather3A_2235, %gather3A_2241 : vector<16xf32>
      %sub3A_2263 = arith.subf %gather3A_2236, %gather3A_2242 : vector<16xf32>
      %mul3A_2264 = arith.mulf %sub3A_2261, %sub3A_2261 : vector<16xf32>
      %mul3A_2265 = arith.mulf %sub3A_2262, %sub3A_2262 : vector<16xf32>
      %add3A_2266 = arith.addf %mul3A_2264, %mul3A_2265 : vector<16xf32>
      %mul3A_2267 = arith.mulf %sub3A_2263, %sub3A_2263 : vector<16xf32>
      %add3A_2268 = arith.addf %add3A_2266, %mul3A_2267 : vector<16xf32>
      %add3A_2269 = arith.addf %gather3A_2237, %gather3A_2243 : vector<16xf32>
      %add3A_2270 = arith.addf %add3A_2269, %gather3A_2252 : vector<16xf32>
      %get3A_2271 = arith.constant 12 : i32
      %get3A_2272 = arith.index_cast %get3A_2271 : i32 to index
      %get3A_2273 = arith.constant 0 : index
      %get3A_2274 = tpu.vector_load %arg11[%get3A_2272, %get3A_2273] {strides = array<i32>} : memref<16x16xf32, #tpu.memory_space<vmem>>, vector<16xf32>,
      %mul3A_2275 = arith.mulf %add3A_2268, %get3A_2274 : vector<16xf32>
      %add3A_2276 = arith.addf %add3A_2270, %mul3A_2275 : vector<16xf32>
      %add3A_2277 = arith.addf %gather3A_2238, %gather3A_2244 : vector<16xf32>
      %add3A_2278 = arith.addf %add3A_2277, %gather3A_2256 : vector<16xf32>
      %get3A_2279 = arith.constant 13 : i32
      %get3A_2280 = arith.index_cast %get3A_2279 : i32 to index
      %get3A_2281 = arith.constant 0 : index
      %get3A_2282 = tpu.vector_load %arg11[%get3A_2280, %get3A_2281] {strides = array<i32>} : memref<16x16xf32, #tpu.memory_space<vmem>>, vector<16xf32>,
      %mul3A_2283 = arith.mulf %add3A_2268, %get3A_2282 : vector<16xf32>
      %add3A_2284 = arith.addf %add3A_2278, %mul3A_2283 : vector<16xf32>
      %add3A_2285 = arith.addf %gather3A_2239, %gather3A_2245 : vector<16xf32>
      %add3A_2286 = arith.addf %add3A_2285, %gather3A_2260 : vector<16xf32>
      %get3A_2287 = arith.constant 14 : i32
      %get3A_2288 = arith.index_cast %get3A_2287 : i32 to index
      %get3A_2289 = arith.constant 0 : index
      %get3A_2290 = tpu.vector_load %arg11[%get3A_2288, %get3A_2289] {strides = array<i32>} : memref<16x16xf32, #tpu.memory_space<vmem>>, vector<16xf32>,
      %mul3A_2291 = arith.mulf %add3A_2268, %get3A_2290 : vector<16xf32>
      %add3A_2292 = arith.addf %add3A_2286, %mul3A_2291 : vector<16xf32>
      %neg3A_2293 = arith.constant 0.000000e+00 : f32
      %neg3A_2294 = vector.broadcast %neg3A_2293 : f32 to vector<16xf32>
      %neg3A_2295 = arith.subf %neg3A_2294, %add3A_2276 : vector<16xf32>
      %exp3A_2296 = math.exp %neg3A_2295 : vector<16xf32>
      %add3A_2297 = arith.constant 1.000000e+00 : f32
      %add3A_2298 = vector.broadcast %add3A_2297 : f32 to vector<16xf32>
      %add3A_2299 = arith.addf %add3A_2298, %exp3A_2296 : vector<16xf32>
      %div3A_2300 = arith.divf %add3A_2276, %add3A_2299 : vector<16xf32>
      %neg3A_2301 = arith.constant 0.000000e+00 : f32
      %neg3A_2302 = vector.broadcast %neg3A_2301 : f32 to vector<16xf32>
      %neg3A_2303 = arith.subf %neg3A_2302, %add3A_2284 : vector<16xf32>
      %exp3A_2304 = math.exp %neg3A_2303 : vector<16xf32>
      %add3A_2305 = arith.constant 1.000000e+00 : f32
      %add3A_2306 = vector.broadcast %add3A_2305 : f32 to vector<16xf32>
      %add3A_2307 = arith.addf %add3A_2306, %exp3A_2304 : vector<16xf32>
      %div3A_2308 = arith.divf %add3A_2284, %add3A_2307 : vector<16xf32>
      %neg3A_2309 = arith.constant 0.000000e+00 : f32
      %neg3A_2310 = vector.broadcast %neg3A_2309 : f32 to vector<16xf32>
      %neg3A_2311 = arith.subf %neg3A_2310, %add3A_2292 : vector<16xf32>
      %exp3A_2312 = math.exp %neg3A_2311 : vector<16xf32>
      %add3A_2313 = arith.constant 1.000000e+00 : f32
      %add3A_2314 = vector.broadcast %add3A_2313 : f32 to vector<16xf32>
      %add3A_2315 = arith.addf %add3A_2314, %exp3A_2312 : vector<16xf32>
      %div3A_2316 = arith.divf %add3A_2292, %add3A_2315 : vector<16xf32>
      %get3A_2317 = arith.constant 0 : i32
      %get3A_2318 = arith.index_cast %get3A_2317 : i32 to index
      %get3A_2319 = arith.constant 0 : index
      %get3A_2320 = tpu.vector_load %arg11[%get3A_2318, %get3A_2319] {strides = array<i32>} : memref<16x16xf32, #tpu.memory_space<vmem>>, vector<16xf32>,
      %mul3A_2321 = arith.mulf %div3A_2300, %get3A_2320 : vector<16xf32>
      %get3A_2322 = arith.constant 3 : i32
      %get3A_2323 = arith.index_cast %get3A_2322 : i32 to index
      %get3A_2324 = arith.constant 0 : index
      %get3A_2325 = tpu.vector_load %arg11[%get3A_2323, %get3A_2324] {strides = array<i32>} : memref<16x16xf32, #tpu.memory_space<vmem>>, vector<16xf32>,
      %mul3A_2326 = arith.mulf %div3A_2308, %get3A_2325 : vector<16xf32>
      %add3A_2327 = arith.addf %mul3A_2321, %mul3A_2326 : vector<16xf32>
      %get3A_2328 = arith.constant 6 : i32
      %get3A_2329 = arith.index_cast %get3A_2328 : i32 to index
      %get3A_2330 = arith.constant 0 : index
      %get3A_2331 = tpu.vector_load %arg11[%get3A_2329, %get3A_2330] {strides = array<i32>} : memref<16x16xf32, #tpu.memory_space<vmem>>, vector<16xf32>,
      %mul3A_2332 = arith.mulf %div3A_2316, %get3A_2331 : vector<16xf32>
      %add3A_2333 = arith.addf %add3A_2327, %mul3A_2332 : vector<16xf32>
      %get3A_2334 = arith.constant 9 : i32
      %get3A_2335 = arith.index_cast %get3A_2334 : i32 to index
      %get3A_2336 = arith.constant 0 : index
      %get3A_2337 = tpu.vector_load %arg11[%get3A_2335, %get3A_2336] {strides = array<i32>} : memref<16x16xf32, #tpu.memory_space<vmem>>, vector<16xf32>,
      %add3A_2338 = arith.addf %add3A_2333, %get3A_2337 : vector<16xf32>
      %get3A_2339 = arith.constant 1 : i32
      %get3A_2340 = arith.index_cast %get3A_2339 : i32 to index
      %get3A_2341 = arith.constant 0 : index
      %get3A_2342 = tpu.vector_load %arg11[%get3A_2340, %get3A_2341] {strides = array<i32>} : memref<16x16xf32, #tpu.memory_space<vmem>>, vector<16xf32>,
      %mul3A_2343 = arith.mulf %div3A_2300, %get3A_2342 : vector<16xf32>
      %get3A_2344 = arith.constant 4 : i32
      %get3A_2345 = arith.index_cast %get3A_2344 : i32 to index
      %get3A_2346 = arith.constant 0 : index
      %get3A_2347 = tpu.vector_load %arg11[%get3A_2345, %get3A_2346] {strides = array<i32>} : memref<16x16xf32, #tpu.memory_space<vmem>>, vector<16xf32>,
      %mul3A_2348 = arith.mulf %div3A_2308, %get3A_2347 : vector<16xf32>
      %add3A_2349 = arith.addf %mul3A_2343, %mul3A_2348 : vector<16xf32>
      %get3A_2350 = arith.constant 7 : i32
      %get3A_2351 = arith.index_cast %get3A_2350 : i32 to index
      %get3A_2352 = arith.constant 0 : index
      %get3A_2353 = tpu.vector_load %arg11[%get3A_2351, %get3A_2352] {strides = array<i32>} : memref<16x16xf32, #tpu.memory_space<vmem>>, vector<16xf32>,
      %mul3A_2354 = arith.mulf %div3A_2316, %get3A_2353 : vector<16xf32>
      %add3A_2355 = arith.addf %add3A_2349, %mul3A_2354 : vector<16xf32>
      %get3A_2356 = arith.constant 10 : i32
      %get3A_2357 = arith.index_cast %get3A_2356 : i32 to index
      %get3A_2358 = arith.constant 0 : index
      %get3A_2359 = tpu.vector_load %arg11[%get3A_2357, %get3A_2358] {strides = array<i32>} : memref<16x16xf32, #tpu.memory_space<vmem>>, vector<16xf32>,
      %add3A_2360 = arith.addf %add3A_2355, %get3A_2359 : vector<16xf32>
      %get3A_2361 = arith.constant 2 : i32
      %get3A_2362 = arith.index_cast %get3A_2361 : i32 to index
      %get3A_2363 = arith.constant 0 : index
      %get3A_2364 = tpu.vector_load %arg11[%get3A_2362, %get3A_2363] {strides = array<i32>} : memref<16x16xf32, #tpu.memory_space<vmem>>, vector<16xf32>,
      %mul3A_2365 = arith.mulf %div3A_2300, %get3A_2364 : vector<16xf32>
      %get3A_2366 = arith.constant 5 : i32
      %get3A_2367 = arith.index_cast %get3A_2366 : i32 to index
      %get3A_2368 = arith.constant 0 : index
      %get3A_2369 = tpu.vector_load %arg11[%get3A_2367, %get3A_2368] {strides = array<i32>} : memref<16x16xf32, #tpu.memory_space<vmem>>, vector<16xf32>,
      %mul3A_2370 = arith.mulf %div3A_2308, %get3A_2369 : vector<16xf32>
      %add3A_2371 = arith.addf %mul3A_2365, %mul3A_2370 : vector<16xf32>
      %get3A_2372 = arith.constant 8 : i32
      %get3A_2373 = arith.index_cast %get3A_2372 : i32 to index
      %get3A_2374 = arith.constant 0 : index
      %get3A_2375 = tpu.vector_load %arg11[%get3A_2373, %get3A_2374] {strides = array<i32>} : memref<16x16xf32, #tpu.memory_space<vmem>>, vector<16xf32>,
      %mul3A_2376 = arith.mulf %div3A_2316, %get3A_2375 : vector<16xf32>
      %add3A_2377 = arith.addf %add3A_2371, %mul3A_2376 : vector<16xf32>
      %get3A_2378 = arith.constant 11 : i32
      %get3A_2379 = arith.index_cast %get3A_2378 : i32 to index
      %get3A_2380 = arith.constant 0 : index
      %get3A_2381 = tpu.vector_load %arg11[%get3A_2379, %get3A_2380] {strides = array<i32>} : memref<16x16xf32, #tpu.memory_space<vmem>>, vector<16xf32>,
      %add3A_2382 = arith.addf %add3A_2377, %get3A_2381 : vector<16xf32>
      %neg3A_2383 = arith.constant 0.000000e+00 : f32
      %neg3A_2384 = vector.broadcast %neg3A_2383 : f32 to vector<16xf32>
      %neg3A_2385 = arith.subf %neg3A_2384, %add3A_2338 : vector<16xf32>
      %exp3A_2386 = math.exp %neg3A_2385 : vector<16xf32>
      %add3A_2387 = arith.constant 1.000000e+00 : f32
      %add3A_2388 = vector.broadcast %add3A_2387 : f32 to vector<16xf32>
      %add3A_2389 = arith.addf %add3A_2388, %exp3A_2386 : vector<16xf32>
      %div3A_2390 = arith.divf %add3A_2338, %add3A_2389 : vector<16xf32>
      %neg3A_2391 = arith.constant 0.000000e+00 : f32
      %neg3A_2392 = vector.broadcast %neg3A_2391 : f32 to vector<16xf32>
      %neg3A_2393 = arith.subf %neg3A_2392, %add3A_2360 : vector<16xf32>
      %exp3A_2394 = math.exp %neg3A_2393 : vector<16xf32>
      %add3A_2395 = arith.constant 1.000000e+00 : f32
      %add3A_2396 = vector.broadcast %add3A_2395 : f32 to vector<16xf32>
      %add3A_2397 = arith.addf %add3A_2396, %exp3A_2394 : vector<16xf32>
      %div3A_2398 = arith.divf %add3A_2360, %add3A_2397 : vector<16xf32>
      %neg3A_2399 = arith.constant 0.000000e+00 : f32
      %neg3A_2400 = vector.broadcast %neg3A_2399 : f32 to vector<16xf32>
      %neg3A_2401 = arith.subf %neg3A_2400, %add3A_2382 : vector<16xf32>
      %exp3A_2402 = math.exp %neg3A_2401 : vector<16xf32>
      %add3A_2403 = arith.constant 1.000000e+00 : f32
      %add3A_2404 = vector.broadcast %add3A_2403 : f32 to vector<16xf32>
      %add3A_2405 = arith.addf %add3A_2404, %exp3A_2402 : vector<16xf32>
      %div3A_2406 = arith.divf %add3A_2382, %add3A_2405 : vector<16xf32>
      %mul3A_2407 = arith.constant 128 : i32
      %mul3A_2408 = arith.muli %add3A_93, %mul3A_2407 : i32
      %add3A_2409 = arith.addi %mul3A_54, %mul3A_2408 : i32
      %add3A_2410 = vector.broadcast %add3A_2409 : i32 to vector<16xi32>
      %add3A_2411 = arith.addi %add3A_2230, %add3A_2410 : vector<16xi32>
      %lt3A_2412 = arith.constant 160000 : i32
      %lt3A_2413 = vector.broadcast %lt3A_2412 : i32 to vector<16xi32>
      %lt3A_2414 = arith.cmpi slt, %add3A_2411, %lt3A_2413 : vector<16xi32>
      tpu.vector_store_idx %arg16[%get3A_2233], %div3A_2390 masked %lt3A_2414 {add = true} : memref<10000xf32, #tpu.memory_space<vmem>>[vector<16xi32>], vector<16xf32>, vector<16xi1>
      tpu.vector_store_idx %arg17[%get3A_2233], %div3A_2398 masked %lt3A_2414 {add = true} : memref<10000xf32, #tpu.memory_space<vmem>>[vector<16xi32>], vector<16xf32>, vector<16xi1>
      tpu.vector_store_idx %arg18[%get3A_2233], %div3A_2406 masked %lt3A_2414 {add = true} : memref<10000xf32, #tpu.memory_space<vmem>>[vector<16xi32>], vector<16xf32>, vector<16xi1>
      %mul3A_2415 = arith.mulf %div3A_2390, %sub3A_2261 : vector<16xf32>
      tpu.vector_store_idx %arg19[%get3A_2233], %mul3A_2415 masked %lt3A_2414 {add = true} : memref<10000xf32, #tpu.memory_space<vmem>>[vector<16xi32>], vector<16xf32>, vector<16xi1>
      %mul3A_2416 = arith.mulf %div3A_2398, %sub3A_2262 : vector<16xf32>
      tpu.vector_store_idx %arg20[%get3A_2233], %mul3A_2416 masked %lt3A_2414 {add = true} : memref<10000xf32, #tpu.memory_space<vmem>>[vector<16xi32>], vector<16xf32>, vector<16xi1>
      %mul3A_2417 = arith.mulf %div3A_2406, %sub3A_2263 : vector<16xf32>
      tpu.vector_store_idx %arg21[%get3A_2233], %mul3A_2417 masked %lt3A_2414 {add = true} : memref<10000xf32, #tpu.memory_space<vmem>>[vector<16xi32>], vector<16xf32>, vector<16xi1>
      %add3A_2418 = arith.constant 64 : i32
      %add3A_2419 = vector.broadcast %add3A_2418 : i32 to vector<16xi32>
      %add3A_2420 = arith.addi %iota3A, %add3A_2419 : vector<16xi32>
      %get3A_2421 = arith.index_cast %add3A_93 : i32 to index
      %get3A_2422 = arith.constant 64 : index
      %get3A_2423 = tpu.vector_load %arg8[%get3A_2421, %get3A_2422] {strides = array<i32>} : memref<40x128xi32, #tpu.memory_space<vmem>>, vector<16xi32>,
      %gather3A_2424 = tpu.vector_load_idx %arg14[%add3A_2420, %broadcast_in_dim3A_22] : memref<128x16xf32, #tpu.memory_space<vmem>>[vector<16xi32>, vector<16xi32>], vector<16xf32>,
      %gather3A_2425 = tpu.vector_load_idx %arg14[%add3A_2420, %broadcast_in_dim3A_24] : memref<128x16xf32, #tpu.memory_space<vmem>>[vector<16xi32>, vector<16xi32>], vector<16xf32>,
      %gather3A_2426 = tpu.vector_load_idx %arg14[%add3A_2420, %broadcast_in_dim3A_26] : memref<128x16xf32, #tpu.memory_space<vmem>>[vector<16xi32>, vector<16xi32>], vector<16xf32>,
      %gather3A_2427 = tpu.vector_load_idx %arg14[%add3A_2420, %broadcast_in_dim3A_28] : memref<128x16xf32, #tpu.memory_space<vmem>>[vector<16xi32>, vector<16xi32>], vector<16xf32>,
      %gather3A_2428 = tpu.vector_load_idx %arg14[%add3A_2420, %broadcast_in_dim3A_30] : memref<128x16xf32, #tpu.memory_space<vmem>>[vector<16xi32>, vector<16xi32>], vector<16xf32>,
      %gather3A_2429 = tpu.vector_load_idx %arg14[%add3A_2420, %broadcast_in_dim3A_32] : memref<128x16xf32, #tpu.memory_space<vmem>>[vector<16xi32>, vector<16xi32>], vector<16xf32>,
      %gather3A_2430 = tpu.vector_load_idx %arg15[%add3A_2420, %broadcast_in_dim3A_22] : memref<128x16xf32, #tpu.memory_space<vmem>>[vector<16xi32>, vector<16xi32>], vector<16xf32>,
      %gather3A_2431 = tpu.vector_load_idx %arg15[%add3A_2420, %broadcast_in_dim3A_24] : memref<128x16xf32, #tpu.memory_space<vmem>>[vector<16xi32>, vector<16xi32>], vector<16xf32>,
      %gather3A_2432 = tpu.vector_load_idx %arg15[%add3A_2420, %broadcast_in_dim3A_26] : memref<128x16xf32, #tpu.memory_space<vmem>>[vector<16xi32>, vector<16xi32>], vector<16xf32>,
      %gather3A_2433 = tpu.vector_load_idx %arg15[%add3A_2420, %broadcast_in_dim3A_34] : memref<128x16xf32, #tpu.memory_space<vmem>>[vector<16xi32>, vector<16xi32>], vector<16xf32>,
      %gather3A_2434 = tpu.vector_load_idx %arg15[%add3A_2420, %broadcast_in_dim3A_36] : memref<128x16xf32, #tpu.memory_space<vmem>>[vector<16xi32>, vector<16xi32>], vector<16xf32>,
      %gather3A_2435 = tpu.vector_load_idx %arg15[%add3A_2420, %broadcast_in_dim3A_38] : memref<128x16xf32, #tpu.memory_space<vmem>>[vector<16xi32>, vector<16xi32>], vector<16xf32>,
      %mul3A_2436 = arith.constant 16 : i32
      %mul3A_2437 = arith.muli %add3A_93, %mul3A_2436 : i32
      %add3A_2438 = arith.constant 8 : i32
      %add3A_2439 = arith.addi %mul3A_2437, %add3A_2438 : i32
      %add3A_2440 = vector.broadcast %add3A_2439 : i32 to vector<16xi32>
      %add3A_2441 = arith.addi %shift_right_arithmetic3A_61, %add3A_2440 : vector<16xi32>
      %gather3A_2442 = tpu.vector_load_idx %arg10[%mul3A_59, %add3A_2441] : memref<24x640xf32, #tpu.memory_space<vmem>>[vector<16xi32>, vector<16xi32>], vector<16xf32>,
      %add3A_2443 = arith.constant 1 : i32
      %add3A_2444 = vector.broadcast %add3A_2443 : i32 to vector<16xi32>
      %add3A_2445 = arith.addi %mul3A_59, %add3A_2444 : vector<16xi32>
      %gather3A_2446 = tpu.vector_load_idx %arg10[%add3A_2445, %add3A_2441] : memref<24x640xf32, #tpu.memory_space<vmem>>[vector<16xi32>, vector<16xi32>], vector<16xf32>,
      %add3A_2447 = arith.constant 2 : i32
      %add3A_2448 = vector.broadcast %add3A_2447 : i32 to vector<16xi32>
      %add3A_2449 = arith.addi %mul3A_59, %add3A_2448 : vector<16xi32>
      %gather3A_2450 = tpu.vector_load_idx %arg10[%add3A_2449, %add3A_2441] : memref<24x640xf32, #tpu.memory_space<vmem>>[vector<16xi32>, vector<16xi32>], vector<16xf32>,
      %sub3A_2451 = arith.subf %gather3A_2424, %gather3A_2430 : vector<16xf32>
      %sub3A_2452 = arith.subf %gather3A_2425, %gather3A_2431 : vector<16xf32>
      %sub3A_2453 = arith.subf %gather3A_2426, %gather3A_2432 : vector<16xf32>
      %mul3A_2454 = arith.mulf %sub3A_2451, %sub3A_2451 : vector<16xf32>
      %mul3A_2455 = arith.mulf %sub3A_2452, %sub3A_2452 : vector<16xf32>
      %add3A_2456 = arith.addf %mul3A_2454, %mul3A_2455 : vector<16xf32>
      %mul3A_2457 = arith.mulf %sub3A_2453, %sub3A_2453 : vector<16xf32>
      %add3A_2458 = arith.addf %add3A_2456, %mul3A_2457 : vector<16xf32>
      %add3A_2459 = arith.addf %gather3A_2427, %gather3A_2433 : vector<16xf32>
      %add3A_2460 = arith.addf %add3A_2459, %gather3A_2442 : vector<16xf32>
      %get3A_2461 = arith.constant 12 : i32
      %get3A_2462 = arith.index_cast %get3A_2461 : i32 to index
      %get3A_2463 = arith.constant 0 : index
      %get3A_2464 = tpu.vector_load %arg11[%get3A_2462, %get3A_2463] {strides = array<i32>} : memref<16x16xf32, #tpu.memory_space<vmem>>, vector<16xf32>,
      %mul3A_2465 = arith.mulf %add3A_2458, %get3A_2464 : vector<16xf32>
      %add3A_2466 = arith.addf %add3A_2460, %mul3A_2465 : vector<16xf32>
      %add3A_2467 = arith.addf %gather3A_2428, %gather3A_2434 : vector<16xf32>
      %add3A_2468 = arith.addf %add3A_2467, %gather3A_2446 : vector<16xf32>
      %get3A_2469 = arith.constant 13 : i32
      %get3A_2470 = arith.index_cast %get3A_2469 : i32 to index
      %get3A_2471 = arith.constant 0 : index
      %get3A_2472 = tpu.vector_load %arg11[%get3A_2470, %get3A_2471] {strides = array<i32>} : memref<16x16xf32, #tpu.memory_space<vmem>>, vector<16xf32>,
      %mul3A_2473 = arith.mulf %add3A_2458, %get3A_2472 : vector<16xf32>
      %add3A_2474 = arith.addf %add3A_2468, %mul3A_2473 : vector<16xf32>
      %add3A_2475 = arith.addf %gather3A_2429, %gather3A_2435 : vector<16xf32>
      %add3A_2476 = arith.addf %add3A_2475, %gather3A_2450 : vector<16xf32>
      %get3A_2477 = arith.constant 14 : i32
      %get3A_2478 = arith.index_cast %get3A_2477 : i32 to index
      %get3A_2479 = arith.constant 0 : index
      %get3A_2480 = tpu.vector_load %arg11[%get3A_2478, %get3A_2479] {strides = array<i32>} : memref<16x16xf32, #tpu.memory_space<vmem>>, vector<16xf32>,
      %mul3A_2481 = arith.mulf %add3A_2458, %get3A_2480 : vector<16xf32>
      %add3A_2482 = arith.addf %add3A_2476, %mul3A_2481 : vector<16xf32>
      %neg3A_2483 = arith.constant 0.000000e+00 : f32
      %neg3A_2484 = vector.broadcast %neg3A_2483 : f32 to vector<16xf32>
      %neg3A_2485 = arith.subf %neg3A_2484, %add3A_2466 : vector<16xf32>
      %exp3A_2486 = math.exp %neg3A_2485 : vector<16xf32>
      %add3A_2487 = arith.constant 1.000000e+00 : f32
      %add3A_2488 = vector.broadcast %add3A_2487 : f32 to vector<16xf32>
      %add3A_2489 = arith.addf %add3A_2488, %exp3A_2486 : vector<16xf32>
      %div3A_2490 = arith.divf %add3A_2466, %add3A_2489 : vector<16xf32>
      %neg3A_2491 = arith.constant 0.000000e+00 : f32
      %neg3A_2492 = vector.broadcast %neg3A_2491 : f32 to vector<16xf32>
      %neg3A_2493 = arith.subf %neg3A_2492, %add3A_2474 : vector<16xf32>
      %exp3A_2494 = math.exp %neg3A_2493 : vector<16xf32>
      %add3A_2495 = arith.constant 1.000000e+00 : f32
      %add3A_2496 = vector.broadcast %add3A_2495 : f32 to vector<16xf32>
      %add3A_2497 = arith.addf %add3A_2496, %exp3A_2494 : vector<16xf32>
      %div3A_2498 = arith.divf %add3A_2474, %add3A_2497 : vector<16xf32>
      %neg3A_2499 = arith.constant 0.000000e+00 : f32
      %neg3A_2500 = vector.broadcast %neg3A_2499 : f32 to vector<16xf32>
      %neg3A_2501 = arith.subf %neg3A_2500, %add3A_2482 : vector<16xf32>
      %exp3A_2502 = math.exp %neg3A_2501 : vector<16xf32>
      %add3A_2503 = arith.constant 1.000000e+00 : f32
      %add3A_2504 = vector.broadcast %add3A_2503 : f32 to vector<16xf32>
      %add3A_2505 = arith.addf %add3A_2504, %exp3A_2502 : vector<16xf32>
      %div3A_2506 = arith.divf %add3A_2482, %add3A_2505 : vector<16xf32>
      %get3A_2507 = arith.constant 0 : i32
      %get3A_2508 = arith.index_cast %get3A_2507 : i32 to index
      %get3A_2509 = arith.constant 0 : index
      %get3A_2510 = tpu.vector_load %arg11[%get3A_2508, %get3A_2509] {strides = array<i32>} : memref<16x16xf32, #tpu.memory_space<vmem>>, vector<16xf32>,
      %mul3A_2511 = arith.mulf %div3A_2490, %get3A_2510 : vector<16xf32>
      %get3A_2512 = arith.constant 3 : i32
      %get3A_2513 = arith.index_cast %get3A_2512 : i32 to index
      %get3A_2514 = arith.constant 0 : index
      %get3A_2515 = tpu.vector_load %arg11[%get3A_2513, %get3A_2514] {strides = array<i32>} : memref<16x16xf32, #tpu.memory_space<vmem>>, vector<16xf32>,
      %mul3A_2516 = arith.mulf %div3A_2498, %get3A_2515 : vector<16xf32>
      %add3A_2517 = arith.addf %mul3A_2511, %mul3A_2516 : vector<16xf32>
      %get3A_2518 = arith.constant 6 : i32
      %get3A_2519 = arith.index_cast %get3A_2518 : i32 to index
      %get3A_2520 = arith.constant 0 : index
      %get3A_2521 = tpu.vector_load %arg11[%get3A_2519, %get3A_2520] {strides = array<i32>} : memref<16x16xf32, #tpu.memory_space<vmem>>, vector<16xf32>,
      %mul3A_2522 = arith.mulf %div3A_2506, %get3A_2521 : vector<16xf32>
      %add3A_2523 = arith.addf %add3A_2517, %mul3A_2522 : vector<16xf32>
      %get3A_2524 = arith.constant 9 : i32
      %get3A_2525 = arith.index_cast %get3A_2524 : i32 to index
      %get3A_2526 = arith.constant 0 : index
      %get3A_2527 = tpu.vector_load %arg11[%get3A_2525, %get3A_2526] {strides = array<i32>} : memref<16x16xf32, #tpu.memory_space<vmem>>, vector<16xf32>,
      %add3A_2528 = arith.addf %add3A_2523, %get3A_2527 : vector<16xf32>
      %get3A_2529 = arith.constant 1 : i32
      %get3A_2530 = arith.index_cast %get3A_2529 : i32 to index
      %get3A_2531 = arith.constant 0 : index
      %get3A_2532 = tpu.vector_load %arg11[%get3A_2530, %get3A_2531] {strides = array<i32>} : memref<16x16xf32, #tpu.memory_space<vmem>>, vector<16xf32>,
      %mul3A_2533 = arith.mulf %div3A_2490, %get3A_2532 : vector<16xf32>
      %get3A_2534 = arith.constant 4 : i32
      %get3A_2535 = arith.index_cast %get3A_2534 : i32 to index
      %get3A_2536 = arith.constant 0 : index
      %get3A_2537 = tpu.vector_load %arg11[%get3A_2535, %get3A_2536] {strides = array<i32>} : memref<16x16xf32, #tpu.memory_space<vmem>>, vector<16xf32>,
      %mul3A_2538 = arith.mulf %div3A_2498, %get3A_2537 : vector<16xf32>
      %add3A_2539 = arith.addf %mul3A_2533, %mul3A_2538 : vector<16xf32>
      %get3A_2540 = arith.constant 7 : i32
      %get3A_2541 = arith.index_cast %get3A_2540 : i32 to index
      %get3A_2542 = arith.constant 0 : index
      %get3A_2543 = tpu.vector_load %arg11[%get3A_2541, %get3A_2542] {strides = array<i32>} : memref<16x16xf32, #tpu.memory_space<vmem>>, vector<16xf32>,
      %mul3A_2544 = arith.mulf %div3A_2506, %get3A_2543 : vector<16xf32>
      %add3A_2545 = arith.addf %add3A_2539, %mul3A_2544 : vector<16xf32>
      %get3A_2546 = arith.constant 10 : i32
      %get3A_2547 = arith.index_cast %get3A_2546 : i32 to index
      %get3A_2548 = arith.constant 0 : index
      %get3A_2549 = tpu.vector_load %arg11[%get3A_2547, %get3A_2548] {strides = array<i32>} : memref<16x16xf32, #tpu.memory_space<vmem>>, vector<16xf32>,
      %add3A_2550 = arith.addf %add3A_2545, %get3A_2549 : vector<16xf32>
      %get3A_2551 = arith.constant 2 : i32
      %get3A_2552 = arith.index_cast %get3A_2551 : i32 to index
      %get3A_2553 = arith.constant 0 : index
      %get3A_2554 = tpu.vector_load %arg11[%get3A_2552, %get3A_2553] {strides = array<i32>} : memref<16x16xf32, #tpu.memory_space<vmem>>, vector<16xf32>,
      %mul3A_2555 = arith.mulf %div3A_2490, %get3A_2554 : vector<16xf32>
      %get3A_2556 = arith.constant 5 : i32
      %get3A_2557 = arith.index_cast %get3A_2556 : i32 to index
      %get3A_2558 = arith.constant 0 : index
      %get3A_2559 = tpu.vector_load %arg11[%get3A_2557, %get3A_2558] {strides = array<i32>} : memref<16x16xf32, #tpu.memory_space<vmem>>, vector<16xf32>,
      %mul3A_2560 = arith.mulf %div3A_2498, %get3A_2559 : vector<16xf32>
      %add3A_2561 = arith.addf %mul3A_2555, %mul3A_2560 : vector<16xf32>
      %get3A_2562 = arith.constant 8 : i32
      %get3A_2563 = arith.index_cast %get3A_2562 : i32 to index
      %get3A_2564 = arith.constant 0 : index
      %get3A_2565 = tpu.vector_load %arg11[%get3A_2563, %get3A_2564] {strides = array<i32>} : memref<16x16xf32, #tpu.memory_space<vmem>>, vector<16xf32>,
      %mul3A_2566 = arith.mulf %div3A_2506, %get3A_2565 : vector<16xf32>
      %add3A_2567 = arith.addf %add3A_2561, %mul3A_2566 : vector<16xf32>
      %get3A_2568 = arith.constant 11 : i32
      %get3A_2569 = arith.index_cast %get3A_2568 : i32 to index
      %get3A_2570 = arith.constant 0 : index
      %get3A_2571 = tpu.vector_load %arg11[%get3A_2569, %get3A_2570] {strides = array<i32>} : memref<16x16xf32, #tpu.memory_space<vmem>>, vector<16xf32>,
      %add3A_2572 = arith.addf %add3A_2567, %get3A_2571 : vector<16xf32>
      %neg3A_2573 = arith.constant 0.000000e+00 : f32
      %neg3A_2574 = vector.broadcast %neg3A_2573 : f32 to vector<16xf32>
      %neg3A_2575 = arith.subf %neg3A_2574, %add3A_2528 : vector<16xf32>
      %exp3A_2576 = math.exp %neg3A_2575 : vector<16xf32>
      %add3A_2577 = arith.constant 1.000000e+00 : f32
      %add3A_2578 = vector.broadcast %add3A_2577 : f32 to vector<16xf32>
      %add3A_2579 = arith.addf %add3A_2578, %exp3A_2576 : vector<16xf32>
      %div3A_2580 = arith.divf %add3A_2528, %add3A_2579 : vector<16xf32>
      %neg3A_2581 = arith.constant 0.000000e+00 : f32
      %neg3A_2582 = vector.broadcast %neg3A_2581 : f32 to vector<16xf32>
      %neg3A_2583 = arith.subf %neg3A_2582, %add3A_2550 : vector<16xf32>
      %exp3A_2584 = math.exp %neg3A_2583 : vector<16xf32>
      %add3A_2585 = arith.constant 1.000000e+00 : f32
      %add3A_2586 = vector.broadcast %add3A_2585 : f32 to vector<16xf32>
      %add3A_2587 = arith.addf %add3A_2586, %exp3A_2584 : vector<16xf32>
      %div3A_2588 = arith.divf %add3A_2550, %add3A_2587 : vector<16xf32>
      %neg3A_2589 = arith.constant 0.000000e+00 : f32
      %neg3A_2590 = vector.broadcast %neg3A_2589 : f32 to vector<16xf32>
      %neg3A_2591 = arith.subf %neg3A_2590, %add3A_2572 : vector<16xf32>
      %exp3A_2592 = math.exp %neg3A_2591 : vector<16xf32>
      %add3A_2593 = arith.constant 1.000000e+00 : f32
      %add3A_2594 = vector.broadcast %add3A_2593 : f32 to vector<16xf32>
      %add3A_2595 = arith.addf %add3A_2594, %exp3A_2592 : vector<16xf32>
      %div3A_2596 = arith.divf %add3A_2572, %add3A_2595 : vector<16xf32>
      %mul3A_2597 = arith.constant 128 : i32
      %mul3A_2598 = arith.muli %add3A_93, %mul3A_2597 : i32
      %add3A_2599 = arith.addi %mul3A_54, %mul3A_2598 : i32
      %add3A_2600 = vector.broadcast %add3A_2599 : i32 to vector<16xi32>
      %add3A_2601 = arith.addi %add3A_2420, %add3A_2600 : vector<16xi32>
      %lt3A_2602 = arith.constant 160000 : i32
      %lt3A_2603 = vector.broadcast %lt3A_2602 : i32 to vector<16xi32>
      %lt3A_2604 = arith.cmpi slt, %add3A_2601, %lt3A_2603 : vector<16xi32>
      tpu.vector_store_idx %arg16[%get3A_2423], %div3A_2580 masked %lt3A_2604 {add = true} : memref<10000xf32, #tpu.memory_space<vmem>>[vector<16xi32>], vector<16xf32>, vector<16xi1>
      tpu.vector_store_idx %arg17[%get3A_2423], %div3A_2588 masked %lt3A_2604 {add = true} : memref<10000xf32, #tpu.memory_space<vmem>>[vector<16xi32>], vector<16xf32>, vector<16xi1>
      tpu.vector_store_idx %arg18[%get3A_2423], %div3A_2596 masked %lt3A_2604 {add = true} : memref<10000xf32, #tpu.memory_space<vmem>>[vector<16xi32>], vector<16xf32>, vector<16xi1>
      %mul3A_2605 = arith.mulf %div3A_2580, %sub3A_2451 : vector<16xf32>
      tpu.vector_store_idx %arg19[%get3A_2423], %mul3A_2605 masked %lt3A_2604 {add = true} : memref<10000xf32, #tpu.memory_space<vmem>>[vector<16xi32>], vector<16xf32>, vector<16xi1>
      %mul3A_2606 = arith.mulf %div3A_2588, %sub3A_2452 : vector<16xf32>
      tpu.vector_store_idx %arg20[%get3A_2423], %mul3A_2606 masked %lt3A_2604 {add = true} : memref<10000xf32, #tpu.memory_space<vmem>>[vector<16xi32>], vector<16xf32>, vector<16xi1>
      %mul3A_2607 = arith.mulf %div3A_2596, %sub3A_2453 : vector<16xf32>
      tpu.vector_store_idx %arg21[%get3A_2423], %mul3A_2607 masked %lt3A_2604 {add = true} : memref<10000xf32, #tpu.memory_space<vmem>>[vector<16xi32>], vector<16xf32>, vector<16xi1>
      %add3A_2608 = arith.constant 80 : i32
      %add3A_2609 = vector.broadcast %add3A_2608 : i32 to vector<16xi32>
      %add3A_2610 = arith.addi %iota3A, %add3A_2609 : vector<16xi32>
      %get3A_2611 = arith.index_cast %add3A_93 : i32 to index
      %get3A_2612 = arith.constant 80 : index
      %get3A_2613 = tpu.vector_load %arg8[%get3A_2611, %get3A_2612] {strides = array<i32>} : memref<40x128xi32, #tpu.memory_space<vmem>>, vector<16xi32>,
      %gather3A_2614 = tpu.vector_load_idx %arg14[%add3A_2610, %broadcast_in_dim3A_22] : memref<128x16xf32, #tpu.memory_space<vmem>>[vector<16xi32>, vector<16xi32>], vector<16xf32>,
      %gather3A_2615 = tpu.vector_load_idx %arg14[%add3A_2610, %broadcast_in_dim3A_24] : memref<128x16xf32, #tpu.memory_space<vmem>>[vector<16xi32>, vector<16xi32>], vector<16xf32>,
      %gather3A_2616 = tpu.vector_load_idx %arg14[%add3A_2610, %broadcast_in_dim3A_26] : memref<128x16xf32, #tpu.memory_space<vmem>>[vector<16xi32>, vector<16xi32>], vector<16xf32>,
      %gather3A_2617 = tpu.vector_load_idx %arg14[%add3A_2610, %broadcast_in_dim3A_28] : memref<128x16xf32, #tpu.memory_space<vmem>>[vector<16xi32>, vector<16xi32>], vector<16xf32>,
      %gather3A_2618 = tpu.vector_load_idx %arg14[%add3A_2610, %broadcast_in_dim3A_30] : memref<128x16xf32, #tpu.memory_space<vmem>>[vector<16xi32>, vector<16xi32>], vector<16xf32>,
      %gather3A_2619 = tpu.vector_load_idx %arg14[%add3A_2610, %broadcast_in_dim3A_32] : memref<128x16xf32, #tpu.memory_space<vmem>>[vector<16xi32>, vector<16xi32>], vector<16xf32>,
      %gather3A_2620 = tpu.vector_load_idx %arg15[%add3A_2610, %broadcast_in_dim3A_22] : memref<128x16xf32, #tpu.memory_space<vmem>>[vector<16xi32>, vector<16xi32>], vector<16xf32>,
      %gather3A_2621 = tpu.vector_load_idx %arg15[%add3A_2610, %broadcast_in_dim3A_24] : memref<128x16xf32, #tpu.memory_space<vmem>>[vector<16xi32>, vector<16xi32>], vector<16xf32>,
      %gather3A_2622 = tpu.vector_load_idx %arg15[%add3A_2610, %broadcast_in_dim3A_26] : memref<128x16xf32, #tpu.memory_space<vmem>>[vector<16xi32>, vector<16xi32>], vector<16xf32>,
      %gather3A_2623 = tpu.vector_load_idx %arg15[%add3A_2610, %broadcast_in_dim3A_34] : memref<128x16xf32, #tpu.memory_space<vmem>>[vector<16xi32>, vector<16xi32>], vector<16xf32>,
      %gather3A_2624 = tpu.vector_load_idx %arg15[%add3A_2610, %broadcast_in_dim3A_36] : memref<128x16xf32, #tpu.memory_space<vmem>>[vector<16xi32>, vector<16xi32>], vector<16xf32>,
      %gather3A_2625 = tpu.vector_load_idx %arg15[%add3A_2610, %broadcast_in_dim3A_38] : memref<128x16xf32, #tpu.memory_space<vmem>>[vector<16xi32>, vector<16xi32>], vector<16xf32>,
      %mul3A_2626 = arith.constant 16 : i32
      %mul3A_2627 = arith.muli %add3A_93, %mul3A_2626 : i32
      %add3A_2628 = arith.constant 10 : i32
      %add3A_2629 = arith.addi %mul3A_2627, %add3A_2628 : i32
      %add3A_2630 = vector.broadcast %add3A_2629 : i32 to vector<16xi32>
      %add3A_2631 = arith.addi %shift_right_arithmetic3A_61, %add3A_2630 : vector<16xi32>
      %gather3A_2632 = tpu.vector_load_idx %arg10[%mul3A_59, %add3A_2631] : memref<24x640xf32, #tpu.memory_space<vmem>>[vector<16xi32>, vector<16xi32>], vector<16xf32>,
      %add3A_2633 = arith.constant 1 : i32
      %add3A_2634 = vector.broadcast %add3A_2633 : i32 to vector<16xi32>
      %add3A_2635 = arith.addi %mul3A_59, %add3A_2634 : vector<16xi32>
      %gather3A_2636 = tpu.vector_load_idx %arg10[%add3A_2635, %add3A_2631] : memref<24x640xf32, #tpu.memory_space<vmem>>[vector<16xi32>, vector<16xi32>], vector<16xf32>,
      %add3A_2637 = arith.constant 2 : i32
      %add3A_2638 = vector.broadcast %add3A_2637 : i32 to vector<16xi32>
      %add3A_2639 = arith.addi %mul3A_59, %add3A_2638 : vector<16xi32>
      %gather3A_2640 = tpu.vector_load_idx %arg10[%add3A_2639, %add3A_2631] : memref<24x640xf32, #tpu.memory_space<vmem>>[vector<16xi32>, vector<16xi32>], vector<16xf32>,
      %sub3A_2641 = arith.subf %gather3A_2614, %gather3A_2620 : vector<16xf32>
      %sub3A_2642 = arith.subf %gather3A_2615, %gather3A_2621 : vector<16xf32>
      %sub3A_2643 = arith.subf %gather3A_2616, %gather3A_2622 : vector<16xf32>
      %mul3A_2644 = arith.mulf %sub3A_2641, %sub3A_2641 : vector<16xf32>
      %mul3A_2645 = arith.mulf %sub3A_2642, %sub3A_2642 : vector<16xf32>
      %add3A_2646 = arith.addf %mul3A_2644, %mul3A_2645 : vector<16xf32>
      %mul3A_2647 = arith.mulf %sub3A_2643, %sub3A_2643 : vector<16xf32>
      %add3A_2648 = arith.addf %add3A_2646, %mul3A_2647 : vector<16xf32>
      %add3A_2649 = arith.addf %gather3A_2617, %gather3A_2623 : vector<16xf32>
      %add3A_2650 = arith.addf %add3A_2649, %gather3A_2632 : vector<16xf32>
      %get3A_2651 = arith.constant 12 : i32
      %get3A_2652 = arith.index_cast %get3A_2651 : i32 to index
      %get3A_2653 = arith.constant 0 : index
      %get3A_2654 = tpu.vector_load %arg11[%get3A_2652, %get3A_2653] {strides = array<i32>} : memref<16x16xf32, #tpu.memory_space<vmem>>, vector<16xf32>,
      %mul3A_2655 = arith.mulf %add3A_2648, %get3A_2654 : vector<16xf32>
      %add3A_2656 = arith.addf %add3A_2650, %mul3A_2655 : vector<16xf32>
      %add3A_2657 = arith.addf %gather3A_2618, %gather3A_2624 : vector<16xf32>
      %add3A_2658 = arith.addf %add3A_2657, %gather3A_2636 : vector<16xf32>
      %get3A_2659 = arith.constant 13 : i32
      %get3A_2660 = arith.index_cast %get3A_2659 : i32 to index
      %get3A_2661 = arith.constant 0 : index
      %get3A_2662 = tpu.vector_load %arg11[%get3A_2660, %get3A_2661] {strides = array<i32>} : memref<16x16xf32, #tpu.memory_space<vmem>>, vector<16xf32>,
      %mul3A_2663 = arith.mulf %add3A_2648, %get3A_2662 : vector<16xf32>
      %add3A_2664 = arith.addf %add3A_2658, %mul3A_2663 : vector<16xf32>
      %add3A_2665 = arith.addf %gather3A_2619, %gather3A_2625 : vector<16xf32>
      %add3A_2666 = arith.addf %add3A_2665, %gather3A_2640 : vector<16xf32>
      %get3A_2667 = arith.constant 14 : i32
      %get3A_2668 = arith.index_cast %get3A_2667 : i32 to index
      %get3A_2669 = arith.constant 0 : index
      %get3A_2670 = tpu.vector_load %arg11[%get3A_2668, %get3A_2669] {strides = array<i32>} : memref<16x16xf32, #tpu.memory_space<vmem>>, vector<16xf32>,
      %mul3A_2671 = arith.mulf %add3A_2648, %get3A_2670 : vector<16xf32>
      %add3A_2672 = arith.addf %add3A_2666, %mul3A_2671 : vector<16xf32>
      %neg3A_2673 = arith.constant 0.000000e+00 : f32
      %neg3A_2674 = vector.broadcast %neg3A_2673 : f32 to vector<16xf32>
      %neg3A_2675 = arith.subf %neg3A_2674, %add3A_2656 : vector<16xf32>
      %exp3A_2676 = math.exp %neg3A_2675 : vector<16xf32>
      %add3A_2677 = arith.constant 1.000000e+00 : f32
      %add3A_2678 = vector.broadcast %add3A_2677 : f32 to vector<16xf32>
      %add3A_2679 = arith.addf %add3A_2678, %exp3A_2676 : vector<16xf32>
      %div3A_2680 = arith.divf %add3A_2656, %add3A_2679 : vector<16xf32>
      %neg3A_2681 = arith.constant 0.000000e+00 : f32
      %neg3A_2682 = vector.broadcast %neg3A_2681 : f32 to vector<16xf32>
      %neg3A_2683 = arith.subf %neg3A_2682, %add3A_2664 : vector<16xf32>
      %exp3A_2684 = math.exp %neg3A_2683 : vector<16xf32>
      %add3A_2685 = arith.constant 1.000000e+00 : f32
      %add3A_2686 = vector.broadcast %add3A_2685 : f32 to vector<16xf32>
      %add3A_2687 = arith.addf %add3A_2686, %exp3A_2684 : vector<16xf32>
      %div3A_2688 = arith.divf %add3A_2664, %add3A_2687 : vector<16xf32>
      %neg3A_2689 = arith.constant 0.000000e+00 : f32
      %neg3A_2690 = vector.broadcast %neg3A_2689 : f32 to vector<16xf32>
      %neg3A_2691 = arith.subf %neg3A_2690, %add3A_2672 : vector<16xf32>
      %exp3A_2692 = math.exp %neg3A_2691 : vector<16xf32>
      %add3A_2693 = arith.constant 1.000000e+00 : f32
      %add3A_2694 = vector.broadcast %add3A_2693 : f32 to vector<16xf32>
      %add3A_2695 = arith.addf %add3A_2694, %exp3A_2692 : vector<16xf32>
      %div3A_2696 = arith.divf %add3A_2672, %add3A_2695 : vector<16xf32>
      %get3A_2697 = arith.constant 0 : i32
      %get3A_2698 = arith.index_cast %get3A_2697 : i32 to index
      %get3A_2699 = arith.constant 0 : index
      %get3A_2700 = tpu.vector_load %arg11[%get3A_2698, %get3A_2699] {strides = array<i32>} : memref<16x16xf32, #tpu.memory_space<vmem>>, vector<16xf32>,
      %mul3A_2701 = arith.mulf %div3A_2680, %get3A_2700 : vector<16xf32>
      %get3A_2702 = arith.constant 3 : i32
      %get3A_2703 = arith.index_cast %get3A_2702 : i32 to index
      %get3A_2704 = arith.constant 0 : index
      %get3A_2705 = tpu.vector_load %arg11[%get3A_2703, %get3A_2704] {strides = array<i32>} : memref<16x16xf32, #tpu.memory_space<vmem>>, vector<16xf32>,
      %mul3A_2706 = arith.mulf %div3A_2688, %get3A_2705 : vector<16xf32>
      %add3A_2707 = arith.addf %mul3A_2701, %mul3A_2706 : vector<16xf32>
      %get3A_2708 = arith.constant 6 : i32
      %get3A_2709 = arith.index_cast %get3A_2708 : i32 to index
      %get3A_2710 = arith.constant 0 : index
      %get3A_2711 = tpu.vector_load %arg11[%get3A_2709, %get3A_2710] {strides = array<i32>} : memref<16x16xf32, #tpu.memory_space<vmem>>, vector<16xf32>,
      %mul3A_2712 = arith.mulf %div3A_2696, %get3A_2711 : vector<16xf32>
      %add3A_2713 = arith.addf %add3A_2707, %mul3A_2712 : vector<16xf32>
      %get3A_2714 = arith.constant 9 : i32
      %get3A_2715 = arith.index_cast %get3A_2714 : i32 to index
      %get3A_2716 = arith.constant 0 : index
      %get3A_2717 = tpu.vector_load %arg11[%get3A_2715, %get3A_2716] {strides = array<i32>} : memref<16x16xf32, #tpu.memory_space<vmem>>, vector<16xf32>,
      %add3A_2718 = arith.addf %add3A_2713, %get3A_2717 : vector<16xf32>
      %get3A_2719 = arith.constant 1 : i32
      %get3A_2720 = arith.index_cast %get3A_2719 : i32 to index
      %get3A_2721 = arith.constant 0 : index
      %get3A_2722 = tpu.vector_load %arg11[%get3A_2720, %get3A_2721] {strides = array<i32>} : memref<16x16xf32, #tpu.memory_space<vmem>>, vector<16xf32>,
      %mul3A_2723 = arith.mulf %div3A_2680, %get3A_2722 : vector<16xf32>
      %get3A_2724 = arith.constant 4 : i32
      %get3A_2725 = arith.index_cast %get3A_2724 : i32 to index
      %get3A_2726 = arith.constant 0 : index
      %get3A_2727 = tpu.vector_load %arg11[%get3A_2725, %get3A_2726] {strides = array<i32>} : memref<16x16xf32, #tpu.memory_space<vmem>>, vector<16xf32>,
      %mul3A_2728 = arith.mulf %div3A_2688, %get3A_2727 : vector<16xf32>
      %add3A_2729 = arith.addf %mul3A_2723, %mul3A_2728 : vector<16xf32>
      %get3A_2730 = arith.constant 7 : i32
      %get3A_2731 = arith.index_cast %get3A_2730 : i32 to index
      %get3A_2732 = arith.constant 0 : index
      %get3A_2733 = tpu.vector_load %arg11[%get3A_2731, %get3A_2732] {strides = array<i32>} : memref<16x16xf32, #tpu.memory_space<vmem>>, vector<16xf32>,
      %mul3A_2734 = arith.mulf %div3A_2696, %get3A_2733 : vector<16xf32>
      %add3A_2735 = arith.addf %add3A_2729, %mul3A_2734 : vector<16xf32>
      %get3A_2736 = arith.constant 10 : i32
      %get3A_2737 = arith.index_cast %get3A_2736 : i32 to index
      %get3A_2738 = arith.constant 0 : index
      %get3A_2739 = tpu.vector_load %arg11[%get3A_2737, %get3A_2738] {strides = array<i32>} : memref<16x16xf32, #tpu.memory_space<vmem>>, vector<16xf32>,
      %add3A_2740 = arith.addf %add3A_2735, %get3A_2739 : vector<16xf32>
      %get3A_2741 = arith.constant 2 : i32
      %get3A_2742 = arith.index_cast %get3A_2741 : i32 to index
      %get3A_2743 = arith.constant 0 : index
      %get3A_2744 = tpu.vector_load %arg11[%get3A_2742, %get3A_2743] {strides = array<i32>} : memref<16x16xf32, #tpu.memory_space<vmem>>, vector<16xf32>,
      %mul3A_2745 = arith.mulf %div3A_2680, %get3A_2744 : vector<16xf32>
      %get3A_2746 = arith.constant 5 : i32
      %get3A_2747 = arith.index_cast %get3A_2746 : i32 to index
      %get3A_2748 = arith.constant 0 : index
      %get3A_2749 = tpu.vector_load %arg11[%get3A_2747, %get3A_2748] {strides = array<i32>} : memref<16x16xf32, #tpu.memory_space<vmem>>, vector<16xf32>,
      %mul3A_2750 = arith.mulf %div3A_2688, %get3A_2749 : vector<16xf32>
      %add3A_2751 = arith.addf %mul3A_2745, %mul3A_2750 : vector<16xf32>
      %get3A_2752 = arith.constant 8 : i32
      %get3A_2753 = arith.index_cast %get3A_2752 : i32 to index
      %get3A_2754 = arith.constant 0 : index
      %get3A_2755 = tpu.vector_load %arg11[%get3A_2753, %get3A_2754] {strides = array<i32>} : memref<16x16xf32, #tpu.memory_space<vmem>>, vector<16xf32>,
      %mul3A_2756 = arith.mulf %div3A_2696, %get3A_2755 : vector<16xf32>
      %add3A_2757 = arith.addf %add3A_2751, %mul3A_2756 : vector<16xf32>
      %get3A_2758 = arith.constant 11 : i32
      %get3A_2759 = arith.index_cast %get3A_2758 : i32 to index
      %get3A_2760 = arith.constant 0 : index
      %get3A_2761 = tpu.vector_load %arg11[%get3A_2759, %get3A_2760] {strides = array<i32>} : memref<16x16xf32, #tpu.memory_space<vmem>>, vector<16xf32>,
      %add3A_2762 = arith.addf %add3A_2757, %get3A_2761 : vector<16xf32>
      %neg3A_2763 = arith.constant 0.000000e+00 : f32
      %neg3A_2764 = vector.broadcast %neg3A_2763 : f32 to vector<16xf32>
      %neg3A_2765 = arith.subf %neg3A_2764, %add3A_2718 : vector<16xf32>
      %exp3A_2766 = math.exp %neg3A_2765 : vector<16xf32>
      %add3A_2767 = arith.constant 1.000000e+00 : f32
      %add3A_2768 = vector.broadcast %add3A_2767 : f32 to vector<16xf32>
      %add3A_2769 = arith.addf %add3A_2768, %exp3A_2766 : vector<16xf32>
      %div3A_2770 = arith.divf %add3A_2718, %add3A_2769 : vector<16xf32>
      %neg3A_2771 = arith.constant 0.000000e+00 : f32
      %neg3A_2772 = vector.broadcast %neg3A_2771 : f32 to vector<16xf32>
      %neg3A_2773 = arith.subf %neg3A_2772, %add3A_2740 : vector<16xf32>
      %exp3A_2774 = math.exp %neg3A_2773 : vector<16xf32>
      %add3A_2775 = arith.constant 1.000000e+00 : f32
      %add3A_2776 = vector.broadcast %add3A_2775 : f32 to vector<16xf32>
      %add3A_2777 = arith.addf %add3A_2776, %exp3A_2774 : vector<16xf32>
      %div3A_2778 = arith.divf %add3A_2740, %add3A_2777 : vector<16xf32>
      %neg3A_2779 = arith.constant 0.000000e+00 : f32
      %neg3A_2780 = vector.broadcast %neg3A_2779 : f32 to vector<16xf32>
      %neg3A_2781 = arith.subf %neg3A_2780, %add3A_2762 : vector<16xf32>
      %exp3A_2782 = math.exp %neg3A_2781 : vector<16xf32>
      %add3A_2783 = arith.constant 1.000000e+00 : f32
      %add3A_2784 = vector.broadcast %add3A_2783 : f32 to vector<16xf32>
      %add3A_2785 = arith.addf %add3A_2784, %exp3A_2782 : vector<16xf32>
      %div3A_2786 = arith.divf %add3A_2762, %add3A_2785 : vector<16xf32>
      %mul3A_2787 = arith.constant 128 : i32
      %mul3A_2788 = arith.muli %add3A_93, %mul3A_2787 : i32
      %add3A_2789 = arith.addi %mul3A_54, %mul3A_2788 : i32
      %add3A_2790 = vector.broadcast %add3A_2789 : i32 to vector<16xi32>
      %add3A_2791 = arith.addi %add3A_2610, %add3A_2790 : vector<16xi32>
      %lt3A_2792 = arith.constant 160000 : i32
      %lt3A_2793 = vector.broadcast %lt3A_2792 : i32 to vector<16xi32>
      %lt3A_2794 = arith.cmpi slt, %add3A_2791, %lt3A_2793 : vector<16xi32>
      tpu.vector_store_idx %arg16[%get3A_2613], %div3A_2770 masked %lt3A_2794 {add = true} : memref<10000xf32, #tpu.memory_space<vmem>>[vector<16xi32>], vector<16xf32>, vector<16xi1>
      tpu.vector_store_idx %arg17[%get3A_2613], %div3A_2778 masked %lt3A_2794 {add = true} : memref<10000xf32, #tpu.memory_space<vmem>>[vector<16xi32>], vector<16xf32>, vector<16xi1>
      tpu.vector_store_idx %arg18[%get3A_2613], %div3A_2786 masked %lt3A_2794 {add = true} : memref<10000xf32, #tpu.memory_space<vmem>>[vector<16xi32>], vector<16xf32>, vector<16xi1>
      %mul3A_2795 = arith.mulf %div3A_2770, %sub3A_2641 : vector<16xf32>
      tpu.vector_store_idx %arg19[%get3A_2613], %mul3A_2795 masked %lt3A_2794 {add = true} : memref<10000xf32, #tpu.memory_space<vmem>>[vector<16xi32>], vector<16xf32>, vector<16xi1>
      %mul3A_2796 = arith.mulf %div3A_2778, %sub3A_2642 : vector<16xf32>
      tpu.vector_store_idx %arg20[%get3A_2613], %mul3A_2796 masked %lt3A_2794 {add = true} : memref<10000xf32, #tpu.memory_space<vmem>>[vector<16xi32>], vector<16xf32>, vector<16xi1>
      %mul3A_2797 = arith.mulf %div3A_2786, %sub3A_2643 : vector<16xf32>
      tpu.vector_store_idx %arg21[%get3A_2613], %mul3A_2797 masked %lt3A_2794 {add = true} : memref<10000xf32, #tpu.memory_space<vmem>>[vector<16xi32>], vector<16xf32>, vector<16xi1>
      %add3A_2798 = arith.constant 96 : i32
      %add3A_2799 = vector.broadcast %add3A_2798 : i32 to vector<16xi32>
      %add3A_2800 = arith.addi %iota3A, %add3A_2799 : vector<16xi32>
      %get3A_2801 = arith.index_cast %add3A_93 : i32 to index
      %get3A_2802 = arith.constant 96 : index
      %get3A_2803 = tpu.vector_load %arg8[%get3A_2801, %get3A_2802] {strides = array<i32>} : memref<40x128xi32, #tpu.memory_space<vmem>>, vector<16xi32>,
      %gather3A_2804 = tpu.vector_load_idx %arg14[%add3A_2800, %broadcast_in_dim3A_22] : memref<128x16xf32, #tpu.memory_space<vmem>>[vector<16xi32>, vector<16xi32>], vector<16xf32>,
      %gather3A_2805 = tpu.vector_load_idx %arg14[%add3A_2800, %broadcast_in_dim3A_24] : memref<128x16xf32, #tpu.memory_space<vmem>>[vector<16xi32>, vector<16xi32>], vector<16xf32>,
      %gather3A_2806 = tpu.vector_load_idx %arg14[%add3A_2800, %broadcast_in_dim3A_26] : memref<128x16xf32, #tpu.memory_space<vmem>>[vector<16xi32>, vector<16xi32>], vector<16xf32>,
      %gather3A_2807 = tpu.vector_load_idx %arg14[%add3A_2800, %broadcast_in_dim3A_28] : memref<128x16xf32, #tpu.memory_space<vmem>>[vector<16xi32>, vector<16xi32>], vector<16xf32>,
      %gather3A_2808 = tpu.vector_load_idx %arg14[%add3A_2800, %broadcast_in_dim3A_30] : memref<128x16xf32, #tpu.memory_space<vmem>>[vector<16xi32>, vector<16xi32>], vector<16xf32>,
      %gather3A_2809 = tpu.vector_load_idx %arg14[%add3A_2800, %broadcast_in_dim3A_32] : memref<128x16xf32, #tpu.memory_space<vmem>>[vector<16xi32>, vector<16xi32>], vector<16xf32>,
      %gather3A_2810 = tpu.vector_load_idx %arg15[%add3A_2800, %broadcast_in_dim3A_22] : memref<128x16xf32, #tpu.memory_space<vmem>>[vector<16xi32>, vector<16xi32>], vector<16xf32>,
      %gather3A_2811 = tpu.vector_load_idx %arg15[%add3A_2800, %broadcast_in_dim3A_24] : memref<128x16xf32, #tpu.memory_space<vmem>>[vector<16xi32>, vector<16xi32>], vector<16xf32>,
      %gather3A_2812 = tpu.vector_load_idx %arg15[%add3A_2800, %broadcast_in_dim3A_26] : memref<128x16xf32, #tpu.memory_space<vmem>>[vector<16xi32>, vector<16xi32>], vector<16xf32>,
      %gather3A_2813 = tpu.vector_load_idx %arg15[%add3A_2800, %broadcast_in_dim3A_34] : memref<128x16xf32, #tpu.memory_space<vmem>>[vector<16xi32>, vector<16xi32>], vector<16xf32>,
      %gather3A_2814 = tpu.vector_load_idx %arg15[%add3A_2800, %broadcast_in_dim3A_36] : memref<128x16xf32, #tpu.memory_space<vmem>>[vector<16xi32>, vector<16xi32>], vector<16xf32>,
      %gather3A_2815 = tpu.vector_load_idx %arg15[%add3A_2800, %broadcast_in_dim3A_38] : memref<128x16xf32, #tpu.memory_space<vmem>>[vector<16xi32>, vector<16xi32>], vector<16xf32>,
      %mul3A_2816 = arith.constant 16 : i32
      %mul3A_2817 = arith.muli %add3A_93, %mul3A_2816 : i32
      %add3A_2818 = arith.constant 12 : i32
      %add3A_2819 = arith.addi %mul3A_2817, %add3A_2818 : i32
      %add3A_2820 = vector.broadcast %add3A_2819 : i32 to vector<16xi32>
      %add3A_2821 = arith.addi %shift_right_arithmetic3A_61, %add3A_2820 : vector<16xi32>
      %gather3A_2822 = tpu.vector_load_idx %arg10[%mul3A_59, %add3A_2821] : memref<24x640xf32, #tpu.memory_space<vmem>>[vector<16xi32>, vector<16xi32>], vector<16xf32>,
      %add3A_2823 = arith.constant 1 : i32
      %add3A_2824 = vector.broadcast %add3A_2823 : i32 to vector<16xi32>
      %add3A_2825 = arith.addi %mul3A_59, %add3A_2824 : vector<16xi32>
      %gather3A_2826 = tpu.vector_load_idx %arg10[%add3A_2825, %add3A_2821] : memref<24x640xf32, #tpu.memory_space<vmem>>[vector<16xi32>, vector<16xi32>], vector<16xf32>,
      %add3A_2827 = arith.constant 2 : i32
      %add3A_2828 = vector.broadcast %add3A_2827 : i32 to vector<16xi32>
      %add3A_2829 = arith.addi %mul3A_59, %add3A_2828 : vector<16xi32>
      %gather3A_2830 = tpu.vector_load_idx %arg10[%add3A_2829, %add3A_2821] : memref<24x640xf32, #tpu.memory_space<vmem>>[vector<16xi32>, vector<16xi32>], vector<16xf32>,
      %sub3A_2831 = arith.subf %gather3A_2804, %gather3A_2810 : vector<16xf32>
      %sub3A_2832 = arith.subf %gather3A_2805, %gather3A_2811 : vector<16xf32>
      %sub3A_2833 = arith.subf %gather3A_2806, %gather3A_2812 : vector<16xf32>
      %mul3A_2834 = arith.mulf %sub3A_2831, %sub3A_2831 : vector<16xf32>
      %mul3A_2835 = arith.mulf %sub3A_2832, %sub3A_2832 : vector<16xf32>
      %add3A_2836 = arith.addf %mul3A_2834, %mul3A_2835 : vector<16xf32>
      %mul3A_2837 = arith.mulf %sub3A_2833, %sub3A_2833 : vector<16xf32>
      %add3A_2838 = arith.addf %add3A_2836, %mul3A_2837 : vector<16xf32>
      %add3A_2839 = arith.addf %gather3A_2807, %gather3A_2813 : vector<16xf32>
      %add3A_2840 = arith.addf %add3A_2839, %gather3A_2822 : vector<16xf32>
      %get3A_2841 = arith.constant 12 : i32
      %get3A_2842 = arith.index_cast %get3A_2841 : i32 to index
      %get3A_2843 = arith.constant 0 : index
      %get3A_2844 = tpu.vector_load %arg11[%get3A_2842, %get3A_2843] {strides = array<i32>} : memref<16x16xf32, #tpu.memory_space<vmem>>, vector<16xf32>,
      %mul3A_2845 = arith.mulf %add3A_2838, %get3A_2844 : vector<16xf32>
      %add3A_2846 = arith.addf %add3A_2840, %mul3A_2845 : vector<16xf32>
      %add3A_2847 = arith.addf %gather3A_2808, %gather3A_2814 : vector<16xf32>
      %add3A_2848 = arith.addf %add3A_2847, %gather3A_2826 : vector<16xf32>
      %get3A_2849 = arith.constant 13 : i32
      %get3A_2850 = arith.index_cast %get3A_2849 : i32 to index
      %get3A_2851 = arith.constant 0 : index
      %get3A_2852 = tpu.vector_load %arg11[%get3A_2850, %get3A_2851] {strides = array<i32>} : memref<16x16xf32, #tpu.memory_space<vmem>>, vector<16xf32>,
      %mul3A_2853 = arith.mulf %add3A_2838, %get3A_2852 : vector<16xf32>
      %add3A_2854 = arith.addf %add3A_2848, %mul3A_2853 : vector<16xf32>
      %add3A_2855 = arith.addf %gather3A_2809, %gather3A_2815 : vector<16xf32>
      %add3A_2856 = arith.addf %add3A_2855, %gather3A_2830 : vector<16xf32>
      %get3A_2857 = arith.constant 14 : i32
      %get3A_2858 = arith.index_cast %get3A_2857 : i32 to index
      %get3A_2859 = arith.constant 0 : index
      %get3A_2860 = tpu.vector_load %arg11[%get3A_2858, %get3A_2859] {strides = array<i32>} : memref<16x16xf32, #tpu.memory_space<vmem>>, vector<16xf32>,
      %mul3A_2861 = arith.mulf %add3A_2838, %get3A_2860 : vector<16xf32>
      %add3A_2862 = arith.addf %add3A_2856, %mul3A_2861 : vector<16xf32>
      %neg3A_2863 = arith.constant 0.000000e+00 : f32
      %neg3A_2864 = vector.broadcast %neg3A_2863 : f32 to vector<16xf32>
      %neg3A_2865 = arith.subf %neg3A_2864, %add3A_2846 : vector<16xf32>
      %exp3A_2866 = math.exp %neg3A_2865 : vector<16xf32>
      %add3A_2867 = arith.constant 1.000000e+00 : f32
      %add3A_2868 = vector.broadcast %add3A_2867 : f32 to vector<16xf32>
      %add3A_2869 = arith.addf %add3A_2868, %exp3A_2866 : vector<16xf32>
      %div3A_2870 = arith.divf %add3A_2846, %add3A_2869 : vector<16xf32>
      %neg3A_2871 = arith.constant 0.000000e+00 : f32
      %neg3A_2872 = vector.broadcast %neg3A_2871 : f32 to vector<16xf32>
      %neg3A_2873 = arith.subf %neg3A_2872, %add3A_2854 : vector<16xf32>
      %exp3A_2874 = math.exp %neg3A_2873 : vector<16xf32>
      %add3A_2875 = arith.constant 1.000000e+00 : f32
      %add3A_2876 = vector.broadcast %add3A_2875 : f32 to vector<16xf32>
      %add3A_2877 = arith.addf %add3A_2876, %exp3A_2874 : vector<16xf32>
      %div3A_2878 = arith.divf %add3A_2854, %add3A_2877 : vector<16xf32>
      %neg3A_2879 = arith.constant 0.000000e+00 : f32
      %neg3A_2880 = vector.broadcast %neg3A_2879 : f32 to vector<16xf32>
      %neg3A_2881 = arith.subf %neg3A_2880, %add3A_2862 : vector<16xf32>
      %exp3A_2882 = math.exp %neg3A_2881 : vector<16xf32>
      %add3A_2883 = arith.constant 1.000000e+00 : f32
      %add3A_2884 = vector.broadcast %add3A_2883 : f32 to vector<16xf32>
      %add3A_2885 = arith.addf %add3A_2884, %exp3A_2882 : vector<16xf32>
      %div3A_2886 = arith.divf %add3A_2862, %add3A_2885 : vector<16xf32>
      %get3A_2887 = arith.constant 0 : i32
      %get3A_2888 = arith.index_cast %get3A_2887 : i32 to index
      %get3A_2889 = arith.constant 0 : index
      %get3A_2890 = tpu.vector_load %arg11[%get3A_2888, %get3A_2889] {strides = array<i32>} : memref<16x16xf32, #tpu.memory_space<vmem>>, vector<16xf32>,
      %mul3A_2891 = arith.mulf %div3A_2870, %get3A_2890 : vector<16xf32>
      %get3A_2892 = arith.constant 3 : i32
      %get3A_2893 = arith.index_cast %get3A_2892 : i32 to index
      %get3A_2894 = arith.constant 0 : index
      %get3A_2895 = tpu.vector_load %arg11[%get3A_2893, %get3A_2894] {strides = array<i32>} : memref<16x16xf32, #tpu.memory_space<vmem>>, vector<16xf32>,
      %mul3A_2896 = arith.mulf %div3A_2878, %get3A_2895 : vector<16xf32>
      %add3A_2897 = arith.addf %mul3A_2891, %mul3A_2896 : vector<16xf32>
      %get3A_2898 = arith.constant 6 : i32
      %get3A_2899 = arith.index_cast %get3A_2898 : i32 to index
      %get3A_2900 = arith.constant 0 : index
      %get3A_2901 = tpu.vector_load %arg11[%get3A_2899, %get3A_2900] {strides = array<i32>} : memref<16x16xf32, #tpu.memory_space<vmem>>, vector<16xf32>,
      %mul3A_2902 = arith.mulf %div3A_2886, %get3A_2901 : vector<16xf32>
      %add3A_2903 = arith.addf %add3A_2897, %mul3A_2902 : vector<16xf32>
      %get3A_2904 = arith.constant 9 : i32
      %get3A_2905 = arith.index_cast %get3A_2904 : i32 to index
      %get3A_2906 = arith.constant 0 : index
      %get3A_2907 = tpu.vector_load %arg11[%get3A_2905, %get3A_2906] {strides = array<i32>} : memref<16x16xf32, #tpu.memory_space<vmem>>, vector<16xf32>,
      %add3A_2908 = arith.addf %add3A_2903, %get3A_2907 : vector<16xf32>
      %get3A_2909 = arith.constant 1 : i32
      %get3A_2910 = arith.index_cast %get3A_2909 : i32 to index
      %get3A_2911 = arith.constant 0 : index
      %get3A_2912 = tpu.vector_load %arg11[%get3A_2910, %get3A_2911] {strides = array<i32>} : memref<16x16xf32, #tpu.memory_space<vmem>>, vector<16xf32>,
      %mul3A_2913 = arith.mulf %div3A_2870, %get3A_2912 : vector<16xf32>
      %get3A_2914 = arith.constant 4 : i32
      %get3A_2915 = arith.index_cast %get3A_2914 : i32 to index
      %get3A_2916 = arith.constant 0 : index
      %get3A_2917 = tpu.vector_load %arg11[%get3A_2915, %get3A_2916] {strides = array<i32>} : memref<16x16xf32, #tpu.memory_space<vmem>>, vector<16xf32>,
      %mul3A_2918 = arith.mulf %div3A_2878, %get3A_2917 : vector<16xf32>
      %add3A_2919 = arith.addf %mul3A_2913, %mul3A_2918 : vector<16xf32>
      %get3A_2920 = arith.constant 7 : i32
      %get3A_2921 = arith.index_cast %get3A_2920 : i32 to index
      %get3A_2922 = arith.constant 0 : index
      %get3A_2923 = tpu.vector_load %arg11[%get3A_2921, %get3A_2922] {strides = array<i32>} : memref<16x16xf32, #tpu.memory_space<vmem>>, vector<16xf32>,
      %mul3A_2924 = arith.mulf %div3A_2886, %get3A_2923 : vector<16xf32>
      %add3A_2925 = arith.addf %add3A_2919, %mul3A_2924 : vector<16xf32>
      %get3A_2926 = arith.constant 10 : i32
      %get3A_2927 = arith.index_cast %get3A_2926 : i32 to index
      %get3A_2928 = arith.constant 0 : index
      %get3A_2929 = tpu.vector_load %arg11[%get3A_2927, %get3A_2928] {strides = array<i32>} : memref<16x16xf32, #tpu.memory_space<vmem>>, vector<16xf32>,
      %add3A_2930 = arith.addf %add3A_2925, %get3A_2929 : vector<16xf32>
      %get3A_2931 = arith.constant 2 : i32
      %get3A_2932 = arith.index_cast %get3A_2931 : i32 to index
      %get3A_2933 = arith.constant 0 : index
      %get3A_2934 = tpu.vector_load %arg11[%get3A_2932, %get3A_2933] {strides = array<i32>} : memref<16x16xf32, #tpu.memory_space<vmem>>, vector<16xf32>,
      %mul3A_2935 = arith.mulf %div3A_2870, %get3A_2934 : vector<16xf32>
      %get3A_2936 = arith.constant 5 : i32
      %get3A_2937 = arith.index_cast %get3A_2936 : i32 to index
      %get3A_2938 = arith.constant 0 : index
      %get3A_2939 = tpu.vector_load %arg11[%get3A_2937, %get3A_2938] {strides = array<i32>} : memref<16x16xf32, #tpu.memory_space<vmem>>, vector<16xf32>,
      %mul3A_2940 = arith.mulf %div3A_2878, %get3A_2939 : vector<16xf32>
      %add3A_2941 = arith.addf %mul3A_2935, %mul3A_2940 : vector<16xf32>
      %get3A_2942 = arith.constant 8 : i32
      %get3A_2943 = arith.index_cast %get3A_2942 : i32 to index
      %get3A_2944 = arith.constant 0 : index
      %get3A_2945 = tpu.vector_load %arg11[%get3A_2943, %get3A_2944] {strides = array<i32>} : memref<16x16xf32, #tpu.memory_space<vmem>>, vector<16xf32>,
      %mul3A_2946 = arith.mulf %div3A_2886, %get3A_2945 : vector<16xf32>
      %add3A_2947 = arith.addf %add3A_2941, %mul3A_2946 : vector<16xf32>
      %get3A_2948 = arith.constant 11 : i32
      %get3A_2949 = arith.index_cast %get3A_2948 : i32 to index
      %get3A_2950 = arith.constant 0 : index
      %get3A_2951 = tpu.vector_load %arg11[%get3A_2949, %get3A_2950] {strides = array<i32>} : memref<16x16xf32, #tpu.memory_space<vmem>>, vector<16xf32>,
      %add3A_2952 = arith.addf %add3A_2947, %get3A_2951 : vector<16xf32>
      %neg3A_2953 = arith.constant 0.000000e+00 : f32
      %neg3A_2954 = vector.broadcast %neg3A_2953 : f32 to vector<16xf32>
      %neg3A_2955 = arith.subf %neg3A_2954, %add3A_2908 : vector<16xf32>
      %exp3A_2956 = math.exp %neg3A_2955 : vector<16xf32>
      %add3A_2957 = arith.constant 1.000000e+00 : f32
      %add3A_2958 = vector.broadcast %add3A_2957 : f32 to vector<16xf32>
      %add3A_2959 = arith.addf %add3A_2958, %exp3A_2956 : vector<16xf32>
      %div3A_2960 = arith.divf %add3A_2908, %add3A_2959 : vector<16xf32>
      %neg3A_2961 = arith.constant 0.000000e+00 : f32
      %neg3A_2962 = vector.broadcast %neg3A_2961 : f32 to vector<16xf32>
      %neg3A_2963 = arith.subf %neg3A_2962, %add3A_2930 : vector<16xf32>
      %exp3A_2964 = math.exp %neg3A_2963 : vector<16xf32>
      %add3A_2965 = arith.constant 1.000000e+00 : f32
      %add3A_2966 = vector.broadcast %add3A_2965 : f32 to vector<16xf32>
      %add3A_2967 = arith.addf %add3A_2966, %exp3A_2964 : vector<16xf32>
      %div3A_2968 = arith.divf %add3A_2930, %add3A_2967 : vector<16xf32>
      %neg3A_2969 = arith.constant 0.000000e+00 : f32
      %neg3A_2970 = vector.broadcast %neg3A_2969 : f32 to vector<16xf32>
      %neg3A_2971 = arith.subf %neg3A_2970, %add3A_2952 : vector<16xf32>
      %exp3A_2972 = math.exp %neg3A_2971 : vector<16xf32>
      %add3A_2973 = arith.constant 1.000000e+00 : f32
      %add3A_2974 = vector.broadcast %add3A_2973 : f32 to vector<16xf32>
      %add3A_2975 = arith.addf %add3A_2974, %exp3A_2972 : vector<16xf32>
      %div3A_2976 = arith.divf %add3A_2952, %add3A_2975 : vector<16xf32>
      %mul3A_2977 = arith.constant 128 : i32
      %mul3A_2978 = arith.muli %add3A_93, %mul3A_2977 : i32
      %add3A_2979 = arith.addi %mul3A_54, %mul3A_2978 : i32
      %add3A_2980 = vector.broadcast %add3A_2979 : i32 to vector<16xi32>
      %add3A_2981 = arith.addi %add3A_2800, %add3A_2980 : vector<16xi32>
      %lt3A_2982 = arith.constant 160000 : i32
      %lt3A_2983 = vector.broadcast %lt3A_2982 : i32 to vector<16xi32>
      %lt3A_2984 = arith.cmpi slt, %add3A_2981, %lt3A_2983 : vector<16xi32>
      tpu.vector_store_idx %arg16[%get3A_2803], %div3A_2960 masked %lt3A_2984 {add = true} : memref<10000xf32, #tpu.memory_space<vmem>>[vector<16xi32>], vector<16xf32>, vector<16xi1>
      tpu.vector_store_idx %arg17[%get3A_2803], %div3A_2968 masked %lt3A_2984 {add = true} : memref<10000xf32, #tpu.memory_space<vmem>>[vector<16xi32>], vector<16xf32>, vector<16xi1>
      tpu.vector_store_idx %arg18[%get3A_2803], %div3A_2976 masked %lt3A_2984 {add = true} : memref<10000xf32, #tpu.memory_space<vmem>>[vector<16xi32>], vector<16xf32>, vector<16xi1>
      %mul3A_2985 = arith.mulf %div3A_2960, %sub3A_2831 : vector<16xf32>
      tpu.vector_store_idx %arg19[%get3A_2803], %mul3A_2985 masked %lt3A_2984 {add = true} : memref<10000xf32, #tpu.memory_space<vmem>>[vector<16xi32>], vector<16xf32>, vector<16xi1>
      %mul3A_2986 = arith.mulf %div3A_2968, %sub3A_2832 : vector<16xf32>
      tpu.vector_store_idx %arg20[%get3A_2803], %mul3A_2986 masked %lt3A_2984 {add = true} : memref<10000xf32, #tpu.memory_space<vmem>>[vector<16xi32>], vector<16xf32>, vector<16xi1>
      %mul3A_2987 = arith.mulf %div3A_2976, %sub3A_2833 : vector<16xf32>
      tpu.vector_store_idx %arg21[%get3A_2803], %mul3A_2987 masked %lt3A_2984 {add = true} : memref<10000xf32, #tpu.memory_space<vmem>>[vector<16xi32>], vector<16xf32>, vector<16xi1>
      %add3A_2988 = arith.constant 112 : i32
      %add3A_2989 = vector.broadcast %add3A_2988 : i32 to vector<16xi32>
      %add3A_2990 = arith.addi %iota3A, %add3A_2989 : vector<16xi32>
      %get3A_2991 = arith.index_cast %add3A_93 : i32 to index
      %get3A_2992 = arith.constant 112 : index
      %get3A_2993 = tpu.vector_load %arg8[%get3A_2991, %get3A_2992] {strides = array<i32>} : memref<40x128xi32, #tpu.memory_space<vmem>>, vector<16xi32>,
      %gather3A_2994 = tpu.vector_load_idx %arg14[%add3A_2990, %broadcast_in_dim3A_22] : memref<128x16xf32, #tpu.memory_space<vmem>>[vector<16xi32>, vector<16xi32>], vector<16xf32>,
      %gather3A_2995 = tpu.vector_load_idx %arg14[%add3A_2990, %broadcast_in_dim3A_24] : memref<128x16xf32, #tpu.memory_space<vmem>>[vector<16xi32>, vector<16xi32>], vector<16xf32>,
      %gather3A_2996 = tpu.vector_load_idx %arg14[%add3A_2990, %broadcast_in_dim3A_26] : memref<128x16xf32, #tpu.memory_space<vmem>>[vector<16xi32>, vector<16xi32>], vector<16xf32>,
      %gather3A_2997 = tpu.vector_load_idx %arg14[%add3A_2990, %broadcast_in_dim3A_28] : memref<128x16xf32, #tpu.memory_space<vmem>>[vector<16xi32>, vector<16xi32>], vector<16xf32>,
      %gather3A_2998 = tpu.vector_load_idx %arg14[%add3A_2990, %broadcast_in_dim3A_30] : memref<128x16xf32, #tpu.memory_space<vmem>>[vector<16xi32>, vector<16xi32>], vector<16xf32>,
      %gather3A_2999 = tpu.vector_load_idx %arg14[%add3A_2990, %broadcast_in_dim3A_32] : memref<128x16xf32, #tpu.memory_space<vmem>>[vector<16xi32>, vector<16xi32>], vector<16xf32>,
      %gather3A_3000 = tpu.vector_load_idx %arg15[%add3A_2990, %broadcast_in_dim3A_22] : memref<128x16xf32, #tpu.memory_space<vmem>>[vector<16xi32>, vector<16xi32>], vector<16xf32>,
      %gather3A_3001 = tpu.vector_load_idx %arg15[%add3A_2990, %broadcast_in_dim3A_24] : memref<128x16xf32, #tpu.memory_space<vmem>>[vector<16xi32>, vector<16xi32>], vector<16xf32>,
      %gather3A_3002 = tpu.vector_load_idx %arg15[%add3A_2990, %broadcast_in_dim3A_26] : memref<128x16xf32, #tpu.memory_space<vmem>>[vector<16xi32>, vector<16xi32>], vector<16xf32>,
      %gather3A_3003 = tpu.vector_load_idx %arg15[%add3A_2990, %broadcast_in_dim3A_34] : memref<128x16xf32, #tpu.memory_space<vmem>>[vector<16xi32>, vector<16xi32>], vector<16xf32>,
      %gather3A_3004 = tpu.vector_load_idx %arg15[%add3A_2990, %broadcast_in_dim3A_36] : memref<128x16xf32, #tpu.memory_space<vmem>>[vector<16xi32>, vector<16xi32>], vector<16xf32>,
      %gather3A_3005 = tpu.vector_load_idx %arg15[%add3A_2990, %broadcast_in_dim3A_38] : memref<128x16xf32, #tpu.memory_space<vmem>>[vector<16xi32>, vector<16xi32>], vector<16xf32>,
      %mul3A_3006 = arith.constant 16 : i32
      %mul3A_3007 = arith.muli %add3A_93, %mul3A_3006 : i32
      %add3A_3008 = arith.constant 14 : i32
      %add3A_3009 = arith.addi %mul3A_3007, %add3A_3008 : i32
      %add3A_3010 = vector.broadcast %add3A_3009 : i32 to vector<16xi32>
      %add3A_3011 = arith.addi %shift_right_arithmetic3A_61, %add3A_3010 : vector<16xi32>
      %gather3A_3012 = tpu.vector_load_idx %arg10[%mul3A_59, %add3A_3011] : memref<24x640xf32, #tpu.memory_space<vmem>>[vector<16xi32>, vector<16xi32>], vector<16xf32>,
      %add3A_3013 = arith.constant 1 : i32
      %add3A_3014 = vector.broadcast %add3A_3013 : i32 to vector<16xi32>
      %add3A_3015 = arith.addi %mul3A_59, %add3A_3014 : vector<16xi32>
      %gather3A_3016 = tpu.vector_load_idx %arg10[%add3A_3015, %add3A_3011] : memref<24x640xf32, #tpu.memory_space<vmem>>[vector<16xi32>, vector<16xi32>], vector<16xf32>,
      %add3A_3017 = arith.constant 2 : i32
      %add3A_3018 = vector.broadcast %add3A_3017 : i32 to vector<16xi32>
      %add3A_3019 = arith.addi %mul3A_59, %add3A_3018 : vector<16xi32>
      %gather3A_3020 = tpu.vector_load_idx %arg10[%add3A_3019, %add3A_3011] : memref<24x640xf32, #tpu.memory_space<vmem>>[vector<16xi32>, vector<16xi32>], vector<16xf32>,
      %sub3A_3021 = arith.subf %gather3A_2994, %gather3A_3000 : vector<16xf32>
      %sub3A_3022 = arith.subf %gather3A_2995, %gather3A_3001 : vector<16xf32>
      %sub3A_3023 = arith.subf %gather3A_2996, %gather3A_3002 : vector<16xf32>
      %mul3A_3024 = arith.mulf %sub3A_3021, %sub3A_3021 : vector<16xf32>
      %mul3A_3025 = arith.mulf %sub3A_3022, %sub3A_3022 : vector<16xf32>
      %add3A_3026 = arith.addf %mul3A_3024, %mul3A_3025 : vector<16xf32>
      %mul3A_3027 = arith.mulf %sub3A_3023, %sub3A_3023 : vector<16xf32>
      %add3A_3028 = arith.addf %add3A_3026, %mul3A_3027 : vector<16xf32>
      %add3A_3029 = arith.addf %gather3A_2997, %gather3A_3003 : vector<16xf32>
      %add3A_3030 = arith.addf %add3A_3029, %gather3A_3012 : vector<16xf32>
      %get3A_3031 = arith.constant 12 : i32
      %get3A_3032 = arith.index_cast %get3A_3031 : i32 to index
      %get3A_3033 = arith.constant 0 : index
      %get3A_3034 = tpu.vector_load %arg11[%get3A_3032, %get3A_3033] {strides = array<i32>} : memref<16x16xf32, #tpu.memory_space<vmem>>, vector<16xf32>,
      %mul3A_3035 = arith.mulf %add3A_3028, %get3A_3034 : vector<16xf32>
      %add3A_3036 = arith.addf %add3A_3030, %mul3A_3035 : vector<16xf32>
      %add3A_3037 = arith.addf %gather3A_2998, %gather3A_3004 : vector<16xf32>
      %add3A_3038 = arith.addf %add3A_3037, %gather3A_3016 : vector<16xf32>
      %get3A_3039 = arith.constant 13 : i32
      %get3A_3040 = arith.index_cast %get3A_3039 : i32 to index
      %get3A_3041 = arith.constant 0 : index
      %get3A_3042 = tpu.vector_load %arg11[%get3A_3040, %get3A_3041] {strides = array<i32>} : memref<16x16xf32, #tpu.memory_space<vmem>>, vector<16xf32>,
      %mul3A_3043 = arith.mulf %add3A_3028, %get3A_3042 : vector<16xf32>
      %add3A_3044 = arith.addf %add3A_3038, %mul3A_3043 : vector<16xf32>
      %add3A_3045 = arith.addf %gather3A_2999, %gather3A_3005 : vector<16xf32>
      %add3A_3046 = arith.addf %add3A_3045, %gather3A_3020 : vector<16xf32>
      %get3A_3047 = arith.constant 14 : i32
      %get3A_3048 = arith.index_cast %get3A_3047 : i32 to index
      %get3A_3049 = arith.constant 0 : index
      %get3A_3050 = tpu.vector_load %arg11[%get3A_3048, %get3A_3049] {strides = array<i32>} : memref<16x16xf32, #tpu.memory_space<vmem>>, vector<16xf32>,
      %mul3A_3051 = arith.mulf %add3A_3028, %get3A_3050 : vector<16xf32>
      %add3A_3052 = arith.addf %add3A_3046, %mul3A_3051 : vector<16xf32>
      %neg3A_3053 = arith.constant 0.000000e+00 : f32
      %neg3A_3054 = vector.broadcast %neg3A_3053 : f32 to vector<16xf32>
      %neg3A_3055 = arith.subf %neg3A_3054, %add3A_3036 : vector<16xf32>
      %exp3A_3056 = math.exp %neg3A_3055 : vector<16xf32>
      %add3A_3057 = arith.constant 1.000000e+00 : f32
      %add3A_3058 = vector.broadcast %add3A_3057 : f32 to vector<16xf32>
      %add3A_3059 = arith.addf %add3A_3058, %exp3A_3056 : vector<16xf32>
      %div3A_3060 = arith.divf %add3A_3036, %add3A_3059 : vector<16xf32>
      %neg3A_3061 = arith.constant 0.000000e+00 : f32
      %neg3A_3062 = vector.broadcast %neg3A_3061 : f32 to vector<16xf32>
      %neg3A_3063 = arith.subf %neg3A_3062, %add3A_3044 : vector<16xf32>
      %exp3A_3064 = math.exp %neg3A_3063 : vector<16xf32>
      %add3A_3065 = arith.constant 1.000000e+00 : f32
      %add3A_3066 = vector.broadcast %add3A_3065 : f32 to vector<16xf32>
      %add3A_3067 = arith.addf %add3A_3066, %exp3A_3064 : vector<16xf32>
      %div3A_3068 = arith.divf %add3A_3044, %add3A_3067 : vector<16xf32>
      %neg3A_3069 = arith.constant 0.000000e+00 : f32
      %neg3A_3070 = vector.broadcast %neg3A_3069 : f32 to vector<16xf32>
      %neg3A_3071 = arith.subf %neg3A_3070, %add3A_3052 : vector<16xf32>
      %exp3A_3072 = math.exp %neg3A_3071 : vector<16xf32>
      %add3A_3073 = arith.constant 1.000000e+00 : f32
      %add3A_3074 = vector.broadcast %add3A_3073 : f32 to vector<16xf32>
      %add3A_3075 = arith.addf %add3A_3074, %exp3A_3072 : vector<16xf32>
      %div3A_3076 = arith.divf %add3A_3052, %add3A_3075 : vector<16xf32>
      %get3A_3077 = arith.constant 0 : i32
      %get3A_3078 = arith.index_cast %get3A_3077 : i32 to index
      %get3A_3079 = arith.constant 0 : index
      %get3A_3080 = tpu.vector_load %arg11[%get3A_3078, %get3A_3079] {strides = array<i32>} : memref<16x16xf32, #tpu.memory_space<vmem>>, vector<16xf32>,
      %mul3A_3081 = arith.mulf %div3A_3060, %get3A_3080 : vector<16xf32>
      %get3A_3082 = arith.constant 3 : i32
      %get3A_3083 = arith.index_cast %get3A_3082 : i32 to index
      %get3A_3084 = arith.constant 0 : index
      %get3A_3085 = tpu.vector_load %arg11[%get3A_3083, %get3A_3084] {strides = array<i32>} : memref<16x16xf32, #tpu.memory_space<vmem>>, vector<16xf32>,
      %mul3A_3086 = arith.mulf %div3A_3068, %get3A_3085 : vector<16xf32>
      %add3A_3087 = arith.addf %mul3A_3081, %mul3A_3086 : vector<16xf32>
      %get3A_3088 = arith.constant 6 : i32
      %get3A_3089 = arith.index_cast %get3A_3088 : i32 to index
      %get3A_3090 = arith.constant 0 : index
      %get3A_3091 = tpu.vector_load %arg11[%get3A_3089, %get3A_3090] {strides = array<i32>} : memref<16x16xf32, #tpu.memory_space<vmem>>, vector<16xf32>,
      %mul3A_3092 = arith.mulf %div3A_3076, %get3A_3091 : vector<16xf32>
      %add3A_3093 = arith.addf %add3A_3087, %mul3A_3092 : vector<16xf32>
      %get3A_3094 = arith.constant 9 : i32
      %get3A_3095 = arith.index_cast %get3A_3094 : i32 to index
      %get3A_3096 = arith.constant 0 : index
      %get3A_3097 = tpu.vector_load %arg11[%get3A_3095, %get3A_3096] {strides = array<i32>} : memref<16x16xf32, #tpu.memory_space<vmem>>, vector<16xf32>,
      %add3A_3098 = arith.addf %add3A_3093, %get3A_3097 : vector<16xf32>
      %get3A_3099 = arith.constant 1 : i32
      %get3A_3100 = arith.index_cast %get3A_3099 : i32 to index
      %get3A_3101 = arith.constant 0 : index
      %get3A_3102 = tpu.vector_load %arg11[%get3A_3100, %get3A_3101] {strides = array<i32>} : memref<16x16xf32, #tpu.memory_space<vmem>>, vector<16xf32>,
      %mul3A_3103 = arith.mulf %div3A_3060, %get3A_3102 : vector<16xf32>
      %get3A_3104 = arith.constant 4 : i32
      %get3A_3105 = arith.index_cast %get3A_3104 : i32 to index
      %get3A_3106 = arith.constant 0 : index
      %get3A_3107 = tpu.vector_load %arg11[%get3A_3105, %get3A_3106] {strides = array<i32>} : memref<16x16xf32, #tpu.memory_space<vmem>>, vector<16xf32>,
      %mul3A_3108 = arith.mulf %div3A_3068, %get3A_3107 : vector<16xf32>
      %add3A_3109 = arith.addf %mul3A_3103, %mul3A_3108 : vector<16xf32>
      %get3A_3110 = arith.constant 7 : i32
      %get3A_3111 = arith.index_cast %get3A_3110 : i32 to index
      %get3A_3112 = arith.constant 0 : index
      %get3A_3113 = tpu.vector_load %arg11[%get3A_3111, %get3A_3112] {strides = array<i32>} : memref<16x16xf32, #tpu.memory_space<vmem>>, vector<16xf32>,
      %mul3A_3114 = arith.mulf %div3A_3076, %get3A_3113 : vector<16xf32>
      %add3A_3115 = arith.addf %add3A_3109, %mul3A_3114 : vector<16xf32>
      %get3A_3116 = arith.constant 10 : i32
      %get3A_3117 = arith.index_cast %get3A_3116 : i32 to index
      %get3A_3118 = arith.constant 0 : index
      %get3A_3119 = tpu.vector_load %arg11[%get3A_3117, %get3A_3118] {strides = array<i32>} : memref<16x16xf32, #tpu.memory_space<vmem>>, vector<16xf32>,
      %add3A_3120 = arith.addf %add3A_3115, %get3A_3119 : vector<16xf32>
      %get3A_3121 = arith.constant 2 : i32
      %get3A_3122 = arith.index_cast %get3A_3121 : i32 to index
      %get3A_3123 = arith.constant 0 : index
      %get3A_3124 = tpu.vector_load %arg11[%get3A_3122, %get3A_3123] {strides = array<i32>} : memref<16x16xf32, #tpu.memory_space<vmem>>, vector<16xf32>,
      %mul3A_3125 = arith.mulf %div3A_3060, %get3A_3124 : vector<16xf32>
      %get3A_3126 = arith.constant 5 : i32
      %get3A_3127 = arith.index_cast %get3A_3126 : i32 to index
      %get3A_3128 = arith.constant 0 : index
      %get3A_3129 = tpu.vector_load %arg11[%get3A_3127, %get3A_3128] {strides = array<i32>} : memref<16x16xf32, #tpu.memory_space<vmem>>, vector<16xf32>,
      %mul3A_3130 = arith.mulf %div3A_3068, %get3A_3129 : vector<16xf32>
      %add3A_3131 = arith.addf %mul3A_3125, %mul3A_3130 : vector<16xf32>
      %get3A_3132 = arith.constant 8 : i32
      %get3A_3133 = arith.index_cast %get3A_3132 : i32 to index
      %get3A_3134 = arith.constant 0 : index
      %get3A_3135 = tpu.vector_load %arg11[%get3A_3133, %get3A_3134] {strides = array<i32>} : memref<16x16xf32, #tpu.memory_space<vmem>>, vector<16xf32>,
      %mul3A_3136 = arith.mulf %div3A_3076, %get3A_3135 : vector<16xf32>
      %add3A_3137 = arith.addf %add3A_3131, %mul3A_3136 : vector<16xf32>
      %get3A_3138 = arith.constant 11 : i32
      %get3A_3139 = arith.index_cast %get3A_3138 : i32 to index
      %get3A_3140 = arith.constant 0 : index
      %get3A_3141 = tpu.vector_load %arg11[%get3A_3139, %get3A_3140] {strides = array<i32>} : memref<16x16xf32, #tpu.memory_space<vmem>>, vector<16xf32>,
      %add3A_3142 = arith.addf %add3A_3137, %get3A_3141 : vector<16xf32>
      %neg3A_3143 = arith.constant 0.000000e+00 : f32
      %neg3A_3144 = vector.broadcast %neg3A_3143 : f32 to vector<16xf32>
      %neg3A_3145 = arith.subf %neg3A_3144, %add3A_3098 : vector<16xf32>
      %exp3A_3146 = math.exp %neg3A_3145 : vector<16xf32>
      %add3A_3147 = arith.constant 1.000000e+00 : f32
      %add3A_3148 = vector.broadcast %add3A_3147 : f32 to vector<16xf32>
      %add3A_3149 = arith.addf %add3A_3148, %exp3A_3146 : vector<16xf32>
      %div3A_3150 = arith.divf %add3A_3098, %add3A_3149 : vector<16xf32>
      %neg3A_3151 = arith.constant 0.000000e+00 : f32
      %neg3A_3152 = vector.broadcast %neg3A_3151 : f32 to vector<16xf32>
      %neg3A_3153 = arith.subf %neg3A_3152, %add3A_3120 : vector<16xf32>
      %exp3A_3154 = math.exp %neg3A_3153 : vector<16xf32>
      %add3A_3155 = arith.constant 1.000000e+00 : f32
      %add3A_3156 = vector.broadcast %add3A_3155 : f32 to vector<16xf32>
      %add3A_3157 = arith.addf %add3A_3156, %exp3A_3154 : vector<16xf32>
      %div3A_3158 = arith.divf %add3A_3120, %add3A_3157 : vector<16xf32>
      %neg3A_3159 = arith.constant 0.000000e+00 : f32
      %neg3A_3160 = vector.broadcast %neg3A_3159 : f32 to vector<16xf32>
      %neg3A_3161 = arith.subf %neg3A_3160, %add3A_3142 : vector<16xf32>
      %exp3A_3162 = math.exp %neg3A_3161 : vector<16xf32>
      %add3A_3163 = arith.constant 1.000000e+00 : f32
      %add3A_3164 = vector.broadcast %add3A_3163 : f32 to vector<16xf32>
      %add3A_3165 = arith.addf %add3A_3164, %exp3A_3162 : vector<16xf32>
      %div3A_3166 = arith.divf %add3A_3142, %add3A_3165 : vector<16xf32>
      %mul3A_3167 = arith.constant 128 : i32
      %mul3A_3168 = arith.muli %add3A_93, %mul3A_3167 : i32
      %add3A_3169 = arith.addi %mul3A_54, %mul3A_3168 : i32
      %add3A_3170 = vector.broadcast %add3A_3169 : i32 to vector<16xi32>
      %add3A_3171 = arith.addi %add3A_2990, %add3A_3170 : vector<16xi32>
      %lt3A_3172 = arith.constant 160000 : i32
      %lt3A_3173 = vector.broadcast %lt3A_3172 : i32 to vector<16xi32>
      %lt3A_3174 = arith.cmpi slt, %add3A_3171, %lt3A_3173 : vector<16xi32>
      tpu.vector_store_idx %arg16[%get3A_2993], %div3A_3150 masked %lt3A_3174 {add = true} : memref<10000xf32, #tpu.memory_space<vmem>>[vector<16xi32>], vector<16xf32>, vector<16xi1>
      tpu.vector_store_idx %arg17[%get3A_2993], %div3A_3158 masked %lt3A_3174 {add = true} : memref<10000xf32, #tpu.memory_space<vmem>>[vector<16xi32>], vector<16xf32>, vector<16xi1>
      tpu.vector_store_idx %arg18[%get3A_2993], %div3A_3166 masked %lt3A_3174 {add = true} : memref<10000xf32, #tpu.memory_space<vmem>>[vector<16xi32>], vector<16xf32>, vector<16xi1>
      %mul3A_3175 = arith.mulf %div3A_3150, %sub3A_3021 : vector<16xf32>
      tpu.vector_store_idx %arg19[%get3A_2993], %mul3A_3175 masked %lt3A_3174 {add = true} : memref<10000xf32, #tpu.memory_space<vmem>>[vector<16xi32>], vector<16xf32>, vector<16xi1>
      %mul3A_3176 = arith.mulf %div3A_3158, %sub3A_3022 : vector<16xf32>
      tpu.vector_store_idx %arg20[%get3A_2993], %mul3A_3176 masked %lt3A_3174 {add = true} : memref<10000xf32, #tpu.memory_space<vmem>>[vector<16xi32>], vector<16xf32>, vector<16xi1>
      %mul3A_3177 = arith.mulf %div3A_3166, %sub3A_3023 : vector<16xf32>
      tpu.vector_store_idx %arg21[%get3A_2993], %mul3A_3177 masked %lt3A_3174 {add = true} : memref<10000xf32, #tpu.memory_space<vmem>>[vector<16xi32>], vector<16xf32>, vector<16xi1>
    }
    %scan3A_66 = arith.constant 20 : i32
    %dma_wait3A = arith.constant 0 : i32
    %dma_wait3A_67 = arith.constant 0 : i32
    %dma_wait3A_68 = tpu.memref_slice %arg8[%dma_wait3A, %dma_wait3A_67] : memref<40x128xi32, #tpu.memory_space<vmem>> -> memref<1x128xi32, #tpu.memory_space<vmem>>
    %dma_wait3A_69 = tpu.memref_squeeze %dma_wait3A_68 : memref<1x128xi32, #tpu.memory_space<vmem>> -> memref<128xi32, #tpu.memory_space<vmem>>
    %dma_wait3A_70 = arith.constant 0 : i32
    %dma_wait3A_71 = arith.constant 0 : i32
    %dma_wait3A_72 = tpu.memref_slice %arg4[%dma_wait3A_70, %dma_wait3A_71] : memref<10000x16xf32, #tpu.memory_space<hbm>> -> memref<10000x16xf32, #tpu.memory_space<hbm>>
    tpu.wait_indirect_dma semaphore(%arg22 : memref<!tpu.dma_semaphore, #tpu.memory_space<semaphore_mem>>) src(%dma_wait3A_72 : memref<10000x16xf32, #tpu.memory_space<hbm>>) dst(%arg12 : memref<128x16xf32, #tpu.memory_space<vmem>>)
    %dma_wait3A_73 = arith.constant 0 : i32
    %dma_wait3A_74 = arith.constant 0 : i32
    %dma_wait3A_75 = tpu.memref_slice %arg9[%dma_wait3A_73, %dma_wait3A_74] : memref<40x128xi32, #tpu.memory_space<vmem>> -> memref<1x128xi32, #tpu.memory_space<vmem>>
    %dma_wait3A_76 = tpu.memref_squeeze %dma_wait3A_75 : memref<1x128xi32, #tpu.memory_space<vmem>> -> memref<128xi32, #tpu.memory_space<vmem>>
    %dma_wait3A_77 = arith.constant 0 : i32
    %dma_wait3A_78 = arith.constant 0 : i32
    %dma_wait3A_79 = tpu.memref_slice %arg4[%dma_wait3A_77, %dma_wait3A_78] : memref<10000x16xf32, #tpu.memory_space<hbm>> -> memref<10000x16xf32, #tpu.memory_space<hbm>>
    tpu.wait_indirect_dma semaphore(%arg23 : memref<!tpu.dma_semaphore, #tpu.memory_space<semaphore_mem>>) src(%dma_wait3A_79 : memref<10000x16xf32, #tpu.memory_space<hbm>>) dst(%arg13 : memref<128x16xf32, #tpu.memory_space<vmem>>)
    %run_scoped3A = arith.constant 0 : i32
    "tpu.region"() ({
      %run_scoped3A_85 = tpu.sem_alloc : memref<!tpu.dma_semaphore, #tpu.memory_space<semaphore_mem>>
      %dma_start3A_86 = arith.constant 0 : i32
      %dma_start3A_87 = tpu.memref_slice %arg7[%add3A, %run_scoped3A, %dma_start3A_86] : memref<32x6x10000xf32, #tpu.memory_space<hbm>> -> memref<1x1x10000xf32, #tpu.memory_space<hbm>>
      %dma_start3A_88 = tpu.memref_squeeze %dma_start3A_87 : memref<1x1x10000xf32, #tpu.memory_space<hbm>> -> memref<10000xf32, #tpu.memory_space<hbm>>
      %dma_start3A_89 = arith.constant 0 : i32
      %dma_start3A_90 = tpu.memref_slice %arg7[%add3A, %run_scoped3A, %dma_start3A_89] : memref<32x6x10000xf32, #tpu.memory_space<hbm>> -> memref<1x1x10000xf32, #tpu.memory_space<hbm>>
      %dma_start3A_91 = tpu.memref_squeeze %dma_start3A_90 : memref<1x1x10000xf32, #tpu.memory_space<hbm>> -> memref<10000xf32, #tpu.memory_space<hbm>>
      tpu.enqueue_dma source(%arg16 : memref<10000xf32, #tpu.memory_space<vmem>>) target(%dma_start3A_91 : memref<10000xf32, #tpu.memory_space<hbm>>) target_semaphore(%run_scoped3A_85 : memref<!tpu.dma_semaphore, #tpu.memory_space<semaphore_mem>>)
      %dma_wait3A_92 = arith.constant 0 : i32
      %dma_wait3A_93 = tpu.memref_slice %arg7[%add3A, %run_scoped3A, %dma_wait3A_92] : memref<32x6x10000xf32, #tpu.memory_space<hbm>> -> memref<1x1x10000xf32, #tpu.memory_space<hbm>>
      %dma_wait3A_94 = tpu.memref_squeeze %dma_wait3A_93 : memref<1x1x10000xf32, #tpu.memory_space<hbm>> -> memref<10000xf32, #tpu.memory_space<hbm>>
      %dma_wait3A_95 = arith.constant 0 : i32
      %dma_wait3A_96 = tpu.memref_slice %arg7[%add3A, %run_scoped3A, %dma_wait3A_95] : memref<32x6x10000xf32, #tpu.memory_space<hbm>> -> memref<1x1x10000xf32, #tpu.memory_space<hbm>>
      %dma_wait3A_97 = tpu.memref_squeeze %dma_wait3A_96 : memref<1x1x10000xf32, #tpu.memory_space<hbm>> -> memref<10000xf32, #tpu.memory_space<hbm>>
      tpu.wait_dma2 semaphore(%run_scoped3A_85 : memref<!tpu.dma_semaphore, #tpu.memory_space<semaphore_mem>>) src(%arg16 : memref<10000xf32, #tpu.memory_space<vmem>>) dst(%dma_wait3A_97 : memref<10000xf32, #tpu.memory_space<hbm>>)
      tpu.yield
    }) : () -> ()
    %run_scoped3A_80 = arith.constant 1 : i32
    "tpu.region"() ({
      %run_scoped3A_85 = tpu.sem_alloc : memref<!tpu.dma_semaphore, #tpu.memory_space<semaphore_mem>>
      %dma_start3A_86 = arith.constant 0 : i32
      %dma_start3A_87 = tpu.memref_slice %arg7[%add3A, %run_scoped3A_80, %dma_start3A_86] : memref<32x6x10000xf32, #tpu.memory_space<hbm>> -> memref<1x1x10000xf32, #tpu.memory_space<hbm>>
      %dma_start3A_88 = tpu.memref_squeeze %dma_start3A_87 : memref<1x1x10000xf32, #tpu.memory_space<hbm>> -> memref<10000xf32, #tpu.memory_space<hbm>>
      %dma_start3A_89 = arith.constant 0 : i32
      %dma_start3A_90 = tpu.memref_slice %arg7[%add3A, %run_scoped3A_80, %dma_start3A_89] : memref<32x6x10000xf32, #tpu.memory_space<hbm>> -> memref<1x1x10000xf32, #tpu.memory_space<hbm>>
      %dma_start3A_91 = tpu.memref_squeeze %dma_start3A_90 : memref<1x1x10000xf32, #tpu.memory_space<hbm>> -> memref<10000xf32, #tpu.memory_space<hbm>>
      tpu.enqueue_dma source(%arg17 : memref<10000xf32, #tpu.memory_space<vmem>>) target(%dma_start3A_91 : memref<10000xf32, #tpu.memory_space<hbm>>) target_semaphore(%run_scoped3A_85 : memref<!tpu.dma_semaphore, #tpu.memory_space<semaphore_mem>>)
      %dma_wait3A_92 = arith.constant 0 : i32
      %dma_wait3A_93 = tpu.memref_slice %arg7[%add3A, %run_scoped3A_80, %dma_wait3A_92] : memref<32x6x10000xf32, #tpu.memory_space<hbm>> -> memref<1x1x10000xf32, #tpu.memory_space<hbm>>
      %dma_wait3A_94 = tpu.memref_squeeze %dma_wait3A_93 : memref<1x1x10000xf32, #tpu.memory_space<hbm>> -> memref<10000xf32, #tpu.memory_space<hbm>>
      %dma_wait3A_95 = arith.constant 0 : i32
      %dma_wait3A_96 = tpu.memref_slice %arg7[%add3A, %run_scoped3A_80, %dma_wait3A_95] : memref<32x6x10000xf32, #tpu.memory_space<hbm>> -> memref<1x1x10000xf32, #tpu.memory_space<hbm>>
      %dma_wait3A_97 = tpu.memref_squeeze %dma_wait3A_96 : memref<1x1x10000xf32, #tpu.memory_space<hbm>> -> memref<10000xf32, #tpu.memory_space<hbm>>
      tpu.wait_dma2 semaphore(%run_scoped3A_85 : memref<!tpu.dma_semaphore, #tpu.memory_space<semaphore_mem>>) src(%arg17 : memref<10000xf32, #tpu.memory_space<vmem>>) dst(%dma_wait3A_97 : memref<10000xf32, #tpu.memory_space<hbm>>)
      tpu.yield
    }) : () -> ()
    %run_scoped3A_81 = arith.constant 2 : i32
    "tpu.region"() ({
      %run_scoped3A_85 = tpu.sem_alloc : memref<!tpu.dma_semaphore, #tpu.memory_space<semaphore_mem>>
      %dma_start3A_86 = arith.constant 0 : i32
      %dma_start3A_87 = tpu.memref_slice %arg7[%add3A, %run_scoped3A_81, %dma_start3A_86] : memref<32x6x10000xf32, #tpu.memory_space<hbm>> -> memref<1x1x10000xf32, #tpu.memory_space<hbm>>
      %dma_start3A_88 = tpu.memref_squeeze %dma_start3A_87 : memref<1x1x10000xf32, #tpu.memory_space<hbm>> -> memref<10000xf32, #tpu.memory_space<hbm>>
      %dma_start3A_89 = arith.constant 0 : i32
      %dma_start3A_90 = tpu.memref_slice %arg7[%add3A, %run_scoped3A_81, %dma_start3A_89] : memref<32x6x10000xf32, #tpu.memory_space<hbm>> -> memref<1x1x10000xf32, #tpu.memory_space<hbm>>
      %dma_start3A_91 = tpu.memref_squeeze %dma_start3A_90 : memref<1x1x10000xf32, #tpu.memory_space<hbm>> -> memref<10000xf32, #tpu.memory_space<hbm>>
      tpu.enqueue_dma source(%arg18 : memref<10000xf32, #tpu.memory_space<vmem>>) target(%dma_start3A_91 : memref<10000xf32, #tpu.memory_space<hbm>>) target_semaphore(%run_scoped3A_85 : memref<!tpu.dma_semaphore, #tpu.memory_space<semaphore_mem>>)
      %dma_wait3A_92 = arith.constant 0 : i32
      %dma_wait3A_93 = tpu.memref_slice %arg7[%add3A, %run_scoped3A_81, %dma_wait3A_92] : memref<32x6x10000xf32, #tpu.memory_space<hbm>> -> memref<1x1x10000xf32, #tpu.memory_space<hbm>>
      %dma_wait3A_94 = tpu.memref_squeeze %dma_wait3A_93 : memref<1x1x10000xf32, #tpu.memory_space<hbm>> -> memref<10000xf32, #tpu.memory_space<hbm>>
      %dma_wait3A_95 = arith.constant 0 : i32
      %dma_wait3A_96 = tpu.memref_slice %arg7[%add3A, %run_scoped3A_81, %dma_wait3A_95] : memref<32x6x10000xf32, #tpu.memory_space<hbm>> -> memref<1x1x10000xf32, #tpu.memory_space<hbm>>
      %dma_wait3A_97 = tpu.memref_squeeze %dma_wait3A_96 : memref<1x1x10000xf32, #tpu.memory_space<hbm>> -> memref<10000xf32, #tpu.memory_space<hbm>>
      tpu.wait_dma2 semaphore(%run_scoped3A_85 : memref<!tpu.dma_semaphore, #tpu.memory_space<semaphore_mem>>) src(%arg18 : memref<10000xf32, #tpu.memory_space<vmem>>) dst(%dma_wait3A_97 : memref<10000xf32, #tpu.memory_space<hbm>>)
      tpu.yield
    }) : () -> ()
    %run_scoped3A_82 = arith.constant 3 : i32
    "tpu.region"() ({
      %run_scoped3A_85 = tpu.sem_alloc : memref<!tpu.dma_semaphore, #tpu.memory_space<semaphore_mem>>
      %dma_start3A_86 = arith.constant 0 : i32
      %dma_start3A_87 = tpu.memref_slice %arg7[%add3A, %run_scoped3A_82, %dma_start3A_86] : memref<32x6x10000xf32, #tpu.memory_space<hbm>> -> memref<1x1x10000xf32, #tpu.memory_space<hbm>>
      %dma_start3A_88 = tpu.memref_squeeze %dma_start3A_87 : memref<1x1x10000xf32, #tpu.memory_space<hbm>> -> memref<10000xf32, #tpu.memory_space<hbm>>
      %dma_start3A_89 = arith.constant 0 : i32
      %dma_start3A_90 = tpu.memref_slice %arg7[%add3A, %run_scoped3A_82, %dma_start3A_89] : memref<32x6x10000xf32, #tpu.memory_space<hbm>> -> memref<1x1x10000xf32, #tpu.memory_space<hbm>>
      %dma_start3A_91 = tpu.memref_squeeze %dma_start3A_90 : memref<1x1x10000xf32, #tpu.memory_space<hbm>> -> memref<10000xf32, #tpu.memory_space<hbm>>
      tpu.enqueue_dma source(%arg19 : memref<10000xf32, #tpu.memory_space<vmem>>) target(%dma_start3A_91 : memref<10000xf32, #tpu.memory_space<hbm>>) target_semaphore(%run_scoped3A_85 : memref<!tpu.dma_semaphore, #tpu.memory_space<semaphore_mem>>)
      %dma_wait3A_92 = arith.constant 0 : i32
      %dma_wait3A_93 = tpu.memref_slice %arg7[%add3A, %run_scoped3A_82, %dma_wait3A_92] : memref<32x6x10000xf32, #tpu.memory_space<hbm>> -> memref<1x1x10000xf32, #tpu.memory_space<hbm>>
      %dma_wait3A_94 = tpu.memref_squeeze %dma_wait3A_93 : memref<1x1x10000xf32, #tpu.memory_space<hbm>> -> memref<10000xf32, #tpu.memory_space<hbm>>
      %dma_wait3A_95 = arith.constant 0 : i32
      %dma_wait3A_96 = tpu.memref_slice %arg7[%add3A, %run_scoped3A_82, %dma_wait3A_95] : memref<32x6x10000xf32, #tpu.memory_space<hbm>> -> memref<1x1x10000xf32, #tpu.memory_space<hbm>>
      %dma_wait3A_97 = tpu.memref_squeeze %dma_wait3A_96 : memref<1x1x10000xf32, #tpu.memory_space<hbm>> -> memref<10000xf32, #tpu.memory_space<hbm>>
      tpu.wait_dma2 semaphore(%run_scoped3A_85 : memref<!tpu.dma_semaphore, #tpu.memory_space<semaphore_mem>>) src(%arg19 : memref<10000xf32, #tpu.memory_space<vmem>>) dst(%dma_wait3A_97 : memref<10000xf32, #tpu.memory_space<hbm>>)
      tpu.yield
    }) : () -> ()
    %run_scoped3A_83 = arith.constant 4 : i32
    "tpu.region"() ({
      %run_scoped3A_85 = tpu.sem_alloc : memref<!tpu.dma_semaphore, #tpu.memory_space<semaphore_mem>>
      %dma_start3A_86 = arith.constant 0 : i32
      %dma_start3A_87 = tpu.memref_slice %arg7[%add3A, %run_scoped3A_83, %dma_start3A_86] : memref<32x6x10000xf32, #tpu.memory_space<hbm>> -> memref<1x1x10000xf32, #tpu.memory_space<hbm>>
      %dma_start3A_88 = tpu.memref_squeeze %dma_start3A_87 : memref<1x1x10000xf32, #tpu.memory_space<hbm>> -> memref<10000xf32, #tpu.memory_space<hbm>>
      %dma_start3A_89 = arith.constant 0 : i32
      %dma_start3A_90 = tpu.memref_slice %arg7[%add3A, %run_scoped3A_83, %dma_start3A_89] : memref<32x6x10000xf32, #tpu.memory_space<hbm>> -> memref<1x1x10000xf32, #tpu.memory_space<hbm>>
      %dma_start3A_91 = tpu.memref_squeeze %dma_start3A_90 : memref<1x1x10000xf32, #tpu.memory_space<hbm>> -> memref<10000xf32, #tpu.memory_space<hbm>>
      tpu.enqueue_dma source(%arg20 : memref<10000xf32, #tpu.memory_space<vmem>>) target(%dma_start3A_91 : memref<10000xf32, #tpu.memory_space<hbm>>) target_semaphore(%run_scoped3A_85 : memref<!tpu.dma_semaphore, #tpu.memory_space<semaphore_mem>>)
      %dma_wait3A_92 = arith.constant 0 : i32
      %dma_wait3A_93 = tpu.memref_slice %arg7[%add3A, %run_scoped3A_83, %dma_wait3A_92] : memref<32x6x10000xf32, #tpu.memory_space<hbm>> -> memref<1x1x10000xf32, #tpu.memory_space<hbm>>
      %dma_wait3A_94 = tpu.memref_squeeze %dma_wait3A_93 : memref<1x1x10000xf32, #tpu.memory_space<hbm>> -> memref<10000xf32, #tpu.memory_space<hbm>>
      %dma_wait3A_95 = arith.constant 0 : i32
      %dma_wait3A_96 = tpu.memref_slice %arg7[%add3A, %run_scoped3A_83, %dma_wait3A_95] : memref<32x6x10000xf32, #tpu.memory_space<hbm>> -> memref<1x1x10000xf32, #tpu.memory_space<hbm>>
      %dma_wait3A_97 = tpu.memref_squeeze %dma_wait3A_96 : memref<1x1x10000xf32, #tpu.memory_space<hbm>> -> memref<10000xf32, #tpu.memory_space<hbm>>
      tpu.wait_dma2 semaphore(%run_scoped3A_85 : memref<!tpu.dma_semaphore, #tpu.memory_space<semaphore_mem>>) src(%arg20 : memref<10000xf32, #tpu.memory_space<vmem>>) dst(%dma_wait3A_97 : memref<10000xf32, #tpu.memory_space<hbm>>)
      tpu.yield
    }) : () -> ()
    %run_scoped3A_84 = arith.constant 5 : i32
    "tpu.region"() ({
      %run_scoped3A_85 = tpu.sem_alloc : memref<!tpu.dma_semaphore, #tpu.memory_space<semaphore_mem>>
      %dma_start3A_86 = arith.constant 0 : i32
      %dma_start3A_87 = tpu.memref_slice %arg7[%add3A, %run_scoped3A_84, %dma_start3A_86] : memref<32x6x10000xf32, #tpu.memory_space<hbm>> -> memref<1x1x10000xf32, #tpu.memory_space<hbm>>
      %dma_start3A_88 = tpu.memref_squeeze %dma_start3A_87 : memref<1x1x10000xf32, #tpu.memory_space<hbm>> -> memref<10000xf32, #tpu.memory_space<hbm>>
      %dma_start3A_89 = arith.constant 0 : i32
      %dma_start3A_90 = tpu.memref_slice %arg7[%add3A, %run_scoped3A_84, %dma_start3A_89] : memref<32x6x10000xf32, #tpu.memory_space<hbm>> -> memref<1x1x10000xf32, #tpu.memory_space<hbm>>
      %dma_start3A_91 = tpu.memref_squeeze %dma_start3A_90 : memref<1x1x10000xf32, #tpu.memory_space<hbm>> -> memref<10000xf32, #tpu.memory_space<hbm>>
      tpu.enqueue_dma source(%arg21 : memref<10000xf32, #tpu.memory_space<vmem>>) target(%dma_start3A_91 : memref<10000xf32, #tpu.memory_space<hbm>>) target_semaphore(%run_scoped3A_85 : memref<!tpu.dma_semaphore, #tpu.memory_space<semaphore_mem>>)
      %dma_wait3A_92 = arith.constant 0 : i32
      %dma_wait3A_93 = tpu.memref_slice %arg7[%add3A, %run_scoped3A_84, %dma_wait3A_92] : memref<32x6x10000xf32, #tpu.memory_space<hbm>> -> memref<1x1x10000xf32, #tpu.memory_space<hbm>>
      %dma_wait3A_94 = tpu.memref_squeeze %dma_wait3A_93 : memref<1x1x10000xf32, #tpu.memory_space<hbm>> -> memref<10000xf32, #tpu.memory_space<hbm>>
      %dma_wait3A_95 = arith.constant 0 : i32
      %dma_wait3A_96 = tpu.memref_slice %arg7[%add3A, %run_scoped3A_84, %dma_wait3A_95] : memref<32x6x10000xf32, #tpu.memory_space<hbm>> -> memref<1x1x10000xf32, #tpu.memory_space<hbm>>
      %dma_wait3A_97 = tpu.memref_squeeze %dma_wait3A_96 : memref<1x1x10000xf32, #tpu.memory_space<hbm>> -> memref<10000xf32, #tpu.memory_space<hbm>>
      tpu.wait_dma2 semaphore(%run_scoped3A_85 : memref<!tpu.dma_semaphore, #tpu.memory_space<semaphore_mem>>) src(%arg21 : memref<10000xf32, #tpu.memory_space<vmem>>) dst(%dma_wait3A_97 : memref<10000xf32, #tpu.memory_space<hbm>>)
      tpu.yield
    }) : () -> ()
    return
  }
}

module attributes {stable_mosaic.version = 14 : i64} {
  func.func @_ab_body(%arg0: i32, %arg1: memref<2000x259xf32, #tpu.memory_space<vmem>>, %arg2: memref<259x6xf32, #tpu.memory_space<vmem>>, %arg3: memref<2000x16xf32, #tpu.memory_space<vmem>>) attributes {dimension_semantics = [#tpu.dimension_semantics<arbitrary>], iteration_bounds = array<i64: 5>, scalar_prefetch = 0 : i64, scratch_operands = 0 : i64, tpu.core_type = #tpu.core_type<tc>, window_params = [{transform_indices = @transform_0, window_bounds = array<i64: 2000, 259>}, {pipeline_mode = #tpu.pipeline_mode<synchronous>, transform_indices = @transform_1, window_bounds = array<i64: 259, 6>}, {transform_indices = @transform_2, window_bounds = array<i64: 2000, 16>}]} {
    %get3A = arith.constant 0 : index
    %get3A_0 = arith.constant 0 : index
    %get3A_1 = vector.load %arg1[%get3A, %get3A_0] : memref<2000x259xf32, #tpu.memory_space<vmem>>, vector<2000x259xf32>
    %get3A_2 = arith.constant 0 : index
    %get3A_3 = arith.constant 0 : index
    %get3A_4 = vector.load %arg2[%get3A_2, %get3A_3] : memref<259x6xf32, #tpu.memory_space<vmem>>, vector<259x6xf32>
    %dot_general3A = arith.constant dense<0.000000e+00> : vector<2000x6xf32>
    %dot_general3A_5 = tpu.matmul %get3A_1, %get3A_4, %dot_general3A {dimension_numbers = #tpu.dot_dimension_numbers<[1], [0], [0], [1], [0, 0, 1, 1], [], []>, transpose_lhs_hint = false} : vector<2000x259xf32>, vector<259x6xf32>, vector<2000x6xf32> -> vector<2000x6xf32>
    %broadcast_in_dim3A = arith.constant 0.000000e+00 : f32
    %broadcast_in_dim3A_6 = vector.broadcast %broadcast_in_dim3A : f32 to vector<2000x7xf32>
    %slice3A = vector.extract_strided_slice %get3A_1 {offsets = [0, 0], sizes = [2000, 3], strides = [1, 1]} : vector<2000x259xf32> to vector<2000x3xf32>
    %concatenate3A = tpu.concatenate %slice3A, %dot_general3A_5, %broadcast_in_dim3A_6 in 1 : vector<2000x3xf32>, vector<2000x6xf32>, vector<2000x7xf32> -> vector<2000x16xf32>
    %swap3A = arith.constant 0 : index
    %swap3A_7 = arith.constant 0 : index
    %swap3A_8 = vector.load %arg3[%swap3A, %swap3A_7] : memref<2000x16xf32, #tpu.memory_space<vmem>>, vector<2000x16xf32>
    tpu.vector_store %arg3[%swap3A, %swap3A_7], %concatenate3A {strides = array<i32>} : memref<2000x16xf32, #tpu.memory_space<vmem>>, vector<2000x16xf32>,
    return
  }
  func.func @transform_0(%arg0: i32) -> (i32, i32) {
    %c0_i32 = arith.constant 0 : i32
    %c0_i32_0 = arith.constant 0 : i32
    return %arg0, %c0_i32 : i32, i32
  }
  func.func @transform_1(%arg0: i32) -> (i32, i32) {
    %c0_i32 = arith.constant 0 : i32
    %c0_i32_0 = arith.constant 0 : i32
    %c0_i32_1 = arith.constant 0 : i32
    return %c0_i32, %c0_i32_0 : i32, i32
  }
  func.func @transform_2(%arg0: i32) -> (i32, i32) {
    %c0_i32 = arith.constant 0 : i32
    %c0_i32_0 = arith.constant 0 : i32
    return %arg0, %c0_i32 : i32, i32
  }
}

module attributes {stable_mosaic.version = 14 : i64} {
  func.func @_ct_body(%arg0: i32, %arg1: memref<128x24xf32, #tpu.memory_space<vmem>>, %arg2: memref<2048x128xf32, #tpu.memory_space<vmem>>, %arg3: memref<24x1xf32, #tpu.memory_space<vmem>>, %arg4: memref<24x2048xf32, #tpu.memory_space<vmem>>) attributes {dimension_semantics = [#tpu.dimension_semantics<arbitrary>], iteration_bounds = array<i64: 10>, scalar_prefetch = 0 : i64, scratch_operands = 0 : i64, tpu.core_type = #tpu.core_type<tc>, window_params = [{pipeline_mode = #tpu.pipeline_mode<synchronous>, transform_indices = @transform_0, window_bounds = array<i64: 128, 24>}, {transform_indices = @transform_1, window_bounds = array<i64: 2048, 128>}, {pipeline_mode = #tpu.pipeline_mode<synchronous>, transform_indices = @transform_2, window_bounds = array<i64: 24, 1>}, {transform_indices = @transform_3, window_bounds = array<i64: 24, 2048>}]} {
    %get3A = arith.constant 0 : index
    %get3A_0 = arith.constant 0 : index
    %get3A_1 = vector.load %arg1[%get3A, %get3A_0] : memref<128x24xf32, #tpu.memory_space<vmem>>, vector<128x24xf32>
    %get3A_2 = arith.constant 0 : index
    %get3A_3 = arith.constant 0 : index
    %get3A_4 = vector.load %arg2[%get3A_2, %get3A_3] : memref<2048x128xf32, #tpu.memory_space<vmem>>, vector<2048x128xf32>
    %dot_general3A = arith.constant dense<0.000000e+00> : vector<24x2048xf32>
    %dot_general3A_5 = tpu.matmul %get3A_1, %get3A_4, %dot_general3A {dimension_numbers = #tpu.dot_dimension_numbers<[0], [1], [1], [0], [0, 1, 1, 0], [], []>, transpose_lhs_hint = false} : vector<128x24xf32>, vector<2048x128xf32>, vector<24x2048xf32> -> vector<24x2048xf32>
    %get3A_6 = arith.constant 0 : index
    %get3A_7 = arith.constant 0 : index
    %get3A_8 = vector.load %arg3[%get3A_6, %get3A_7] : memref<24x1xf32, #tpu.memory_space<vmem>>, vector<24x1xf32>
    %add3A = vector.broadcast %get3A_8 : vector<24x1xf32> to vector<24x2048xf32>
    %add3A_9 = arith.addf %dot_general3A_5, %add3A : vector<24x2048xf32>
    %swap3A = arith.constant 0 : index
    %swap3A_10 = arith.constant 0 : index
    %swap3A_11 = vector.load %arg4[%swap3A, %swap3A_10] : memref<24x2048xf32, #tpu.memory_space<vmem>>, vector<24x2048xf32>
    tpu.vector_store %arg4[%swap3A, %swap3A_10], %add3A_9 {strides = array<i32>} : memref<24x2048xf32, #tpu.memory_space<vmem>>, vector<24x2048xf32>,
    return
  }
  func.func @transform_0(%arg0: i32) -> (i32, i32) {
    %c0_i32 = arith.constant 0 : i32
    %c0_i32_0 = arith.constant 0 : i32
    %c0_i32_1 = arith.constant 0 : i32
    return %c0_i32, %c0_i32_0 : i32, i32
  }
  func.func @transform_1(%arg0: i32) -> (i32, i32) {
    %c0_i32 = arith.constant 0 : i32
    %c0_i32_0 = arith.constant 0 : i32
    return %arg0, %c0_i32 : i32, i32
  }
  func.func @transform_2(%arg0: i32) -> (i32, i32) {
    %c0_i32 = arith.constant 0 : i32
    %c0_i32_0 = arith.constant 0 : i32
    %c0_i32_1 = arith.constant 0 : i32
    return %c0_i32, %c0_i32_0 : i32, i32
  }
  func.func @transform_3(%arg0: i32) -> (i32, i32) {
    %c0_i32 = arith.constant 0 : i32
    %c0_i32_0 = arith.constant 0 : i32
    return %c0_i32, %arg0 : i32, i32
  }
}

module attributes {stable_mosaic.version = 14 : i64} {
  func.func @_node_body(%arg0: i32, %arg1: memref<2048x259xf32, #tpu.memory_space<vmem>>, %arg2: memref<32x6x2048xf32, #tpu.memory_space<vmem>>, %arg3: memref<259x256xf32, #tpu.memory_space<vmem>>, %arg4: memref<3x256xf32, #tpu.memory_space<vmem>>, %arg5: memref<1x256xf32, #tpu.memory_space<vmem>>, %arg6: memref<256x256xf32, #tpu.memory_space<vmem>>, %arg7: memref<1x256xf32, #tpu.memory_space<vmem>>, %arg8: memref<2048x259xf32, #tpu.memory_space<vmem>>) attributes {dimension_semantics = [#tpu.dimension_semantics<arbitrary>], iteration_bounds = array<i64: 5>, scalar_prefetch = 0 : i64, scratch_operands = 0 : i64, tpu.core_type = #tpu.core_type<tc>, window_params = [{transform_indices = @transform_0, window_bounds = array<i64: 2048, 259>}, {transform_indices = @transform_1, window_bounds = array<i64: 32, 6, 2048>}, {pipeline_mode = #tpu.pipeline_mode<synchronous>, transform_indices = @transform_2, window_bounds = array<i64: 259, 256>}, {pipeline_mode = #tpu.pipeline_mode<synchronous>, transform_indices = @transform_3, window_bounds = array<i64: 3, 256>}, {pipeline_mode = #tpu.pipeline_mode<synchronous>, transform_indices = @transform_4, window_bounds = array<i64: 1, 256>}, {pipeline_mode = #tpu.pipeline_mode<synchronous>, transform_indices = @transform_5, window_bounds = array<i64: 256, 256>}, {pipeline_mode = #tpu.pipeline_mode<synchronous>, transform_indices = @transform_6, window_bounds = array<i64: 1, 256>}, {transform_indices = @transform_7, window_bounds = array<i64: 2048, 259>}]} {
    %get3A = arith.constant 0 : index
    %get3A_0 = arith.constant 0 : index
    %get3A_1 = arith.constant 0 : index
    %get3A_2 = vector.load %arg2[%get3A, %get3A_0, %get3A_1] : memref<32x6x2048xf32, #tpu.memory_space<vmem>>, vector<32x6x2048xf32>
    %reduce_sum3A = arith.constant dense<0.000000e+00> : vector<6x2048xf32>
    %reduce_sum3A_3 = vector.multi_reduction <add>, %get3A_2, %reduce_sum3A [0] : vector<32x6x2048xf32> to vector<6x2048xf32>
    %slice3A = vector.extract_strided_slice %reduce_sum3A_3 {offsets = [0, 0], sizes = [3, 2048], strides = [1, 1]} : vector<6x2048xf32> to vector<3x2048xf32>
    %slice3A_4 = vector.extract_strided_slice %reduce_sum3A_3 {offsets = [3, 0], sizes = [3, 2048], strides = [1, 1]} : vector<6x2048xf32> to vector<3x2048xf32>
    %get3A_5 = arith.constant 0 : index
    %get3A_6 = arith.constant 0 : index
    %get3A_7 = vector.load %arg1[%get3A_5, %get3A_6] : memref<2048x259xf32, #tpu.memory_space<vmem>>, vector<2048x259xf32>
    %get3A_8 = arith.constant 0 : index
    %get3A_9 = arith.constant 0 : index
    %get3A_10 = vector.load %arg3[%get3A_8, %get3A_9] : memref<259x256xf32, #tpu.memory_space<vmem>>, vector<259x256xf32>
    %dot_general3A = arith.constant dense<0.000000e+00> : vector<2048x256xf32>
    %dot_general3A_11 = tpu.matmul %get3A_7, %get3A_10, %dot_general3A {dimension_numbers = #tpu.dot_dimension_numbers<[1], [0], [0], [1], [0, 0, 1, 1], [], []>, transpose_lhs_hint = false} : vector<2048x259xf32>, vector<259x256xf32>, vector<2048x256xf32> -> vector<2048x256xf32>
    %get3A_12 = arith.constant 0 : index
    %get3A_13 = arith.constant 0 : index
    %get3A_14 = vector.load %arg4[%get3A_12, %get3A_13] : memref<3x256xf32, #tpu.memory_space<vmem>>, vector<3x256xf32>
    %dot_general3A_15 = arith.constant dense<0.000000e+00> : vector<2048x256xf32>
    %dot_general3A_16 = tpu.matmul %slice3A, %get3A_14, %dot_general3A_15 {dimension_numbers = #tpu.dot_dimension_numbers<[0], [0], [1], [1], [0, 1, 1, 1], [], []>, transpose_lhs_hint = false} : vector<3x2048xf32>, vector<3x256xf32>, vector<2048x256xf32> -> vector<2048x256xf32>
    %add3A = arith.addf %dot_general3A_11, %dot_general3A_16 : vector<2048x256xf32>
    %get3A_17 = arith.constant 0 : index
    %get3A_18 = arith.constant 0 : index
    %get3A_19 = vector.load %arg5[%get3A_17, %get3A_18] : memref<1x256xf32, #tpu.memory_space<vmem>>, vector<1x256xf32>
    %add3A_20 = vector.broadcast %get3A_19 : vector<1x256xf32> to vector<2048x256xf32>
    %add3A_21 = arith.addf %add3A, %add3A_20 : vector<2048x256xf32>
    %logistic3A = arith.negf %add3A_21 : vector<2048x256xf32>
    %logistic3A_22 = math.exp %logistic3A : vector<2048x256xf32>
    %logistic3A_23 = arith.constant 1.000000e+00 : f32
    %logistic3A_24 = vector.broadcast %logistic3A_23 : f32 to vector<2048x256xf32>
    %logistic3A_25 = arith.addf %logistic3A_24, %logistic3A_22 : vector<2048x256xf32>
    %logistic3A_26 = arith.divf %logistic3A_24, %logistic3A_25 : vector<2048x256xf32>
    %mul3A = arith.mulf %add3A_21, %logistic3A_26 : vector<2048x256xf32>
    %get3A_27 = arith.constant 0 : index
    %get3A_28 = arith.constant 0 : index
    %get3A_29 = vector.load %arg6[%get3A_27, %get3A_28] : memref<256x256xf32, #tpu.memory_space<vmem>>, vector<256x256xf32>
    %dot_general3A_30 = arith.constant dense<0.000000e+00> : vector<2048x256xf32>
    %dot_general3A_31 = tpu.matmul %mul3A, %get3A_29, %dot_general3A_30 {dimension_numbers = #tpu.dot_dimension_numbers<[1], [0], [0], [1], [0, 0, 1, 1], [], []>, transpose_lhs_hint = false} : vector<2048x256xf32>, vector<256x256xf32>, vector<2048x256xf32> -> vector<2048x256xf32>
    %get3A_32 = arith.constant 0 : index
    %get3A_33 = arith.constant 0 : index
    %get3A_34 = vector.load %arg7[%get3A_32, %get3A_33] : memref<1x256xf32, #tpu.memory_space<vmem>>, vector<1x256xf32>
    %add3A_35 = vector.broadcast %get3A_34 : vector<1x256xf32> to vector<2048x256xf32>
    %add3A_36 = arith.addf %dot_general3A_31, %add3A_35 : vector<2048x256xf32>
    %mul3A_37 = arith.constant 1.000000e-01 : f32
    %mul3A_38 = vector.broadcast %mul3A_37 : f32 to vector<3x2048xf32>
    %mul3A_39 = arith.mulf %slice3A_4, %mul3A_38 : vector<3x2048xf32>
    %iota3A = tpu.iota {dimensions = array<i32: 0>} : vector<3x3xi32>
    %iota3A_40 = tpu.iota {dimensions = array<i32: 1>} : vector<3x3xi32>
    %add3A_41 = arith.constant 0 : i32
    %add3A_42 = vector.broadcast %add3A_41 : i32 to vector<3x3xi32>
    %add3A_43 = arith.addi %iota3A, %add3A_42 : vector<3x3xi32>
    %eq3A = arith.cmpi eq, %add3A_43, %iota3A_40 : vector<3x3xi32>
    %convert_element_type3A = arith.extui %eq3A : vector<3x3xi1> to vector<3x3xi32>
    %convert_element_type3A_44 = arith.sitofp %convert_element_type3A : vector<3x3xi32> to vector<3x3xf32>
    %dot_general3A_45 = arith.constant dense<0.000000e+00> : vector<2048x3xf32>
    %dot_general3A_46 = tpu.matmul %mul3A_39, %convert_element_type3A_44, %dot_general3A_45 {dimension_numbers = #tpu.dot_dimension_numbers<[0], [0], [1], [1], [0, 1, 1, 1], [], []>, transpose_lhs_hint = false} : vector<3x2048xf32>, vector<3x3xf32>, vector<2048x3xf32> -> vector<2048x3xf32>
    %concatenate3A = tpu.concatenate %dot_general3A_46, %add3A_36 in 1 : vector<2048x3xf32>, vector<2048x256xf32> -> vector<2048x259xf32>
    %add3A_47 = arith.addf %get3A_7, %concatenate3A : vector<2048x259xf32>
    %swap3A = arith.constant 0 : index
    %swap3A_48 = arith.constant 0 : index
    %swap3A_49 = vector.load %arg8[%swap3A, %swap3A_48] : memref<2048x259xf32, #tpu.memory_space<vmem>>, vector<2048x259xf32>
    tpu.vector_store %arg8[%swap3A, %swap3A_48], %add3A_47 {strides = array<i32>} : memref<2048x259xf32, #tpu.memory_space<vmem>>, vector<2048x259xf32>,
    return
  }
  func.func @transform_0(%arg0: i32) -> (i32, i32) {
    %c0_i32 = arith.constant 0 : i32
    %c0_i32_0 = arith.constant 0 : i32
    return %arg0, %c0_i32 : i32, i32
  }
  func.func @transform_1(%arg0: i32) -> (i32, i32, i32) {
    %c0_i32 = arith.constant 0 : i32
    %c0_i32_0 = arith.constant 0 : i32
    %c0_i32_1 = arith.constant 0 : i32
    return %c0_i32, %c0_i32_0, %arg0 : i32, i32, i32
  }
  func.func @transform_2(%arg0: i32) -> (i32, i32) {
    %c0_i32 = arith.constant 0 : i32
    %c0_i32_0 = arith.constant 0 : i32
    %c0_i32_1 = arith.constant 0 : i32
    return %c0_i32, %c0_i32_0 : i32, i32
  }
  func.func @transform_3(%arg0: i32) -> (i32, i32) {
    %c0_i32 = arith.constant 0 : i32
    %c0_i32_0 = arith.constant 0 : i32
    %c0_i32_1 = arith.constant 0 : i32
    return %c0_i32, %c0_i32_0 : i32, i32
  }
  func.func @transform_4(%arg0: i32) -> (i32, i32) {
    %c0_i32 = arith.constant 0 : i32
    %c0_i32_0 = arith.constant 0 : i32
    %c0_i32_1 = arith.constant 0 : i32
    return %c0_i32, %c0_i32_0 : i32, i32
  }
  func.func @transform_5(%arg0: i32) -> (i32, i32) {
    %c0_i32 = arith.constant 0 : i32
    %c0_i32_0 = arith.constant 0 : i32
    %c0_i32_1 = arith.constant 0 : i32
    return %c0_i32, %c0_i32_0 : i32, i32
  }
  func.func @transform_6(%arg0: i32) -> (i32, i32) {
    %c0_i32 = arith.constant 0 : i32
    %c0_i32_0 = arith.constant 0 : i32
    %c0_i32_1 = arith.constant 0 : i32
    return %c0_i32, %c0_i32_0 : i32, i32
  }
  func.func @transform_7(%arg0: i32) -> (i32, i32) {
    %c0_i32 = arith.constant 0 : i32
    %c0_i32_0 = arith.constant 0 : i32
    return %arg0, %c0_i32 : i32, i32
  }
}

</mosaic_0001>

<sc_bundles>
// kernel: kernel.6.cloned.1.call-start
scs
__scs_entry_jumppad:
0x0: {  	(pc) =	sbr.rel $0x88, $3  }
0x1: {  	(tag) =	ssettag $0x0;
	lr =	simm.s32 $0x1  }
0x2: {  	[smem:$0x3F96] =	sst lr;
	_ =	strace $0xD0000000  }
0x3: {  	_ = 	snop  }
0x4: {  	_ = 	snop  }
0x5: {  	_ = 	snop  }
0x6: {  	_ = 	snop  }
0x7: {  	_ = 	snop  }
__scs_overlays_trampoline_lowered:
0x8: {  	[smem:$0x3FA5] =	sst s0  }
0x9: {  	[smem:$0x3FA6] =	sst s1  }
0xa: {  	[smem:$0x3FA7] =	sst s2  }
0xb: {  	[smem:$0x3FA8] =	sst s3  }
0xc: {  	[smem:$0x3FA9] =	sst s4  }
0xd: {  	[smem:$0x3FAA] =	sst s5  }
0xe: {  	[smem:$0x3FAB] =	sst s6  }
0xf: {  	[smem:$0x3FAC] =	sst s7  }
0x10: {  	[smem:$0x3FAD] =	sst s8  }
0x11: {  	[smem:$0x3FAE] =	sst s9;
	s0 =	simm.s32 @!p0 $0x0  }
0x12: {  	s1 =	sld [smem:$0x3F94];
	s0 =	simm.s32 @p0 $0x1  }
0x13: {  	[smem:$0x3FAF] =	sst s0;
	s0 =	simm.s32 @!p1 $0x0  }
0x14: {  	s2 =	sld [smem:$0x3F93];
	s0 =	simm.s32 @p1 $0x1  }
0x15: {  	[smem:$0x3FB0] =	sst s0;
	s0 =	simm.s32 @!p2 $0x0  }
0x16: {  	s3 =	sld [smem:$0x3FDB];
	s0 =	simm.s32 @p2 $0x1  }
0x17: {  	s4 =	simm.s32 $0x1BF5;
	[smem:$0x3FB2] =	sst s0  }
0x18: {  	s0 =	sld [smem:$0x3F95];
	_ =	swait.ge [sflag:s4], $0x0  }
0x19: {  	s7 =	sld [smem:$0x3F96]  }
0x1a: {  	s8 =	sadd.s32 $0xFFFFE003, lr  }
0x1b: {  	s9 =	sadd.s32 $0xFFFFFEF7, lr;
	s5 =	simm.s32 $0xFFFFFFFF;
	p2 =	slt.u32 s8, $0xFFFFF086  }
0x1c: {  	p1 =	slt.u32 s9, $0xF7A;
	s5 =	simm.s32 @!p2 $0x0  }
0x1d: {  	s5 =	simm.s32 @p1 $0x1;
	p0 =	seq.s32 s7, s2  }
0x1e: {  	s7 =	smul.u32 @!p0 $0xF7A, s2;
	p2 =	seq.s32 @!p0 s5, $0x0  }
0x1f: {  	s9 =	smul.u32 $0xF7A, s1;
	s8 =	simm.s32 @!p0 $0x1BF5;
	p2 =	por !p2, p0  }
0x20: {  	[sflag:s8] =	ssyncset.s32 @!p0 $0xFFFFF086;
	s6 =	sadd.s32 @!p0 s3, s7;
	s7 =	simm.s32 @!p0 $0x108  }
0x21: {  	s3 =	sadd.s32 s3, s9;
	s6 =	sadd.s32 @!p0 $0x88, s6;
	s7 =	simm.s32 @p2 $0x1082  }
0x22: {  	[simem:s7], [sflag:s8] =	dma.local @!p0 [hbm:s6], $0xF7A  }
0x23: {  	s9 =	sor.u32 $0xD0000000, s2;
	s6 =	simm.s32 $0x108;
	_ =	swait.ge @!p0 [sflag:s8], $0x0  }
0x24: {  	s3 =	sadd.s32 $0x88, s3;
	s6 =	simm.s32 @!p1 $0x1082;
	[sflag:s4] =	ssyncset.s32 $0xFFFFF086  }
0x25: {  	[simem:s6], [sflag:s4] =	dma.local [hbm:s3], $0xF7A  }
0x26: {  	[smem:$0x3F96] =	sst s1;
	(tag) =	ssettag s2;
	_ =	strace s9  }
0x27: {  	s1 =	sld [smem:$0x3FA6]  }
0x28: {  	s2 =	sld [smem:$0x3FA7]  }
0x29: {  	s4 =	sld [smem:$0x3FA9]  }
0x2a: {  	p0 =	seq.s32 s5, $0x0;
	s5 =	sld [smem:$0x3FAA]  }
0x2b: {  	s6 =	sld [smem:$0x3FAB]  }
0x2c: {  	s7 =	sld [smem:$0x3FAC]  }
0x2d: {  	s3 =	simm.s32 $0x108;
	s8 =	sld [smem:$0x3FAD]  }
0x2e: {  	s3 =	simm.s32 @!p0 $0x1082;
	s9 =	sld [smem:$0x3FAE]  }
0x2f: {  	lr =	sadd.s32 s0, s3;
	s0 =	sld [smem:$0x3FA5]  }
0x30: {  	s3 =	sld [smem:$0x3FA8]  }
0x31: {  	[smem:$0x3FB1] =	sst s10  }
0x32: {  	s10 =	sld [smem:$0x3FAF];
	_ =	sdelay $0x3  }
0x33: {  	p0 =	seq.s32 s10, $0x1;
	s10 =	sld [smem:$0x3FB1];
	_ =	sdelay $0x3  }
0x34: {  	[smem:$0x3FB1] =	sst s10  }
0x35: {  	s10 =	sld [smem:$0x3FB0];
	_ =	sdelay $0x3  }
0x36: {  	p1 =	seq.s32 s10, $0x1;
	s10 =	sld [smem:$0x3FB1];
	_ =	sdelay $0x3  }
0x37: {  	[smem:$0x3FB1] =	sst s10  }
0x38: {  	s10 =	sld [smem:$0x3FB2]  }
0x39: {  	_ = 	snop;
	(pc) =	sbr.ind lr, $3  }
0x3a: {  	_ = 	snop  }
0x3b: {  	_ = 	snop  }
0x3c: {  	p2 =	seq.s32 s10, $0x1;
	s10 =	sld [smem:$0x3FB1]  }
0x3d: {  	_ =	shalt  }
0x3e: {  	_ =	shalt  }
0x3f: {  	_ =	shalt  }
0x40: {  	_ =	shalt  }
0x41: {  	_ =	shalt  }
0x42: {  	_ =	shalt  }
0x43: {  	_ =	shalt  }
0x44: {  	_ =	shalt  }
0x45: {  	_ =	shalt  }
0x46: {  	_ =	shalt  }
0x47: {  	_ =	shalt  }
0x48: {  	_ =	shalt  }
0x49: {  	_ =	shalt  }
0x4a: {  	_ =	shalt  }
0x4b: {  	_ =	shalt  }
0x4c: {  	_ =	shalt  }
0x4d: {  	_ =	shalt  }
0x4e: {  	_ =	shalt  }
0x4f: {  	_ =	shalt  }
0x50: {  	_ =	shalt  }
0x51: {  	_ =	shalt  }
0x52: {  	_ =	shalt  }
0x53: {  	_ =	shalt  }
0x54: {  	_ =	shalt  }
0x55: {  	_ =	shalt  }
0x56: {  	_ =	shalt  }
0x57: {  	_ =	shalt  }
0x58: {  	_ =	shalt  }
0x59: {  	_ =	shalt  }
0x5a: {  	_ =	shalt  }
0x5b: {  	_ =	shalt  }
0x5c: {  	_ =	shalt  }
0x5d: {  	_ =	shalt  }
0x5e: {  	_ =	shalt  }
0x5f: {  	_ =	shalt  }
0x60: {  	_ =	shalt  }
0x61: {  	_ =	shalt  }
0x62: {  	_ =	shalt  }
0x63: {  	_ =	shalt  }
0x64: {  	_ =	shalt  }
0x65: {  	_ =	shalt  }
0x66: {  	_ =	shalt  }
0x67: {  	_ =	shalt  }
0x68: {  	_ =	shalt  }
0x69: {  	_ =	shalt  }
0x6a: {  	_ =	shalt  }
0x6b: {  	_ =	shalt  }
0x6c: {  	_ =	shalt  }
0x6d: {  	_ =	shalt  }
0x6e: {  	_ =	shalt  }
0x6f: {  	_ =	shalt  }
0x70: {  	_ =	shalt  }
0x71: {  	_ =	shalt  }
0x72: {  	_ =	shalt  }
0x73: {  	_ =	shalt  }
0x74: {  	_ =	shalt  }
0x75: {  	_ =	shalt  }
0x76: {  	_ =	shalt  }
0x77: {  	_ =	shalt  }
0x78: {  	_ =	shalt  }
0x79: {  	_ =	shalt  }
0x7a: {  	_ =	shalt  }
0x7b: {  	_ =	shalt  }
0x7c: {  	_ =	shalt  }
0x7d: {  	_ =	shalt  }
0x7e: {  	_ =	shalt  }
0x7f: {  	_ =	shalt  }
0x80: {  	_ =	shalt  }
0x81: {  	_ =	shalt  }
0x82: {  	_ =	shalt  }
0x83: {  	_ =	shalt  }
0x84: {  	_ =	shalt  }
0x85: {  	_ =	shalt  }
0x86: {  	_ =	shalt  }
0x87: {  	_ =	shalt  }
.Lfunc_end0:
.L_simem_size_0:
called_computation_lowered:
.L_overlay_start_0:
0x88: {  	s2 =	sld [smem:$0x3FD9]  }
0x89: {  	s3 =	sld [smem:$0x3FFE];
	_ =	sdelay $0x1  }
0x8a: {  	s1 =	srdreg.scid  }
0x8b: {  	s0 =	sand.u32 $0x1, s1  }
0x8c: {  	s17 =	sshll.u32 s0, $0xA;
	s2 =	sadd.s32 s3, s2  }
0x8d: {  	s2 =	sadd.s32 s2, s17  }
0x8e: {  	[smem:$0x3FBD] =	sst s2  }
0x8f: {  	_ = 	snop  }
0x90: {  	s2 =	sld [smem:$0x3FD0];
	(tm) =	ssettm $0x1  }
0x91: {  	s18 =	sld [smem:$0x3FFB];
	_ =	sdelay $0x3  }
0x92: {  	_ =	strace s18  }
0x93: {  	s3 =	sld [smem:$0x3FFC];
	_ =	sdelay $0x3  }
0x94: {  	_ =	strace s3  }
0x95: {  	s3 =	sld [smem:$0x3FFD];
	_ =	sdelay $0x3  }
0x96: {  	_ =	strace s3  }
0x97: {  	_ =	strace $0x8FFFFFFF  }
0x98: {  	s19 =	sld [smem:$0x3FDB];
	_ =	sdelay $0x1  }
0x99: {  	s4 =	simm.s32 $_scs_section_size  }
0x9a: {  	s5 =	simm.s32 $_size__tile_overlayer_lowered;
	s6 =	simm.s32 $_tile_overlayer_lowered  }
0x9b: {  	s22 =	simm.s32 $0x1BFF;
	s21 =	sshll.u32 s6, $0x1;
	s3 =	sadd.s32 s4, s19  }
0x9c: {  	s7 =	simm.s32 $0x0;
	s20 =	sshll.u32 s5, $0x1;
	s5 =	sadd.s32 s21, s3  }
0x9d: {  	[timem:s7], [sflag:s22] =	dma.local [hbm:s5], s20  }
0x9e: {  	_ =	swait.ge [sflag:s22], s20  }
0x9f: {  	s4 =	ssub.s32 $0x0, s20;
	[sflag:s22] =	ssyncset.done $0x0  }
0xa0: {  	[sflag:s22] =	ssyncadd.s32 s4;
	_ =	sdelay $0x1  }
0xa1: {  	s23 =	simm.s32 $0x1B8B  }
0xa2: {  	_ =	swait.ge [sflag:s23], $0x1  }
0xa3: {  	[sflag:s23] =	ssyncset.done $0x0  }
0xa4: {  	s25 =	simm.s32 $0x1B8E;
	s24 =	sld [smem:$0x3FFE];
	[sflag:s23] =	ssyncadd.s32 $0xFFFFFFFF  }
0xa5: {  	s26 =	simm.s32 $execute0_lowered;
	[smem:$0x3FD2] =	sst s25  }
0xa6: {  	s5 =	sshll.u32 s26, $0x1;
	_ =	strace $0x80000046;
	[dreg:$0x1] =	wrdreg $0xFFFFFFFF  }
0xa7: {  	s28 =	simm.s32 $_size_execute0_lowered;
	s3 =	sadd.s32 s3, s5;
	[dreg:$0x0] =	wrdreg $0x0  }
0xa8: {  	s5 =	sshll.u32 s28, $0x1;
	[dreg:$0x2] =	wrdreg s3  }
0xa9: {  	[dreg:$0x3] =	wrdreg s5  }
0xaa: {  	[dreg:$0x4] =	wrdreg $0xC0  }
0xab: {  	_ =	task [dreg:s7], $0x5FFFF  }
0xac: {  	[dreg:$0x1] =	wrdreg $0xFFFFFFFF  }
0xad: {  	[dreg:$0x0] =	wrdreg $0x60  }
0xae: {  	[dreg:$0x2] =	wrdreg s24  }
0xaf: {  	[dreg:$0x3] =	wrdreg s2  }
0xb0: {  	[dreg:$0x4] =	wrdreg $0x9  }
0xb1: {  	_ =	task.clear_ibuf [dreg:s7], $0x5FFFF;
	_ =	strace $0x90000046  }
0xb2: {  	s29 =	simm.s32 $0x9;
	_ =	strace $0x80000048  }
0xb3: {  	_ =	swait.ge [sflag:s29], $0x1  }
0xb4: {  	[sflag:s29] =	ssyncadd.s32 $0xFFFFFFFF  }
0xb5: {  	_ =	strace $0x90000048  }
0xb6: {  	_ =	sfence  }
0xb7: {  	s30 =	sld [smem:$0x0];
	_ =	sdelay $0x2  }
0xb8: {  	s31 =	sshll.u32 s1, $0xD;
	s1 =	sshrl.u32 s1, $0x2  }
0xb9: {  	s3 =	sand.u32 $0x4000, s31;
	s1 =	sadd.s32 s1, s30  }
0xba: {  	s0 =	sor.u32 s3, s0;
	s1 =	sshll.u32 s1, $0x11  }
0xbb: {  	s0 =	sor.u32 s1, s0  }
0xbc: {  	s0 =	sadd.s32 $0x8F2B, s0  }
0xbd: {  	[sflag:s0] =	ssyncadd.remote.s32 $0x1  }
0xbe: {  	_ =	sfence.sel $0xFFFF  }
0xbf: {  	[dreg:$0x0] =	wrdreg $0xFFFFFFFF;
	(pc) =	sbr.abs _section_cstart, $3  }
0xc0: {  	[dreg:$0x1] =	wrdreg $0xFFFFFFFF  }
0xc1: {  	_ =	task.clear_ibuf [dreg:s7], $0x2FFFF;
	_ =	strace $0x9FFFFFFF  }
0xc2: {  	(tm) =	ssettm $0x7FFFFFFF  }
0xc3: {  	_ =	shalt  }
tec
execute0_lowered:
.L_overlay_start_1:
0x0: {  	(tag) =	ssettag $0x1  }
0x1: {  	v0 =	vlaneseq.u32  }
0x2: {  	v1 =	vimm.f32 $0.0e+00;
	vm15 =	vcmask $0x300;
	v4 =	vimm.s32 $0x3481  }
0x3: {  	vm14 =	vcmask $0x704;
	vm13 =	vcmask $0xB08;
	vm12 =	vcmask $0xF0C  }
0x4: {  	vm11 =	vcmask $0x1310;
	vm10 =	vcmask $0x1714;
	v5 =	vimm.s32 $0x0  }
0x5: {  	vm8 =	vcmask $0x1B18;
	vm1 =	vcmask $0x1F1C;
	v6 =	vimm.s32 $0x3981  }
0x6: {  	vm2 =	vcmask $0x2320;
	vm3 =	vcmask $0x2724;
	vm4 =	vcmask $0x2B28  }
0x7: {  	vm5 =	vcmask $0x2F2C;
	vm6 =	vcmask $0x3330;
	vm7 =	vcmask $0x3734  }
0x8: {  	vm9 =	vcmask $0x3B38;
	v58 =	vimm.s32 $0x3983;
	v59 =	vimm.s32 $0x3985  }
0x9: {  	v62 =	vimm.s32 $0x3987;
	v0 =	vmul.u32 $0x10, v0;
	v4 =	vsel vm15, $0x0, v4  }
0xa: {  	v37 =	vsel vm15, $0x3, v5;
	v5 =	vimm.s32 $0x3701;
	v6 =	vsel vm15, $0x500, v6  }
0xb: {  	v4 =	vsel vm14, $0x780, v4;
	v5 =	vsel vm15, $0x280, v5;
	v6 =	vsel vm14, $0xC80, v6  }
0xc: {  	v13 =	vor.u32 $0x2, v0;
	v14 =	vor.u32 $0x3, v0;
	v10 =	vor.u32 $0x4, v0  }
0xd: {  	v16 =	vor.u32 $0x5, v0;
	v4 =	vsel vm13, $0xF00, v4;
	v15 =	vor.u32 $0x6, v0  }
0xe: {  	v17 =	vor.u32 $0x7, v0;
	v18 =	vor.u32 $0x8, v0;
	v5 =	vsel vm14, $0xA00, v5  }
0xf: {  	v6 =	vsel vm13, $0x1400, v6;
	v41 =	vor.u32 $0x103, v0;
	v4 =	vsel vm12, $0x1680, v4  }
0x10: {  	v31 =	vor.u32 $0x104, v0;
	v32 =	vor.u32 $0x105, v0;
	v4 =	vsel vm11, $0x1E00, v4  }
0x11: {  	v33 =	vor.u32 $0x106, v0;
	v6 =	vsel vm12, $0x1B80, v6;
	v4 =	vsel vm10, $0x2580, v4  }
0x12: {  	v49 =	vor.u32 $0x107, v0;
	v6 =	vsel vm11, $0x2300, v6;
	v4 =	vsel vm8, $0x2D00, v4  }
0x13: {  	v50 =	vor.u32 $0x108, v0;
	v6 =	vsel vm10, $0x2A80, v6;
	v4 =	vsel vm1, $0x3480, v4  }
0x14: {  	v48 =	vor.u32 $0x203, v0;
	v6 =	vsel vm8, $0x3200, v6;
	v4 =	vsel vm2, $0x1, v4  }
0x15: {  	v34 =	vor.u32 $0x204, v0;
	v6 =	vsel vm1, $0x3980, v6;
	v4 =	vsel vm3, $0x781, v4  }
0x16: {  	v36 =	vor.u32 $0x205, v0;
	v6 =	vsel vm2, $0x501, v6;
	v4 =	vsel vm4, $0xF01, v4  }
0x17: {  	v23 =	vor.u32 $0x206, v0;
	v6 =	vsel vm3, $0xC81, v6;
	v4 =	vsel vm5, $0x1681, v4  }
0x18: {  	v38 =	vor.u32 $0x207, v0;
	v6 =	vsel vm4, $0x1401, v6;
	v4 =	vsel vm6, $0x1E01, v4  }
0x19: {  	v40 =	vor.u32 $0x208, v0;
	v6 =	vsel vm5, $0x1B81, v6;
	v4 =	vsel vm7, $0x2581, v4  }
0x1a: {  	v6 =	vsel vm6, $0x2301, v6;
	v63 =	vsel vm9, $0x2D01, v4;
	v4 =	vimm.s32 $0x3483  }
0x1b: {  	v5 =	vsel vm13, $0x1180, v5;
	v6 =	vsel vm7, $0x2A81, v6;
	v4 =	vsel vm15, $0x2, v4  }
0x1c: {  	v28 =	vsel vm9, $0x3201, v6;
	v6 =	vsel vm15, $0x502, v58;
	v4 =	vsel vm14, $0x782, v4  }
0x1d: {  	v5 =	vsel vm12, $0x1900, v5;
	v6 =	vsel vm14, $0xC82, v6;
	v4 =	vsel vm13, $0xF02, v4  }
0x1e: {  	v5 =	vsel vm11, $0x2080, v5;
	v6 =	vsel vm13, $0x1402, v6;
	v4 =	vsel vm12, $0x1682, v4  }
0x1f: {  	v5 =	vsel vm10, $0x2800, v5;
	v6 =	vsel vm12, $0x1B82, v6;
	v4 =	vsel vm11, $0x1E02, v4  }
0x20: {  	v5 =	vsel vm8, $0x2F80, v5;
	v6 =	vsel vm11, $0x2302, v6;
	v4 =	vsel vm10, $0x2582, v4  }
0x21: {  	v5 =	vsel vm1, $0x3700, v5;
	v6 =	vsel vm10, $0x2A82, v6;
	v4 =	vsel vm8, $0x2D02, v4  }
0x22: {  	v5 =	vsel vm2, $0x281, v5;
	v6 =	vsel vm8, $0x3202, v6;
	v4 =	vsel vm1, $0x3482, v4  }
0x23: {  	v5 =	vsel vm3, $0xA01, v5;
	v6 =	vsel vm1, $0x3982, v6;
	v4 =	vsel vm2, $0x3, v4  }
0x24: {  	v5 =	vsel vm4, $0x1181, v5;
	v6 =	vsel vm2, $0x503, v6;
	v4 =	vsel vm3, $0x783, v4  }
0x25: {  	v5 =	vsel vm5, $0x1901, v5;
	v6 =	vsel vm3, $0xC83, v6;
	v4 =	vsel vm4, $0xF03, v4  }
0x26: {  	v5 =	vsel vm6, $0x2081, v5;
	v6 =	vsel vm4, $0x1403, v6;
	v4 =	vsel vm5, $0x1683, v4  }
0x27: {  	v5 =	vsel vm7, $0x2801, v5;
	v6 =	vsel vm5, $0x1B83, v6;
	v4 =	vsel vm6, $0x1E03, v4  }
0x28: {  	v27 =	vsel vm9, $0x2F81, v5;
	v6 =	vsel vm6, $0x2303, v6;
	v4 =	vsel vm7, $0x2583, v4  }
0x29: {  	v5 =	vimm.s32 $0x3703;
	v35 =	vsel vm9, $0x2D03, v4;
	v4 =	vsel vm7, $0x2A83, v6  }
0x2a: {  	v5 =	vsel vm15, $0x282, v5;
	v52 =	vsel vm9, $0x3203, v4;
	v4 =	vimm.s32 $0x3485  }
0x2b: {  	v43 =	vor.u32 $0x303, v0;
	v5 =	vsel vm14, $0xA02, v5;
	v4 =	vsel vm15, $0x4, v4  }
0x2c: {  	v5 =	vsel vm13, $0x1182, v5;
	v6 =	vsel vm15, $0x504, v59;
	v4 =	vsel vm14, $0x784, v4  }
0x2d: {  	v5 =	vsel vm12, $0x1902, v5;
	v6 =	vsel vm14, $0xC84, v6;
	v4 =	vsel vm13, $0xF04, v4  }
0x2e: {  	v5 =	vsel vm11, $0x2082, v5;
	v6 =	vsel vm13, $0x1404, v6;
	v4 =	vsel vm12, $0x1684, v4  }
0x2f: {  	v5 =	vsel vm10, $0x2802, v5;
	v6 =	vsel vm12, $0x1B84, v6;
	v4 =	vsel vm11, $0x1E04, v4  }
0x30: {  	v5 =	vsel vm8, $0x2F82, v5;
	v6 =	vsel vm11, $0x2304, v6;
	v4 =	vsel vm10, $0x2584, v4  }
0x31: {  	v5 =	vsel vm1, $0x3702, v5;
	v6 =	vsel vm10, $0x2A84, v6;
	v4 =	vsel vm8, $0x2D04, v4  }
0x32: {  	s0 =	srdreg.scid;
	s10 =	stileid.u32;
	v5 =	vsel vm2, $0x283, v5;
	v6 =	vsel vm8, $0x3204, v6;
	v4 =	vsel vm1, $0x3484, v4  }
0x33: {  	s0 =	sand.u32 $0x1, s0;
	s2 =	sshll.u32 s10, $0x1;
	v5 =	vsel vm3, $0xA03, v5;
	v6 =	vsel vm1, $0x3984, v6;
	v4 =	vsel vm2, $0x5, v4  }
0x34: {  	s1 =	rddreg [dreg:$0x0];
	s5 =	sor.u32 s0, s2;
	s2 =	simm.s32 $0x0;
	v5 =	vsel vm4, $0x1183, v5;
	v6 =	vsel vm2, $0x505, v6;
	v4 =	vsel vm3, $0x785, v4  }
0x35: {  	[smem:$0x7FF] =	sst s2;
	v5 =	vsel vm5, $0x1903, v5;
	v6 =	vsel vm3, $0xC85, v6;
	v4 =	vsel vm4, $0xF05, v4  }
0x36: {  	s4 =	rddreg [dreg:$0x1];
	_ =	strace $0x80000047;
	[tilespmem:$0x1FEB0] =	vst v18;
	v5 =	vsel vm6, $0x2083, v5;
	v6 =	vsel vm4, $0x1405, v6;
	v4 =	vsel vm5, $0x1685, v4  }
0x37: {  	[tilespmem:$0x1FEC0] =	vst v33;
	v5 =	vsel vm7, $0x2803, v5;
	v6 =	vsel vm5, $0x1B85, v6;
	v4 =	vsel vm6, $0x1E05, v4  }
0x38: {  	[tilespmem:$0x1FED0] =	vst v34;
	v51 =	vsel vm9, $0x2F83, v5;
	v6 =	vsel vm6, $0x2305, v6;
	v4 =	vsel vm7, $0x2585, v4  }
0x39: {  	[tilespmem:$0x1FEE0] =	vst v31;
	v5 =	vimm.s32 $0x3705;
	v45 =	vsel vm9, $0x2D05, v4;
	v4 =	vsel vm7, $0x2A85, v6  }
0x3a: {  	[tilespmem:$0x1FEF0] =	vst v32;
	v5 =	vsel vm15, $0x284, v5;
	v47 =	vsel vm9, $0x3205, v4;
	v4 =	vimm.s32 $0x3487  }
0x3b: {  	v44 =	vor.u32 $0x304, v0;
	[tilespmem:$0x1FF00] =	vst v36;
	v5 =	vsel vm14, $0xA04, v5;
	v4 =	vsel vm15, $0x6, v4  }
0x3c: {  	[tilespmem:$0x1FF10] =	vst v38;
	v5 =	vsel vm13, $0x1184, v5;
	v6 =	vsel vm15, $0x506, v62;
	v4 =	vsel vm14, $0x786, v4  }
0x3d: {  	[tilespmem:$0x1FF20] =	vst v40;
	v5 =	vsel vm12, $0x1904, v5;
	v6 =	vsel vm14, $0xC86, v6;
	v4 =	vsel vm13, $0xF06, v4  }
0x3e: {  	[tilespmem:$0x1FF30] =	vst v23;
	v5 =	vsel vm11, $0x2084, v5;
	v6 =	vsel vm13, $0x1406, v6;
	v4 =	vsel vm12, $0x1686, v4  }
0x3f: {  	[tilespmem:$0x1FF40] =	vst v49;
	v5 =	vsel vm10, $0x2804, v5;
	v6 =	vsel vm12, $0x1B86, v6;
	v4 =	vsel vm11, $0x1E06, v4  }
0x40: {  	[tilespmem:$0x1FF50] =	vst v50;
	v5 =	vsel vm8, $0x2F84, v5;
	v6 =	vsel vm11, $0x2306, v6;
	v4 =	vsel vm10, $0x2586, v4  }
0x41: {  	[tilespmem:$0x1FF60] =	vst v48;
	v5 =	vsel vm1, $0x3704, v5;
	v6 =	vsel vm10, $0x2A86, v6;
	v4 =	vsel vm8, $0x2D06, v4  }
0x42: {  	[tilespmem:$0x1FF70] =	vst v43;
	v5 =	vsel vm2, $0x285, v5;
	v6 =	vsel vm8, $0x3206, v6;
	v4 =	vsel vm1, $0x3486, v4  }
0x43: {  	[tilespmem:$0x1FF80] =	vst v44;
	v5 =	vsel vm3, $0xA05, v5;
	v6 =	vsel vm1, $0x3986, v6;
	v4 =	vsel vm2, $0x7, v4  }
0x44: {  	[tilespmem:$0x1FF90] =	vst v17;
	v5 =	vsel vm4, $0x1185, v5;
	v6 =	vsel vm2, $0x507, v6;
	v4 =	vsel vm3, $0x787, v4  }
0x45: {  	[tilespmem:$0x1FFA0] =	vst v15;
	v5 =	vsel vm5, $0x1905, v5;
	v6 =	vsel vm3, $0xC87, v6;
	v4 =	vsel vm4, $0xF07, v4  }
0x46: {  	[tilespmem:$0x1FFB0] =	vst v16;
	v5 =	vsel vm6, $0x2085, v5;
	v6 =	vsel vm4, $0x1407, v6;
	v4 =	vsel vm5, $0x1687, v4  }
0x47: {  	[tilespmem:$0x1FFC0] =	vst v10;
	v5 =	vsel vm7, $0x2805, v5;
	v6 =	vsel vm5, $0x1B87, v6;
	v4 =	vsel vm6, $0x1E07, v4  }
0x48: {  	s16 =	simm.s32 $0x5;
	s18 =	simm.s32 $0x80;
	s23 =	smul.u32 $0x2800, s10;
	[tilespmem:$0x1FFD0] =	vst v14;
	v46 =	vsel vm9, $0x2F85, v5;
	v6 =	vsel vm6, $0x2307, v6;
	v4 =	vsel vm7, $0x2587, v4  }
0x49: {  	s19 =	simm.s32 $0x6500;
	s8 =	ssub.s32 $0x2, s0;
	s0 =	smul.u32 $0x1400, s0;
	[tilespmem:$0x1FFE0] =	vst v13;
	v5 =	vimm.s32 $0x3707;
	v57 =	vsel vm9, $0x2D07, v4;
	v4 =	vsel vm7, $0x2A87, v6  }
0x4a: {  	s28 =	simm.s32 $0x1;
	s29 =	simm.s32 $0x2;
	s3 =	smul.u32 $0x1400, s5;
	[tilespmem:$0x1FFF0] =	vst v41;
	v5 =	vsel vm15, $0x286, v5;
	v62 =	vsel vm9, $0x3207, v4;
	v4 =	vor.u32 $0x400, v0  }
0x4b: {  	vm0 =	vmxor vm0, vm0;
	s30 =	simm.s32 $0x8500;
	s31 =	simm.s32 $0xAC10;
	s7 =	smul.u32 $0x50, s5;
	v5 =	vsel vm14, $0xA06, v5;
	[tilespmem:$0x1FDD0] =	vst v4;
	v4 =	vor.u32 $0x401, v0  }
0x4c: {  	s17 =	simm.s32 $0x4;
	v12 =	vor.u32 $0x1, v0;
	s9 =	sshrl.u32 s8, $0x1;
	s5 =	smul.u32 $0xEA60, s5;
	v5 =	vsel vm13, $0x1186, v5;
	[tilespmem:$0x1FDE0] =	vst v4;
	v4 =	vor.u32 $0x402, v0  }
0x4d: {  	v2 =	vor.u32 $0x100, v0;
	s20 =	ssub.s32 s8, s9;
	s9 =	sadd.s32 s0, s23;
	s23 =	simm.s32 $0x2800;
	v5 =	vsel vm12, $0x1906, v5;
	[tilespmem:$0x1FDF0] =	vst v4;
	v4 =	vor.u32 $0x403, v0  }
0x4e: {  	v3 =	vor.u32 $0x101, v0;
	s0 =	simm.s32 $0xFA30;
	s3 =	sshrl.u32 s3, $0x3;
	s7 =	sadd.s32 s7, s1;
	v5 =	vsel vm11, $0x2086, v5;
	[tilespmem:$0x1FE00] =	vst v4;
	v4 =	vor.u32 $0x404, v0  }
0x4f: {  	v11 =	vor.u32 $0x102, v0;
	s6 =	sadd.s32 s3, s1;
	s3 =	sadd.s32 $0x77200, s1;
	s1 =	sadd.s32 $0x95200, s1;
	v5 =	vsel vm10, $0x2806, v5;
	[tilespmem:$0x1FE10] =	vst v4;
	v4 =	vor.u32 $0x405, v0  }
0x50: {  	v60 =	vor.u32 $0x200, v0;
	s5 =	sshrl.u32 s5, $0x3;
	s22 =	sadd.s32 $0x86200, s7;
	[dreg:$0x3] =	wrdreg s1;
	v5 =	vsel vm8, $0x2F86, v5;
	[tilespmem:$0x1FE20] =	vst v4;
	v4 =	vor.u32 $0x406, v0  }
0x51: {  	v61 =	vor.u32 $0x201, v0;
	s14 =	smax.u32 s20, $0x1;
	s21 =	sadd.s32 $0x81200, s6;
	[dreg:$0x6] =	wrdreg s22;
	v5 =	vsel vm1, $0x3706, v5;
	[tilespmem:$0x1FE30] =	vst v4;
	v4 =	vor.u32 $0x407, v0  }
0x52: {  	v39 =	vor.u32 $0x202, v0;
	s8 =	sadd.s32 s4, s5;
	s6 =	sadd.s32 $0x7C200, s6;
	[dreg:$0x4] =	wrdreg s21;
	v5 =	vsel vm2, $0x287, v5;
	[tilespmem:$0x1FE40] =	vst v4;
	v4 =	vor.u32 $0x408, v0  }
0x53: {  	v26 =	vor.u32 $0x301, v0;
	s20 =	simm.s32 $0x6D00;
	s5 =	sadd.s32 $0x4E2, s8;
	[dreg:$0x5] =	wrdreg s6;
	v5 =	vsel vm3, $0xA07, v5;
	[tilespmem:$0x1FE50] =	vst v4;
	v4 =	vor.u32 $0x500, v0  }
0x54: {  	v42 =	vor.u32 $0x302, v0;
	s4 =	simm.s32 $0x0;
	s24 =	sadd.s32 $0x9C4, s8;
	[dreg:$0x7] =	wrdreg s5;
	v5 =	vsel vm4, $0x1187, v5;
	[tilespmem:$0x1FE60] =	vst v4;
	v4 =	vor.u32 $0x501, v0  }
0x55: {  	v53 =	vor.u32 $0x305, v0;
	s25 =	sadd.s32 $0xEA6, s8;
	s26 =	sadd.s32 $0x1388, s8;
	[dreg:$0x8] =	wrdreg s24;
	v5 =	vsel vm5, $0x1907, v5;
	[tilespmem:$0x1FE70] =	vst v4;
	v4 =	vor.u32 $0x502, v0  }
0x56: {  	v54 =	vor.u32 $0x306, v0;
	s13 =	sadd.s32 $0x186A, s8;
	s1 =	simm.s32 $0xD320;
	[dreg:$0x9] =	wrdreg s25;
	v5 =	vsel vm6, $0x2087, v5;
	[tilespmem:$0x1FE80] =	vst v4;
	v4 =	vor.u32 $0x503, v0  }
0x57: {  	v55 =	vor.u32 $0x307, v0;
	s22 =	simm.s32 $0x14850;
	[dreg:$0xa] =	wrdreg s26;
	s25 =	simm.s32 $0x7500;
	v5 =	vsel vm7, $0x2807, v5;
	[tilespmem:$0x1FE90] =	vst v4;
	v4 =	vor.u32 $0x504, v0  }
0x58: {  	v56 =	vor.u32 $0x308, v0;
	s26 =	simm.s32 $0x7D00;
	s21 =	simm.s32 $0x12140;
	s24 =	simm.s32 $0x3;
	v59 =	vor.u32 $0x300, v0;
	v58 =	vsel vm9, $0x2F87, v5;
	[tilespmem:$0x1FEA0] =	vst v4  }
.LBB2_1:
0x59: {  	s5 =	rddreg [dreg:$0x4]  }
0x5a: {  	[tilespmem:s2], [sflag:$0x5] =	stream.linear.gather [hbm4b:s5+s2], $0x1400, $0x38;
	[tilespmem:$0x16F60] =	vst v63  }
0x5b: {  	_ =	swait.ge [sflag:s16], $0x1400  }
0x5c: {  	[sflag:s16] =	ssyncset.done $0x0  }
0x5d: {  	s6 =	simm.s32 $0x1400;
	s7 =	rddreg [dreg:$0x5];
	[sflag:s16] =	ssyncadd.s32 $0xFFFFEC00  }
0x5e: {  	[tilespmem:s6], [sflag:$0x5] =	stream.linear.gather [hbm4b:s7+s2], $0x1400, $0x38;
	[tilespmem:$0x16F60] =	vst v63  }
0x5f: {  	_ =	swait.ge [sflag:s16], $0x1400  }
0x60: {  	[sflag:s16] =	ssyncset.done $0x0  }
0x61: {  	[sflag:s16] =	ssyncadd.s32 $0xFFFFEC00  }
0x62: {  	[tilespmem:s19], [sflag:$0x1] =	stream.indirect.gather [hbm4b:s3+s18], $0x10, s2, s18, $0xb8;
	[tilespmem:$0x16F60] =	vst v63  }
0x63: {  	_ = 	snop  }
0x64: {  	[tilespmem:s20], [sflag:$0x2] =	stream.indirect.gather [hbm4b:s3+s18], $0x10, s6, s18, $0xb8;
	[tilespmem:$0x16F60] =	vst v63  }
0x65: {  	s11 =	simm.s32 $0x280;
	s7 =	simm.s32 $0x5000;
	s10 =	rddreg [dreg:$0x6]  }
0x66: {  	[tilespmem:s23], [sflag:$0x5] =	stream.strided.gather [hbm4b:s10+s11], $0x3C00, s7, s11, $0x38;
	[tilespmem:$0x16F60] =	vst v63  }
0x67: {  	_ =	swait.ge [sflag:s16], $0x3C00  }
0x68: {  	[sflag:s16] =	ssyncset.done $0x0  }
0x69: {  	s15 =	simm.s32 $0x6400;
	s12 =	rddreg [dreg:$0x3];
	[sflag:s16] =	ssyncadd.s32 $0xFFFFC400  }
0x6a: {  	[tilespmem:s15], [sflag:$0x5] =	stream.linear.gather [hbm4b:s12+s2], $0x100, $0x38;
	[tilespmem:$0x16F60] =	vst v63  }
0x6b: {  	_ =	swait.ge [sflag:s16], $0x100  }
0x6c: {  	[sflag:s16] =	ssyncset.done $0x0  }
0x6d: {  	s6 =	simm.s32 $0x0;
	[sflag:s16] =	ssyncadd.s32 $0xFFFFFF00  }
0x6e: {  	[tilespmem:s6+$0x14850] =	vst v1  }
0x6f: {  	[tilespmem:s6+$0x8500] =	vst v1  }
0x70: {  	[tilespmem:s6+$0xAC10] =	vst v1  }
0x71: {  	[tilespmem:s6+$0xD320] =	vst v1  }
0x72: {  	s5 =	simm.s32 $0x40;
	[tilespmem:s6+$0xFA30] =	vst v1  }
.LBB2_2:
0x73: {  	p0 =	sne.s32 s5, $0x9C00;
	[tilespmem:s6+$0x12140] =	vst v1;
	s6 =	sshra.s32 s5, $0x2;
	s5 =	sadd.s32 $0x40, s5  }
.Ltmp0:
0x74: {  	[tilespmem:s6+$0x14850] =	vst v1;
	(pc) =	sbr.rel @p0 .LBB2_2-.Ltmp0, $4  }
0x75: {  	[tilespmem:s6+$0x8500] =	vst v1  }
0x76: {  	[tilespmem:s6+$0xAC10] =	vst v1  }
0x77: {  	[tilespmem:s6+$0xD320] =	vst v1  }
0x78: {  	[tilespmem:s6+$0xFA30] =	vst v1  }
0x79: {  	s5 =	simm.s32 $0x1480;
	[tilespmem:s6+$0x12140] =	vst v1;
	s6 =	simm.s32 $0x80  }
0x7a: {  	s7 =	simm.s32 $0x0;
	s15 =	smov.u32 s9;
	s10 =	simm.s32 $0x0  }
.LBB2_4:
0x7b: {  	[tilespmem:s25], [sflag:$0x3] =	stream.indirect.gather [hbm4b:s3+s18], $0x10, s6, s18, $0xb8;
	[tilespmem:$0x16F60] =	vst v63  }
0x7c: {  	_ = 	snop  }
0x7d: {  	[tilespmem:s26], [sflag:$0x4] =	stream.indirect.gather [hbm4b:s3+s18], $0x10, s5, s18, $0xb8;
	[tilespmem:$0x16F60] =	vst v63  }
0x7e: {  	_ =	swait.ge [sflag:s28], $0x800  }
0x7f: {  	[sflag:s28] =	ssyncset.done $0x0  }
0x80: {  	[sflag:s28] =	ssyncadd.s32 $0xFFFFF800  }
0x81: {  	_ =	swait.ge [sflag:s29], $0x800  }
0x82: {  	[sflag:s29] =	ssyncset.done $0x0  }
0x83: {  	[sflag:s29] =	ssyncadd.s32 $0xFFFFF800  }
0x84: {  	v4 =	vmov s10;
	v5 =	vld.idx.msk [tilespmem:v0+s19+$0x0], $0xffff  }
0x85: {  	v4 =	vshrl.u32 v4, $0x3;
	v6 =	vld.idx.msk [tilespmem:v12+s19+$0x0], $0xffff  }
0x86: {  	v4 =	vshll.u32 v4, v37;
	v7 =	vld.idx.msk [tilespmem:v0+s20+$0x0], $0xffff  }
0x87: {  	v4 =	vbroadcast v4, $0x0;
	v8 =	vld.idx.msk [tilespmem:v12+s20+$0x0], $0xffff  }
0x88: {  	v20 =	vmov v15;
	v9 =	vld.idx.msk [tilespmem:v13+s19+$0x0], $0xffff  }
0x89: {  	v21 =	vmov v17;
	v15 =	vmov v18;
	v18 =	vadd.s32 v63, v4;
	v17 =	vld.idx.msk [tilespmem:v13+s20+$0x0], $0xffff;
	_ =	sdelay $0x2  }
0x8a: {  	v19 =	vld.idx.msk [tilespmem:v14+s19+$0x0], $0xffff;
	v5 =	vsub.f32 v5, v7;
	v6 =	vsub.f32 v6, v8  }
0x8b: {  	v7 =	vld.idx.msk [tilespmem:v20+s20+$0x0], $0xffff  }
0x8c: {  	v8 =	vld.idx.msk [tilespmem:v18+s23+$0x0], $0xffff;
	v9 =	vsub.f32 v9, v17;
	v17 =	vmul.f32 v5, v5;
	v18 =	vmul.f32 v6, v6  }
0x8d: {  	v20 =	vld [tilespmem:$0x64C0]  }
0x8e: {  	v17 =	vadd.f32 v18, v17;
	v18 =	vmul.f32 v9, v9;
	_ =	sdelay $0x1  }
0x8f: {  	v7 =	vadd.f32 v7, v19;
	v17 =	vadd.f32 v18, v17;
	_ =	sdelay $0x1  }
0x90: {  	v7 =	vadd.f32 v8, v7;
	v8 =	vmul.f32 v20, v17;
	_ =	sdelay $0x1  }
0x91: {  	v7 =	vadd.f32 v8, v7  }
0x92: {  	v18 =	vadd.s32 v27, v4  }
0x93: {  	v8 =	vsub.f32 $0.0e+00, v7  }
0x94: {  	v19 =	vld.idx.msk [tilespmem:v10+s19+$0x0], $0xffff  }
0x95: {  	v20 =	vld.idx.msk [tilespmem:v21+s20+$0x0], $0xffff;
	v8 =	vmul.f32 $1.442695020e+00, v8  }
0x96: {  	v21 =	vld [tilespmem:$0x64D0]  }
0x97: {  	v18 =	vld.idx.msk [tilespmem:v18+s23+$0x0], $0xffff;
	(erf) = vpow2.f32 v8;
	_ =	sdelay $0x2  }
0x98: {  	v8 =	vadd.f32 v20, v19;
	_ =	sdelay $0x1  }
0x99: {  	v8 =	vadd.f32 v18, v8;
	v18 =	vmul.f32 v21, v17;
	_ =	sdelay $0x1  }
0x9a: {  	v19 =	vadd.s32 v28, v4;
	v8 =	vadd.f32 v18, v8;
	_ =	sdelay $0x1  }
0x9b: {  	v20 =	vsub.f32 $0.0e+00, v8;
	v18 =	vpop (erf)  }
0x9c: {  	v22 =	vld.idx.msk [tilespmem:v15+s20+$0x0], $0xffff;
	v18 =	vadd.f32 $1.000000000e+00, v18  }
0x9d: {  	v21 =	vld.idx.msk [tilespmem:v16+s19+$0x0], $0xffff;
	v20 =	vmul.f32 $1.442695020e+00, v20  }
0x9e: {  	v19 =	vld.idx.msk [tilespmem:v19+s23+$0x0], $0xffff;
	(erf) = vrcp.f32 v18  }
0x9f: {  	v18 =	vld [tilespmem:$0x64E0];
	(erf) = vpow2.f32 v20;
	_ =	sdelay $0x2  }
0xa0: {  	v20 =	vadd.f32 v22, v21;
	_ =	sdelay $0x1  }
0xa1: {  	v19 =	vadd.f32 v19, v20;
	v17 =	vmul.f32 v18, v17;
	_ =	sdelay $0x1  }
0xa2: {  	v17 =	vadd.f32 v17, v19  }
0xa3: {  	v18 =	vpop (erf)  }
0xa4: {  	v20 =	vsub.f32 $0.0e+00, v17;
	v19 =	vpop (erf)  }
0xa5: {  	v19 =	vadd.f32 $1.000000000e+00, v19  }
0xa6: {  	v20 =	vmul.f32 $1.442695020e+00, v20  }
0xa7: {  	(erf) = vrcp.f32 v19  }
0xa8: {  	(erf) = vpow2.f32 v20;
	_ =	sdelay $0x7  }
0xa9: {  	v19 =	vpop (erf)  }
0xaa: {  	v20 =	vpop (erf)  }
0xab: {  	v20 =	vadd.f32 $1.000000000e+00, v20;
	_ =	sdelay $0x1  }
0xac: {  	(erf) = vrcp.f32 v20;
	_ =	sdelay $0x3  }
0xad: {  	v21 =	vld [tilespmem:$0x6430]  }
0xae: {  	v20 =	vld [tilespmem:$0x6400];
	_ =	sdelay $0x1  }
0xaf: {  	v22 =	vld [tilespmem:$0x6460];
	v8 =	vmul.f32 v19, v8  }
0xb0: {  	v7 =	vmul.f32 v18, v7  }
0xb1: {  	v19 =	vmul.f32 v8, v21;
	v18 =	vpop (erf)  }
0xb2: {  	v17 =	vmul.f32 v18, v17;
	v18 =	vmul.f32 v7, v20  }
0xb3: {  	v20 =	vld [tilespmem:$0x6490]  }
0xb4: {  	v18 =	vadd.f32 v19, v18;
	v19 =	vmul.f32 v17, v22;
	_ =	sdelay $0x1  }
0xb5: {  	v18 =	vadd.f32 v19, v18;
	_ =	sdelay $0x1  }
0xb6: {  	v18 =	vadd.f32 v18, v20  }
0xb7: {  	v19 =	vld [tilespmem:$0x6410]  }
0xb8: {  	v20 =	vld [tilespmem:$0x6440];
	v21 =	vsub.f32 $0.0e+00, v18;
	_ =	sdelay $0x1  }
0xb9: {  	v22 =	vld [tilespmem:$0x6470];
	v21 =	vmul.f32 $1.442695020e+00, v21;
	_ =	sdelay $0x1  }
0xba: {  	(erf) = vpow2.f32 v21  }
0xbb: {  	v19 =	vmul.f32 v7, v19;
	v20 =	vmul.f32 v8, v20  }
0xbc: {  	v21 =	vld [tilespmem:$0x64A0]  }
0xbd: {  	v19 =	vadd.f32 v20, v19;
	v20 =	vmul.f32 v17, v22;
	_ =	sdelay $0x1  }
0xbe: {  	v19 =	vadd.f32 v20, v19;
	_ =	sdelay $0x1  }
0xbf: {  	v19 =	vadd.f32 v19, v21  }
0xc0: {  	v20 =	vld [tilespmem:$0x6420]  }
0xc1: {  	v21 =	vld [tilespmem:$0x6450];
	v29 =	vsub.f32 $0.0e+00, v19;
	v22 =	vpop (erf)  }
0xc2: {  	v22 =	vadd.f32 $1.000000000e+00, v22  }
0xc3: {  	v30 =	vld [tilespmem:$0x6480];
	v29 =	vmul.f32 $1.442695020e+00, v29  }
0xc4: {  	(erf) = vrcp.f32 v22  }
0xc5: {  	(erf) = vpow2.f32 v29  }
0xc6: {  	v7 =	vmul.f32 v20, v7;
	v8 =	vmul.f32 v21, v8  }
0xc7: {  	v20 =	vld [tilespmem:$0x64B0]  }
0xc8: {  	v7 =	vadd.f32 v8, v7;
	v8 =	vmul.f32 v30, v17;
	_ =	sdelay $0x1  }
0xc9: {  	v7 =	vadd.f32 v8, v7;
	_ =	sdelay $0x1  }
0xca: {  	v7 =	vadd.f32 v7, v20  }
0xcb: {  	v8 =	vpop (erf)  }
0xcc: {  	v20 =	vsub.f32 $0.0e+00, v7;
	v17 =	vpop (erf)  }
0xcd: {  	v17 =	vadd.f32 $1.000000000e+00, v17  }
0xce: {  	v20 =	vmul.f32 $1.442695020e+00, v20  }
0xcf: {  	(erf) = vrcp.f32 v17  }
0xd0: {  	(erf) = vpow2.f32 v20;
	_ =	sdelay $0x7  }
0xd1: {  	v17 =	vpop (erf)  }
0xd2: {  	v20 =	vpop (erf)  }
0xd3: {  	v20 =	vadd.f32 $1.000000000e+00, v20;
	_ =	sdelay $0x1  }
0xd4: {  	(erf) = vrcp.f32 v20;
	_ =	sdelay $0x1  }
0xd5: {  	v20 =	vld [tilespmem:s6+$0xFFFFFF80]  }
0xd6: {  	p0 =	slt.u32 s15, $0x27100;
	vm1 =	vmmov vm0  }
0xd7: {  	vm1 =	vmneg @p0 vm1;
	_ =	sdelay $0x3  }
0xd8: {  	v8 =	vmul.f32 v8, v18  }
0xd9: {  	v17 =	vmul.f32 v17, v19;
	v18 =	vpop (erf)  }
0xda: {  	[tilespmem:v20+s30+$0x0] =	vst.idx.add.f32.msk vm1, v8;
	v7 =	vmul.f32 v18, v7  }
0xdb: {  	v5 =	vmul.f32 v8, v5;
	[tilespmem:v20+s31+$0x0] =	vst.idx.add.f32.msk vm1, v17  }
0xdc: {  	v6 =	vmul.f32 v17, v6;
	[tilespmem:v20+s1+$0x0] =	vst.idx.add.f32.msk vm1, v7  }
0xdd: {  	[tilespmem:v20+s0+$0x0] =	vst.idx.add.f32.msk vm1, v5;
	v5 =	vmul.f32 v7, v9  }
0xde: {  	[tilespmem:v20+s21+$0x0] =	vst.idx.add.f32.msk vm1, v6  }
0xdf: {  	[tilespmem:v20+s22+$0x0] =	vst.idx.add.f32.msk vm1, v5  }
0xe0: {  	v5 =	vld.idx.msk [tilespmem:v2+s19+$0x0], $0xffff  }
0xe1: {  	v6 =	vld.idx.msk [tilespmem:v3+s19+$0x0], $0xffff  }
0xe2: {  	v7 =	vld.idx.msk [tilespmem:v2+s20+$0x0], $0xffff  }
0xe3: {  	v8 =	vld.idx.msk [tilespmem:v3+s20+$0x0], $0xffff  }
0xe4: {  	v9 =	vld.idx.msk [tilespmem:v11+s19+$0x0], $0xffff  }
0xe5: {  	v18 =	vadd.s32 v35, v4;
	v17 =	vld.idx.msk [tilespmem:v11+s20+$0x0], $0xffff;
	_ =	sdelay $0x2  }
0xe6: {  	v19 =	vld.idx.msk [tilespmem:v41+s19+$0x0], $0xffff;
	v5 =	vsub.f32 v5, v7;
	v6 =	vsub.f32 v6, v8  }
0xe7: {  	v41 =	vld.idx.msk [tilespmem:v33+s20+$0x0], $0xffff  }
0xe8: {  	v8 =	vld.idx.msk [tilespmem:v18+s23+$0x0], $0xffff;
	v9 =	vsub.f32 v9, v17;
	v17 =	vmul.f32 v5, v5;
	v18 =	vmul.f32 v6, v6  }
0xe9: {  	v20 =	vld [tilespmem:$0x64C0]  }
0xea: {  	v17 =	vadd.f32 v18, v17;
	v18 =	vmul.f32 v9, v9;
	_ =	sdelay $0x1  }
0xeb: {  	v7 =	vadd.f32 v41, v19;
	v17 =	vadd.f32 v18, v17;
	_ =	sdelay $0x1  }
0xec: {  	v7 =	vadd.f32 v8, v7;
	v8 =	vmul.f32 v20, v17;
	_ =	sdelay $0x1  }
0xed: {  	v7 =	vadd.f32 v8, v7  }
0xee: {  	v18 =	vadd.s32 v51, v4  }
0xef: {  	v8 =	vsub.f32 $0.0e+00, v7  }
0xf0: {  	v19 =	vld.idx.msk [tilespmem:v31+s19+$0x0], $0xffff  }
0xf1: {  	v20 =	vld.idx.msk [tilespmem:v49+s20+$0x0], $0xffff;
	v8 =	vmul.f32 $1.442695020e+00, v8  }
0xf2: {  	v21 =	vld [tilespmem:$0x64D0]  }
0xf3: {  	v18 =	vld.idx.msk [tilespmem:v18+s23+$0x0], $0xffff;
	(erf) = vpow2.f32 v8;
	_ =	sdelay $0x2  }
0xf4: {  	v8 =	vadd.f32 v20, v19;
	_ =	sdelay $0x1  }
0xf5: {  	v8 =	vadd.f32 v18, v8;
	v18 =	vmul.f32 v21, v17;
	_ =	sdelay $0x1  }
0xf6: {  	v19 =	vadd.s32 v52, v4;
	v8 =	vadd.f32 v18, v8;
	_ =	sdelay $0x1  }
0xf7: {  	v20 =	vsub.f32 $0.0e+00, v8;
	v18 =	vpop (erf)  }
0xf8: {  	v22 =	vld.idx.msk [tilespmem:v50+s20+$0x0], $0xffff;
	v18 =	vadd.f32 $1.000000000e+00, v18  }
0xf9: {  	v21 =	vld.idx.msk [tilespmem:v32+s19+$0x0], $0xffff;
	v20 =	vmul.f32 $1.442695020e+00, v20  }
0xfa: {  	v19 =	vld.idx.msk [tilespmem:v19+s23+$0x0], $0xffff;
	(erf) = vrcp.f32 v18  }
0xfb: {  	v18 =	vld [tilespmem:$0x64E0];
	(erf) = vpow2.f32 v20;
	_ =	sdelay $0x2  }
0xfc: {  	v20 =	vadd.f32 v22, v21;
	_ =	sdelay $0x1  }
0xfd: {  	v19 =	vadd.f32 v19, v20;
	v17 =	vmul.f32 v18, v17;
	_ =	sdelay $0x1  }
0xfe: {  	v17 =	vadd.f32 v17, v19  }
0xff: {  	v18 =	vpop (erf)  }
0x100: {  	v20 =	vsub.f32 $0.0e+00, v17;
	v19 =	vpop (erf)  }
0x101: {  	v19 =	vadd.f32 $1.000000000e+00, v19  }
0x102: {  	v20 =	vmul.f32 $1.442695020e+00, v20  }
0x103: {  	(erf) = vrcp.f32 v19  }
0x104: {  	(erf) = vpow2.f32 v20;
	_ =	sdelay $0x7  }
0x105: {  	v19 =	vpop (erf)  }
0x106: {  	v20 =	vpop (erf)  }
0x107: {  	v20 =	vadd.f32 $1.000000000e+00, v20;
	_ =	sdelay $0x1  }
0x108: {  	(erf) = vrcp.f32 v20;
	_ =	sdelay $0x3  }
0x109: {  	v21 =	vld [tilespmem:$0x6430]  }
0x10a: {  	v20 =	vld [tilespmem:$0x6400];
	_ =	sdelay $0x1  }
0x10b: {  	v22 =	vld [tilespmem:$0x6460];
	v8 =	vmul.f32 v19, v8  }
0x10c: {  	v7 =	vmul.f32 v18, v7  }
0x10d: {  	v19 =	vmul.f32 v8, v21;
	v18 =	vpop (erf)  }
0x10e: {  	v17 =	vmul.f32 v18, v17;
	v18 =	vmul.f32 v7, v20  }
0x10f: {  	v20 =	vld [tilespmem:$0x6490]  }
0x110: {  	v18 =	vadd.f32 v19, v18;
	v19 =	vmul.f32 v17, v22;
	_ =	sdelay $0x1  }
0x111: {  	v18 =	vadd.f32 v19, v18;
	_ =	sdelay $0x1  }
0x112: {  	v18 =	vadd.f32 v18, v20  }
0x113: {  	v19 =	vld [tilespmem:$0x6410]  }
0x114: {  	v20 =	vld [tilespmem:$0x6440];
	v21 =	vsub.f32 $0.0e+00, v18;
	_ =	sdelay $0x1  }
0x115: {  	v22 =	vld [tilespmem:$0x6470];
	v21 =	vmul.f32 $1.442695020e+00, v21;
	_ =	sdelay $0x1  }
0x116: {  	(erf) = vpow2.f32 v21  }
0x117: {  	v19 =	vmul.f32 v7, v19;
	v20 =	vmul.f32 v8, v20  }
0x118: {  	v21 =	vld [tilespmem:$0x64A0]  }
0x119: {  	v19 =	vadd.f32 v20, v19;
	v20 =	vmul.f32 v17, v22;
	_ =	sdelay $0x1  }
0x11a: {  	v19 =	vadd.f32 v20, v19;
	_ =	sdelay $0x1  }
0x11b: {  	v19 =	vadd.f32 v19, v21  }
0x11c: {  	v20 =	vld [tilespmem:$0x6420]  }
0x11d: {  	v21 =	vld [tilespmem:$0x6450];
	v29 =	vsub.f32 $0.0e+00, v19;
	v22 =	vpop (erf)  }
0x11e: {  	v22 =	vadd.f32 $1.000000000e+00, v22  }
0x11f: {  	v30 =	vld [tilespmem:$0x6480];
	v29 =	vmul.f32 $1.442695020e+00, v29  }
0x120: {  	(erf) = vrcp.f32 v22  }
0x121: {  	(erf) = vpow2.f32 v29  }
0x122: {  	v7 =	vmul.f32 v20, v7;
	v8 =	vmul.f32 v21, v8  }
0x123: {  	v20 =	vld [tilespmem:$0x64B0]  }
0x124: {  	v7 =	vadd.f32 v8, v7;
	v8 =	vmul.f32 v30, v17;
	_ =	sdelay $0x1  }
0x125: {  	v7 =	vadd.f32 v8, v7;
	_ =	sdelay $0x1  }
0x126: {  	v7 =	vadd.f32 v7, v20  }
0x127: {  	v8 =	vpop (erf)  }
0x128: {  	v20 =	vsub.f32 $0.0e+00, v7;
	v17 =	vpop (erf)  }
0x129: {  	v17 =	vadd.f32 $1.000000000e+00, v17  }
0x12a: {  	v20 =	vmul.f32 $1.442695020e+00, v20  }
0x12b: {  	(erf) = vrcp.f32 v17  }
0x12c: {  	(erf) = vpow2.f32 v20;
	_ =	sdelay $0x7  }
0x12d: {  	v17 =	vpop (erf)  }
0x12e: {  	v20 =	vpop (erf)  }
0x12f: {  	v20 =	vadd.f32 $1.000000000e+00, v20;
	_ =	sdelay $0x1  }
0x130: {  	(erf) = vrcp.f32 v20;
	_ =	sdelay $0x1  }
0x131: {  	v20 =	vld [tilespmem:s6+$0xFFFFFF90];
	_ =	sdelay $0x5  }
0x132: {  	v8 =	vmul.f32 v8, v18  }
0x133: {  	v17 =	vmul.f32 v17, v19;
	v18 =	vpop (erf)  }
0x134: {  	[tilespmem:v20+s30+$0x0] =	vst.idx.add.f32.msk vm1, v8;
	v7 =	vmul.f32 v18, v7  }
0x135: {  	v5 =	vmul.f32 v8, v5;
	[tilespmem:v20+s31+$0x0] =	vst.idx.add.f32.msk vm1, v17  }
0x136: {  	v6 =	vmul.f32 v17, v6;
	[tilespmem:v20+s1+$0x0] =	vst.idx.add.f32.msk vm1, v7  }
0x137: {  	[tilespmem:v20+s0+$0x0] =	vst.idx.add.f32.msk vm1, v5;
	v5 =	vmul.f32 v7, v9  }
0x138: {  	[tilespmem:v20+s21+$0x0] =	vst.idx.add.f32.msk vm1, v6  }
0x139: {  	[tilespmem:v20+s22+$0x0] =	vst.idx.add.f32.msk vm1, v5  }
0x13a: {  	v5 =	vld.idx.msk [tilespmem:v60+s19+$0x0], $0xffff  }
0x13b: {  	v6 =	vld.idx.msk [tilespmem:v61+s19+$0x0], $0xffff  }
0x13c: {  	v32 =	vld.idx.msk [tilespmem:v60+s20+$0x0], $0xffff  }
0x13d: {  	v8 =	vld.idx.msk [tilespmem:v61+s20+$0x0], $0xffff  }
0x13e: {  	v9 =	vld.idx.msk [tilespmem:v39+s19+$0x0], $0xffff  }
0x13f: {  	v18 =	vadd.s32 v45, v4;
	v17 =	vld.idx.msk [tilespmem:v39+s20+$0x0], $0xffff;
	_ =	sdelay $0x2  }
0x140: {  	v19 =	vld.idx.msk [tilespmem:v48+s19+$0x0], $0xffff;
	v5 =	vsub.f32 v5, v32;
	v6 =	vsub.f32 v6, v8  }
0x141: {  	v33 =	vld.idx.msk [tilespmem:v23+s20+$0x0], $0xffff  }
0x142: {  	v8 =	vld.idx.msk [tilespmem:v18+s23+$0x0], $0xffff;
	v9 =	vsub.f32 v9, v17;
	v17 =	vmul.f32 v5, v5;
	v18 =	vmul.f32 v6, v6  }
0x143: {  	v20 =	vld [tilespmem:$0x64C0]  }
0x144: {  	v17 =	vadd.f32 v18, v17;
	v18 =	vmul.f32 v9, v9;
	_ =	sdelay $0x1  }
0x145: {  	v7 =	vadd.f32 v33, v19;
	v17 =	vadd.f32 v18, v17;
	_ =	sdelay $0x1  }
0x146: {  	v7 =	vadd.f32 v8, v7;
	v8 =	vmul.f32 v20, v17;
	_ =	sdelay $0x1  }
0x147: {  	v7 =	vadd.f32 v8, v7  }
0x148: {  	v18 =	vadd.s32 v46, v4  }
0x149: {  	v8 =	vsub.f32 $0.0e+00, v7  }
0x14a: {  	v19 =	vld.idx.msk [tilespmem:v34+s19+$0x0], $0xffff  }
0x14b: {  	v20 =	vld.idx.msk [tilespmem:v38+s20+$0x0], $0xffff;
	v8 =	vmul.f32 $1.442695020e+00, v8  }
0x14c: {  	v21 =	vld [tilespmem:$0x64D0]  }
0x14d: {  	v18 =	vld.idx.msk [tilespmem:v18+s23+$0x0], $0xffff;
	(erf) = vpow2.f32 v8;
	_ =	sdelay $0x2  }
0x14e: {  	v8 =	vadd.f32 v20, v19;
	_ =	sdelay $0x1  }
0x14f: {  	v8 =	vadd.f32 v18, v8;
	v18 =	vmul.f32 v21, v17;
	_ =	sdelay $0x1  }
0x150: {  	v19 =	vadd.s32 v47, v4;
	v8 =	vadd.f32 v18, v8;
	_ =	sdelay $0x1  }
0x151: {  	v20 =	vsub.f32 $0.0e+00, v8;
	v18 =	vpop (erf)  }
0x152: {  	v22 =	vld.idx.msk [tilespmem:v40+s20+$0x0], $0xffff;
	v18 =	vadd.f32 $1.000000000e+00, v18  }
0x153: {  	v21 =	vld.idx.msk [tilespmem:v36+s19+$0x0], $0xffff;
	v20 =	vmul.f32 $1.442695020e+00, v20  }
0x154: {  	v19 =	vld.idx.msk [tilespmem:v19+s23+$0x0], $0xffff;
	(erf) = vrcp.f32 v18  }
0x155: {  	v18 =	vld [tilespmem:$0x64E0];
	(erf) = vpow2.f32 v20;
	_ =	sdelay $0x2  }
0x156: {  	v20 =	vadd.f32 v22, v21;
	_ =	sdelay $0x1  }
0x157: {  	v19 =	vadd.f32 v19, v20;
	v17 =	vmul.f32 v18, v17;
	_ =	sdelay $0x1  }
0x158: {  	v17 =	vadd.f32 v17, v19  }
0x159: {  	v18 =	vpop (erf)  }
0x15a: {  	v20 =	vsub.f32 $0.0e+00, v17;
	v19 =	vpop (erf)  }
0x15b: {  	v19 =	vadd.f32 $1.000000000e+00, v19  }
0x15c: {  	v20 =	vmul.f32 $1.442695020e+00, v20  }
0x15d: {  	(erf) = vrcp.f32 v19  }
0x15e: {  	(erf) = vpow2.f32 v20;
	_ =	sdelay $0x7  }
0x15f: {  	v19 =	vpop (erf)  }
0x160: {  	v20 =	vpop (erf)  }
0x161: {  	v20 =	vadd.f32 $1.000000000e+00, v20;
	_ =	sdelay $0x1  }
0x162: {  	(erf) = vrcp.f32 v20;
	_ =	sdelay $0x3  }
0x163: {  	v21 =	vld [tilespmem:$0x6430]  }
0x164: {  	v20 =	vld [tilespmem:$0x6400];
	_ =	sdelay $0x1  }
0x165: {  	v22 =	vld [tilespmem:$0x6460];
	v8 =	vmul.f32 v19, v8  }
0x166: {  	v7 =	vmul.f32 v18, v7  }
0x167: {  	v19 =	vmul.f32 v8, v21;
	v18 =	vpop (erf)  }
0x168: {  	v17 =	vmul.f32 v18, v17;
	v18 =	vmul.f32 v7, v20  }
0x169: {  	v20 =	vld [tilespmem:$0x6490]  }
0x16a: {  	v18 =	vadd.f32 v19, v18;
	v19 =	vmul.f32 v17, v22;
	_ =	sdelay $0x1  }
0x16b: {  	v18 =	vadd.f32 v19, v18;
	_ =	sdelay $0x1  }
0x16c: {  	v18 =	vadd.f32 v18, v20  }
0x16d: {  	v19 =	vld [tilespmem:$0x6410]  }
0x16e: {  	v20 =	vld [tilespmem:$0x6440];
	v21 =	vsub.f32 $0.0e+00, v18;
	_ =	sdelay $0x1  }
0x16f: {  	v22 =	vld [tilespmem:$0x6470];
	v21 =	vmul.f32 $1.442695020e+00, v21;
	_ =	sdelay $0x1  }
0x170: {  	(erf) = vpow2.f32 v21  }
0x171: {  	v19 =	vmul.f32 v7, v19;
	v20 =	vmul.f32 v8, v20  }
0x172: {  	v21 =	vld [tilespmem:$0x64A0]  }
0x173: {  	v19 =	vadd.f32 v20, v19;
	v20 =	vmul.f32 v17, v22;
	_ =	sdelay $0x1  }
0x174: {  	v19 =	vadd.f32 v20, v19;
	_ =	sdelay $0x1  }
0x175: {  	v19 =	vadd.f32 v19, v21  }
0x176: {  	v20 =	vld [tilespmem:$0x6420]  }
0x177: {  	v21 =	vld [tilespmem:$0x6450];
	v29 =	vsub.f32 $0.0e+00, v19;
	v22 =	vpop (erf)  }
0x178: {  	v22 =	vadd.f32 $1.000000000e+00, v22  }
0x179: {  	v30 =	vld [tilespmem:$0x6480];
	v29 =	vmul.f32 $1.442695020e+00, v29  }
0x17a: {  	(erf) = vrcp.f32 v22  }
0x17b: {  	(erf) = vpow2.f32 v29  }
0x17c: {  	v7 =	vmul.f32 v20, v7;
	v8 =	vmul.f32 v21, v8  }
0x17d: {  	v20 =	vld [tilespmem:$0x64B0]  }
0x17e: {  	v7 =	vadd.f32 v8, v7;
	v8 =	vmul.f32 v30, v17;
	_ =	sdelay $0x1  }
0x17f: {  	v7 =	vadd.f32 v8, v7;
	_ =	sdelay $0x1  }
0x180: {  	v7 =	vadd.f32 v7, v20  }
0x181: {  	v8 =	vpop (erf)  }
0x182: {  	v20 =	vsub.f32 $0.0e+00, v7;
	v17 =	vpop (erf)  }
0x183: {  	v17 =	vadd.f32 $1.000000000e+00, v17  }
0x184: {  	v20 =	vmul.f32 $1.442695020e+00, v20  }
0x185: {  	(erf) = vrcp.f32 v17  }
0x186: {  	(erf) = vpow2.f32 v20;
	_ =	sdelay $0x7  }
0x187: {  	v17 =	vpop (erf)  }
0x188: {  	v20 =	vpop (erf)  }
0x189: {  	v20 =	vadd.f32 $1.000000000e+00, v20;
	_ =	sdelay $0x1  }
0x18a: {  	(erf) = vrcp.f32 v20;
	_ =	sdelay $0x1  }
0x18b: {  	v20 =	vld [tilespmem:s6+$0xFFFFFFA0];
	_ =	sdelay $0x5  }
0x18c: {  	v8 =	vmul.f32 v8, v18  }
0x18d: {  	v17 =	vmul.f32 v17, v19;
	v18 =	vpop (erf)  }
0x18e: {  	[tilespmem:v20+s30+$0x0] =	vst.idx.add.f32.msk vm1, v8;
	v7 =	vmul.f32 v18, v7  }
0x18f: {  	v5 =	vmul.f32 v8, v5;
	[tilespmem:v20+s31+$0x0] =	vst.idx.add.f32.msk vm1, v17  }
0x190: {  	v6 =	vmul.f32 v17, v6;
	[tilespmem:v20+s1+$0x0] =	vst.idx.add.f32.msk vm1, v7  }
0x191: {  	[tilespmem:v20+s0+$0x0] =	vst.idx.add.f32.msk vm1, v5;
	v5 =	vmul.f32 v7, v9  }
0x192: {  	[tilespmem:v20+s21+$0x0] =	vst.idx.add.f32.msk vm1, v6  }
0x193: {  	[tilespmem:v20+s22+$0x0] =	vst.idx.add.f32.msk vm1, v5  }
0x194: {  	v5 =	vld.idx.msk [tilespmem:v59+s19+$0x0], $0xffff  }
0x195: {  	v6 =	vld.idx.msk [tilespmem:v26+s19+$0x0], $0xffff  }
0x196: {  	v34 =	vld.idx.msk [tilespmem:v59+s20+$0x0], $0xffff  }
0x197: {  	v8 =	vld.idx.msk [tilespmem:v26+s20+$0x0], $0xffff  }
0x198: {  	v9 =	vld.idx.msk [tilespmem:v42+s19+$0x0], $0xffff  }
0x199: {  	v18 =	vadd.s32 v57, v4;
	v17 =	vld.idx.msk [tilespmem:v42+s20+$0x0], $0xffff;
	_ =	sdelay $0x2  }
0x19a: {  	v19 =	vld.idx.msk [tilespmem:v43+s19+$0x0], $0xffff;
	v5 =	vsub.f32 v5, v34;
	v6 =	vsub.f32 v6, v8  }
0x19b: {  	v36 =	vld.idx.msk [tilespmem:v54+s20+$0x0], $0xffff  }
0x19c: {  	v8 =	vld.idx.msk [tilespmem:v18+s23+$0x0], $0xffff;
	v9 =	vsub.f32 v9, v17;
	v17 =	vmul.f32 v5, v5;
	v18 =	vmul.f32 v6, v6  }
0x19d: {  	v20 =	vld [tilespmem:$0x64C0]  }
0x19e: {  	v17 =	vadd.f32 v18, v17;
	v18 =	vmul.f32 v9, v9;
	_ =	sdelay $0x1  }
0x19f: {  	v7 =	vadd.f32 v36, v19;
	v17 =	vadd.f32 v18, v17;
	_ =	sdelay $0x1  }
0x1a0: {  	v7 =	vadd.f32 v8, v7;
	v8 =	vmul.f32 v20, v17;
	_ =	sdelay $0x1  }
0x1a1: {  	v7 =	vadd.f32 v8, v7  }
0x1a2: {  	v18 =	vadd.s32 v58, v4  }
0x1a3: {  	v8 =	vsub.f32 $0.0e+00, v7  }
0x1a4: {  	v19 =	vld.idx.msk [tilespmem:v44+s19+$0x0], $0xffff  }
0x1a5: {  	v20 =	vld.idx.msk [tilespmem:v55+s20+$0x0], $0xffff;
	v8 =	vmul.f32 $1.442695020e+00, v8  }
0x1a6: {  	v21 =	vld [tilespmem:$0x64D0]  }
0x1a7: {  	v18 =	vld.idx.msk [tilespmem:v18+s23+$0x0], $0xffff;
	(erf) = vpow2.f32 v8;
	_ =	sdelay $0x2  }
0x1a8: {  	v8 =	vadd.f32 v20, v19;
	_ =	sdelay $0x1  }
0x1a9: {  	v8 =	vadd.f32 v18, v8;
	v18 =	vmul.f32 v21, v17;
	_ =	sdelay $0x1  }
0x1aa: {  	v8 =	vadd.f32 v18, v8  }
0x1ab: {  	v4 =	vadd.s32 v62, v4  }
0x1ac: {  	v19 =	vsub.f32 $0.0e+00, v8;
	v18 =	vpop (erf)  }
0x1ad: {  	v20 =	vld.idx.msk [tilespmem:v53+s19+$0x0], $0xffff;
	v18 =	vadd.f32 $1.000000000e+00, v18  }
0x1ae: {  	v21 =	vld.idx.msk [tilespmem:v56+s20+$0x0], $0xffff;
	v19 =	vmul.f32 $1.442695020e+00, v19  }
0x1af: {  	(erf) = vrcp.f32 v18;
	v18 =	vld [tilespmem:$0x64E0]  }
0x1b0: {  	v4 =	vld.idx.msk [tilespmem:v4+s23+$0x0], $0xffff;
	(erf) = vpow2.f32 v19;
	_ =	sdelay $0x2  }
0x1b1: {  	v19 =	vadd.f32 v21, v20  }
0x1b2: {  	v17 =	vmul.f32 v18, v17  }
0x1b3: {  	v4 =	vadd.f32 v4, v19;
	_ =	sdelay $0x1  }
0x1b4: {  	v4 =	vadd.f32 v17, v4  }
0x1b5: {  	v17 =	vpop (erf)  }
0x1b6: {  	v19 =	vsub.f32 $0.0e+00, v4;
	v18 =	vpop (erf)  }
0x1b7: {  	v18 =	vadd.f32 $1.000000000e+00, v18  }
0x1b8: {  	v19 =	vmul.f32 $1.442695020e+00, v19  }
0x1b9: {  	(erf) = vrcp.f32 v18  }
0x1ba: {  	(erf) = vpow2.f32 v19;
	_ =	sdelay $0x7  }
0x1bb: {  	v18 =	vpop (erf)  }
0x1bc: {  	v19 =	vpop (erf)  }
0x1bd: {  	v19 =	vadd.f32 $1.000000000e+00, v19;
	_ =	sdelay $0x1  }
0x1be: {  	(erf) = vrcp.f32 v19;
	_ =	sdelay $0x3  }
0x1bf: {  	v20 =	vld [tilespmem:$0x6430]  }
0x1c0: {  	v19 =	vld [tilespmem:$0x6400];
	_ =	sdelay $0x1  }
0x1c1: {  	v21 =	vld [tilespmem:$0x6460];
	v8 =	vmul.f32 v18, v8  }
0x1c2: {  	v7 =	vmul.f32 v17, v7  }
0x1c3: {  	v18 =	vmul.f32 v8, v20;
	v17 =	vpop (erf)  }
0x1c4: {  	v4 =	vmul.f32 v17, v4;
	v17 =	vmul.f32 v7, v19  }
0x1c5: {  	v19 =	vld [tilespmem:$0x6490]  }
0x1c6: {  	v17 =	vadd.f32 v18, v17;
	v18 =	vmul.f32 v4, v21;
	_ =	sdelay $0x1  }
0x1c7: {  	v17 =	vadd.f32 v18, v17;
	_ =	sdelay $0x1  }
0x1c8: {  	v17 =	vadd.f32 v17, v19  }
0x1c9: {  	v18 =	vld [tilespmem:$0x6410]  }
0x1ca: {  	v19 =	vld [tilespmem:$0x6440];
	v20 =	vsub.f32 $0.0e+00, v17;
	_ =	sdelay $0x1  }
0x1cb: {  	v21 =	vld [tilespmem:$0x6470];
	v20 =	vmul.f32 $1.442695020e+00, v20;
	_ =	sdelay $0x1  }
0x1cc: {  	(erf) = vpow2.f32 v20  }
0x1cd: {  	v18 =	vmul.f32 v7, v18;
	v19 =	vmul.f32 v8, v19  }
0x1ce: {  	v20 =	vld [tilespmem:$0x64A0]  }
0x1cf: {  	v18 =	vadd.f32 v19, v18;
	v19 =	vmul.f32 v4, v21;
	_ =	sdelay $0x1  }
0x1d0: {  	v18 =	vadd.f32 v19, v18;
	_ =	sdelay $0x1  }
0x1d1: {  	v18 =	vadd.f32 v18, v20  }
0x1d2: {  	v19 =	vld [tilespmem:$0x6420]  }
0x1d3: {  	v20 =	vld [tilespmem:$0x6450];
	v22 =	vsub.f32 $0.0e+00, v18;
	v21 =	vpop (erf)  }
0x1d4: {  	v21 =	vadd.f32 $1.000000000e+00, v21  }
0x1d5: {  	v29 =	vld [tilespmem:$0x6480];
	v22 =	vmul.f32 $1.442695020e+00, v22  }
0x1d6: {  	(erf) = vrcp.f32 v21  }
0x1d7: {  	(erf) = vpow2.f32 v22  }
0x1d8: {  	v7 =	vmul.f32 v19, v7;
	v8 =	vmul.f32 v20, v8  }
0x1d9: {  	v19 =	vld [tilespmem:$0x64B0]  }
0x1da: {  	v4 =	vmul.f32 v29, v4;
	v7 =	vadd.f32 v8, v7;
	_ =	sdelay $0x1  }
0x1db: {  	v4 =	vadd.f32 v4, v7;
	_ =	sdelay $0x1  }
0x1dc: {  	v4 =	vadd.f32 v4, v19  }
0x1dd: {  	v38 =	vpop (erf)  }
0x1de: {  	v19 =	vsub.f32 $0.0e+00, v4;
	v8 =	vpop (erf)  }
0x1df: {  	v8 =	vadd.f32 $1.000000000e+00, v8  }
0x1e0: {  	v19 =	vmul.f32 $1.442695020e+00, v19  }
0x1e1: {  	(erf) = vrcp.f32 v8  }
0x1e2: {  	(erf) = vpow2.f32 v19;
	_ =	sdelay $0x7  }
0x1e3: {  	v8 =	vpop (erf)  }
0x1e4: {  	v19 =	vpop (erf)  }
0x1e5: {  	v19 =	vadd.f32 $1.000000000e+00, v19;
	_ =	sdelay $0x1  }
0x1e6: {  	(erf) = vrcp.f32 v19;
	_ =	sdelay $0x1  }
0x1e7: {  	v19 =	vld [tilespmem:s6+$0xFFFFFFB0];
	_ =	sdelay $0x2  }
0x1e8: {  	v14 =	vld [tilespmem:$0x1FDD0]  }
0x1e9: {  	v15 =	vld [tilespmem:$0x1FDE0]  }
0x1ea: {  	v10 =	vld [tilespmem:$0x1FE00]  }
0x1eb: {  	v41 =	vld [tilespmem:$0x1FE30];
	v7 =	vmul.f32 v38, v17  }
0x1ec: {  	v23 =	vld [tilespmem:$0x1FDF0];
	v8 =	vmul.f32 v8, v18;
	v17 =	vpop (erf)  }
0x1ed: {  	[tilespmem:v19+s30+$0x0] =	vst.idx.add.f32.msk vm1, v7;
	v4 =	vmul.f32 v17, v4  }
0x1ee: {  	v5 =	vmul.f32 v7, v5;
	[tilespmem:v19+s31+$0x0] =	vst.idx.add.f32.msk vm1, v8  }
0x1ef: {  	v6 =	vmul.f32 v8, v6;
	[tilespmem:v19+s1+$0x0] =	vst.idx.add.f32.msk vm1, v4  }
0x1f0: {  	v4 =	vmul.f32 v4, v9;
	[tilespmem:v19+s0+$0x0] =	vst.idx.add.f32.msk vm1, v5  }
0x1f1: {  	[tilespmem:v19+s21+$0x0] =	vst.idx.add.f32.msk vm1, v6  }
0x1f2: {  	[tilespmem:v19+s22+$0x0] =	vst.idx.add.f32.msk vm1, v4  }
0x1f3: {  	v4 =	vld.idx.msk [tilespmem:v14+s19+$0x0], $0xffff  }
0x1f4: {  	v6 =	vld.idx.msk [tilespmem:v15+s19+$0x0], $0xffff  }
0x1f5: {  	s11 =	sadd.s32 $0x8, s10;
	v19 =	vld.idx.msk [tilespmem:v10+s19+$0x0], $0xffff  }
0x1f6: {  	v5 =	vmov s11;
	v10 =	vld [tilespmem:$0x1FE10]  }
0x1f7: {  	v5 =	vshrl.u32 v5, $0x3;
	v40 =	vld.idx.msk [tilespmem:v14+s20+$0x0], $0xffff  }
0x1f8: {  	v5 =	vshll.u32 v5, v37;
	v8 =	vld.idx.msk [tilespmem:v15+s20+$0x0], $0xffff  }
0x1f9: {  	v5 =	vbroadcast v5, $0x0;
	v7 =	vld.idx.msk [tilespmem:v41+s20+$0x0], $0xffff  }
0x1fa: {  	v9 =	vld.idx.msk [tilespmem:v23+s19+$0x0], $0xffff  }
0x1fb: {  	v17 =	vld.idx.msk [tilespmem:v23+s20+$0x0], $0xffff;
	v18 =	vadd.s32 v63, v5;
	_ =	sdelay $0x1  }
0x1fc: {  	v4 =	vsub.f32 v4, v40  }
0x1fd: {  	v6 =	vsub.f32 v6, v8;
	v7 =	vadd.f32 v7, v19;
	v19 =	vld.idx.msk [tilespmem:v10+s19+$0x0], $0xffff  }
0x1fe: {  	v10 =	vld [tilespmem:$0x1FE40]  }
0x1ff: {  	v9 =	vsub.f32 v9, v17;
	v8 =	vld.idx.msk [tilespmem:v18+s23+$0x0], $0xffff;
	v17 =	vmul.f32 v4, v4;
	v18 =	vmul.f32 v6, v6  }
0x200: {  	v20 =	vld [tilespmem:$0x64C0]  }
0x201: {  	v17 =	vadd.f32 v18, v17;
	v18 =	vmul.f32 v9, v9;
	_ =	sdelay $0x1  }
0x202: {  	v17 =	vadd.f32 v18, v17;
	_ =	sdelay $0x1  }
0x203: {  	v7 =	vadd.f32 v8, v7;
	v8 =	vmul.f32 v20, v17  }
0x204: {  	v20 =	vld.idx.msk [tilespmem:v10+s20+$0x0], $0xffff  }
0x205: {  	v7 =	vadd.f32 v8, v7;
	v10 =	vld [tilespmem:$0x1FE20]  }
0x206: {  	v18 =	vadd.s32 v27, v5  }
0x207: {  	v8 =	vsub.f32 $0.0e+00, v7;
	_ =	sdelay $0x1  }
0x208: {  	v8 =	vmul.f32 $1.442695020e+00, v8  }
0x209: {  	v21 =	vld [tilespmem:$0x64D0]  }
0x20a: {  	v18 =	vld.idx.msk [tilespmem:v18+s23+$0x0], $0xffff;
	(erf) = vpow2.f32 v8;
	_ =	sdelay $0x1  }
0x20b: {  	v8 =	vadd.f32 v20, v19;
	v20 =	vld.idx.msk [tilespmem:v10+s19+$0x0], $0xffff  }
0x20c: {  	v10 =	vld [tilespmem:$0x1FE50];
	_ =	sdelay $0x1  }
0x20d: {  	v8 =	vadd.f32 v18, v8;
	v18 =	vmul.f32 v21, v17;
	_ =	sdelay $0x1  }
0x20e: {  	v8 =	vadd.f32 v18, v8  }
0x20f: {  	v5 =	vadd.s32 v28, v5  }
0x210: {  	v19 =	vsub.f32 $0.0e+00, v8;
	v18 =	vpop (erf)  }
0x211: {  	v18 =	vadd.f32 $1.000000000e+00, v18  }
0x212: {  	v19 =	vmul.f32 $1.442695020e+00, v19;
	v21 =	vld.idx.msk [tilespmem:v10+s20+$0x0], $0xffff  }
0x213: {  	(erf) = vrcp.f32 v18;
	v18 =	vld [tilespmem:$0x64E0]  }
0x214: {  	v5 =	vld.idx.msk [tilespmem:v5+s23+$0x0], $0xffff;
	(erf) = vpow2.f32 v19;
	_ =	sdelay $0x2  }
0x215: {  	v19 =	vadd.f32 v21, v20  }
0x216: {  	v17 =	vmul.f32 v18, v17  }
0x217: {  	v5 =	vadd.f32 v5, v19;
	_ =	sdelay $0x1  }
0x218: {  	v5 =	vadd.f32 v17, v5  }
0x219: {  	v17 =	vpop (erf)  }
0x21a: {  	v18 =	vpop (erf);
	v19 =	vsub.f32 $0.0e+00, v5  }
0x21b: {  	v18 =	vadd.f32 $1.000000000e+00, v18  }
0x21c: {  	v19 =	vmul.f32 $1.442695020e+00, v19  }
0x21d: {  	(erf) = vrcp.f32 v18  }
0x21e: {  	(erf) = vpow2.f32 v19;
	_ =	sdelay $0x7  }
0x21f: {  	v18 =	vpop (erf)  }
0x220: {  	v19 =	vpop (erf)  }
0x221: {  	v19 =	vadd.f32 $1.000000000e+00, v19;
	_ =	sdelay $0x1  }
0x222: {  	(erf) = vrcp.f32 v19;
	_ =	sdelay $0x3  }
0x223: {  	v20 =	vld [tilespmem:$0x6430]  }
0x224: {  	v19 =	vld [tilespmem:$0x6400];
	_ =	sdelay $0x1  }
0x225: {  	v21 =	vld [tilespmem:$0x6460];
	v8 =	vmul.f32 v18, v8  }
0x226: {  	v7 =	vmul.f32 v17, v7  }
0x227: {  	v18 =	vmul.f32 v8, v20;
	v17 =	vpop (erf)  }
0x228: {  	v5 =	vmul.f32 v17, v5;
	v17 =	vmul.f32 v7, v19  }
0x229: {  	v19 =	vld [tilespmem:$0x6490]  }
0x22a: {  	v17 =	vadd.f32 v18, v17;
	v18 =	vmul.f32 v5, v21;
	_ =	sdelay $0x1  }
0x22b: {  	v17 =	vadd.f32 v18, v17;
	_ =	sdelay $0x1  }
0x22c: {  	v17 =	vadd.f32 v17, v19  }
0x22d: {  	v18 =	vld [tilespmem:$0x6410]  }
0x22e: {  	v19 =	vld [tilespmem:$0x6440];
	v20 =	vsub.f32 $0.0e+00, v17;
	_ =	sdelay $0x1  }
0x22f: {  	v21 =	vld [tilespmem:$0x6470];
	v20 =	vmul.f32 $1.442695020e+00, v20;
	_ =	sdelay $0x1  }
0x230: {  	(erf) = vpow2.f32 v20  }
0x231: {  	v18 =	vmul.f32 v7, v18;
	v19 =	vmul.f32 v8, v19  }
0x232: {  	v20 =	vld [tilespmem:$0x64A0]  }
0x233: {  	v18 =	vadd.f32 v19, v18;
	v19 =	vmul.f32 v5, v21;
	_ =	sdelay $0x1  }
0x234: {  	v18 =	vadd.f32 v19, v18;
	_ =	sdelay $0x1  }
0x235: {  	v18 =	vadd.f32 v18, v20  }
0x236: {  	v19 =	vld [tilespmem:$0x6420]  }
0x237: {  	v20 =	vld [tilespmem:$0x6450];
	v22 =	vsub.f32 $0.0e+00, v18;
	v21 =	vpop (erf)  }
0x238: {  	v21 =	vadd.f32 $1.000000000e+00, v21  }
0x239: {  	v29 =	vld [tilespmem:$0x6480];
	v22 =	vmul.f32 $1.442695020e+00, v22  }
0x23a: {  	(erf) = vrcp.f32 v21  }
0x23b: {  	(erf) = vpow2.f32 v22  }
0x23c: {  	v7 =	vmul.f32 v19, v7;
	v8 =	vmul.f32 v20, v8  }
0x23d: {  	v19 =	vld [tilespmem:$0x64B0]  }
0x23e: {  	v5 =	vmul.f32 v29, v5;
	v7 =	vadd.f32 v8, v7;
	_ =	sdelay $0x1  }
0x23f: {  	v5 =	vadd.f32 v5, v7;
	_ =	sdelay $0x1  }
0x240: {  	v5 =	vadd.f32 v5, v19  }
0x241: {  	v43 =	vpop (erf)  }
0x242: {  	v19 =	vsub.f32 $0.0e+00, v5;
	v8 =	vpop (erf)  }
0x243: {  	v8 =	vadd.f32 $1.000000000e+00, v8  }
0x244: {  	v19 =	vmul.f32 $1.442695020e+00, v19  }
0x245: {  	(erf) = vrcp.f32 v8  }
0x246: {  	(erf) = vpow2.f32 v19;
	_ =	sdelay $0x7  }
0x247: {  	v8 =	vpop (erf)  }
0x248: {  	v19 =	vpop (erf)  }
0x249: {  	v19 =	vadd.f32 $1.000000000e+00, v19;
	_ =	sdelay $0x1  }
0x24a: {  	(erf) = vrcp.f32 v19;
	_ =	sdelay $0x1  }
0x24b: {  	v19 =	vld [tilespmem:s6+$0xFFFFFFC0];
	_ =	sdelay $0x3  }
0x24c: {  	v16 =	vld [tilespmem:$0x1FE60]  }
0x24d: {  	v24 =	vld [tilespmem:$0x1FE70]  }
0x24e: {  	v25 =	vld [tilespmem:$0x1FE80];
	v7 =	vmul.f32 v43, v17  }
0x24f: {  	v50 =	vld [tilespmem:$0x1FE90];
	v8 =	vmul.f32 v8, v18;
	v17 =	vpop (erf)  }
0x250: {  	[tilespmem:v19+s30+$0x0] =	vst.idx.add.f32.msk vm1, v7;
	v5 =	vmul.f32 v17, v5  }
0x251: {  	v4 =	vmul.f32 v7, v4;
	[tilespmem:v19+s31+$0x0] =	vst.idx.add.f32.msk vm1, v8  }
0x252: {  	v6 =	vmul.f32 v8, v6;
	[tilespmem:v19+s1+$0x0] =	vst.idx.add.f32.msk vm1, v5  }
0x253: {  	[tilespmem:v19+s0+$0x0] =	vst.idx.add.f32.msk vm1, v4;
	v4 =	vmul.f32 v5, v9  }
0x254: {  	[tilespmem:v19+s21+$0x0] =	vst.idx.add.f32.msk vm1, v6  }
0x255: {  	s12 =	sadd.s32 $0xA, s10;
	[tilespmem:v19+s22+$0x0] =	vst.idx.add.f32.msk vm1, v4  }
0x256: {  	v5 =	vmov s12;
	v4 =	vld.idx.msk [tilespmem:v16+s19+$0x0], $0xffff  }
0x257: {  	v5 =	vshrl.u32 v5, $0x3;
	v44 =	vld.idx.msk [tilespmem:v24+s19+$0x0], $0xffff  }
0x258: {  	v5 =	vshll.u32 v5, v37;
	v8 =	vld.idx.msk [tilespmem:v16+s20+$0x0], $0xffff  }
0x259: {  	v9 =	vld.idx.msk [tilespmem:v24+s20+$0x0], $0xffff;
	v5 =	vbroadcast v5, $0x0  }
0x25a: {  	v32 =	vor.u32 $0x506, v0;
	v17 =	vld.idx.msk [tilespmem:v25+s19+$0x0], $0xffff  }
0x25b: {  	v18 =	vld.idx.msk [tilespmem:v25+s20+$0x0], $0xffff;
	v19 =	vadd.s32 v35, v5;
	_ =	sdelay $0x2  }
0x25c: {  	v20 =	vld.idx.msk [tilespmem:v50+s19+$0x0], $0xffff;
	v4 =	vsub.f32 v4, v8;
	v8 =	vsub.f32 v44, v9  }
0x25d: {  	v33 =	vld.idx.msk [tilespmem:v32+s20+$0x0], $0xffff  }
0x25e: {  	v18 =	vsub.f32 v17, v18;
	v9 =	vld.idx.msk [tilespmem:v19+s23+$0x0], $0xffff;
	v17 =	vmul.f32 v4, v4;
	v19 =	vmul.f32 v8, v8  }
0x25f: {  	v21 =	vld [tilespmem:$0x64C0]  }
0x260: {  	v17 =	vadd.f32 v19, v17;
	v19 =	vmul.f32 v18, v18;
	_ =	sdelay $0x1  }
0x261: {  	v49 =	vld [tilespmem:$0x1FEA0];
	v7 =	vadd.f32 v33, v20;
	v19 =	vadd.f32 v19, v17;
	_ =	sdelay $0x1  }
0x262: {  	v34 =	vor.u32 $0x507, v0;
	v7 =	vadd.f32 v9, v7;
	v17 =	vmul.f32 v21, v19;
	_ =	sdelay $0x1  }
0x263: {  	v21 =	vadd.f32 v17, v7  }
0x264: {  	v20 =	vadd.s32 v51, v5  }
0x265: {  	v7 =	vsub.f32 $0.0e+00, v21  }
0x266: {  	v22 =	vld.idx.msk [tilespmem:v34+s20+$0x0], $0xffff  }
0x267: {  	v17 =	vld.idx.msk [tilespmem:v49+s19+$0x0], $0xffff;
	v7 =	vmul.f32 $1.442695020e+00, v7  }
0x268: {  	v29 =	vld [tilespmem:$0x64D0]  }
0x269: {  	v20 =	vld.idx.msk [tilespmem:v20+s23+$0x0], $0xffff;
	(erf) = vpow2.f32 v7;
	_ =	sdelay $0x2  }
0x26a: {  	v17 =	vadd.f32 v22, v17;
	_ =	sdelay $0x1  }
0x26b: {  	v36 =	vor.u32 $0x505, v0;
	v22 =	vmul.f32 v29, v19;
	v20 =	vadd.f32 v20, v17  }
0x26c: {  	v38 =	vor.u32 $0x508, v0  }
0x26d: {  	v20 =	vadd.f32 v22, v20  }
0x26e: {  	v5 =	vadd.s32 v52, v5  }
0x26f: {  	v29 =	vsub.f32 $0.0e+00, v20;
	v22 =	vpop (erf)  }
0x270: {  	v30 =	vld.idx.msk [tilespmem:v36+s19+$0x0], $0xffff;
	v22 =	vadd.f32 $1.000000000e+00, v22  }
0x271: {  	v31 =	vld.idx.msk [tilespmem:v38+s20+$0x0], $0xffff;
	v29 =	vmul.f32 $1.442695020e+00, v29  }
0x272: {  	(erf) = vrcp.f32 v22;
	v22 =	vld [tilespmem:$0x64E0]  }
0x273: {  	v5 =	vld.idx.msk [tilespmem:v5+s23+$0x0], $0xffff;
	(erf) = vpow2.f32 v29;
	_ =	sdelay $0x2  }
0x274: {  	v29 =	vadd.f32 v31, v30  }
0x275: {  	v19 =	vmul.f32 v22, v19  }
0x276: {  	v5 =	vadd.f32 v5, v29;
	_ =	sdelay $0x1  }
0x277: {  	v5 =	vadd.f32 v19, v5  }
0x278: {  	v19 =	vpop (erf)  }
0x279: {  	v29 =	vsub.f32 $0.0e+00, v5;
	v22 =	vpop (erf)  }
0x27a: {  	v22 =	vadd.f32 $1.000000000e+00, v22  }
0x27b: {  	v29 =	vmul.f32 $1.442695020e+00, v29  }
0x27c: {  	(erf) = vrcp.f32 v22  }
0x27d: {  	(erf) = vpow2.f32 v29;
	_ =	sdelay $0x7  }
0x27e: {  	v22 =	vpop (erf)  }
0x27f: {  	v29 =	vpop (erf)  }
0x280: {  	v29 =	vadd.f32 $1.000000000e+00, v29;
	_ =	sdelay $0x1  }
0x281: {  	(erf) = vrcp.f32 v29;
	_ =	sdelay $0x3  }
0x282: {  	v30 =	vld [tilespmem:$0x6430]  }
0x283: {  	v29 =	vld [tilespmem:$0x6400];
	_ =	sdelay $0x1  }
0x284: {  	v31 =	vld [tilespmem:$0x6460];
	v20 =	vmul.f32 v22, v20  }
0x285: {  	v19 =	vmul.f32 v19, v21  }
0x286: {  	v22 =	vmul.f32 v20, v30;
	v21 =	vpop (erf)  }
0x287: {  	v5 =	vmul.f32 v21, v5;
	v21 =	vmul.f32 v19, v29  }
0x288: {  	v29 =	vld [tilespmem:$0x6490]  }
0x289: {  	v21 =	vadd.f32 v22, v21;
	v22 =	vmul.f32 v5, v31;
	_ =	sdelay $0x1  }
0x28a: {  	v21 =	vadd.f32 v22, v21;
	_ =	sdelay $0x1  }
0x28b: {  	v21 =	vadd.f32 v21, v29  }
0x28c: {  	v22 =	vld [tilespmem:$0x6410]  }
0x28d: {  	v29 =	vld [tilespmem:$0x6440];
	v30 =	vsub.f32 $0.0e+00, v21;
	_ =	sdelay $0x1  }
0x28e: {  	v31 =	vld [tilespmem:$0x6470];
	v30 =	vmul.f32 $1.442695020e+00, v30;
	_ =	sdelay $0x1  }
0x28f: {  	(erf) = vpow2.f32 v30  }
0x290: {  	v22 =	vmul.f32 v19, v22;
	v29 =	vmul.f32 v20, v29  }
0x291: {  	v30 =	vld [tilespmem:$0x64A0]  }
0x292: {  	v22 =	vadd.f32 v29, v22;
	v29 =	vmul.f32 v5, v31;
	_ =	sdelay $0x1  }
0x293: {  	v22 =	vadd.f32 v29, v22;
	_ =	sdelay $0x1  }
0x294: {  	v22 =	vadd.f32 v22, v30  }
0x295: {  	v29 =	vld [tilespmem:$0x6420]  }
0x296: {  	v30 =	vld [tilespmem:$0x6450];
	v40 =	vsub.f32 $0.0e+00, v22;
	v31 =	vpop (erf)  }
0x297: {  	v31 =	vadd.f32 $1.000000000e+00, v31  }
0x298: {  	[tilespmem:$0x1FD30] =	vst v32;
	v41 =	vld [tilespmem:$0x6480];
	v32 =	vmul.f32 $1.442695020e+00, v40  }
0x299: {  	(erf) = vrcp.f32 v31  }
0x29a: {  	(erf) = vpow2.f32 v32  }
0x29b: {  	v19 =	vmul.f32 v29, v19;
	v20 =	vmul.f32 v30, v20  }
0x29c: {  	v29 =	vld [tilespmem:$0x64B0]  }
0x29d: {  	v5 =	vmul.f32 v41, v5;
	v19 =	vadd.f32 v20, v19;
	_ =	sdelay $0x1  }
0x29e: {  	v5 =	vadd.f32 v5, v19;
	_ =	sdelay $0x1  }
0x29f: {  	v5 =	vadd.f32 v5, v29  }
0x2a0: {  	v19 =	vpop (erf)  }
0x2a1: {  	v29 =	vsub.f32 $0.0e+00, v5;
	v20 =	vpop (erf)  }
0x2a2: {  	v20 =	vadd.f32 $1.000000000e+00, v20  }
0x2a3: {  	v29 =	vmul.f32 $1.442695020e+00, v29  }
0x2a4: {  	(erf) = vrcp.f32 v20  }
0x2a5: {  	(erf) = vpow2.f32 v29;
	_ =	sdelay $0x7  }
0x2a6: {  	v20 =	vpop (erf)  }
0x2a7: {  	v29 =	vpop (erf)  }
0x2a8: {  	v29 =	vadd.f32 $1.000000000e+00, v29;
	_ =	sdelay $0x1  }
0x2a9: {  	(erf) = vrcp.f32 v29;
	_ =	sdelay $0x1  }
0x2aa: {  	v29 =	vld [tilespmem:s6+$0xFFFFFFD0];
	_ =	sdelay $0x5  }
0x2ab: {  	v19 =	vmul.f32 v19, v21  }
0x2ac: {  	v20 =	vmul.f32 v20, v22;
	v21 =	vpop (erf)  }
0x2ad: {  	[tilespmem:v29+s30+$0x0] =	vst.idx.add.f32.msk vm1, v19;
	v21 =	vmul.f32 v21, v5  }
0x2ae: {  	v19 =	vmul.f32 v19, v4;
	v4 =	vor.u32 $0x600, v0;
	[tilespmem:v29+s31+$0x0] =	vst.idx.add.f32.msk vm1, v20  }
0x2af: {  	v8 =	vmul.f32 v20, v8;
	v5 =	vor.u32 $0x601, v0;
	[tilespmem:v29+s1+$0x0] =	vst.idx.add.f32.msk vm1, v21  }
0x2b0: {  	v18 =	vmul.f32 v21, v18;
	[tilespmem:v29+s0+$0x0] =	vst.idx.add.f32.msk vm1, v19  }
0x2b1: {  	[tilespmem:v29+s21+$0x0] =	vst.idx.add.f32.msk vm1, v8  }
0x2b2: {  	v8 =	vor.u32 $0x602, v0;
	[tilespmem:v29+s22+$0x0] =	vst.idx.add.f32.msk vm1, v18  }
0x2b3: {  	s12 =	sadd.s32 $0xC, s10;
	v19 =	vld.idx.msk [tilespmem:v4+s19+$0x0], $0xffff  }
0x2b4: {  	v18 =	vmov s12;
	v21 =	vld.idx.msk [tilespmem:v5+s19+$0x0], $0xffff  }
0x2b5: {  	v18 =	vshrl.u32 v18, $0x3;
	v22 =	vld.idx.msk [tilespmem:v4+s20+$0x0], $0xffff  }
0x2b6: {  	v43 =	vor.u32 $0x603, v0;
	v29 =	vld.idx.msk [tilespmem:v5+s20+$0x0], $0xffff;
	v20 =	vshll.u32 v18, v37  }
0x2b7: {  	v44 =	vor.u32 $0x606, v0;
	v30 =	vbroadcast v20, $0x0;
	v31 =	vld.idx.msk [tilespmem:v8+s19+$0x0], $0xffff  }
0x2b8: {  	v48 =	vld.idx.msk [tilespmem:v8+s20+$0x0], $0xffff  }
0x2b9: {  	[tilespmem:$0x1FD50] =	vst v36;
	v36 =	vadd.s32 v45, v30;
	_ =	sdelay $0x1  }
0x2ba: {  	[tilespmem:$0x1FD60] =	vst v38;
	v38 =	vld.idx.msk [tilespmem:v43+s19+$0x0], $0xffff;
	v19 =	vsub.f32 v19, v22;
	v21 =	vsub.f32 v21, v29  }
0x2bb: {  	v22 =	vld.idx.msk [tilespmem:v44+s20+$0x0], $0xffff  }
0x2bc: {  	[tilespmem:$0x1FD80] =	vst v44;
	v44 =	vmul.f32 v21, v21;
	v33 =	vsub.f32 v31, v48;
	v31 =	vmul.f32 v19, v19;
	v48 =	vld [tilespmem:$0x64C0]  }
0x2bd: {  	v29 =	vld.idx.msk [tilespmem:v36+s23+$0x0], $0xffff  }
0x2be: {  	v31 =	vadd.f32 v44, v31;
	v36 =	vmul.f32 v33, v33;
	_ =	sdelay $0x1  }
0x2bf: {  	v40 =	vmov v42;
	v42 =	vadd.f32 v36, v31;
	v31 =	vadd.f32 v22, v38;
	_ =	sdelay $0x1  }
0x2c0: {  	v44 =	vor.u32 $0x607, v0;
	v29 =	vadd.f32 v29, v31;
	v32 =	vmul.f32 v48, v42  }
0x2c1: {  	v38 =	vor.u32 $0x604, v0  }
0x2c2: {  	v41 =	vadd.f32 v32, v29  }
0x2c3: {  	v48 =	vadd.s32 v46, v30  }
0x2c4: {  	v29 =	vsub.f32 $0.0e+00, v41  }
0x2c5: {  	v36 =	vld.idx.msk [tilespmem:v44+s20+$0x0], $0xffff  }
0x2c6: {  	v6 =	vld.idx.msk [tilespmem:v38+s19+$0x0], $0xffff;
	v29 =	vmul.f32 $1.442695020e+00, v29  }
0x2c7: {  	[tilespmem:$0x1FD90] =	vst v38;
	v38 =	vld [tilespmem:$0x64D0]  }
0x2c8: {  	[tilespmem:$0x1FD40] =	vst v34;
	v34 =	vld.idx.msk [tilespmem:v48+s23+$0x0], $0xffff;
	(erf) = vpow2.f32 v29;
	_ =	sdelay $0x2  }
0x2c9: {  	v32 =	vadd.f32 v36, v6;
	_ =	sdelay $0x1  }
0x2ca: {  	v7 =	vor.u32 $0x608, v0;
	v48 =	vmul.f32 v38, v42;
	v34 =	vadd.f32 v34, v32  }
0x2cb: {  	v6 =	vor.u32 $0x605, v0  }
0x2cc: {  	v34 =	vadd.f32 v48, v34  }
0x2cd: {  	[tilespmem:$0x1FD70] =	vst v43;
	v30 =	vadd.s32 v47, v30  }
0x2ce: {  	[tilespmem:$0x1FDC0] =	vst v7;
	v38 =	vsub.f32 $0.0e+00, v34;
	v36 =	vpop (erf)  }
0x2cf: {  	v7 =	vld.idx.msk [tilespmem:v7+s20+$0x0], $0xffff;
	[tilespmem:$0x1FDA0] =	vst v44;
	v43 =	vadd.f32 $1.000000000e+00, v36  }
0x2d0: {  	[tilespmem:$0x1FDB0] =	vst v6;
	v6 =	vld.idx.msk [tilespmem:v6+s19+$0x0], $0xffff;
	v44 =	vmul.f32 $1.442695020e+00, v38  }
0x2d1: {  	v36 =	vld [tilespmem:$0x64E0];
	(erf) = vrcp.f32 v43  }
0x2d2: {  	v30 =	vld.idx.msk [tilespmem:v30+s23+$0x0], $0xffff;
	(erf) = vpow2.f32 v44;
	_ =	sdelay $0x2  }
0x2d3: {  	v38 =	vadd.f32 v7, v6  }
0x2d4: {  	v42 =	vmul.f32 v36, v42  }
0x2d5: {  	v30 =	vadd.f32 v30, v38;
	_ =	sdelay $0x1  }
0x2d6: {  	v30 =	vadd.f32 v42, v30  }
0x2d7: {  	v42 =	vpop (erf)  }
0x2d8: {  	v7 =	vsub.f32 $0.0e+00, v30;
	v6 =	vpop (erf)  }
0x2d9: {  	v43 =	vadd.f32 $1.000000000e+00, v6  }
0x2da: {  	v44 =	vmul.f32 $1.442695020e+00, v7  }
0x2db: {  	(erf) = vrcp.f32 v43  }
0x2dc: {  	(erf) = vpow2.f32 v44;
	_ =	sdelay $0x7  }
0x2dd: {  	v43 =	vpop (erf)  }
0x2de: {  	v44 =	vpop (erf)  }
0x2df: {  	v44 =	vadd.f32 $1.000000000e+00, v44;
	_ =	sdelay $0x1  }
0x2e0: {  	(erf) = vrcp.f32 v44;
	_ =	sdelay $0x3  }
0x2e1: {  	v36 =	vld [tilespmem:$0x6400]  }
0x2e2: {  	v38 =	vld [tilespmem:$0x6430];
	_ =	sdelay $0x1  }
0x2e3: {  	v41 =	vmul.f32 v42, v41;
	v6 =	vld [tilespmem:$0x6460]  }
0x2e4: {  	v34 =	vmul.f32 v43, v34  }
0x2e5: {  	v36 =	vmul.f32 v41, v36;
	v7 =	vpop (erf)  }
0x2e6: {  	v43 =	vmul.f32 v34, v38;
	v30 =	vmul.f32 v7, v30  }
0x2e7: {  	v38 =	vld [tilespmem:$0x6490]  }
0x2e8: {  	v32 =	vmov v46;
	v42 =	vadd.f32 v43, v36;
	v46 =	vmul.f32 v30, v6;
	_ =	sdelay $0x1  }
0x2e9: {  	v42 =	vadd.f32 v46, v42;
	_ =	sdelay $0x1  }
0x2ea: {  	v42 =	vadd.f32 v42, v38  }
0x2eb: {  	v7 =	vld [tilespmem:$0x6440]  }
0x2ec: {  	v6 =	vld [tilespmem:$0x6410];
	v36 =	vsub.f32 $0.0e+00, v42;
	_ =	sdelay $0x1  }
0x2ed: {  	v48 =	vmov v45;
	v38 =	vld [tilespmem:$0x6470];
	v45 =	vmul.f32 $1.442695020e+00, v36;
	_ =	sdelay $0x1  }
0x2ee: {  	(erf) = vpow2.f32 v45  }
0x2ef: {  	v44 =	vmul.f32 v34, v7;
	v43 =	vmul.f32 v41, v6  }
0x2f0: {  	v6 =	vld [tilespmem:$0x64A0]  }
0x2f1: {  	v43 =	vadd.f32 v44, v43;
	v7 =	vmul.f32 v30, v38;
	_ =	sdelay $0x1  }
0x2f2: {  	v43 =	vadd.f32 v7, v43;
	_ =	sdelay $0x1  }
0x2f3: {  	v43 =	vadd.f32 v43, v6  }
0x2f4: {  	v44 =	vld [tilespmem:$0x6420]  }
0x2f5: {  	v36 =	vld [tilespmem:$0x6450];
	v6 =	vsub.f32 $0.0e+00, v43;
	v38 =	vpop (erf)  }
0x2f6: {  	v46 =	vadd.f32 $1.000000000e+00, v38  }
0x2f7: {  	v31 =	vmov v53;
	v7 =	vld [tilespmem:$0x6480];
	v53 =	vmul.f32 $1.442695020e+00, v6  }
0x2f8: {  	(erf) = vrcp.f32 v46  }
0x2f9: {  	(erf) = vpow2.f32 v53  }
0x2fa: {  	v41 =	vmul.f32 v44, v41;
	v34 =	vmul.f32 v36, v34  }
0x2fb: {  	v36 =	vld [tilespmem:$0x64B0]  }
0x2fc: {  	v34 =	vadd.f32 v34, v41;
	v30 =	vmul.f32 v7, v30;
	_ =	sdelay $0x1  }
0x2fd: {  	v30 =	vadd.f32 v30, v34;
	_ =	sdelay $0x1  }
0x2fe: {  	v30 =	vadd.f32 v30, v36  }
0x2ff: {  	v38 =	vpop (erf)  }
0x300: {  	v44 =	vsub.f32 $0.0e+00, v30;
	v53 =	vpop (erf)  }
0x301: {  	v41 =	vadd.f32 $1.000000000e+00, v53  }
0x302: {  	v44 =	vmul.f32 $1.442695020e+00, v44  }
0x303: {  	(erf) = vrcp.f32 v41  }
0x304: {  	(erf) = vpow2.f32 v44;
	_ =	sdelay $0x7  }
0x305: {  	v41 =	vpop (erf)  }
0x306: {  	v44 =	vpop (erf)  }
0x307: {  	v44 =	vadd.f32 $1.000000000e+00, v44;
	_ =	sdelay $0x1  }
0x308: {  	(erf) = vrcp.f32 v44;
	_ =	sdelay $0x1  }
0x309: {  	v20 =	vmov v54;
	v54 =	vld [tilespmem:s6+$0xFFFFFFE0];
	_ =	sdelay $0x5  }
0x30a: {  	v34 =	vmul.f32 v38, v42  }
0x30b: {  	v41 =	vmul.f32 v41, v43;
	v6 =	vpop (erf)  }
0x30c: {  	[tilespmem:v54+s30+$0x0] =	vst.idx.add.f32.msk vm1, v34;
	v30 =	vmul.f32 v6, v30  }
0x30d: {  	v34 =	vmul.f32 v34, v19;
	v19 =	vor.u32 $0x700, v0;
	[tilespmem:v54+s31+$0x0] =	vst.idx.add.f32.msk vm1, v41  }
0x30e: {  	v41 =	vmul.f32 v41, v21;
	v21 =	vor.u32 $0x701, v0;
	[tilespmem:v54+s1+$0x0] =	vst.idx.add.f32.msk vm1, v30  }
0x30f: {  	v30 =	vmul.f32 v30, v33;
	[tilespmem:v54+s0+$0x0] =	vst.idx.add.f32.msk vm1, v34  }
0x310: {  	[tilespmem:v54+s21+$0x0] =	vst.idx.add.f32.msk vm1, v41  }
0x311: {  	s12 =	sadd.s32 $0xE, s10;
	[tilespmem:v54+s22+$0x0] =	vst.idx.add.f32.msk vm1, v30;
	v30 =	vor.u32 $0x702, v0  }
0x312: {  	v7 =	vmov s12;
	v41 =	vld.idx.msk [tilespmem:v19+s19+$0x0], $0xffff  }
0x313: {  	v33 =	vshrl.u32 v7, $0x3;
	v36 =	vld.idx.msk [tilespmem:v21+s19+$0x0], $0xffff  }
0x314: {  	v54 =	vshll.u32 v33, v37;
	v38 =	vld.idx.msk [tilespmem:v19+s20+$0x0], $0xffff  }
0x315: {  	v33 =	vor.u32 $0x703, v0;
	v44 =	vld.idx.msk [tilespmem:v21+s20+$0x0], $0xffff;
	v45 =	vbroadcast v54, $0x0  }
0x316: {  	v34 =	vor.u32 $0x706, v0;
	v46 =	vld.idx.msk [tilespmem:v30+s19+$0x0], $0xffff  }
0x317: {  	v7 =	vadd.s32 v57, v45;
	v6 =	vld.idx.msk [tilespmem:v30+s20+$0x0], $0xffff;
	_ =	sdelay $0x1  }
0x318: {  	v9 =	vmov v57  }
0x319: {  	v17 =	vmovc v56;
	v18 =	vmov v55;
	v55 =	vld.idx.msk [tilespmem:v33+s19+$0x0], $0xffff;
	v56 =	vsub.f32 v41, v38;
	v57 =	vsub.f32 v36, v44  }
0x31a: {  	v36 =	vld.idx.msk [tilespmem:v34+s20+$0x0], $0xffff  }
0x31b: {  	v38 =	vld.idx.msk [tilespmem:v7+s23+$0x0], $0xffff;
	v43 =	vmul.f32 v56, v56;
	v44 =	vmul.f32 v57, v57;
	v46 =	vsub.f32 v46, v6  }
0x31c: {  	v6 =	vld [tilespmem:$0x64C0]  }
0x31d: {  	v43 =	vadd.f32 v44, v43;
	v7 =	vmul.f32 v46, v46;
	_ =	sdelay $0x1  }
0x31e: {  	v36 =	vadd.f32 v36, v55;
	v54 =	vadd.f32 v7, v43  }
0x31f: {  	v41 =	vor.u32 $0x704, v0  }
0x320: {  	v42 =	vadd.f32 v38, v36;
	v38 =	vadd.s32 v58, v45;
	v44 =	vmul.f32 v6, v54  }
0x321: {  	v43 =	vor.u32 $0x707, v0  }
0x322: {  	v55 =	vadd.f32 v44, v42;
	_ =	sdelay $0x1  }
0x323: {  	v44 =	vld.idx.msk [tilespmem:v41+s19+$0x0], $0xffff;
	v42 =	vsub.f32 $0.0e+00, v55  }
0x324: {  	v53 =	vld.idx.msk [tilespmem:v38+s23+$0x0], $0xffff  }
0x325: {  	v36 =	vld.idx.msk [tilespmem:v43+s20+$0x0], $0xffff;
	v42 =	vmul.f32 $1.442695020e+00, v42  }
0x326: {  	v38 =	vld [tilespmem:$0x64D0]  }
0x327: {  	(erf) = vpow2.f32 v42;
	_ =	sdelay $0x2  }
0x328: {  	v44 =	vadd.f32 v36, v44  }
0x329: {  	v6 =	vmul.f32 v38, v54  }
0x32a: {  	v42 =	vor.u32 $0x705, v0;
	v53 =	vadd.f32 v53, v44  }
0x32b: {  	v10 =	vmov v62;
	v44 =	vor.u32 $0x708, v0  }
0x32c: {  	v45 =	vadd.s32 v10, v45;
	v53 =	vadd.f32 v6, v53  }
0x32d: {  	v7 =	vmov v58;
	v6 =	vmov v59  }
0x32e: {  	v59 =	vmov v52;
	v52 =	vmov v51;
	v62 =	vsub.f32 $0.0e+00, v53;
	v36 =	vpop (erf)  }
0x32f: {  	v51 =	vmovc v35;
	v35 =	vmovc v28;
	v28 =	vmov v27;
	v27 =	vmov v63;
	v63 =	vld.idx.msk [tilespmem:v42+s19+$0x0], $0xffff;
	v58 =	vadd.f32 $1.000000000e+00, v36  }
0x330: {  	v62 =	vmul.f32 $1.442695020e+00, v62;
	v36 =	vmov v2;
	v2 =	vld.idx.msk [tilespmem:v44+s20+$0x0], $0xffff  }
0x331: {  	v45 =	vld.idx.msk [tilespmem:v45+s23+$0x0], $0xffff;
	(erf) = vrcp.f32 v58  }
0x332: {  	v38 =	vld [tilespmem:$0x64E0];
	(erf) = vpow2.f32 v62;
	_ =	sdelay $0x2  }
0x333: {  	v2 =	vadd.f32 v2, v63;
	_ =	sdelay $0x1  }
0x334: {  	v63 =	vmul.f32 v38, v54;
	v2 =	vadd.f32 v45, v2;
	_ =	sdelay $0x1  }
0x335: {  	v2 =	vadd.f32 v63, v2  }
0x336: {  	v38 =	vpop (erf)  }
0x337: {  	v63 =	vsub.f32 $0.0e+00, v2;
	v62 =	vpop (erf)  }
0x338: {  	v54 =	vadd.f32 $1.000000000e+00, v62  }
0x339: {  	v58 =	vmul.f32 $1.442695020e+00, v63  }
0x33a: {  	(erf) = vrcp.f32 v54  }
0x33b: {  	(erf) = vpow2.f32 v58;
	_ =	sdelay $0x7  }
0x33c: {  	v54 =	vpop (erf)  }
0x33d: {  	v58 =	vpop (erf)  }
0x33e: {  	v58 =	vadd.f32 $1.000000000e+00, v58;
	_ =	sdelay $0x1  }
0x33f: {  	(erf) = vrcp.f32 v58;
	_ =	sdelay $0x3  }
0x340: {  	v58 =	vld [tilespmem:$0x6400]  }
0x341: {  	v62 =	vld [tilespmem:$0x6430];
	_ =	sdelay $0x1  }
0x342: {  	v45 =	vmul.f32 v38, v55;
	v63 =	vld [tilespmem:$0x6460]  }
0x343: {  	v53 =	vmul.f32 v54, v53  }
0x344: {  	v54 =	vmul.f32 v45, v58;
	v38 =	vpop (erf)  }
0x345: {  	v2 =	vmul.f32 v38, v2;
	v38 =	vmul.f32 v53, v62  }
0x346: {  	v62 =	vld [tilespmem:$0x6490]  }
0x347: {  	v54 =	vadd.f32 v38, v54;
	v63 =	vmul.f32 v2, v63;
	_ =	sdelay $0x1  }
0x348: {  	v54 =	vadd.f32 v63, v54;
	_ =	sdelay $0x1  }
0x349: {  	v54 =	vadd.f32 v54, v62  }
0x34a: {  	v55 =	vld [tilespmem:$0x6410]  }
0x34b: {  	v58 =	vld [tilespmem:$0x6440];
	v38 =	vsub.f32 $0.0e+00, v54;
	_ =	sdelay $0x1  }
0x34c: {  	v63 =	vld [tilespmem:$0x6470];
	v62 =	vmul.f32 $1.442695020e+00, v38;
	_ =	sdelay $0x1  }
0x34d: {  	(erf) = vpow2.f32 v62  }
0x34e: {  	v55 =	vmul.f32 v45, v55;
	v58 =	vmul.f32 v53, v58  }
0x34f: {  	v38 =	vld [tilespmem:$0x64A0]  }
0x350: {  	v55 =	vadd.f32 v58, v55;
	v63 =	vmul.f32 v2, v63;
	_ =	sdelay $0x1  }
0x351: {  	v55 =	vadd.f32 v63, v55;
	_ =	sdelay $0x1  }
0x352: {  	v55 =	vadd.f32 v55, v38  }
0x353: {  	v58 =	vld [tilespmem:$0x6420]  }
0x354: {  	v22 =	vmov v3;
	v62 =	vld [tilespmem:$0x6450];
	v3 =	vsub.f32 $0.0e+00, v55;
	v38 =	vpop (erf)  }
0x355: {  	v63 =	vadd.f32 $1.000000000e+00, v38  }
0x356: {  	v3 =	vmul.f32 $1.442695020e+00, v3;
	v38 =	vmov v11;
	v11 =	vld [tilespmem:$0x6480]  }
0x357: {  	(erf) = vrcp.f32 v63  }
0x358: {  	(erf) = vpow2.f32 v3  }
0x359: {  	v63 =	vmul.f32 v62, v53;
	v3 =	vmul.f32 v58, v45  }
0x35a: {  	v58 =	vld [tilespmem:$0x64B0]  }
0x35b: {  	v3 =	vadd.f32 v63, v3;
	v2 =	vmul.f32 v11, v2;
	_ =	sdelay $0x1  }
0x35c: {  	v2 =	vadd.f32 v2, v3;
	_ =	sdelay $0x1  }
0x35d: {  	v2 =	vadd.f32 v2, v58  }
0x35e: {  	v3 =	vpop (erf)  }
0x35f: {  	v62 =	vsub.f32 $0.0e+00, v2;
	v11 =	vpop (erf)  }
0x360: {  	v11 =	vadd.f32 $1.000000000e+00, v11  }
0x361: {  	v45 =	vmul.f32 $1.442695020e+00, v62  }
0x362: {  	(erf) = vrcp.f32 v11  }
0x363: {  	(erf) = vpow2.f32 v45;
	_ =	sdelay $0x7  }
0x364: {  	v11 =	vpop (erf)  }
0x365: {  	v45 =	vpop (erf)  }
0x366: {  	v45 =	vadd.f32 $1.000000000e+00, v45;
	_ =	sdelay $0x1  }
0x367: {  	(erf) = vrcp.f32 v45;
	_ =	sdelay $0x1  }
0x368: {  	v63 =	vld [tilespmem:s6+$0xFFFFFFF0];
	_ =	sdelay $0x5  }
0x369: {  	v3 =	vmul.f32 v3, v54  }
0x36a: {  	v11 =	vmul.f32 v11, v55;
	v58 =	vpop (erf)  }
0x36b: {  	[tilespmem:v63+s30+$0x0] =	vst.idx.add.f32.msk vm1, v3;
	v2 =	vmul.f32 v58, v2  }
0x36c: {  	v3 =	vmul.f32 v3, v56;
	[tilespmem:v63+s31+$0x0] =	vst.idx.add.f32.msk vm1, v11  }
0x36d: {  	v11 =	vmul.f32 v11, v57;
	[tilespmem:v63+s1+$0x0] =	vst.idx.add.f32.msk vm1, v2  }
0x36e: {  	s12 =	smin.u32 s7, $0x25;
	v2 =	vmul.f32 v2, v46;
	[tilespmem:v63+s0+$0x0] =	vst.idx.add.f32.msk vm1, v3  }
0x36f: {  	s11 =	sshll.u32 s12, $0x7;
	[tilespmem:v63+s21+$0x0] =	vst.idx.add.f32.msk vm1, v11  }
0x370: {  	s12 =	sadd.s32 $0x100, s11;
	[tilespmem:v63+s22+$0x0] =	vst.idx.add.f32.msk vm1, v2  }
0x371: {  	[tilespmem:s19], [sflag:$0x1] =	stream.indirect.gather [hbm4b:s3+s18], $0x10, s12, s18, $0xb8;
	[tilespmem:$0x16F60] =	vst v63  }
0x372: {  	s11 =	sadd.s32 $0x1500, s11  }
0x373: {  	[tilespmem:s20], [sflag:$0x2] =	stream.indirect.gather [hbm4b:s3+s18], $0x10, s11, s18, $0xb8;
	[tilespmem:$0x16F60] =	vst v63  }
0x374: {  	_ =	swait.ge [sflag:s24], $0x800  }
0x375: {  	[sflag:s24] =	ssyncset.done $0x0  }
0x376: {  	s12 =	sadd.s32 $0x10, s10;
	[sflag:s24] =	ssyncadd.s32 $0xFFFFF800  }
0x377: {  	v3 =	vmov s12;
	_ =	swait.ge [sflag:s17], $0x800  }
0x378: {  	v3 =	vshrl.u32 v3, $0x3;
	[sflag:s17] =	ssyncset.done $0x0  }
0x379: {  	v3 =	vshll.u32 v3, v37;
	[sflag:s17] =	ssyncadd.s32 $0xFFFFF800  }
0x37a: {  	v45 =	vbroadcast v3, $0x0;
	v3 =	vld.idx.msk [tilespmem:v13+s25+$0x0], $0xffff  }
0x37b: {  	v62 =	vld.idx.msk [tilespmem:v13+s26+$0x0], $0xffff  }
0x37c: {  	v13 =	vld [tilespmem:$0x1FFD0];
	_ =	sdelay $0x7  }
0x37d: {  	v56 =	vld.idx.msk [tilespmem:v13+s25+$0x0], $0xffff  }
0x37e: {  	v13 =	vld [tilespmem:$0x1FFA0];
	_ =	sdelay $0x1  }
0x37f: {  	v2 =	vld.idx.msk [tilespmem:v0+s25+$0x0], $0xffff  }
0x380: {  	v46 =	vld.idx.msk [tilespmem:v0+s26+$0x0], $0xffff;
	_ =	sdelay $0x4  }
0x381: {  	v2 =	vsub.f32 v2, v46;
	v46 =	vld.idx.msk [tilespmem:v13+s26+$0x0], $0xffff  }
0x382: {  	v13 =	vld [tilespmem:$0x1FFC0]  }
0x383: {  	v11 =	vld.idx.msk [tilespmem:v12+s25+$0x0], $0xffff  }
0x384: {  	v63 =	vadd.s32 v27, v45;
	v53 =	vld.idx.msk [tilespmem:v12+s26+$0x0], $0xffff;
	_ =	sdelay $0x4  }
0x385: {  	v11 =	vsub.f32 v11, v53;
	v53 =	vld.idx.msk [tilespmem:v63+s23+$0x0], $0xffff  }
0x386: {  	v46 =	vadd.f32 v46, v56;
	v56 =	vld.idx.msk [tilespmem:v13+s25+$0x0], $0xffff  }
0x387: {  	v3 =	vsub.f32 v3, v62;
	v54 =	vmul.f32 v2, v2;
	v62 =	vmul.f32 v11, v11;
	v13 =	vld [tilespmem:$0x1FF90]  }
0x388: {  	v63 =	vld [tilespmem:$0x64C0]  }
0x389: {  	v58 =	vmul.f32 v3, v3;
	v54 =	vadd.f32 v62, v54;
	_ =	sdelay $0x1  }
0x38a: {  	v54 =	vadd.f32 v58, v54;
	_ =	sdelay $0x1  }
0x38b: {  	v62 =	vmul.f32 v63, v54;
	v46 =	vadd.f32 v53, v46;
	_ =	sdelay $0x1  }
0x38c: {  	v46 =	vadd.f32 v62, v46;
	v62 =	vld.idx.msk [tilespmem:v13+s26+$0x0], $0xffff  }
0x38d: {  	v63 =	vadd.s32 v28, v45;
	v13 =	vld [tilespmem:$0x1FFB0];
	_ =	sdelay $0x1  }
0x38e: {  	v53 =	vsub.f32 $0.0e+00, v46;
	_ =	sdelay $0x1  }
0x38f: {  	v53 =	vmul.f32 $1.442695020e+00, v53  }
0x390: {  	v55 =	vld.idx.msk [tilespmem:v63+s23+$0x0], $0xffff  }
0x391: {  	v63 =	vld [tilespmem:$0x64D0];
	(erf) = vpow2.f32 v53;
	_ =	sdelay $0x1  }
0x392: {  	v58 =	vld.idx.msk [tilespmem:v13+s25+$0x0], $0xffff  }
0x393: {  	v62 =	vadd.f32 v62, v56;
	v13 =	vld [tilespmem:$0x1FEB0];
	_ =	sdelay $0x1  }
0x394: {  	v63 =	vmul.f32 v63, v54;
	v53 =	vadd.f32 v55, v62;
	_ =	sdelay $0x1  }
0x395: {  	v53 =	vadd.f32 v63, v53  }
0x396: {  	v56 =	vadd.s32 v35, v45  }
0x397: {  	v62 =	vpop (erf);
	v57 =	vsub.f32 $0.0e+00, v53  }
0x398: {  	v55 =	vadd.f32 $1.000000000e+00, v62  }
0x399: {  	v57 =	vmul.f32 $1.442695020e+00, v57;
	v62 =	vld.idx.msk [tilespmem:v13+s26+$0x0], $0xffff  }
0x39a: {  	v63 =	vld [tilespmem:$0x64E0];
	(erf) = vrcp.f32 v55  }
0x39b: {  	v56 =	vld.idx.msk [tilespmem:v56+s23+$0x0], $0xffff;
	(erf) = vpow2.f32 v57;
	_ =	sdelay $0x2  }
0x39c: {  	v62 =	vadd.f32 v62, v58;
	_ =	sdelay $0x1  }
0x39d: {  	v54 =	vmul.f32 v63, v54;
	v56 =	vadd.f32 v56, v62;
	_ =	sdelay $0x1  }
0x39e: {  	v54 =	vadd.f32 v54, v56  }
0x39f: {  	v55 =	vpop (erf)  }
0x3a0: {  	v63 =	vpop (erf);
	v62 =	vsub.f32 $0.0e+00, v54  }
0x3a1: {  	v56 =	vadd.f32 $1.000000000e+00, v63  }
0x3a2: {  	v57 =	vmul.f32 $1.442695020e+00, v62  }
0x3a3: {  	(erf) = vrcp.f32 v56  }
0x3a4: {  	(erf) = vpow2.f32 v57;
	_ =	sdelay $0x7  }
0x3a5: {  	v56 =	vpop (erf)  }
0x3a6: {  	v57 =	vpop (erf)  }
0x3a7: {  	v57 =	vadd.f32 $1.000000000e+00, v57;
	_ =	sdelay $0x1  }
0x3a8: {  	(erf) = vrcp.f32 v57;
	_ =	sdelay $0x3  }
0x3a9: {  	v58 =	vld [tilespmem:$0x6430]  }
0x3aa: {  	v57 =	vld [tilespmem:$0x6400];
	_ =	sdelay $0x1  }
0x3ab: {  	v62 =	vld [tilespmem:$0x6460];
	v53 =	vmul.f32 v56, v53  }
0x3ac: {  	v46 =	vmul.f32 v55, v46  }
0x3ad: {  	v56 =	vmul.f32 v53, v58;
	v63 =	vpop (erf)  }
0x3ae: {  	v54 =	vmul.f32 v63, v54;
	v63 =	vmul.f32 v46, v57  }
0x3af: {  	v57 =	vld [tilespmem:$0x6490]  }
0x3b0: {  	v55 =	vadd.f32 v56, v63;
	v63 =	vmul.f32 v54, v62;
	_ =	sdelay $0x1  }
0x3b1: {  	v55 =	vadd.f32 v63, v55;
	_ =	sdelay $0x1  }
0x3b2: {  	v55 =	vadd.f32 v55, v57  }
0x3b3: {  	v56 =	vld [tilespmem:$0x6410]  }
0x3b4: {  	v57 =	vld [tilespmem:$0x6440];
	v58 =	vsub.f32 $0.0e+00, v55;
	_ =	sdelay $0x1  }
0x3b5: {  	v62 =	vld [tilespmem:$0x6470];
	v58 =	vmul.f32 $1.442695020e+00, v58;
	_ =	sdelay $0x1  }
0x3b6: {  	(erf) = vpow2.f32 v58  }
0x3b7: {  	v56 =	vmul.f32 v46, v56;
	v57 =	vmul.f32 v53, v57  }
0x3b8: {  	v58 =	vld [tilespmem:$0x64A0]  }
0x3b9: {  	v62 =	vmul.f32 v54, v62;
	v56 =	vadd.f32 v57, v56;
	_ =	sdelay $0x1  }
0x3ba: {  	v56 =	vadd.f32 v62, v56;
	_ =	sdelay $0x1  }
0x3bb: {  	v56 =	vadd.f32 v56, v58  }
0x3bc: {  	v57 =	vld [tilespmem:$0x6420]  }
0x3bd: {  	v58 =	vld [tilespmem:$0x6450];
	v63 =	vsub.f32 $0.0e+00, v56;
	v62 =	vpop (erf)  }
0x3be: {  	v62 =	vadd.f32 $1.000000000e+00, v62  }
0x3bf: {  	v13 =	vmov v12;
	v12 =	vld [tilespmem:$0x6480];
	v63 =	vmul.f32 $1.442695020e+00, v63  }
0x3c0: {  	(erf) = vrcp.f32 v62  }
0x3c1: {  	(erf) = vpow2.f32 v63  }
0x3c2: {  	v46 =	vmul.f32 v57, v46;
	v53 =	vmul.f32 v58, v53  }
0x3c3: {  	v63 =	vld [tilespmem:$0x64B0]  }
0x3c4: {  	v12 =	vmul.f32 v12, v54;
	v46 =	vadd.f32 v53, v46;
	_ =	sdelay $0x1  }
0x3c5: {  	v12 =	vadd.f32 v12, v46;
	_ =	sdelay $0x1  }
0x3c6: {  	v12 =	vadd.f32 v12, v63  }
0x3c7: {  	v62 =	vpop (erf)  }
0x3c8: {  	v57 =	vsub.f32 $0.0e+00, v12;
	v63 =	vpop (erf)  }
0x3c9: {  	v53 =	vadd.f32 $1.000000000e+00, v63  }
0x3ca: {  	v54 =	vmul.f32 $1.442695020e+00, v57  }
0x3cb: {  	(erf) = vrcp.f32 v53  }
0x3cc: {  	(erf) = vpow2.f32 v54;
	_ =	sdelay $0x7  }
0x3cd: {  	v53 =	vpop (erf)  }
0x3ce: {  	v54 =	vpop (erf)  }
0x3cf: {  	v54 =	vadd.f32 $1.000000000e+00, v54;
	_ =	sdelay $0x1  }
0x3d0: {  	(erf) = vrcp.f32 v54;
	_ =	sdelay $0x1  }
0x3d1: {  	s12 =	sadd.s32 $0x80, s15;
	v58 =	vld [tilespmem:s6+$0x0]  }
0x3d2: {  	vm1 =	vmmov vm0;
	p0 =	slt.u32 s12, $0x27100  }
0x3d3: {  	vm1 =	vmneg @p0 vm1;
	_ =	sdelay $0x3  }
0x3d4: {  	v46 =	vmul.f32 v62, v55  }
0x3d5: {  	v53 =	vmul.f32 v53, v56;
	v62 =	vpop (erf)  }
0x3d6: {  	[tilespmem:v58+s30+$0x0] =	vst.idx.add.f32.msk vm1, v46;
	v12 =	vmul.f32 v62, v12  }
0x3d7: {  	v2 =	vmul.f32 v46, v2;
	[tilespmem:v58+s31+$0x0] =	vst.idx.add.f32.msk vm1, v53  }
0x3d8: {  	v11 =	vmul.f32 v53, v11;
	[tilespmem:v58+s1+$0x0] =	vst.idx.add.f32.msk vm1, v12  }
0x3d9: {  	[tilespmem:v58+s0+$0x0] =	vst.idx.add.f32.msk vm1, v2;
	v2 =	vmul.f32 v12, v3  }
0x3da: {  	[tilespmem:v58+s21+$0x0] =	vst.idx.add.f32.msk vm1, v11  }
0x3db: {  	[tilespmem:v58+s22+$0x0] =	vst.idx.add.f32.msk vm1, v2  }
0x3dc: {  	v2 =	vld.idx.msk [tilespmem:v36+s25+$0x0], $0xffff  }
0x3dd: {  	v11 =	vld.idx.msk [tilespmem:v36+s26+$0x0], $0xffff;
	_ =	sdelay $0x3  }
0x3de: {  	v29 =	vld [tilespmem:$0x1FFF0]  }
0x3df: {  	v2 =	vsub.f32 v2, v11;
	v11 =	vld [tilespmem:$0x1FEC0]  }
0x3e0: {  	v3 =	vld.idx.msk [tilespmem:v22+s25+$0x0], $0xffff  }
0x3e1: {  	v12 =	vld.idx.msk [tilespmem:v22+s26+$0x0], $0xffff  }
0x3e2: {  	v63 =	vld.idx.msk [tilespmem:v38+s25+$0x0], $0xffff  }
0x3e3: {  	v58 =	vadd.s32 v51, v45;
	v57 =	vld.idx.msk [tilespmem:v38+s26+$0x0], $0xffff;
	_ =	sdelay $0x2  }
0x3e4: {  	v55 =	vld.idx.msk [tilespmem:v29+s25+$0x0], $0xffff;
	v3 =	vsub.f32 v3, v12  }
0x3e5: {  	v11 =	vld.idx.msk [tilespmem:v11+s26+$0x0], $0xffff  }
0x3e6: {  	v12 =	vld.idx.msk [tilespmem:v58+s23+$0x0], $0xffff;
	v46 =	vsub.f32 v63, v57;
	v53 =	vmul.f32 v2, v2;
	v62 =	vmul.f32 v3, v3  }
0x3e7: {  	v63 =	vld [tilespmem:$0x64C0]  }
0x3e8: {  	v53 =	vadd.f32 v62, v53;
	v62 =	vmul.f32 v46, v46;
	_ =	sdelay $0x1  }
0x3e9: {  	v53 =	vadd.f32 v62, v53;
	v11 =	vadd.f32 v11, v55  }
0x3ea: {  	v58 =	vld [tilespmem:$0x1FEE0]  }
0x3eb: {  	v62 =	vld [tilespmem:$0x1FF40];
	v11 =	vadd.f32 v12, v11;
	v12 =	vmul.f32 v63, v53;
	_ =	sdelay $0x1  }
0x3ec: {  	v11 =	vadd.f32 v12, v11;
	_ =	sdelay $0x1  }
0x3ed: {  	v63 =	vadd.s32 v52, v45;
	v12 =	vsub.f32 $0.0e+00, v11;
	_ =	sdelay $0x1  }
0x3ee: {  	v12 =	vmul.f32 $1.442695020e+00, v12  }
0x3ef: {  	v55 =	vld.idx.msk [tilespmem:v58+s25+$0x0], $0xffff  }
0x3f0: {  	v56 =	vld.idx.msk [tilespmem:v62+s26+$0x0], $0xffff;
	(erf) = vpow2.f32 v12  }
0x3f1: {  	v54 =	vld.idx.msk [tilespmem:v63+s23+$0x0], $0xffff  }
0x3f2: {  	v63 =	vld [tilespmem:$0x64D0];
	_ =	sdelay $0x2  }
0x3f3: {  	v12 =	vadd.f32 v56, v55;
	_ =	sdelay $0x1  }
0x3f4: {  	v12 =	vadd.f32 v54, v12;
	v62 =	vmul.f32 v63, v53;
	_ =	sdelay $0x1  }
0x3f5: {  	v12 =	vadd.f32 v62, v12;
	v62 =	vld [tilespmem:$0x1FEF0];
	v63 =	vpop (erf)  }
0x3f6: {  	v54 =	vadd.f32 $1.000000000e+00, v63;
	v63 =	vld [tilespmem:$0x1FF50];
	_ =	sdelay $0x3  }
0x3f7: {  	v55 =	vadd.s32 v59, v45;
	_ =	sdelay $0x1  }
0x3f8: {  	v56 =	vsub.f32 $0.0e+00, v12  }
0x3f9: {  	v57 =	vld.idx.msk [tilespmem:v62+s25+$0x0], $0xffff  }
0x3fa: {  	v56 =	vmul.f32 $1.442695020e+00, v56;
	v58 =	vld.idx.msk [tilespmem:v63+s26+$0x0], $0xffff  }
0x3fb: {  	v55 =	vld.idx.msk [tilespmem:v55+s23+$0x0], $0xffff;
	(erf) = vrcp.f32 v54  }
0x3fc: {  	v62 =	vld [tilespmem:$0x64E0];
	(erf) = vpow2.f32 v56;
	_ =	sdelay $0x2  }
0x3fd: {  	v63 =	vadd.f32 v58, v57;
	_ =	sdelay $0x1  }
0x3fe: {  	v53 =	vmul.f32 v62, v53;
	v55 =	vadd.f32 v55, v63;
	_ =	sdelay $0x1  }
0x3ff: {  	v53 =	vadd.f32 v53, v55  }
0x400: {  	v54 =	vpop (erf)  }
0x401: {  	v62 =	vpop (erf);
	v63 =	vsub.f32 $0.0e+00, v53  }
0x402: {  	v55 =	vadd.f32 $1.000000000e+00, v62  }
0x403: {  	v56 =	vmul.f32 $1.442695020e+00, v63  }
0x404: {  	(erf) = vrcp.f32 v55  }
0x405: {  	(erf) = vpow2.f32 v56;
	_ =	sdelay $0x7  }
0x406: {  	v55 =	vpop (erf)  }
0x407: {  	v56 =	vpop (erf)  }
0x408: {  	v56 =	vadd.f32 $1.000000000e+00, v56;
	_ =	sdelay $0x1  }
0x409: {  	(erf) = vrcp.f32 v56;
	_ =	sdelay $0x3  }
0x40a: {  	v62 =	vld [tilespmem:$0x6400]  }
0x40b: {  	v57 =	vld [tilespmem:$0x6430];
	_ =	sdelay $0x1  }
0x40c: {  	v11 =	vmul.f32 v54, v11;
	v58 =	vld [tilespmem:$0x6460]  }
0x40d: {  	v12 =	vmul.f32 v55, v12  }
0x40e: {  	v62 =	vmul.f32 v11, v62;
	v63 =	vpop (erf)  }
0x40f: {  	v55 =	vmul.f32 v12, v57;
	v53 =	vmul.f32 v63, v53  }
0x410: {  	v63 =	vld [tilespmem:$0x6490]  }
0x411: {  	v54 =	vadd.f32 v55, v62;
	v58 =	vmul.f32 v53, v58;
	_ =	sdelay $0x1  }
0x412: {  	v54 =	vadd.f32 v58, v54;
	_ =	sdelay $0x1  }
0x413: {  	v54 =	vadd.f32 v54, v63  }
0x414: {  	v55 =	vld [tilespmem:$0x6410]  }
0x415: {  	v56 =	vld [tilespmem:$0x6440];
	v62 =	vsub.f32 $0.0e+00, v54;
	_ =	sdelay $0x1  }
0x416: {  	v63 =	vld [tilespmem:$0x6470];
	v57 =	vmul.f32 $1.442695020e+00, v62;
	_ =	sdelay $0x1  }
0x417: {  	(erf) = vpow2.f32 v57  }
0x418: {  	v55 =	vmul.f32 v11, v55;
	v56 =	vmul.f32 v12, v56  }
0x419: {  	v62 =	vld [tilespmem:$0x64A0]  }
0x41a: {  	v55 =	vadd.f32 v56, v55;
	v63 =	vmul.f32 v53, v63;
	_ =	sdelay $0x1  }
0x41b: {  	v55 =	vadd.f32 v63, v55;
	_ =	sdelay $0x1  }
0x41c: {  	v55 =	vadd.f32 v55, v62  }
0x41d: {  	v56 =	vld [tilespmem:$0x6420]  }
0x41e: {  	v57 =	vld [tilespmem:$0x6450];
	v62 =	vsub.f32 $0.0e+00, v55;
	v58 =	vpop (erf)  }
0x41f: {  	v58 =	vadd.f32 $1.000000000e+00, v58  }
0x420: {  	v63 =	vld [tilespmem:$0x6480];
	v62 =	vmul.f32 $1.442695020e+00, v62  }
0x421: {  	(erf) = vrcp.f32 v58  }
0x422: {  	(erf) = vpow2.f32 v62  }
0x423: {  	v11 =	vmul.f32 v56, v11;
	v12 =	vmul.f32 v57, v12  }
0x424: {  	v62 =	vld [tilespmem:$0x64B0]  }
0x425: {  	v11 =	vadd.f32 v12, v11;
	v12 =	vmul.f32 v63, v53;
	_ =	sdelay $0x1  }
0x426: {  	v11 =	vadd.f32 v12, v11;
	_ =	sdelay $0x1  }
0x427: {  	v11 =	vadd.f32 v11, v62  }
0x428: {  	v12 =	vpop (erf)  }
0x429: {  	v56 =	vsub.f32 $0.0e+00, v11;
	v62 =	vpop (erf)  }
0x42a: {  	v53 =	vadd.f32 $1.000000000e+00, v62  }
0x42b: {  	v56 =	vmul.f32 $1.442695020e+00, v56  }
0x42c: {  	(erf) = vrcp.f32 v53  }
0x42d: {  	(erf) = vpow2.f32 v56;
	_ =	sdelay $0x7  }
0x42e: {  	v53 =	vpop (erf)  }
0x42f: {  	v56 =	vpop (erf)  }
0x430: {  	v56 =	vadd.f32 $1.000000000e+00, v56;
	_ =	sdelay $0x1  }
0x431: {  	(erf) = vrcp.f32 v56;
	_ =	sdelay $0x1  }
0x432: {  	v63 =	vld [tilespmem:s6+$0x10];
	_ =	sdelay $0x5  }
0x433: {  	v12 =	vmul.f32 v12, v54  }
0x434: {  	v53 =	vmul.f32 v53, v55;
	v58 =	vpop (erf)  }
0x435: {  	[tilespmem:v63+s30+$0x0] =	vst.idx.add.f32.msk vm1, v12;
	v11 =	vmul.f32 v58, v11  }
0x436: {  	v2 =	vmul.f32 v12, v2;
	[tilespmem:v63+s31+$0x0] =	vst.idx.add.f32.msk vm1, v53  }
0x437: {  	v3 =	vmul.f32 v53, v3;
	[tilespmem:v63+s1+$0x0] =	vst.idx.add.f32.msk vm1, v11  }
0x438: {  	[tilespmem:v63+s0+$0x0] =	vst.idx.add.f32.msk vm1, v2;
	v2 =	vmul.f32 v11, v46  }
0x439: {  	[tilespmem:v63+s21+$0x0] =	vst.idx.add.f32.msk vm1, v3  }
0x43a: {  	[tilespmem:v63+s22+$0x0] =	vst.idx.add.f32.msk vm1, v2  }
0x43b: {  	v2 =	vld.idx.msk [tilespmem:v60+s25+$0x0], $0xffff  }
0x43c: {  	v11 =	vld.idx.msk [tilespmem:v60+s26+$0x0], $0xffff;
	_ =	sdelay $0x3  }
0x43d: {  	v58 =	vld [tilespmem:$0x1FF60]  }
0x43e: {  	v2 =	vsub.f32 v2, v11;
	v11 =	vld [tilespmem:$0x1FF30]  }
0x43f: {  	v3 =	vld.idx.msk [tilespmem:v61+s25+$0x0], $0xffff  }
0x440: {  	v12 =	vld.idx.msk [tilespmem:v61+s26+$0x0], $0xffff  }
0x441: {  	v62 =	vld.idx.msk [tilespmem:v39+s25+$0x0], $0xffff  }
0x442: {  	v63 =	vld.idx.msk [tilespmem:v39+s26+$0x0], $0xffff  }
0x443: {  	v57 =	vadd.s32 v48, v45;
	_ =	sdelay $0x1  }
0x444: {  	v55 =	vld.idx.msk [tilespmem:v58+s25+$0x0], $0xffff;
	v3 =	vsub.f32 v3, v12  }
0x445: {  	v11 =	vld.idx.msk [tilespmem:v11+s26+$0x0], $0xffff  }
0x446: {  	v56 =	vld [tilespmem:$0x64C0];
	v46 =	vsub.f32 v62, v63;
	v62 =	vmul.f32 v2, v2;
	v63 =	vmul.f32 v3, v3  }
0x447: {  	v12 =	vld.idx.msk [tilespmem:v57+s23+$0x0], $0xffff  }
0x448: {  	v53 =	vadd.f32 v63, v62;
	v62 =	vmul.f32 v46, v46;
	_ =	sdelay $0x1  }
0x449: {  	v53 =	vadd.f32 v62, v53;
	v11 =	vadd.f32 v11, v55  }
0x44a: {  	v58 =	vld [tilespmem:$0x1FED0]  }
0x44b: {  	v62 =	vld [tilespmem:$0x1FF10];
	v11 =	vadd.f32 v12, v11;
	v12 =	vmul.f32 v56, v53;
	_ =	sdelay $0x1  }
0x44c: {  	v11 =	vadd.f32 v12, v11;
	_ =	sdelay $0x1  }
0x44d: {  	v63 =	vadd.s32 v32, v45;
	v12 =	vsub.f32 $0.0e+00, v11;
	_ =	sdelay $0x1  }
0x44e: {  	v12 =	vmul.f32 $1.442695020e+00, v12  }
0x44f: {  	v55 =	vld.idx.msk [tilespmem:v58+s25+$0x0], $0xffff  }
0x450: {  	v56 =	vld.idx.msk [tilespmem:v62+s26+$0x0], $0xffff;
	(erf) = vpow2.f32 v12  }
0x451: {  	v54 =	vld.idx.msk [tilespmem:v63+s23+$0x0], $0xffff  }
0x452: {  	v63 =	vld [tilespmem:$0x64D0];
	_ =	sdelay $0x2  }
0x453: {  	v12 =	vadd.f32 v56, v55;
	_ =	sdelay $0x1  }
0x454: {  	v62 =	vmul.f32 v63, v53;
	v12 =	vadd.f32 v54, v12;
	_ =	sdelay $0x1  }
0x455: {  	v12 =	vadd.f32 v62, v12;
	v62 =	vld [tilespmem:$0x1FF00];
	v63 =	vpop (erf)  }
0x456: {  	v54 =	vadd.f32 $1.000000000e+00, v63;
	v63 =	vld [tilespmem:$0x1FF20];
	_ =	sdelay $0x3  }
0x457: {  	v55 =	vadd.s32 v47, v45;
	_ =	sdelay $0x1  }
0x458: {  	v56 =	vsub.f32 $0.0e+00, v12  }
0x459: {  	v57 =	vld.idx.msk [tilespmem:v62+s25+$0x0], $0xffff  }
0x45a: {  	v56 =	vmul.f32 $1.442695020e+00, v56;
	v58 =	vld.idx.msk [tilespmem:v63+s26+$0x0], $0xffff  }
0x45b: {  	v55 =	vld.idx.msk [tilespmem:v55+s23+$0x0], $0xffff;
	(erf) = vrcp.f32 v54  }
0x45c: {  	v62 =	vld [tilespmem:$0x64E0];
	(erf) = vpow2.f32 v56;
	_ =	sdelay $0x2  }
0x45d: {  	v63 =	vadd.f32 v58, v57;
	_ =	sdelay $0x1  }
0x45e: {  	v53 =	vmul.f32 v62, v53;
	v55 =	vadd.f32 v55, v63;
	_ =	sdelay $0x1  }
0x45f: {  	v53 =	vadd.f32 v53, v55  }
0x460: {  	v54 =	vpop (erf)  }
0x461: {  	v62 =	vpop (erf);
	v63 =	vsub.f32 $0.0e+00, v53  }
0x462: {  	v55 =	vadd.f32 $1.000000000e+00, v62  }
0x463: {  	v56 =	vmul.f32 $1.442695020e+00, v63  }
0x464: {  	(erf) = vrcp.f32 v55  }
0x465: {  	(erf) = vpow2.f32 v56;
	_ =	sdelay $0x7  }
0x466: {  	v55 =	vpop (erf)  }
0x467: {  	v56 =	vpop (erf)  }
0x468: {  	v56 =	vadd.f32 $1.000000000e+00, v56;
	_ =	sdelay $0x1  }
0x469: {  	(erf) = vrcp.f32 v56;
	_ =	sdelay $0x3  }
0x46a: {  	v62 =	vld [tilespmem:$0x6400]  }
0x46b: {  	v57 =	vld [tilespmem:$0x6430];
	_ =	sdelay $0x1  }
0x46c: {  	v11 =	vmul.f32 v54, v11;
	v58 =	vld [tilespmem:$0x6460]  }
0x46d: {  	v12 =	vmul.f32 v55, v12  }
0x46e: {  	v62 =	vmul.f32 v11, v62;
	v63 =	vpop (erf)  }
0x46f: {  	v55 =	vmul.f32 v12, v57;
	v53 =	vmul.f32 v63, v53  }
0x470: {  	v63 =	vld [tilespmem:$0x6490]  }
0x471: {  	v54 =	vadd.f32 v55, v62;
	v58 =	vmul.f32 v53, v58;
	_ =	sdelay $0x1  }
0x472: {  	v54 =	vadd.f32 v58, v54;
	_ =	sdelay $0x1  }
0x473: {  	v54 =	vadd.f32 v54, v63  }
0x474: {  	v55 =	vld [tilespmem:$0x6410]  }
0x475: {  	v56 =	vld [tilespmem:$0x6440];
	v62 =	vsub.f32 $0.0e+00, v54;
	_ =	sdelay $0x1  }
0x476: {  	v63 =	vld [tilespmem:$0x6470];
	v57 =	vmul.f32 $1.442695020e+00, v62;
	_ =	sdelay $0x1  }
0x477: {  	(erf) = vpow2.f32 v57  }
0x478: {  	v55 =	vmul.f32 v11, v55;
	v56 =	vmul.f32 v12, v56  }
0x479: {  	v62 =	vld [tilespmem:$0x64A0]  }
0x47a: {  	v55 =	vadd.f32 v56, v55;
	v63 =	vmul.f32 v53, v63;
	_ =	sdelay $0x1  }
0x47b: {  	v55 =	vadd.f32 v63, v55;
	_ =	sdelay $0x1  }
0x47c: {  	v55 =	vadd.f32 v55, v62  }
0x47d: {  	v56 =	vld [tilespmem:$0x6420]  }
0x47e: {  	v57 =	vld [tilespmem:$0x6450];
	v62 =	vsub.f32 $0.0e+00, v55;
	v58 =	vpop (erf)  }
0x47f: {  	v58 =	vadd.f32 $1.000000000e+00, v58  }
0x480: {  	v63 =	vld [tilespmem:$0x6480];
	v62 =	vmul.f32 $1.442695020e+00, v62  }
0x481: {  	(erf) = vrcp.f32 v58  }
0x482: {  	(erf) = vpow2.f32 v62  }
0x483: {  	v11 =	vmul.f32 v56, v11;
	v12 =	vmul.f32 v57, v12  }
0x484: {  	v56 =	vld [tilespmem:$0x64B0]  }
0x485: {  	v11 =	vadd.f32 v12, v11;
	v12 =	vmul.f32 v63, v53;
	_ =	sdelay $0x1  }
0x486: {  	v11 =	vadd.f32 v12, v11;
	_ =	sdelay $0x1  }
0x487: {  	v11 =	vadd.f32 v11, v56  }
0x488: {  	v12 =	vpop (erf)  }
0x489: {  	v56 =	vsub.f32 $0.0e+00, v11;
	v62 =	vpop (erf)  }
0x48a: {  	v53 =	vadd.f32 $1.000000000e+00, v62  }
0x48b: {  	v56 =	vmul.f32 $1.442695020e+00, v56  }
0x48c: {  	(erf) = vrcp.f32 v53  }
0x48d: {  	(erf) = vpow2.f32 v56;
	_ =	sdelay $0x7  }
0x48e: {  	v53 =	vpop (erf)  }
0x48f: {  	v56 =	vpop (erf)  }
0x490: {  	v56 =	vadd.f32 $1.000000000e+00, v56;
	_ =	sdelay $0x1  }
0x491: {  	(erf) = vrcp.f32 v56  }
0x492: {  	v62 =	vld [tilespmem:s6+$0x20];
	_ =	sdelay $0x5  }
0x493: {  	v12 =	vmul.f32 v12, v54  }
0x494: {  	v53 =	vmul.f32 v53, v55  }
0x495: {  	[tilespmem:v62+s30+$0x0] =	vst.idx.add.f32.msk vm1, v12;
	v58 =	vpop (erf)  }
0x496: {  	[tilespmem:v62+s31+$0x0] =	vst.idx.add.f32.msk vm1, v53;
	v11 =	vmul.f32 v58, v11  }
0x497: {  	v2 =	vmul.f32 v12, v2;
	v58 =	vld [tilespmem:$0x1FF70]  }
0x498: {  	v3 =	vmul.f32 v53, v3;
	[tilespmem:v62+s1+$0x0] =	vst.idx.add.f32.msk vm1, v11  }
0x499: {  	[tilespmem:v62+s0+$0x0] =	vst.idx.add.f32.msk vm1, v2;
	v2 =	vmul.f32 v11, v46  }
0x49a: {  	[tilespmem:v62+s21+$0x0] =	vst.idx.add.f32.msk vm1, v3  }
0x49b: {  	[tilespmem:v62+s22+$0x0] =	vst.idx.add.f32.msk vm1, v2  }
0x49c: {  	v2 =	vld.idx.msk [tilespmem:v6+s25+$0x0], $0xffff  }
0x49d: {  	v3 =	vld.idx.msk [tilespmem:v26+s25+$0x0], $0xffff  }
0x49e: {  	v11 =	vld.idx.msk [tilespmem:v6+s26+$0x0], $0xffff  }
0x49f: {  	v12 =	vld.idx.msk [tilespmem:v26+s26+$0x0], $0xffff  }
0x4a0: {  	v46 =	vld.idx.msk [tilespmem:v40+s25+$0x0], $0xffff  }
0x4a1: {  	v62 =	vld.idx.msk [tilespmem:v40+s26+$0x0], $0xffff  }
0x4a2: {  	v57 =	vadd.s32 v9, v45;
	_ =	sdelay $0x1  }
0x4a3: {  	v63 =	vmov v27;
	v55 =	vld.idx.msk [tilespmem:v58+s25+$0x0], $0xffff;
	v2 =	vsub.f32 v2, v11;
	v3 =	vsub.f32 v3, v12  }
0x4a4: {  	v27 =	vmovc v28;
	v28 =	vmovc v35;
	v35 =	vmov v51;
	v51 =	vmov v52;
	v52 =	vmov v59;
	v11 =	vld.idx.msk [tilespmem:v20+s26+$0x0], $0xffff  }
0x4a5: {  	v59 =	vmovc v6;
	v56 =	vld [tilespmem:$0x64C0];
	v46 =	vsub.f32 v46, v62;
	v62 =	vmul.f32 v2, v2;
	v6 =	vmul.f32 v3, v3  }
0x4a6: {  	v12 =	vld.idx.msk [tilespmem:v57+s23+$0x0], $0xffff  }
0x4a7: {  	v57 =	vmul.f32 v46, v46;
	v53 =	vadd.f32 v6, v62;
	_ =	sdelay $0x1  }
0x4a8: {  	v58 =	vld [tilespmem:$0x1FF80];
	v11 =	vadd.f32 v11, v55;
	v53 =	vadd.f32 v57, v53;
	_ =	sdelay $0x1  }
0x4a9: {  	v11 =	vadd.f32 v12, v11;
	v12 =	vmul.f32 v56, v53;
	_ =	sdelay $0x1  }
0x4aa: {  	v54 =	vadd.s32 v7, v45;
	v11 =	vadd.f32 v12, v11;
	_ =	sdelay $0x1  }
0x4ab: {  	v12 =	vsub.f32 $0.0e+00, v11  }
0x4ac: {  	v62 =	vld.idx.msk [tilespmem:v18+s26+$0x0], $0xffff  }
0x4ad: {  	v55 =	vld.idx.msk [tilespmem:v58+s25+$0x0], $0xffff;
	v12 =	vmul.f32 $1.442695020e+00, v12  }
0x4ae: {  	v54 =	vld.idx.msk [tilespmem:v54+s23+$0x0], $0xffff  }
0x4af: {  	v6 =	vld [tilespmem:$0x64D0];
	(erf) = vpow2.f32 v12;
	_ =	sdelay $0x2  }
0x4b0: {  	v12 =	vadd.f32 v62, v55;
	_ =	sdelay $0x1  }
0x4b1: {  	v58 =	vmul.f32 v6, v53;
	v12 =	vadd.f32 v54, v12;
	_ =	sdelay $0x1  }
0x4b2: {  	v12 =	vadd.f32 v58, v12  }
0x4b3: {  	v45 =	vadd.s32 v10, v45  }
0x4b4: {  	v6 =	vsub.f32 $0.0e+00, v12;
	v62 =	vpop (erf)  }
0x4b5: {  	v56 =	vld.idx.msk [tilespmem:v31+s25+$0x0], $0xffff;
	v54 =	vadd.f32 $1.000000000e+00, v62  }
0x4b6: {  	v55 =	vmul.f32 $1.442695020e+00, v6;
	v62 =	vld.idx.msk [tilespmem:v17+s26+$0x0], $0xffff  }
0x4b7: {  	v6 =	vld [tilespmem:$0x64E0];
	(erf) = vrcp.f32 v54  }
0x4b8: {  	v45 =	vld.idx.msk [tilespmem:v45+s23+$0x0], $0xffff;
	(erf) = vpow2.f32 v55;
	_ =	sdelay $0x2  }
0x4b9: {  	v57 =	vadd.f32 v62, v56  }
0x4ba: {  	v53 =	vmul.f32 v6, v53  }
0x4bb: {  	v45 =	vadd.f32 v45, v57;
	_ =	sdelay $0x1  }
0x4bc: {  	v45 =	vadd.f32 v53, v45  }
0x4bd: {  	v53 =	vpop (erf)  }
0x4be: {  	v62 =	vsub.f32 $0.0e+00, v45;
	v58 =	vpop (erf)  }
0x4bf: {  	v54 =	vadd.f32 $1.000000000e+00, v58  }
0x4c0: {  	v55 =	vmul.f32 $1.442695020e+00, v62  }
0x4c1: {  	(erf) = vrcp.f32 v54  }
0x4c2: {  	(erf) = vpow2.f32 v55;
	_ =	sdelay $0x7  }
0x4c3: {  	v54 =	vpop (erf)  }
0x4c4: {  	v55 =	vpop (erf)  }
0x4c5: {  	v55 =	vadd.f32 $1.000000000e+00, v55;
	_ =	sdelay $0x1  }
0x4c6: {  	(erf) = vrcp.f32 v55;
	_ =	sdelay $0x3  }
0x4c7: {  	v6 =	vld [tilespmem:$0x6400]  }
0x4c8: {  	v56 =	vld [tilespmem:$0x6430];
	_ =	sdelay $0x1  }
0x4c9: {  	v57 =	vld [tilespmem:$0x6460];
	v11 =	vmul.f32 v53, v11  }
0x4ca: {  	v12 =	vmul.f32 v54, v12  }
0x4cb: {  	v6 =	vmul.f32 v11, v6;
	v62 =	vpop (erf)  }
0x4cc: {  	v54 =	vmul.f32 v12, v56;
	v45 =	vmul.f32 v62, v45  }
0x4cd: {  	v58 =	vld [tilespmem:$0x6490]  }
0x4ce: {  	v53 =	vadd.f32 v54, v6;
	v62 =	vmul.f32 v45, v57;
	_ =	sdelay $0x1  }
0x4cf: {  	v53 =	vadd.f32 v62, v53;
	_ =	sdelay $0x1  }
0x4d0: {  	v53 =	vadd.f32 v53, v58  }
0x4d1: {  	v55 =	vld [tilespmem:$0x6440]  }
0x4d2: {  	v54 =	vld [tilespmem:$0x6410];
	v6 =	vsub.f32 $0.0e+00, v53;
	_ =	sdelay $0x1  }
0x4d3: {  	v62 =	vld [tilespmem:$0x6470];
	v56 =	vmul.f32 $1.442695020e+00, v6;
	_ =	sdelay $0x1  }
0x4d4: {  	(erf) = vpow2.f32 v56  }
0x4d5: {  	v55 =	vmul.f32 v12, v55;
	v54 =	vmul.f32 v11, v54  }
0x4d6: {  	v6 =	vld [tilespmem:$0x64A0]  }
0x4d7: {  	v54 =	vadd.f32 v55, v54;
	v58 =	vmul.f32 v45, v62;
	_ =	sdelay $0x1  }
0x4d8: {  	v54 =	vadd.f32 v58, v54;
	_ =	sdelay $0x1  }
0x4d9: {  	v54 =	vadd.f32 v54, v6  }
0x4da: {  	v55 =	vld [tilespmem:$0x6420]  }
0x4db: {  	v56 =	vld [tilespmem:$0x6450];
	v58 =	vsub.f32 $0.0e+00, v54;
	v62 =	vpop (erf)  }
0x4dc: {  	v57 =	vadd.f32 $1.000000000e+00, v62  }
0x4dd: {  	v6 =	vld [tilespmem:$0x6480];
	v58 =	vmul.f32 $1.442695020e+00, v58  }
0x4de: {  	(erf) = vrcp.f32 v57  }
0x4df: {  	(erf) = vpow2.f32 v58  }
0x4e0: {  	v11 =	vmul.f32 v55, v11;
	v12 =	vmul.f32 v56, v12  }
0x4e1: {  	v58 =	vld [tilespmem:$0x64B0]  }
0x4e2: {  	v11 =	vadd.f32 v12, v11;
	v12 =	vmul.f32 v6, v45;
	_ =	sdelay $0x1  }
0x4e3: {  	v11 =	vadd.f32 v12, v11;
	_ =	sdelay $0x1  }
0x4e4: {  	v11 =	vadd.f32 v11, v58  }
0x4e5: {  	v12 =	vpop (erf)  }
0x4e6: {  	v55 =	vsub.f32 $0.0e+00, v11;
	v62 =	vpop (erf)  }
0x4e7: {  	v45 =	vadd.f32 $1.000000000e+00, v62  }
0x4e8: {  	v55 =	vmul.f32 $1.442695020e+00, v55  }
0x4e9: {  	(erf) = vrcp.f32 v45  }
0x4ea: {  	(erf) = vpow2.f32 v55;
	_ =	sdelay $0x7  }
0x4eb: {  	v45 =	vpop (erf)  }
0x4ec: {  	v55 =	vpop (erf)  }
0x4ed: {  	v55 =	vadd.f32 $1.000000000e+00, v55;
	_ =	sdelay $0x1  }
0x4ee: {  	(erf) = vrcp.f32 v55;
	_ =	sdelay $0x1  }
0x4ef: {  	v6 =	vld [tilespmem:s6+$0x30];
	_ =	sdelay $0x5  }
0x4f0: {  	v12 =	vmul.f32 v12, v53  }
0x4f1: {  	v45 =	vmul.f32 v45, v54;
	v57 =	vpop (erf)  }
0x4f2: {  	[tilespmem:v6+s30+$0x0] =	vst.idx.add.f32.msk vm1, v12;
	v11 =	vmul.f32 v57, v11  }
0x4f3: {  	v2 =	vmul.f32 v12, v2;
	[tilespmem:v6+s31+$0x0] =	vst.idx.add.f32.msk vm1, v45  }
0x4f4: {  	v3 =	vmul.f32 v45, v3;
	[tilespmem:v6+s1+$0x0] =	vst.idx.add.f32.msk vm1, v11  }
0x4f5: {  	[tilespmem:v6+s0+$0x0] =	vst.idx.add.f32.msk vm1, v2;
	v2 =	vmul.f32 v11, v46  }
0x4f6: {  	[tilespmem:v6+s21+$0x0] =	vst.idx.add.f32.msk vm1, v3  }
0x4f7: {  	[tilespmem:v6+s22+$0x0] =	vst.idx.add.f32.msk vm1, v2  }
0x4f8: {  	v11 =	vld.idx.msk [tilespmem:v15+s25+$0x0], $0xffff  }
0x4f9: {  	v58 =	vld.idx.msk [tilespmem:v15+s26+$0x0], $0xffff  }
0x4fa: {  	s12 =	sadd.s32 $0x18, s10  }
0x4fb: {  	v57 =	vld [tilespmem:$0x1FE00];
	v3 =	vmov s12  }
0x4fc: {  	v3 =	vshrl.u32 v3, $0x3  }
0x4fd: {  	v3 =	vshll.u32 v3, v37  }
0x4fe: {  	v3 =	vbroadcast v3, $0x0;
	v11 =	vsub.f32 v11, v58;
	v58 =	vld [tilespmem:$0x1FE30]  }
0x4ff: {  	v2 =	vld.idx.msk [tilespmem:v14+s25+$0x0], $0xffff  }
0x500: {  	v12 =	vld.idx.msk [tilespmem:v14+s26+$0x0], $0xffff;
	v62 =	vadd.s32 v63, v3  }
0x501: {  	v46 =	vld.idx.msk [tilespmem:v23+s25+$0x0], $0xffff  }
0x502: {  	v53 =	vld.idx.msk [tilespmem:v23+s26+$0x0], $0xffff  }
0x503: {  	v55 =	vld.idx.msk [tilespmem:v57+s25+$0x0], $0xffff  }
0x504: {  	v57 =	vld [tilespmem:$0x1FE10]  }
0x505: {  	v2 =	vsub.f32 v2, v12;
	v45 =	vld.idx.msk [tilespmem:v62+s23+$0x0], $0xffff  }
0x506: {  	v12 =	vld.idx.msk [tilespmem:v58+s26+$0x0], $0xffff  }
0x507: {  	v46 =	vsub.f32 v46, v53;
	v53 =	vmul.f32 v2, v2;
	v62 =	vmul.f32 v11, v11;
	v58 =	vld [tilespmem:$0x1FE40]  }
0x508: {  	v6 =	vld [tilespmem:$0x64C0]  }
0x509: {  	v53 =	vadd.f32 v62, v53;
	v62 =	vmul.f32 v46, v46;
	_ =	sdelay $0x1  }
0x50a: {  	v54 =	vadd.s32 v27, v3;
	v53 =	vadd.f32 v62, v53;
	v12 =	vadd.f32 v12, v55;
	_ =	sdelay $0x1  }
0x50b: {  	v6 =	vmul.f32 v6, v53;
	v12 =	vadd.f32 v45, v12  }
0x50c: {  	v55 =	vld.idx.msk [tilespmem:v57+s25+$0x0], $0xffff  }
0x50d: {  	v62 =	vld.idx.msk [tilespmem:v58+s26+$0x0], $0xffff;
	v12 =	vadd.f32 v6, v12  }
0x50e: {  	v54 =	vld.idx.msk [tilespmem:v54+s23+$0x0], $0xffff  }
0x50f: {  	v6 =	vld [tilespmem:$0x64D0];
	v45 =	vsub.f32 $0.0e+00, v12;
	_ =	sdelay $0x1  }
0x510: {  	v45 =	vmul.f32 $1.442695020e+00, v45  }
0x511: {  	v56 =	vadd.f32 v62, v55  }
0x512: {  	(erf) = vpow2.f32 v45  }
0x513: {  	v58 =	vmul.f32 v6, v53;
	v45 =	vadd.f32 v54, v56  }
0x514: {  	v57 =	vld [tilespmem:$0x1FE20]  }
0x515: {  	v45 =	vadd.f32 v58, v45;
	v58 =	vld [tilespmem:$0x1FE50];
	_ =	sdelay $0x4  }
0x516: {  	v3 =	vadd.s32 v28, v3  }
0x517: {  	v55 =	vsub.f32 $0.0e+00, v45;
	v62 =	vpop (erf)  }
0x518: {  	v56 =	vld.idx.msk [tilespmem:v57+s25+$0x0], $0xffff;
	v54 =	vadd.f32 $1.000000000e+00, v62  }
0x519: {  	v55 =	vmul.f32 $1.442695020e+00, v55;
	v62 =	vld.idx.msk [tilespmem:v58+s26+$0x0], $0xffff  }
0x51a: {  	v6 =	vld [tilespmem:$0x64E0];
	(erf) = vrcp.f32 v54  }
0x51b: {  	v3 =	vld.idx.msk [tilespmem:v3+s23+$0x0], $0xffff;
	(erf) = vpow2.f32 v55;
	_ =	sdelay $0x2  }
0x51c: {  	v57 =	vadd.f32 v62, v56  }
0x51d: {  	v53 =	vmul.f32 v6, v53  }
0x51e: {  	v3 =	vadd.f32 v3, v57;
	_ =	sdelay $0x1  }
0x51f: {  	v3 =	vadd.f32 v53, v3  }
0x520: {  	v53 =	vpop (erf)  }
0x521: {  	v62 =	vsub.f32 $0.0e+00, v3;
	v58 =	vpop (erf)  }
0x522: {  	v54 =	vadd.f32 $1.000000000e+00, v58  }
0x523: {  	v55 =	vmul.f32 $1.442695020e+00, v62  }
0x524: {  	(erf) = vrcp.f32 v54  }
0x525: {  	(erf) = vpow2.f32 v55;
	_ =	sdelay $0x7  }
0x526: {  	v54 =	vpop (erf)  }
0x527: {  	v55 =	vpop (erf)  }
0x528: {  	v55 =	vadd.f32 $1.000000000e+00, v55;
	_ =	sdelay $0x1  }
0x529: {  	(erf) = vrcp.f32 v55;
	_ =	sdelay $0x3  }
0x52a: {  	v6 =	vld [tilespmem:$0x6400]  }
0x52b: {  	v56 =	vld [tilespmem:$0x6430];
	_ =	sdelay $0x1  }
0x52c: {  	v57 =	vld [tilespmem:$0x6460];
	v12 =	vmul.f32 v53, v12  }
0x52d: {  	v45 =	vmul.f32 v54, v45  }
0x52e: {  	v6 =	vmul.f32 v12, v6;
	v62 =	vpop (erf)  }
0x52f: {  	v54 =	vmul.f32 v45, v56;
	v3 =	vmul.f32 v62, v3  }
0x530: {  	v58 =	vld [tilespmem:$0x6490]  }
0x531: {  	v53 =	vadd.f32 v54, v6;
	v62 =	vmul.f32 v3, v57;
	_ =	sdelay $0x1  }
0x532: {  	v53 =	vadd.f32 v62, v53;
	_ =	sdelay $0x1  }
0x533: {  	v53 =	vadd.f32 v53, v58  }
0x534: {  	v55 =	vld [tilespmem:$0x6440]  }
0x535: {  	v54 =	vld [tilespmem:$0x6410];
	v6 =	vsub.f32 $0.0e+00, v53;
	_ =	sdelay $0x1  }
0x536: {  	v62 =	vld [tilespmem:$0x6470];
	v56 =	vmul.f32 $1.442695020e+00, v6;
	_ =	sdelay $0x1  }
0x537: {  	(erf) = vpow2.f32 v56  }
0x538: {  	v55 =	vmul.f32 v45, v55;
	v54 =	vmul.f32 v12, v54  }
0x539: {  	v6 =	vld [tilespmem:$0x64A0]  }
0x53a: {  	v54 =	vadd.f32 v55, v54;
	v58 =	vmul.f32 v3, v62;
	_ =	sdelay $0x1  }
0x53b: {  	v54 =	vadd.f32 v58, v54;
	_ =	sdelay $0x1  }
0x53c: {  	v54 =	vadd.f32 v54, v6  }
0x53d: {  	v55 =	vld [tilespmem:$0x6420]  }
0x53e: {  	v56 =	vld [tilespmem:$0x6450];
	v58 =	vsub.f32 $0.0e+00, v54;
	v62 =	vpop (erf)  }
0x53f: {  	v57 =	vadd.f32 $1.000000000e+00, v62  }
0x540: {  	v6 =	vld [tilespmem:$0x6480];
	v58 =	vmul.f32 $1.442695020e+00, v58  }
0x541: {  	(erf) = vrcp.f32 v57  }
0x542: {  	(erf) = vpow2.f32 v58  }
0x543: {  	v12 =	vmul.f32 v55, v12;
	v45 =	vmul.f32 v56, v45  }
0x544: {  	v58 =	vmov v7;
	v7 =	vld [tilespmem:$0x64B0]  }
0x545: {  	v12 =	vadd.f32 v45, v12;
	v3 =	vmul.f32 v6, v3;
	_ =	sdelay $0x1  }
0x546: {  	v3 =	vadd.f32 v3, v12;
	_ =	sdelay $0x1  }
0x547: {  	v3 =	vadd.f32 v3, v7  }
0x548: {  	v12 =	vpop (erf)  }
0x549: {  	v55 =	vsub.f32 $0.0e+00, v3;
	v6 =	vpop (erf)  }
0x54a: {  	v45 =	vadd.f32 $1.000000000e+00, v6  }
0x54b: {  	v55 =	vmul.f32 $1.442695020e+00, v55  }
0x54c: {  	(erf) = vrcp.f32 v45  }
0x54d: {  	(erf) = vpow2.f32 v55;
	_ =	sdelay $0x7  }
0x54e: {  	v45 =	vpop (erf)  }
0x54f: {  	v55 =	vpop (erf)  }
0x550: {  	v55 =	vadd.f32 $1.000000000e+00, v55;
	_ =	sdelay $0x1  }
0x551: {  	(erf) = vrcp.f32 v55;
	_ =	sdelay $0x1  }
0x552: {  	v7 =	vld [tilespmem:s6+$0x40];
	_ =	sdelay $0x5  }
0x553: {  	v12 =	vmul.f32 v12, v53  }
0x554: {  	v45 =	vmul.f32 v45, v54;
	v6 =	vpop (erf)  }
0x555: {  	[tilespmem:v7+s30+$0x0] =	vst.idx.add.f32.msk vm1, v12;
	v3 =	vmul.f32 v6, v3  }
0x556: {  	v2 =	vmul.f32 v12, v2;
	[tilespmem:v7+s31+$0x0] =	vst.idx.add.f32.msk vm1, v45  }
0x557: {  	v11 =	vmul.f32 v45, v11;
	[tilespmem:v7+s1+$0x0] =	vst.idx.add.f32.msk vm1, v3  }
0x558: {  	[tilespmem:v7+s0+$0x0] =	vst.idx.add.f32.msk vm1, v2;
	v2 =	vmul.f32 v3, v46  }
0x559: {  	[tilespmem:v7+s21+$0x0] =	vst.idx.add.f32.msk vm1, v11  }
0x55a: {  	[tilespmem:v7+s22+$0x0] =	vst.idx.add.f32.msk vm1, v2  }
0x55b: {  	v2 =	vld.idx.msk [tilespmem:v16+s25+$0x0], $0xffff  }
0x55c: {  	s12 =	sadd.s32 $0x1A, s10;
	v11 =	vld.idx.msk [tilespmem:v24+s25+$0x0], $0xffff  }
0x55d: {  	v3 =	vmov s12;
	v55 =	vld.idx.msk [tilespmem:v50+s25+$0x0], $0xffff  }
0x55e: {  	v3 =	vshrl.u32 v3, $0x3;
	v50 =	vld [tilespmem:$0x1FD30]  }
0x55f: {  	v3 =	vshll.u32 v3, v37;
	v12 =	vld.idx.msk [tilespmem:v16+s26+$0x0], $0xffff  }
0x560: {  	v7 =	vld.idx.msk [tilespmem:v24+s26+$0x0], $0xffff;
	v3 =	vbroadcast v3, $0x0  }
0x561: {  	v46 =	vld.idx.msk [tilespmem:v25+s25+$0x0], $0xffff  }
0x562: {  	v53 =	vld.idx.msk [tilespmem:v25+s26+$0x0], $0xffff;
	v54 =	vadd.s32 v35, v3;
	_ =	sdelay $0x2  }
0x563: {  	v2 =	vsub.f32 v2, v12;
	v11 =	vsub.f32 v11, v7  }
0x564: {  	v6 =	vld.idx.msk [tilespmem:v50+s26+$0x0], $0xffff  }
0x565: {  	v45 =	vsub.f32 v46, v53;
	v12 =	vld.idx.msk [tilespmem:v54+s23+$0x0], $0xffff;
	v46 =	vmul.f32 v2, v2;
	v7 =	vmul.f32 v11, v11  }
0x566: {  	v50 =	vld [tilespmem:$0x64C0]  }
0x567: {  	v46 =	vadd.f32 v7, v46;
	v7 =	vmul.f32 v45, v45;
	_ =	sdelay $0x1  }
0x568: {  	v46 =	vadd.f32 v7, v46;
	v6 =	vadd.f32 v6, v55;
	v55 =	vld [tilespmem:$0x1FD40];
	_ =	sdelay $0x1  }
0x569: {  	v6 =	vadd.f32 v12, v6;
	v12 =	vmul.f32 v50, v46;
	_ =	sdelay $0x1  }
0x56a: {  	v53 =	vadd.s32 v51, v3;
	v6 =	vadd.f32 v12, v6;
	_ =	sdelay $0x1  }
0x56b: {  	v12 =	vsub.f32 $0.0e+00, v6  }
0x56c: {  	v50 =	vld.idx.msk [tilespmem:v49+s25+$0x0], $0xffff  }
0x56d: {  	v57 =	vmov v9;
	v9 =	vld.idx.msk [tilespmem:v55+s26+$0x0], $0xffff;
	v12 =	vmul.f32 $1.442695020e+00, v12  }
0x56e: {  	v53 =	vld.idx.msk [tilespmem:v53+s23+$0x0], $0xffff  }
0x56f: {  	v49 =	vld [tilespmem:$0x64D0];
	(erf) = vpow2.f32 v12;
	_ =	sdelay $0x1  }
0x570: {  	v62 =	vmov v10;
	v10 =	vld [tilespmem:$0x1FD60]  }
0x571: {  	v55 =	vld [tilespmem:$0x1FD50];
	v9 =	vadd.f32 v9, v50;
	_ =	sdelay $0x1  }
0x572: {  	v12 =	vmul.f32 v49, v46;
	v9 =	vadd.f32 v53, v9;
	_ =	sdelay $0x1  }
0x573: {  	v3 =	vadd.s32 v52, v3;
	v9 =	vadd.f32 v12, v9;
	_ =	sdelay $0x1  }
0x574: {  	v12 =	vpop (erf);
	v50 =	vsub.f32 $0.0e+00, v9  }
0x575: {  	v56 =	vmov v17;
	v17 =	vld.idx.msk [tilespmem:v10+s26+$0x0], $0xffff;
	v12 =	vadd.f32 $1.000000000e+00, v12  }
0x576: {  	v7 =	vld.idx.msk [tilespmem:v55+s25+$0x0], $0xffff;
	v53 =	vmul.f32 $1.442695020e+00, v50  }
0x577: {  	v3 =	vld.idx.msk [tilespmem:v3+s23+$0x0], $0xffff;
	(erf) = vrcp.f32 v12  }
0x578: {  	v12 =	vld [tilespmem:$0x64E0];
	(erf) = vpow2.f32 v53;
	_ =	sdelay $0x2  }
0x579: {  	v7 =	vadd.f32 v17, v7;
	_ =	sdelay $0x1  }
0x57a: {  	v3 =	vadd.f32 v3, v7;
	v46 =	vmul.f32 v12, v46;
	_ =	sdelay $0x1  }
0x57b: {  	v3 =	vadd.f32 v46, v3  }
0x57c: {  	v7 =	vpop (erf)  }
0x57d: {  	v17 =	vsub.f32 $0.0e+00, v3;
	v12 =	vpop (erf)  }
0x57e: {  	v12 =	vadd.f32 $1.000000000e+00, v12  }
0x57f: {  	v17 =	vmul.f32 $1.442695020e+00, v17  }
0x580: {  	(erf) = vrcp.f32 v12  }
0x581: {  	(erf) = vpow2.f32 v17;
	_ =	sdelay $0x7  }
0x582: {  	v12 =	vpop (erf)  }
0x583: {  	v17 =	vpop (erf)  }
0x584: {  	v17 =	vadd.f32 $1.000000000e+00, v17;
	_ =	sdelay $0x1  }
0x585: {  	(erf) = vrcp.f32 v17;
	_ =	sdelay $0x3  }
0x586: {  	v49 =	vld [tilespmem:$0x6430]  }
0x587: {  	v17 =	vld [tilespmem:$0x6400];
	_ =	sdelay $0x1  }
0x588: {  	v50 =	vld [tilespmem:$0x6460];
	v6 =	vmul.f32 v7, v6;
	v7 =	vmul.f32 v12, v9;
	_ =	sdelay $0x1  }
0x589: {  	v12 =	vmul.f32 v7, v49;
	v9 =	vpop (erf)  }
0x58a: {  	v3 =	vmul.f32 v9, v3;
	v9 =	vmul.f32 v6, v17  }
0x58b: {  	v17 =	vld [tilespmem:$0x6490]  }
0x58c: {  	v9 =	vadd.f32 v12, v9;
	v12 =	vmul.f32 v3, v50;
	_ =	sdelay $0x1  }
0x58d: {  	v9 =	vadd.f32 v12, v9;
	_ =	sdelay $0x1  }
0x58e: {  	v9 =	vadd.f32 v9, v17  }
0x58f: {  	v12 =	vld [tilespmem:$0x6410]  }
0x590: {  	v17 =	vld [tilespmem:$0x6440];
	v49 =	vsub.f32 $0.0e+00, v9;
	_ =	sdelay $0x1  }
0x591: {  	v50 =	vld [tilespmem:$0x6470];
	v46 =	vmul.f32 $1.442695020e+00, v49;
	_ =	sdelay $0x1  }
0x592: {  	(erf) = vpow2.f32 v46  }
0x593: {  	v12 =	vmul.f32 v6, v12;
	v17 =	vmul.f32 v7, v17  }
0x594: {  	v55 =	vld [tilespmem:$0x64A0]  }
0x595: {  	v12 =	vadd.f32 v17, v12;
	v17 =	vmul.f32 v3, v50;
	_ =	sdelay $0x1  }
0x596: {  	v12 =	vadd.f32 v17, v12;
	_ =	sdelay $0x1  }
0x597: {  	v12 =	vadd.f32 v12, v55  }
0x598: {  	v46 =	vld [tilespmem:$0x6450]  }
0x599: {  	v17 =	vld [tilespmem:$0x6420];
	v50 =	vsub.f32 $0.0e+00, v12;
	v49 =	vpop (erf)  }
0x59a: {  	v53 =	vadd.f32 $1.000000000e+00, v49  }
0x59b: {  	v54 =	vmul.f32 $1.442695020e+00, v50;
	v49 =	vld [tilespmem:$0x6480]  }
0x59c: {  	(erf) = vrcp.f32 v53  }
0x59d: {  	(erf) = vpow2.f32 v54  }
0x59e: {  	v7 =	vmul.f32 v46, v7;
	v6 =	vmul.f32 v17, v6  }
0x59f: {  	v17 =	vld [tilespmem:$0x64B0]  }
0x5a0: {  	v6 =	vadd.f32 v7, v6;
	v3 =	vmul.f32 v49, v3;
	_ =	sdelay $0x1  }
0x5a1: {  	v3 =	vadd.f32 v3, v6;
	_ =	sdelay $0x1  }
0x5a2: {  	v3 =	vadd.f32 v3, v17  }
0x5a3: {  	v50 =	vpop (erf)  }
0x5a4: {  	v17 =	vsub.f32 $0.0e+00, v3;
	v49 =	vpop (erf)  }
0x5a5: {  	v7 =	vadd.f32 $1.000000000e+00, v49  }
0x5a6: {  	v17 =	vmul.f32 $1.442695020e+00, v17  }
0x5a7: {  	(erf) = vrcp.f32 v7  }
0x5a8: {  	(erf) = vpow2.f32 v17;
	_ =	sdelay $0x7  }
0x5a9: {  	v7 =	vpop (erf)  }
0x5aa: {  	v17 =	vpop (erf)  }
0x5ab: {  	v17 =	vadd.f32 $1.000000000e+00, v17;
	_ =	sdelay $0x1  }
0x5ac: {  	(erf) = vrcp.f32 v17;
	_ =	sdelay $0x1  }
0x5ad: {  	v17 =	vld [tilespmem:s6+$0x50];
	_ =	sdelay $0x5  }
0x5ae: {  	v6 =	vmul.f32 v50, v9  }
0x5af: {  	v7 =	vmul.f32 v7, v12;
	v9 =	vpop (erf)  }
0x5b0: {  	[tilespmem:v17+s30+$0x0] =	vst.idx.add.f32.msk vm1, v6;
	v3 =	vmul.f32 v9, v3  }
0x5b1: {  	v2 =	vmul.f32 v6, v2;
	[tilespmem:v17+s31+$0x0] =	vst.idx.add.f32.msk vm1, v7  }
0x5b2: {  	v50 =	vmul.f32 v7, v11;
	[tilespmem:v17+s1+$0x0] =	vst.idx.add.f32.msk vm1, v3  }
0x5b3: {  	[tilespmem:v17+s0+$0x0] =	vst.idx.add.f32.msk vm1, v2;
	v2 =	vmul.f32 v3, v45  }
0x5b4: {  	[tilespmem:v17+s21+$0x0] =	vst.idx.add.f32.msk vm1, v50  }
0x5b5: {  	[tilespmem:v17+s22+$0x0] =	vst.idx.add.f32.msk vm1, v2  }
0x5b6: {  	v2 =	vld.idx.msk [tilespmem:v4+s25+$0x0], $0xffff  }
0x5b7: {  	v6 =	vld.idx.msk [tilespmem:v5+s25+$0x0], $0xffff  }
0x5b8: {  	v4 =	vld.idx.msk [tilespmem:v4+s26+$0x0], $0xffff  }
0x5b9: {  	v5 =	vld.idx.msk [tilespmem:v5+s26+$0x0], $0xffff  }
0x5ba: {  	v10 =	vld [tilespmem:$0x1FD70];
	_ =	sdelay $0x3  }
0x5bb: {  	v2 =	vsub.f32 v2, v4;
	v4 =	vsub.f32 v6, v5;
	v5 =	vld [tilespmem:$0x1FD80];
	_ =	sdelay $0x3  }
0x5bc: {  	s12 =	sadd.s32 $0x1C, s10;
	v11 =	vld.idx.msk [tilespmem:v10+s25+$0x0], $0xffff  }
0x5bd: {  	v3 =	vmov s12;
	v10 =	vld [tilespmem:$0x1FD90]  }
0x5be: {  	v3 =	vshrl.u32 v3, $0x3  }
0x5bf: {  	v3 =	vshll.u32 v3, v37  }
0x5c0: {  	v3 =	vbroadcast v3, $0x0;
	v5 =	vld.idx.msk [tilespmem:v5+s26+$0x0], $0xffff  }
0x5c1: {  	v49 =	vld.idx.msk [tilespmem:v8+s25+$0x0], $0xffff  }
0x5c2: {  	v8 =	vld.idx.msk [tilespmem:v8+s26+$0x0], $0xffff;
	v9 =	vadd.s32 v48, v3;
	_ =	sdelay $0x2  }
0x5c3: {  	v5 =	vadd.f32 v5, v11;
	v11 =	vld.idx.msk [tilespmem:v10+s25+$0x0], $0xffff  }
0x5c4: {  	v10 =	vld [tilespmem:$0x1FDA0]  }
0x5c5: {  	v7 =	vsub.f32 v49, v8;
	v50 =	vld.idx.msk [tilespmem:v9+s23+$0x0], $0xffff;
	v8 =	vmul.f32 v2, v2;
	v9 =	vmul.f32 v4, v4  }
0x5c6: {  	v12 =	vld [tilespmem:$0x64C0]  }
0x5c7: {  	v8 =	vadd.f32 v9, v8;
	v9 =	vmul.f32 v7, v7;
	_ =	sdelay $0x1  }
0x5c8: {  	v8 =	vadd.f32 v9, v8;
	_ =	sdelay $0x1  }
0x5c9: {  	v45 =	vmov v48;
	v48 =	vmul.f32 v12, v8;
	v5 =	vadd.f32 v50, v5  }
0x5ca: {  	v12 =	vld.idx.msk [tilespmem:v10+s26+$0x0], $0xffff  }
0x5cb: {  	v5 =	vadd.f32 v48, v5;
	v10 =	vld [tilespmem:$0x1FDB0]  }
0x5cc: {  	v9 =	vadd.s32 v32, v3  }
0x5cd: {  	v6 =	vsub.f32 $0.0e+00, v5;
	_ =	sdelay $0x1  }
0x5ce: {  	v6 =	vmul.f32 $1.442695020e+00, v6  }
0x5cf: {  	v17 =	vld [tilespmem:$0x64D0]  }
0x5d0: {  	v9 =	vld.idx.msk [tilespmem:v9+s23+$0x0], $0xffff;
	(erf) = vpow2.f32 v6;
	_ =	sdelay $0x1  }
0x5d1: {  	v49 =	vadd.f32 v12, v11;
	v12 =	vld.idx.msk [tilespmem:v10+s25+$0x0], $0xffff  }
0x5d2: {  	v10 =	vld [tilespmem:$0x1FDC0];
	_ =	sdelay $0x1  }
0x5d3: {  	v6 =	vadd.f32 v9, v49;
	v9 =	vmul.f32 v17, v8;
	_ =	sdelay $0x1  }
0x5d4: {  	v6 =	vadd.f32 v9, v6  }
0x5d5: {  	v3 =	vadd.s32 v47, v3  }
0x5d6: {  	v9 =	vpop (erf);
	v11 =	vsub.f32 $0.0e+00, v6  }
0x5d7: {  	v9 =	vadd.f32 $1.000000000e+00, v9  }
0x5d8: {  	v11 =	vmul.f32 $1.442695020e+00, v11;
	v17 =	vld.idx.msk [tilespmem:v10+s26+$0x0], $0xffff  }
0x5d9: {  	(erf) = vrcp.f32 v9;
	v9 =	vld [tilespmem:$0x64E0]  }
0x5da: {  	v3 =	vld.idx.msk [tilespmem:v3+s23+$0x0], $0xffff;
	(erf) = vpow2.f32 v11;
	_ =	sdelay $0x2  }
0x5db: {  	v11 =	vadd.f32 v17, v12  }
0x5dc: {  	v8 =	vmul.f32 v9, v8  }
0x5dd: {  	v3 =	vadd.f32 v3, v11;
	_ =	sdelay $0x1  }
0x5de: {  	v3 =	vadd.f32 v8, v3  }
0x5df: {  	v8 =	vpop (erf)  }
0x5e0: {  	v9 =	vpop (erf);
	v11 =	vsub.f32 $0.0e+00, v3  }
0x5e1: {  	v9 =	vadd.f32 $1.000000000e+00, v9  }
0x5e2: {  	v11 =	vmul.f32 $1.442695020e+00, v11  }
0x5e3: {  	(erf) = vrcp.f32 v9  }
0x5e4: {  	(erf) = vpow2.f32 v11;
	_ =	sdelay $0x7  }
0x5e5: {  	v9 =	vpop (erf)  }
0x5e6: {  	v11 =	vpop (erf)  }
0x5e7: {  	v11 =	vadd.f32 $1.000000000e+00, v11;
	_ =	sdelay $0x1  }
0x5e8: {  	(erf) = vrcp.f32 v11;
	_ =	sdelay $0x3  }
0x5e9: {  	v12 =	vld [tilespmem:$0x6430]  }
0x5ea: {  	v11 =	vld [tilespmem:$0x6400];
	_ =	sdelay $0x1  }
0x5eb: {  	v17 =	vld [tilespmem:$0x6460];
	v6 =	vmul.f32 v9, v6  }
0x5ec: {  	v5 =	vmul.f32 v8, v5  }
0x5ed: {  	v9 =	vmul.f32 v6, v12;
	v8 =	vpop (erf)  }
0x5ee: {  	v3 =	vmul.f32 v8, v3;
	v8 =	vmul.f32 v5, v11  }
0x5ef: {  	v11 =	vld [tilespmem:$0x6490]  }
0x5f0: {  	v8 =	vadd.f32 v9, v8;
	v9 =	vmul.f32 v3, v17;
	_ =	sdelay $0x1  }
0x5f1: {  	v8 =	vadd.f32 v9, v8;
	_ =	sdelay $0x1  }
0x5f2: {  	v8 =	vadd.f32 v8, v11  }
0x5f3: {  	v9 =	vld [tilespmem:$0x6410]  }
0x5f4: {  	v11 =	vld [tilespmem:$0x6440];
	v12 =	vsub.f32 $0.0e+00, v8;
	_ =	sdelay $0x1  }
0x5f5: {  	v17 =	vld [tilespmem:$0x6470];
	v12 =	vmul.f32 $1.442695020e+00, v12;
	_ =	sdelay $0x1  }
0x5f6: {  	(erf) = vpow2.f32 v12  }
0x5f7: {  	v9 =	vmul.f32 v5, v9;
	v11 =	vmul.f32 v6, v11  }
0x5f8: {  	v12 =	vld [tilespmem:$0x64A0]  }
0x5f9: {  	v9 =	vadd.f32 v11, v9;
	v11 =	vmul.f32 v3, v17;
	_ =	sdelay $0x1  }
0x5fa: {  	v9 =	vadd.f32 v11, v9;
	_ =	sdelay $0x1  }
0x5fb: {  	v9 =	vadd.f32 v9, v12  }
0x5fc: {  	v11 =	vld [tilespmem:$0x6420]  }
0x5fd: {  	v55 =	vmov v18;
	v12 =	vld [tilespmem:$0x6450];
	v18 =	vsub.f32 $0.0e+00, v9;
	v17 =	vpop (erf)  }
0x5fe: {  	v17 =	vadd.f32 $1.000000000e+00, v17  }
0x5ff: {  	v54 =	vmov v20;
	v20 =	vld [tilespmem:$0x6480];
	v18 =	vmul.f32 $1.442695020e+00, v18  }
0x600: {  	(erf) = vrcp.f32 v17  }
0x601: {  	(erf) = vpow2.f32 v18  }
0x602: {  	v5 =	vmul.f32 v11, v5;
	v6 =	vmul.f32 v12, v6  }
0x603: {  	v11 =	vld [tilespmem:$0x64B0]  }
0x604: {  	v3 =	vmul.f32 v20, v3;
	v5 =	vadd.f32 v6, v5;
	_ =	sdelay $0x1  }
0x605: {  	v3 =	vadd.f32 v3, v5;
	_ =	sdelay $0x1  }
0x606: {  	v3 =	vadd.f32 v3, v11  }
0x607: {  	v5 =	vpop (erf)  }
0x608: {  	v11 =	vsub.f32 $0.0e+00, v3;
	v50 =	vpop (erf)  }
0x609: {  	v6 =	vadd.f32 $1.000000000e+00, v50  }
0x60a: {  	v11 =	vmul.f32 $1.442695020e+00, v11  }
0x60b: {  	(erf) = vrcp.f32 v6  }
0x60c: {  	(erf) = vpow2.f32 v11;
	_ =	sdelay $0x7  }
0x60d: {  	v6 =	vpop (erf)  }
0x60e: {  	v11 =	vpop (erf)  }
0x60f: {  	v11 =	vadd.f32 $1.000000000e+00, v11;
	_ =	sdelay $0x1  }
0x610: {  	(erf) = vrcp.f32 v11;
	_ =	sdelay $0x1  }
0x611: {  	v11 =	vld [tilespmem:s6+$0x60];
	_ =	sdelay $0x5  }
0x612: {  	v5 =	vmul.f32 v5, v8  }
0x613: {  	v6 =	vmul.f32 v6, v9;
	v8 =	vpop (erf)  }
0x614: {  	[tilespmem:v11+s30+$0x0] =	vst.idx.add.f32.msk vm1, v5;
	v3 =	vmul.f32 v8, v3  }
0x615: {  	v2 =	vmul.f32 v5, v2;
	[tilespmem:v11+s31+$0x0] =	vst.idx.add.f32.msk vm1, v6  }
0x616: {  	v4 =	vmul.f32 v6, v4;
	[tilespmem:v11+s1+$0x0] =	vst.idx.add.f32.msk vm1, v3  }
0x617: {  	[tilespmem:v11+s0+$0x0] =	vst.idx.add.f32.msk vm1, v2;
	v2 =	vmul.f32 v3, v7  }
0x618: {  	[tilespmem:v11+s21+$0x0] =	vst.idx.add.f32.msk vm1, v4  }
0x619: {  	s12 =	sadd.s32 $0x1E, s10;
	[tilespmem:v11+s22+$0x0] =	vst.idx.add.f32.msk vm1, v2  }
0x61a: {  	v3 =	vmov s12;
	v2 =	vld.idx.msk [tilespmem:v19+s25+$0x0], $0xffff  }
0x61b: {  	v3 =	vshrl.u32 v3, $0x3;
	v4 =	vld.idx.msk [tilespmem:v21+s25+$0x0], $0xffff  }
0x61c: {  	v3 =	vshll.u32 v3, v37;
	v5 =	vld.idx.msk [tilespmem:v19+s26+$0x0], $0xffff  }
0x61d: {  	v6 =	vld.idx.msk [tilespmem:v21+s26+$0x0], $0xffff;
	v3 =	vbroadcast v3, $0x0  }
0x61e: {  	v7 =	vld.idx.msk [tilespmem:v30+s25+$0x0], $0xffff  }
0x61f: {  	v8 =	vld.idx.msk [tilespmem:v30+s26+$0x0], $0xffff;
	v9 =	vadd.s32 v57, v3;
	_ =	sdelay $0x2  }
0x620: {  	v11 =	vld.idx.msk [tilespmem:v33+s25+$0x0], $0xffff;
	v2 =	vsub.f32 v2, v5;
	v4 =	vsub.f32 v4, v6  }
0x621: {  	v5 =	vld.idx.msk [tilespmem:v34+s26+$0x0], $0xffff  }
0x622: {  	v7 =	vsub.f32 v7, v8;
	v6 =	vld.idx.msk [tilespmem:v9+s23+$0x0], $0xffff;
	v8 =	vmul.f32 v2, v2;
	v9 =	vmul.f32 v4, v4  }
0x623: {  	v12 =	vld [tilespmem:$0x64C0]  }
0x624: {  	v8 =	vadd.f32 v9, v8;
	v9 =	vmul.f32 v7, v7;
	_ =	sdelay $0x1  }
0x625: {  	v5 =	vadd.f32 v5, v11;
	v8 =	vadd.f32 v9, v8;
	_ =	sdelay $0x1  }
0x626: {  	v5 =	vadd.f32 v6, v5;
	v6 =	vmul.f32 v12, v8;
	_ =	sdelay $0x1  }
0x627: {  	v5 =	vadd.f32 v6, v5  }
0x628: {  	v9 =	vadd.s32 v58, v3  }
0x629: {  	v6 =	vsub.f32 $0.0e+00, v5  }
0x62a: {  	v11 =	vld.idx.msk [tilespmem:v41+s25+$0x0], $0xffff  }
0x62b: {  	v12 =	vld.idx.msk [tilespmem:v43+s26+$0x0], $0xffff;
	v6 =	vmul.f32 $1.442695020e+00, v6  }
0x62c: {  	v17 =	vld [tilespmem:$0x64D0]  }
0x62d: {  	v9 =	vld.idx.msk [tilespmem:v9+s23+$0x0], $0xffff;
	(erf) = vpow2.f32 v6;
	_ =	sdelay $0x2  }
0x62e: {  	v41 =	vadd.f32 v12, v11;
	_ =	sdelay $0x1  }
0x62f: {  	v6 =	vadd.f32 v9, v41;
	v9 =	vmul.f32 v17, v8;
	_ =	sdelay $0x1  }
0x630: {  	v6 =	vadd.f32 v9, v6  }
0x631: {  	v3 =	vadd.s32 v62, v3  }
0x632: {  	v11 =	vsub.f32 $0.0e+00, v6;
	v9 =	vpop (erf)  }
0x633: {  	v12 =	vld.idx.msk [tilespmem:v42+s25+$0x0], $0xffff;
	v9 =	vadd.f32 $1.000000000e+00, v9  }
0x634: {  	v17 =	vld.idx.msk [tilespmem:v44+s26+$0x0], $0xffff;
	v11 =	vmul.f32 $1.442695020e+00, v11  }
0x635: {  	(erf) = vrcp.f32 v9;
	v9 =	vld [tilespmem:$0x64E0]  }
0x636: {  	v3 =	vld.idx.msk [tilespmem:v3+s23+$0x0], $0xffff;
	(erf) = vpow2.f32 v11;
	_ =	sdelay $0x2  }
0x637: {  	v11 =	vadd.f32 v17, v12  }
0x638: {  	v8 =	vmul.f32 v9, v8  }
0x639: {  	v3 =	vadd.f32 v3, v11;
	_ =	sdelay $0x1  }
0x63a: {  	v3 =	vadd.f32 v8, v3  }
0x63b: {  	v8 =	vpop (erf)  }
0x63c: {  	v11 =	vsub.f32 $0.0e+00, v3;
	v9 =	vpop (erf)  }
0x63d: {  	v9 =	vadd.f32 $1.000000000e+00, v9  }
0x63e: {  	v11 =	vmul.f32 $1.442695020e+00, v11  }
0x63f: {  	(erf) = vrcp.f32 v9  }
0x640: {  	(erf) = vpow2.f32 v11;
	_ =	sdelay $0x7  }
0x641: {  	v9 =	vpop (erf)  }
0x642: {  	v11 =	vpop (erf)  }
0x643: {  	v11 =	vadd.f32 $1.000000000e+00, v11;
	_ =	sdelay $0x1  }
0x644: {  	(erf) = vrcp.f32 v11;
	_ =	sdelay $0x3  }
0x645: {  	v12 =	vld [tilespmem:$0x6430]  }
0x646: {  	v11 =	vld [tilespmem:$0x6400];
	_ =	sdelay $0x1  }
0x647: {  	v17 =	vld [tilespmem:$0x6460];
	v6 =	vmul.f32 v9, v6  }
0x648: {  	v5 =	vmul.f32 v8, v5  }
0x649: {  	v9 =	vmul.f32 v6, v12;
	v8 =	vpop (erf)  }
0x64a: {  	v3 =	vmul.f32 v8, v3;
	v8 =	vmul.f32 v5, v11  }
0x64b: {  	v11 =	vld [tilespmem:$0x6490]  }
0x64c: {  	v8 =	vadd.f32 v9, v8;
	v9 =	vmul.f32 v3, v17;
	_ =	sdelay $0x1  }
0x64d: {  	v8 =	vadd.f32 v9, v8;
	_ =	sdelay $0x1  }
0x64e: {  	v8 =	vadd.f32 v8, v11  }
0x64f: {  	v9 =	vld [tilespmem:$0x6410]  }
0x650: {  	v11 =	vld [tilespmem:$0x6440];
	v12 =	vsub.f32 $0.0e+00, v8;
	_ =	sdelay $0x1  }
0x651: {  	v17 =	vld [tilespmem:$0x6470];
	v12 =	vmul.f32 $1.442695020e+00, v12;
	_ =	sdelay $0x1  }
0x652: {  	(erf) = vpow2.f32 v12  }
0x653: {  	v9 =	vmul.f32 v5, v9;
	v11 =	vmul.f32 v6, v11  }
0x654: {  	v12 =	vld [tilespmem:$0x64A0]  }
0x655: {  	v9 =	vadd.f32 v11, v9;
	v11 =	vmul.f32 v3, v17;
	_ =	sdelay $0x1  }
0x656: {  	v9 =	vadd.f32 v11, v9;
	_ =	sdelay $0x1  }
0x657: {  	v9 =	vadd.f32 v9, v12  }
0x658: {  	v11 =	vld [tilespmem:$0x6420]  }
0x659: {  	v12 =	vld [tilespmem:$0x6450];
	v18 =	vsub.f32 $0.0e+00, v9;
	v17 =	vpop (erf)  }
0x65a: {  	v17 =	vadd.f32 $1.000000000e+00, v17  }
0x65b: {  	v19 =	vld [tilespmem:$0x6480];
	v18 =	vmul.f32 $1.442695020e+00, v18  }
0x65c: {  	(erf) = vrcp.f32 v17  }
0x65d: {  	(erf) = vpow2.f32 v18  }
0x65e: {  	v5 =	vmul.f32 v11, v5;
	v6 =	vmul.f32 v12, v6  }
0x65f: {  	v11 =	vld [tilespmem:$0x64B0]  }
0x660: {  	v3 =	vmul.f32 v19, v3;
	v5 =	vadd.f32 v6, v5;
	_ =	sdelay $0x1  }
0x661: {  	v3 =	vadd.f32 v3, v5;
	_ =	sdelay $0x1  }
0x662: {  	v3 =	vadd.f32 v3, v11  }
0x663: {  	v5 =	vpop (erf)  }
0x664: {  	v42 =	vmov v40;
	v11 =	vsub.f32 $0.0e+00, v3;
	v40 =	vpop (erf)  }
0x665: {  	v6 =	vadd.f32 $1.000000000e+00, v40  }
0x666: {  	v11 =	vmul.f32 $1.442695020e+00, v11  }
0x667: {  	(erf) = vrcp.f32 v6  }
0x668: {  	(erf) = vpow2.f32 v11;
	_ =	sdelay $0x2  }
0x669: {  	v14 =	vld [tilespmem:$0x1FFD0]  }
0x66a: {  	v15 =	vld [tilespmem:$0x1FFA0]  }
0x66b: {  	v23 =	vld [tilespmem:$0x1FF30]  }
0x66c: {  	v16 =	vld [tilespmem:$0x1FFB0]  }
0x66d: {  	v53 =	vmov v31;
	v31 =	vld [tilespmem:$0x1FEE0]  }
0x66e: {  	v46 =	vmov v32;
	v32 =	vld [tilespmem:$0x1FEF0];
	v6 =	vpop (erf)  }
0x66f: {  	v48 =	vld [tilespmem:$0x1FF60];
	v11 =	vpop (erf)  }
0x670: {  	v49 =	vld [tilespmem:$0x1FF40];
	v11 =	vadd.f32 $1.000000000e+00, v11  }
0x671: {  	v10 =	vld [tilespmem:$0x1FFC0]  }
0x672: {  	v50 =	vld [tilespmem:$0x1FF50];
	(erf) = vrcp.f32 v11  }
0x673: {  	v33 =	vld [tilespmem:$0x1FEC0]  }
0x674: {  	v11 =	vld [tilespmem:s6+$0x70]  }
0x675: {  	v34 =	vld [tilespmem:$0x1FED0]  }
0x676: {  	v43 =	vld [tilespmem:$0x1FF70]  }
0x677: {  	v44 =	vld [tilespmem:$0x1FF80]  }
0x678: {  	v12 =	vmov v13;
	v13 =	vld [tilespmem:$0x1FFE0]  }
0x679: {  	v17 =	vld [tilespmem:$0x1FF90]  }
0x67a: {  	v18 =	vld [tilespmem:$0x1FEB0];
	v5 =	vmul.f32 v5, v8  }
0x67b: {  	v40 =	vld [tilespmem:$0x1FF20];
	v6 =	vmul.f32 v6, v9;
	v8 =	vpop (erf)  }
0x67c: {  	[tilespmem:v11+s30+$0x0] =	vst.idx.add.f32.msk vm1, v5;
	v3 =	vmul.f32 v8, v3  }
0x67d: {  	v2 =	vmul.f32 v5, v2;
	[tilespmem:v11+s31+$0x0] =	vst.idx.add.f32.msk vm1, v6  }
0x67e: {  	p0 =	sne.s32 s10, $0x260;
	v4 =	vmul.f32 v6, v4;
	[tilespmem:v11+s1+$0x0] =	vst.idx.add.f32.msk vm1, v3  }
.Ltmp1:
0x67f: {  	[tilespmem:v11+s0+$0x0] =	vst.idx.add.f32.msk vm1, v2;
	v2 =	vmul.f32 v3, v7;
	(pc) =	sbr.rel @p0 .LBB2_4-.Ltmp1, $4  }
0x680: {  	[tilespmem:v11+s21+$0x0] =	vst.idx.add.f32.msk vm1, v4  }
0x681: {  	[tilespmem:v11+s22+$0x0] =	vst.idx.add.f32.msk vm1, v2  }
0x682: {  	s5 =	sadd.s32 $0x100, s5;
	s7 =	sadd.s32 $0x2, s7;
	v11 =	vmov v38;
	v38 =	vld [tilespmem:$0x1FF10]  }
0x683: {  	s15 =	sadd.s32 $0x100, s15;
	s10 =	sadd.s32 $0x20, s10;
	v41 =	vmov v29;
	s6 =	sadd.s32 $0x100, s6;
	v3 =	vmov v22;
	v2 =	vmov v36;
	v36 =	vld [tilespmem:$0x1FF00]  }
0x684: {  	_ =	swait.ge [sflag:s28], $0x800  }
0x685: {  	[sflag:s28] =	ssyncset.done $0x0  }
0x686: {  	[sflag:s28] =	ssyncadd.s32 $0xFFFFF800  }
0x687: {  	_ =	swait.ge [sflag:s29], $0x800  }
0x688: {  	[sflag:s29] =	ssyncset.done $0x0  }
0x689: {  	[sflag:s29] =	ssyncadd.s32 $0xFFFFF800  }
0x68a: {  	[hbm4b:s8+s2] =	stream.linear.scatter [tilespmem:s30], [sflag:$0x5], $0x2710, $0x38;
	[tilespmem:$0x16F60] =	vst v63  }
0x68b: {  	_ =	swait.ge [sflag:s16], $0x2710  }
0x68c: {  	[sflag:s16] =	ssyncset.done $0x0  }
0x68d: {  	s5 =	rddreg [dreg:$0x7];
	[sflag:s16] =	ssyncadd.s32 $0xFFFFD8F0  }
0x68e: {  	[hbm4b:s5+s2] =	stream.linear.scatter [tilespmem:s31], [sflag:$0x5], $0x2710, $0x38;
	[tilespmem:$0x16F60] =	vst v63  }
0x68f: {  	_ =	swait.ge [sflag:s16], $0x2710  }
0x690: {  	[sflag:s16] =	ssyncset.done $0x0  }
0x691: {  	s11 =	rddreg [dreg:$0x8];
	[sflag:s16] =	ssyncadd.s32 $0xFFFFD8F0  }
0x692: {  	[hbm4b:s11+s2] =	stream.linear.scatter [tilespmem:s1], [sflag:$0x5], $0x2710, $0x38;
	[tilespmem:$0x16F60] =	vst v63  }
0x693: {  	_ =	swait.ge [sflag:s16], $0x2710  }
0x694: {  	[sflag:s16] =	ssyncset.done $0x0  }
0x695: {  	s12 =	rddreg [dreg:$0x9];
	[sflag:s16] =	ssyncadd.s32 $0xFFFFD8F0  }
0x696: {  	[hbm4b:s12+s2] =	stream.linear.scatter [tilespmem:s0], [sflag:$0x5], $0x2710, $0x38;
	[tilespmem:$0x16F60] =	vst v63  }
0x697: {  	_ =	swait.ge [sflag:s16], $0x2710  }
0x698: {  	[sflag:s16] =	ssyncset.done $0x0  }
0x699: {  	s15 =	rddreg [dreg:$0xa];
	[sflag:s16] =	ssyncadd.s32 $0xFFFFD8F0  }
0x69a: {  	[hbm4b:s15+s2] =	stream.linear.scatter [tilespmem:s21], [sflag:$0x5], $0x2710, $0x38;
	[tilespmem:$0x16F60] =	vst v63  }
0x69b: {  	s4 =	sadd.s32 $0x1, s4;
	_ =	swait.ge [sflag:s16], $0x2710  }
0x69c: {  	p0 =	sne.s32 s4, s14;
	[sflag:s16] =	ssyncset.done $0x0  }
.Ltmp2:
0x69d: {  	[sflag:s16] =	ssyncadd.s32 $0xFFFFD8F0;
	(pc) =	sbr.rel @p0 .LBB2_1-.Ltmp2, $4  }
0x69e: {  	[hbm4b:s13+s2] =	stream.linear.scatter [tilespmem:s22], [sflag:$0x5], $0x2710, $0x38;
	[tilespmem:$0x16F60] =	vst v63  }
0x69f: {  	_ =	swait.ge [sflag:s16], $0x2710  }
0x6a0: {  	[sflag:s16] =	ssyncset.done $0x0  }
0x6a1: {  	[sflag:s16] =	ssyncadd.s32 $0xFFFFD8F0  }
0x6a2: {  	_ =	sfence.sel $0x180000  }
0x6a3: {  	[bflag:$0x0] =	sbarrier.arrive $0xFFFF  }
0x6a4: {  	_ =	strace $0x90000047  }
0x6a5: {  	s0 =	stileid.u32;
	[bflag:$0x2] =	sbarrier.arrive $0xFFFF  }
0x6a6: {  	p0 =	sne.s32 s0, $0x0;
	s0 =	rddreg [dreg:$0x2]  }
0x6a7: {  	s0 =	sadd.s32 @!p0 $0x100000, s0  }
0x6a8: {  	[sflag:s0] =	ssyncadd.tile.s32 @!p0 $0x1;
	_ =	shalt  }
.Lfunc_end2:
_tile_overlayer_lowered:
.L_overlay_start_2:
0x6a9: {  	(tag) =	ssettag $0x2  }
0x6aa: {  	s0 =	rddreg [dreg:$0x0];
	s2 =	stileid.u32  }
0x6ab: {  	s1 =	rddreg [dreg:$0x1];
	p0 =	sne.s32 s2, $0x0  }
0x6ac: {  	s3 =	rddreg [dreg:$0x2];
	[bflag:$0x3] =	sbarrier.arrive $0xFFFF;
	s2 =	simm.s32 @!p0 $0x1C05  }
0x6ad: {  	[timem:s3], [sflag:s2] =	dma.local @!p0 [hbm:s0], s1  }
0x6ae: {  	s0 =	simm.s32 @!p0 $0x5  }
0x6af: {  	_ =	swait.ge @!p0 [sflag:s0], s1  }
0x6b0: {  	s1 =	ssub.s32 @!p0 $0x0, s1;
	[sflag:s0] =	ssyncset.done @!p0 $0x0  }
0x6b1: {  	[sflag:s0] =	ssyncadd.s32 @!p0 s1  }
0x6b2: {  	[bflag:$0x3] =	sbarrier.arrive $0xFFFF  }
0x6b3: {  	_ =	shalt  }

</sc_bundles>
